<compile_context>
chip_gen: v7x
topology: tpu7x:2x2x1
jax: 0.10.2.dev20260603
libtpu: 0.0.44.dev20260713+nightly
codegen_flags: <defaults>
</compile_context>

<pallas_src>
import functools

import jax
import jax.numpy as jnp
from jax import lax
from jax.experimental import pallas as pl
from jax.experimental.pallas import tpu as pltpu
from jax.experimental.pallas import tpu_sc as plsc

UN = 100000
IN = 100000
D = 64
BT = 16384
NN = 20
KN = 10
W1 = 1.0
W2 = 1.0
W3 = 1.0
W4 = 1.0
NEG_W = 1.0
GAMMA = 1e-05
LAMB = 1e-05

NWORK = 32
PERW = BT // NWORK
CB = 32
NCH = PERW // CB
NROW16 = UN // 16
KROW16 = UN * KN // 16


def _sc_kernel_fn():
    mesh = plsc.VectorSubcoreMesh(core_axis_name="c", subcore_axis_name="s")
    out_type = (
        jax.ShapeDtypeStruct((BT,), jnp.float32),
        jax.ShapeDtypeStruct((BT,), jnp.float32),
        jax.ShapeDtypeStruct((BT * NN,), jnp.float32),
        jax.ShapeDtypeStruct((BT * NN,), jnp.float32),
        jax.ShapeDtypeStruct((BT * KN,), jnp.float32),
        jax.ShapeDtypeStruct((BT * KN,), jnp.float32),
    )
    scratch = [
        pltpu.VMEM((CB,), jnp.int32),
        pltpu.VMEM((CB,), jnp.int32),
        pltpu.VMEM((CB * NN // 128, 128), jnp.int32),
        pltpu.VMEM((CB,), jnp.int32),
        pltpu.VMEM((CB,), jnp.int32),
        pltpu.VMEM((2 * CB,), jnp.int32),
        pltpu.VMEM((CB * NN // 128, 128), jnp.int32),
        pltpu.VMEM((CB, D), jnp.float32),
        pltpu.VMEM((CB, D), jnp.float32),
        pltpu.VMEM((CB * NN, D), jnp.float32),
        pltpu.VMEM((2 * CB, 16), jnp.int32),
        pltpu.VMEM((2 * CB, 16), jnp.float32),
        pltpu.VMEM((CB, 16), jnp.float32),
        pltpu.VMEM((CB, 16), jnp.float32),
        pltpu.VMEM((CB * NN, 16), jnp.float32),
        pltpu.VMEM((2, 128), jnp.int32),
        pltpu.VMEM((CB * KN - 256,), jnp.int32),
        pltpu.VMEM((CB * KN, D), jnp.float32),
        pltpu.VMEM((CB,), jnp.float32),
        pltpu.VMEM((CB,), jnp.float32),
        pltpu.VMEM((CB * NN,), jnp.float32),
        pltpu.VMEM((CB * NN,), jnp.float32),
        pltpu.VMEM((CB * KN,), jnp.float32),
        pltpu.VMEM((CB * KN,), jnp.float32),
        pltpu.SemaphoreType.DMA,
        pltpu.SemaphoreType.DMA,
    ]

    @functools.partial(pl.kernel, mesh=mesh, out_type=out_type,
                       scratch_types=scratch,
                       compiler_params=pltpu.CompilerParams(
                           needs_layout_passes=False,
                           use_tc_tiling_on_sc=False))
    def body(users_h, pos_h, neg1d_h, uemb_h, iemb_h, bu16_h, bi16_h,
             nbm16_h, cm16_h,
             ps_h, pw_h, ns_h, nw_h, ks_h, sm_h,
             uix_v, pix_v, nix_v, buidx_v, biidx_v, nbmidx_v, binidx_v,
             ue_v, pe_v, ne_v, nbmrows_v, cmrows_v, burows_v, biprows_v,
             binrows_v, nixk_a, nixk_b, nr_v,
             psv, pwv, nsv, nwv, ksv, smv, semA, semB):
        wid = lax.axis_index("s") * 2 + lax.axis_index("c")
        iota = lax.iota(jnp.int32, 16)
        z16i = jnp.zeros((16,), jnp.int32)
        z16f = jnp.zeros((16,), jnp.float32)
        one16 = jnp.ones((16,), jnp.int32)
        c4 = jnp.full((16,), 4, jnp.int32)
        c15 = jnp.full((16,), 15, jnp.int32)
        c7 = jnp.full((16,), 7, jnp.int32)
        c127 = jnp.full((16,), 127, jnp.int32)
        tenv = jnp.full((16,), KN, jnp.int32)
        maxrow = jnp.full((16,), KROW16 - 1, jnp.int32)

        def chunk(it, carry):
            cb = pl.multiple_of(wid * PERW + it * CB, 8)
            nbase = pl.multiple_of(cb * NN, 8)
            ds0 = [
                pltpu.async_copy(users_h.at[pl.ds(cb, CB)], uix_v, semB),
                pltpu.async_copy(pos_h.at[pl.ds(cb, CB)], pix_v, semB),
            ]
            for j in range(CB * NN // 128):
                ds0.append(pltpu.async_copy(
                    neg1d_h.at[pl.ds(nbase + j * 128, 128)],
                    nix_v.at[j], semB))
            for d_ in ds0:
                d_.wait()

            for o in range(CB // 16):
                u16 = uix_v[pl.ds(o * 16, 16)]
                buidx_v[pl.ds(o * 16, 16)] = lax.shift_right_logical(u16, c4)
                p16 = pix_v[pl.ds(o * 16, 16)]
                biidx_v[pl.ds(o * 16, 16)] = lax.shift_right_logical(p16, c4)
                w0 = p16 * tenv
                r0 = lax.shift_right_logical(w0, c4)
                nbmidx_v[pl.ds(o * 16, 16)] = r0
                nbmidx_v[pl.ds(CB + o * 16, 16)] = jnp.minimum(r0 + one16,
                                                               maxrow)
            for j in range(CB * NN // 128):
                for o in range(8):
                    n16 = nix_v[j, pl.ds(o * 16, 16)]
                    binidx_v[j, pl.ds(o * 16, 16)] = \
                        lax.shift_right_logical(n16, c4)

            ds = [
                pltpu.async_copy(uemb_h.at[uix_v], ue_v, semA),
                pltpu.async_copy(iemb_h.at[pix_v], pe_v, semA),
                pltpu.async_copy(nbm16_h.at[nbmidx_v], nbmrows_v, semA),
                pltpu.async_copy(cm16_h.at[nbmidx_v], cmrows_v, semA),
                pltpu.async_copy(bu16_h.at[buidx_v], burows_v, semA),
                pltpu.async_copy(bi16_h.at[biidx_v], biprows_v, semA),
            ]
            for j in range(CB * NN // 128):
                ds.append(pltpu.async_copy(
                    iemb_h.at[nix_v.at[j]],
                    ne_v.at[pl.ds(j * 128, 128)], semA))
                ds.append(pltpu.async_copy(
                    bi16_h.at[binidx_v.at[j]],
                    binrows_v.at[pl.ds(j * 128, 128)], semA))
            for d_ in ds:
                d_.wait()

            for t in range(CB * KN // 16):
                flat = iota + jnp.full((16,), t * 16, jnp.int32)
                bb = lax.div(flat, tenv)
                kk = flat - bb * tenv
                pb = plsc.load_gather(pix_v, [bb])
                w0 = pb * tenv
                r0 = lax.shift_right_logical(w0, c4)
                w = w0 + kk
                wr = lax.shift_right_logical(w, c4)
                rowloc = bb + (wr - r0) * jnp.full((16,), CB, jnp.int32)
                col = w & c15
                v = plsc.load_gather(nbmrows_v, [rowloc, col])
                if t < 16:
                    nixk_a[t // 8, pl.ds((t % 8) * 16, 16)] = v
                else:
                    nixk_b[pl.ds((t - 16) * 16, 16)] = v
                smv[pl.ds(t * 16, 16)] = plsc.load_gather(cmrows_v,
                                                          [rowloc, col])

            ds2 = [
                pltpu.async_copy(iemb_h.at[nixk_a.at[0]],
                                 nr_v.at[pl.ds(0, 128)], semB),
                pltpu.async_copy(iemb_h.at[nixk_a.at[1]],
                                 nr_v.at[pl.ds(128, 128)], semB),
                pltpu.async_copy(iemb_h.at[nixk_b],
                                 nr_v.at[pl.ds(256, CB * KN - 256)], semB),
            ]

            w1v = jnp.full((16,), W1, jnp.float32)
            w2v = jnp.full((16,), W2, jnp.float32)
            w3v = jnp.full((16,), W3, jnp.float32)
            w4v = jnp.full((16,), W4, jnp.float32)
            nnv = jnp.full((16,), NN, jnp.int32)
            for g in range(CB // 16):
                bv = iota + jnp.full((16,), g * 16, jnp.int32)
                u16 = uix_v[pl.ds(g * 16, 16)]
                p16 = pix_v[pl.ds(g * 16, 16)]
                ub = plsc.load_gather(burows_v, [bv, u16 & c15])
                ib = plsc.load_gather(biprows_v, [bv, p16 & c15])

                def pbody(d, c):
                    dsp, acc = c
                    acc = acc + (plsc.load_gather(ue_v, [bv, dsp]) *
                                 plsc.load_gather(pe_v, [bv, dsp]))
                    return (dsp + one16, acc)
                _, accp = lax.fori_loop(0, D, pbody, (z16i, z16f))
                psv[pl.ds(g * 16, 16)] = accp
                pwv[pl.ds(g * 16, 16)] = w1v + w2v * ub * ib

                rows = [bv * nnv + jnp.full((16,), j, jnp.int32)
                        for j in range(NN)]

                def nbody(d, c):
                    dsp, accs = c
                    ud = plsc.load_gather(ue_v, [bv, dsp])
                    accs = tuple(
                        accs[j] + ud * plsc.load_gather(ne_v, [rows[j], dsp])
                        for j in range(NN))
                    return (dsp + one16, accs)
                _, accn = lax.fori_loop(0, D, nbody, (z16i, (z16f,) * NN))
                for j in range(NN):
                    plsc.store_scatter(nsv, [rows[j]], accn[j])
                    nidx = plsc.load_gather(
                        nix_v, [lax.shift_right_logical(rows[j], c7),
                                rows[j] & c127])
                    nb = plsc.load_gather(binrows_v, [rows[j], nidx & c15])
                    plsc.store_scatter(nwv, [rows[j]], w3v + w4v * ub * nb)

                if g == 0:
                    for d_ in ds2:
                        d_.wait()
                rk = [bv * tenv + jnp.full((16,), k, jnp.int32)
                      for k in range(KN)]

                def kbody(d, c):
                    dsp, accs = c
                    ud = plsc.load_gather(ue_v, [bv, dsp])
                    accs = tuple(
                        accs[k] + ud * plsc.load_gather(nr_v, [rk[k], dsp])
                        for k in range(KN))
                    return (dsp + one16, accs)
                _, acck = lax.fori_loop(0, D, kbody, (z16i, (z16f,) * KN))
                for k in range(KN):
                    plsc.store_scatter(ksv, [rk[k]], acck[k])

            kfl = pl.multiple_of(cb * KN, 8)
            ds3 = [
                pltpu.async_copy(psv, ps_h.at[pl.ds(cb, CB)], semB),
                pltpu.async_copy(pwv, pw_h.at[pl.ds(cb, CB)], semB),
                pltpu.async_copy(nsv, ns_h.at[pl.ds(nbase, CB * NN)], semB),
                pltpu.async_copy(nwv, nw_h.at[pl.ds(nbase, CB * NN)], semB),
                pltpu.async_copy(ksv, ks_h.at[pl.ds(kfl, CB * KN)], semB),
                pltpu.async_copy(smv, sm_h.at[pl.ds(kfl, CB * KN)], semB),
            ]
            for d_ in ds3:
                d_.wait()
            return carry

        lax.fori_loop(0, NCH, chunk, 0)

    return body


_sc_kernel = _sc_kernel_fn()


def _softplus(x):
    return jnp.maximum(x, 0.0) + jnp.log1p(jnp.exp(-jnp.abs(x)))


_UBLK = 1000
_NGRID = (UN * D // 128) // _UBLK


def _tc_body(ps, pw, ns, nw, ks, sim, ub, ib, out):
    i = pl.program_id(0)

    @pl.when(i == 0)
    def _():
        t1 = jnp.sum(pw[...] * _softplus(-ps[...]))
        t2 = (NEG_W / NN) * jnp.sum(nw[...] * _softplus(ns[...]))
        t3 = LAMB * jnp.sum(sim[...] * _softplus(-ks[...]))
        out[...] = (t1 + t2 + t3).reshape(1, 1)

    out[...] += ((GAMMA * 0.5) * (jnp.sum(ub[...] * ub[...]) +
                                  jnp.sum(ib[...] * ib[...]))).reshape(1, 1)


def _tc_loss(ps, pw, ns, nw, ks, sim, uemb, iemb):
    full = lambda shp: pl.BlockSpec(shp, lambda i: (0, 0))
    return pl.pallas_call(
        _tc_body,
        grid=(_NGRID,),
        in_specs=[
            full((BT // 128, 128)),
            full((BT // 128, 128)),
            full((BT * NN // 128, 128)),
            full((BT * NN // 128, 128)),
            full((BT * KN // 128, 128)),
            full((BT * KN // 128, 128)),
            pl.BlockSpec((_UBLK, 128), lambda i: (i, 0)),
            pl.BlockSpec((_UBLK, 128), lambda i: (i, 0)),
        ],
        out_specs=pl.BlockSpec((1, 1), lambda i: (0, 0)),
        out_shape=jax.ShapeDtypeStruct((1, 1), jnp.float32),
    )(ps, pw, ns, nw, ks, sim, uemb, iemb)


def kernel(users, pos_items, neg_items, user_embeds, item_embeds,
           beta_uD, beta_iD, ii_neighbor_mat, ii_constraint_mat):
    users = users.astype(jnp.int32)
    pos_items = pos_items.astype(jnp.int32)
    neg1d = neg_items.astype(jnp.int32).reshape(BT * NN)
    bu16 = beta_uD.reshape(NROW16, 16)
    bi16 = beta_iD.reshape(NROW16, 16)
    nbm16 = ii_neighbor_mat.astype(jnp.int32).reshape(KROW16, 16)
    cm16 = ii_constraint_mat.reshape(KROW16, 16)

    ps, pw, nsc, nw, ksc, sim = _sc_kernel(
        users, pos_items, neg1d, user_embeds, item_embeds, bu16, bi16,
        nbm16, cm16)

    loss = _tc_loss(
        ps.reshape(BT // 128, 128),
        pw.reshape(BT // 128, 128),
        nsc.reshape(BT * NN // 128, 128),
        nw.reshape(BT * NN // 128, 128),
        ksc.reshape(BT * KN // 128, 128),
        sim.reshape(BT * KN // 128, 128),
        user_embeds.reshape(UN * D // 128, 128),
        item_embeds.reshape(IN * D // 128, 128),
    )
    return loss[0, 0]

# --- scband reference (transcript-rebuilt; emitter-appended) ---
"""Pipeline reference for scband-ultra-gcn-11020886081828 (READ-ONLY COPY).

The authoritative reference and input builder live on the scoring server;
editing this copy changes nothing except your own understanding.
"""

import jax, jax.numpy as jnp
import numpy as np

USER_NUM = 100000
ITEM_NUM = 100000
EMB = 64
B = 16384
NNEG = 20
KNN = 10
W1 = 1.0
W2 = 1.0
W3 = 1.0
W4 = 1.0
NEG_WEIGHT = 1.0
GAMMA = 1e-05
LAMBDA = 1e-05


def setup_inputs(seed: int = 0) -> dict:
    key = jax.random.key(seed)
    ks = jax.random.split(key, 9)
    users = jax.random.randint(ks[0], (B,), 0, USER_NUM)
    pos_items = jax.random.randint(ks[1], (B,), 0, ITEM_NUM)
    neg_items = jax.random.randint(ks[2], (B, NNEG), 0, ITEM_NUM)
    user_embeds = jax.random.normal(ks[3], (USER_NUM, EMB), dtype=jnp.float32) * 0.1
    item_embeds = jax.random.normal(ks[4], (ITEM_NUM, EMB), dtype=jnp.float32) * 0.1
    beta_uD = jax.random.uniform(ks[5], (USER_NUM,), minval=0.1, maxval=1.0, dtype=jnp.float32)
    beta_iD = jax.random.uniform(ks[6], (ITEM_NUM,), minval=0.1, maxval=1.0, dtype=jnp.float32)
    ii_neighbor_mat = jax.random.randint(ks[7], (ITEM_NUM, KNN), 0, ITEM_NUM)
    ii_constraint_mat = jax.random.uniform(ks[8], (ITEM_NUM, KNN), minval=0.0, maxval=1.0, dtype=jnp.float32)
    return {
        'users': users,
        'pos_items': pos_items,
        'neg_items': neg_items,
        'user_embeds': user_embeds,
        'item_embeds': item_embeds,
        'beta_uD': beta_uD,
        'beta_iD': beta_iD,
        'ii_neighbor_mat': ii_neighbor_mat,
        'ii_constraint_mat': ii_constraint_mat,
    }


def reference(users, pos_items, neg_items, user_embeds, item_embeds, beta_uD, beta_iD, ii_neighbor_mat, ii_constraint_mat):
    # get_omegas
    pos_weight = W1 + W2 * (beta_uD[users] * beta_iD[pos_items])
    neg_weight = W3 + W4 * (jnp.repeat(beta_uD[users], NNEG) * beta_iD[neg_items.reshape(-1)])

    # cal_loss_L
    ue = user_embeds[users]                 # [B, d] gather
    pe = item_embeds[pos_items]             # [B, d] gather
    ne = item_embeds[neg_items]             # [B, NNEG, d] gather
    pos_scores = jnp.sum(ue * pe, axis=-1)  # [B]
    neg_scores = jnp.sum(ue[:, None, :] * ne, axis=-1)  # [B, NNEG]
    # BCE-with-logits, labels=0 -> softplus(x); labels=1 -> softplus(-x)
    neg_loss = (neg_weight.reshape(neg_scores.shape) * jax.nn.softplus(neg_scores)).mean(axis=-1)
    pos_loss = pos_weight * jax.nn.softplus(-pos_scores)
    loss = jnp.sum(pos_loss + neg_loss * NEG_WEIGHT)

    # norm_loss over learned parameters (the two embedding tables)
    norm = 0.5 * (jnp.sum(user_embeds ** 2) + jnp.sum(item_embeds ** 2))
    loss = loss + GAMMA * norm

    # cal_loss_I
    nbr_idx = ii_neighbor_mat[pos_items]        # [B, KNN] gather of indices
    neighbor_embeds = item_embeds[nbr_idx]      # [B, KNN, d] gather
    sim_scores = ii_constraint_mat[pos_items]   # [B, KNN]
    u = ue[:, None, :]
    loss_I = jnp.sum(-sim_scores * jax.nn.log_sigmoid(jnp.sum(u * neighbor_embeds, axis=-1)))
    loss = loss + LAMBDA * loss_I
    return loss

if __name__ == "__main__":
    import jax
    _d = setup_inputs()
    print(jax.jit(kernel)(*tuple(_d.values())))

</pallas_src>

<mosaic_0001>
#map = affine_map<(d0, d1) -> (0)>
#map1 = affine_map<(d0, d1) -> (0, 0)>
module attributes {stable_mosaic.version = 14 : i64} {
  func.func @body(%arg0: i32, %arg1: i32, %arg2: memref<16384xi32, #tpu.memory_space<hbm>>, %arg3: memref<16384xi32, #tpu.memory_space<hbm>>, %arg4: memref<327680xi32, #tpu.memory_space<hbm>>, %arg5: memref<100000x64xf32, #tpu.memory_space<hbm>>, %arg6: memref<100000x64xf32, #tpu.memory_space<hbm>>, %arg7: memref<6250x16xf32, #tpu.memory_space<hbm>>, %arg8: memref<6250x16xf32, #tpu.memory_space<hbm>>, %arg9: memref<62500x16xi32, #tpu.memory_space<hbm>>, %arg10: memref<62500x16xf32, #tpu.memory_space<hbm>>, %arg11: memref<16384xf32, #tpu.memory_space<hbm>>, %arg12: memref<16384xf32, #tpu.memory_space<hbm>>, %arg13: memref<327680xf32, #tpu.memory_space<hbm>>, %arg14: memref<327680xf32, #tpu.memory_space<hbm>>, %arg15: memref<163840xf32, #tpu.memory_space<hbm>>, %arg16: memref<163840xf32, #tpu.memory_space<hbm>>, %arg17: memref<32xi32, #tpu.memory_space<vmem>>, %arg18: memref<32xi32, #tpu.memory_space<vmem>>, %arg19: memref<5x128xi32, #tpu.memory_space<vmem>>, %arg20: memref<32xi32, #tpu.memory_space<vmem>>, %arg21: memref<32xi32, #tpu.memory_space<vmem>>, %arg22: memref<64xi32, #tpu.memory_space<vmem>>, %arg23: memref<5x128xi32, #tpu.memory_space<vmem>>, %arg24: memref<32x64xf32, #tpu.memory_space<vmem>>, %arg25: memref<32x64xf32, #tpu.memory_space<vmem>>, %arg26: memref<640x64xf32, #tpu.memory_space<vmem>>, %arg27: memref<64x16xi32, #tpu.memory_space<vmem>>, %arg28: memref<64x16xf32, #tpu.memory_space<vmem>>, %arg29: memref<32x16xf32, #tpu.memory_space<vmem>>, %arg30: memref<32x16xf32, #tpu.memory_space<vmem>>, %arg31: memref<640x16xf32, #tpu.memory_space<vmem>>, %arg32: memref<2x128xi32, #tpu.memory_space<vmem>>, %arg33: memref<64xi32, #tpu.memory_space<vmem>>, %arg34: memref<320x64xf32, #tpu.memory_space<vmem>>, %arg35: memref<32xf32, #tpu.memory_space<vmem>>, %arg36: memref<32xf32, #tpu.memory_space<vmem>>, %arg37: memref<640xf32, #tpu.memory_space<vmem>>, %arg38: memref<640xf32, #tpu.memory_space<vmem>>, %arg39: memref<320xf32, #tpu.memory_space<vmem>>, %arg40: memref<320xf32, #tpu.memory_space<vmem>>, %arg41: memref<!tpu.dma_semaphore, #tpu.memory_space<semaphore_mem>>, %arg42: memref<!tpu.dma_semaphore, #tpu.memory_space<semaphore_mem>>) attributes {dimension_semantics = [#tpu.dimension_semantics<core_parallel>, #tpu.dimension_semantics<subcore_parallel>], iteration_bounds = array<i64: 2, 16>, scalar_prefetch = 0 : i64, scratch_operands = 26 : i64, tpu.core_type = #tpu.core_type<sc_vector_subcore>, window_params = [{transform_indices = #map}, {transform_indices = #map}, {transform_indices = #map}, {transform_indices = #map1}, {transform_indices = #map1}, {transform_indices = #map1}, {transform_indices = #map1}, {transform_indices = #map1}, {transform_indices = #map1}, {transform_indices = #map}, {transform_indices = #map}, {transform_indices = #map}, {transform_indices = #map}, {transform_indices = #map}, {transform_indices = #map}]} {
    %mul3A = arith.constant 2 : i32
    %mul3A_0 = arith.muli %arg1, %mul3A : i32
    %add3A = arith.addi %mul3A_0, %arg0 : i32
    %iota3A = tpu.iota {dimensions = array<i32: 0>} : vector<16xi32>
    %broadcast_in_dim3A = arith.constant 0 : i32
    %broadcast_in_dim3A_1 = vector.broadcast %broadcast_in_dim3A : i32 to vector<16xi32>
    %broadcast_in_dim3A_2 = arith.constant 0.000000e+00 : f32
    %broadcast_in_dim3A_3 = vector.broadcast %broadcast_in_dim3A_2 : f32 to vector<16xf32>
    %broadcast_in_dim3A_4 = arith.constant 1 : i32
    %broadcast_in_dim3A_5 = vector.broadcast %broadcast_in_dim3A_4 : i32 to vector<16xi32>
    %broadcast_in_dim3A_6 = arith.constant 4 : i32
    %broadcast_in_dim3A_7 = vector.broadcast %broadcast_in_dim3A_6 : i32 to vector<16xi32>
    %broadcast_in_dim3A_8 = arith.constant 15 : i32
    %broadcast_in_dim3A_9 = vector.broadcast %broadcast_in_dim3A_8 : i32 to vector<16xi32>
    %broadcast_in_dim3A_10 = arith.constant 7 : i32
    %broadcast_in_dim3A_11 = vector.broadcast %broadcast_in_dim3A_10 : i32 to vector<16xi32>
    %broadcast_in_dim3A_12 = arith.constant 127 : i32
    %broadcast_in_dim3A_13 = vector.broadcast %broadcast_in_dim3A_12 : i32 to vector<16xi32>
    %broadcast_in_dim3A_14 = arith.constant 10 : i32
    %broadcast_in_dim3A_15 = vector.broadcast %broadcast_in_dim3A_14 : i32 to vector<16xi32>
    %broadcast_in_dim3A_16 = arith.constant 62499 : i32
    %broadcast_in_dim3A_17 = vector.broadcast %broadcast_in_dim3A_16 : i32 to vector<16xi32>
    %scan3A = arith.constant 0 : i32
    %scan3A_18 = arith.constant 0 : i32
    %scan3A_19 = arith.constant 16 : i32
    %scan3A_20 = arith.addi %scan3A_18, %scan3A_19 : i32
    %scan3A_21 = arith.constant 1 : i32
    scf.for %scan3A_23 = %scan3A_18 to %scan3A_20 step %scan3A_21  : i32 {
      %mul3A_24 = arith.constant 512 : i32
      %mul3A_25 = arith.muli %add3A, %mul3A_24 : i32
      %mul3A_26 = arith.constant 32 : i32
      %mul3A_27 = arith.muli %scan3A_23, %mul3A_26 : i32
      %add3A_28 = arith.addi %mul3A_25, %mul3A_27 : i32
      %multiple_of3A = tpu.assume_multiple %add3A_28, 8 : i32
      %mul3A_29 = arith.constant 20 : i32
      %mul3A_30 = arith.muli %multiple_of3A, %mul3A_29 : i32
      %multiple_of3A_31 = tpu.assume_multiple %mul3A_30, 8 : i32
      %dma_start3A = tpu.memref_slice %arg2[%multiple_of3A] : memref<16384xi32, #tpu.memory_space<hbm>> -> memref<32xi32, #tpu.memory_space<hbm>>
      %dma_start3A_32 = tpu.memref_slice %arg2[%multiple_of3A] : memref<16384xi32, #tpu.memory_space<hbm>> -> memref<32xi32, #tpu.memory_space<hbm>>
      tpu.enqueue_dma source(%dma_start3A_32 : memref<32xi32, #tpu.memory_space<hbm>>) target(%arg17 : memref<32xi32, #tpu.memory_space<vmem>>) target_semaphore(%arg42 : memref<!tpu.dma_semaphore, #tpu.memory_space<semaphore_mem>>)
      %dma_start3A_33 = tpu.memref_slice %arg3[%multiple_of3A] : memref<16384xi32, #tpu.memory_space<hbm>> -> memref<32xi32, #tpu.memory_space<hbm>>
      %dma_start3A_34 = tpu.memref_slice %arg3[%multiple_of3A] : memref<16384xi32, #tpu.memory_space<hbm>> -> memref<32xi32, #tpu.memory_space<hbm>>
      tpu.enqueue_dma source(%dma_start3A_34 : memref<32xi32, #tpu.memory_space<hbm>>) target(%arg18 : memref<32xi32, #tpu.memory_space<vmem>>) target_semaphore(%arg42 : memref<!tpu.dma_semaphore, #tpu.memory_space<semaphore_mem>>)
      %add3A_35 = arith.constant 0 : i32
      %add3A_36 = arith.addi %multiple_of3A_31, %add3A_35 : i32
      %dma_start3A_37 = arith.constant 0 : i32
      %dma_start3A_38 = arith.constant 0 : i32
      %dma_start3A_39 = tpu.memref_slice %arg19[%dma_start3A_37, %dma_start3A_38] : memref<5x128xi32, #tpu.memory_space<vmem>> -> memref<1x128xi32, #tpu.memory_space<vmem>>
      %dma_start3A_40 = tpu.memref_squeeze %dma_start3A_39 : memref<1x128xi32, #tpu.memory_space<vmem>> -> memref<128xi32, #tpu.memory_space<vmem>>
      %dma_start3A_41 = tpu.memref_slice %arg4[%add3A_36] : memref<327680xi32, #tpu.memory_space<hbm>> -> memref<128xi32, #tpu.memory_space<hbm>>
      %dma_start3A_42 = arith.constant 0 : i32
      %dma_start3A_43 = tpu.memref_slice %arg19[%dma_start3A_37, %dma_start3A_42] : memref<5x128xi32, #tpu.memory_space<vmem>> -> memref<1x128xi32, #tpu.memory_space<vmem>>
      %dma_start3A_44 = tpu.memref_squeeze %dma_start3A_43 : memref<1x128xi32, #tpu.memory_space<vmem>> -> memref<128xi32, #tpu.memory_space<vmem>>
      %dma_start3A_45 = tpu.memref_slice %arg4[%add3A_36] : memref<327680xi32, #tpu.memory_space<hbm>> -> memref<128xi32, #tpu.memory_space<hbm>>
      tpu.enqueue_dma source(%dma_start3A_45 : memref<128xi32, #tpu.memory_space<hbm>>) target(%dma_start3A_44 : memref<128xi32, #tpu.memory_space<vmem>>) target_semaphore(%arg42 : memref<!tpu.dma_semaphore, #tpu.memory_space<semaphore_mem>>)
      %add3A_46 = arith.constant 128 : i32
      %add3A_47 = arith.addi %multiple_of3A_31, %add3A_46 : i32
      %dma_start3A_48 = arith.constant 1 : i32
      %dma_start3A_49 = arith.constant 0 : i32
      %dma_start3A_50 = tpu.memref_slice %arg19[%dma_start3A_48, %dma_start3A_49] : memref<5x128xi32, #tpu.memory_space<vmem>> -> memref<1x128xi32, #tpu.memory_space<vmem>>
      %dma_start3A_51 = tpu.memref_squeeze %dma_start3A_50 : memref<1x128xi32, #tpu.memory_space<vmem>> -> memref<128xi32, #tpu.memory_space<vmem>>
      %dma_start3A_52 = tpu.memref_slice %arg4[%add3A_47] : memref<327680xi32, #tpu.memory_space<hbm>> -> memref<128xi32, #tpu.memory_space<hbm>>
      %dma_start3A_53 = arith.constant 0 : i32
      %dma_start3A_54 = tpu.memref_slice %arg19[%dma_start3A_48, %dma_start3A_53] : memref<5x128xi32, #tpu.memory_space<vmem>> -> memref<1x128xi32, #tpu.memory_space<vmem>>
      %dma_start3A_55 = tpu.memref_squeeze %dma_start3A_54 : memref<1x128xi32, #tpu.memory_space<vmem>> -> memref<128xi32, #tpu.memory_space<vmem>>
      %dma_start3A_56 = tpu.memref_slice %arg4[%add3A_47] : memref<327680xi32, #tpu.memory_space<hbm>> -> memref<128xi32, #tpu.memory_space<hbm>>
      tpu.enqueue_dma source(%dma_start3A_56 : memref<128xi32, #tpu.memory_space<hbm>>) target(%dma_start3A_55 : memref<128xi32, #tpu.memory_space<vmem>>) target_semaphore(%arg42 : memref<!tpu.dma_semaphore, #tpu.memory_space<semaphore_mem>>)
      %add3A_57 = arith.constant 256 : i32
      %add3A_58 = arith.addi %multiple_of3A_31, %add3A_57 : i32
      %dma_start3A_59 = arith.constant 2 : i32
      %dma_start3A_60 = arith.constant 0 : i32
      %dma_start3A_61 = tpu.memref_slice %arg19[%dma_start3A_59, %dma_start3A_60] : memref<5x128xi32, #tpu.memory_space<vmem>> -> memref<1x128xi32, #tpu.memory_space<vmem>>
      %dma_start3A_62 = tpu.memref_squeeze %dma_start3A_61 : memref<1x128xi32, #tpu.memory_space<vmem>> -> memref<128xi32, #tpu.memory_space<vmem>>
      %dma_start3A_63 = tpu.memref_slice %arg4[%add3A_58] : memref<327680xi32, #tpu.memory_space<hbm>> -> memref<128xi32, #tpu.memory_space<hbm>>
      %dma_start3A_64 = arith.constant 0 : i32
      %dma_start3A_65 = tpu.memref_slice %arg19[%dma_start3A_59, %dma_start3A_64] : memref<5x128xi32, #tpu.memory_space<vmem>> -> memref<1x128xi32, #tpu.memory_space<vmem>>
      %dma_start3A_66 = tpu.memref_squeeze %dma_start3A_65 : memref<1x128xi32, #tpu.memory_space<vmem>> -> memref<128xi32, #tpu.memory_space<vmem>>
      %dma_start3A_67 = tpu.memref_slice %arg4[%add3A_58] : memref<327680xi32, #tpu.memory_space<hbm>> -> memref<128xi32, #tpu.memory_space<hbm>>
      tpu.enqueue_dma source(%dma_start3A_67 : memref<128xi32, #tpu.memory_space<hbm>>) target(%dma_start3A_66 : memref<128xi32, #tpu.memory_space<vmem>>) target_semaphore(%arg42 : memref<!tpu.dma_semaphore, #tpu.memory_space<semaphore_mem>>)
      %add3A_68 = arith.constant 384 : i32
      %add3A_69 = arith.addi %multiple_of3A_31, %add3A_68 : i32
      %dma_start3A_70 = arith.constant 3 : i32
      %dma_start3A_71 = arith.constant 0 : i32
      %dma_start3A_72 = tpu.memref_slice %arg19[%dma_start3A_70, %dma_start3A_71] : memref<5x128xi32, #tpu.memory_space<vmem>> -> memref<1x128xi32, #tpu.memory_space<vmem>>
      %dma_start3A_73 = tpu.memref_squeeze %dma_start3A_72 : memref<1x128xi32, #tpu.memory_space<vmem>> -> memref<128xi32, #tpu.memory_space<vmem>>
      %dma_start3A_74 = tpu.memref_slice %arg4[%add3A_69] : memref<327680xi32, #tpu.memory_space<hbm>> -> memref<128xi32, #tpu.memory_space<hbm>>
      %dma_start3A_75 = arith.constant 0 : i32
      %dma_start3A_76 = tpu.memref_slice %arg19[%dma_start3A_70, %dma_start3A_75] : memref<5x128xi32, #tpu.memory_space<vmem>> -> memref<1x128xi32, #tpu.memory_space<vmem>>
      %dma_start3A_77 = tpu.memref_squeeze %dma_start3A_76 : memref<1x128xi32, #tpu.memory_space<vmem>> -> memref<128xi32, #tpu.memory_space<vmem>>
      %dma_start3A_78 = tpu.memref_slice %arg4[%add3A_69] : memref<327680xi32, #tpu.memory_space<hbm>> -> memref<128xi32, #tpu.memory_space<hbm>>
      tpu.enqueue_dma source(%dma_start3A_78 : memref<128xi32, #tpu.memory_space<hbm>>) target(%dma_start3A_77 : memref<128xi32, #tpu.memory_space<vmem>>) target_semaphore(%arg42 : memref<!tpu.dma_semaphore, #tpu.memory_space<semaphore_mem>>)
      %add3A_79 = arith.constant 512 : i32
      %add3A_80 = arith.addi %multiple_of3A_31, %add3A_79 : i32
      %dma_start3A_81 = arith.constant 4 : i32
      %dma_start3A_82 = arith.constant 0 : i32
      %dma_start3A_83 = tpu.memref_slice %arg19[%dma_start3A_81, %dma_start3A_82] : memref<5x128xi32, #tpu.memory_space<vmem>> -> memref<1x128xi32, #tpu.memory_space<vmem>>
      %dma_start3A_84 = tpu.memref_squeeze %dma_start3A_83 : memref<1x128xi32, #tpu.memory_space<vmem>> -> memref<128xi32, #tpu.memory_space<vmem>>
      %dma_start3A_85 = tpu.memref_slice %arg4[%add3A_80] : memref<327680xi32, #tpu.memory_space<hbm>> -> memref<128xi32, #tpu.memory_space<hbm>>
      %dma_start3A_86 = arith.constant 0 : i32
      %dma_start3A_87 = tpu.memref_slice %arg19[%dma_start3A_81, %dma_start3A_86] : memref<5x128xi32, #tpu.memory_space<vmem>> -> memref<1x128xi32, #tpu.memory_space<vmem>>
      %dma_start3A_88 = tpu.memref_squeeze %dma_start3A_87 : memref<1x128xi32, #tpu.memory_space<vmem>> -> memref<128xi32, #tpu.memory_space<vmem>>
      %dma_start3A_89 = tpu.memref_slice %arg4[%add3A_80] : memref<327680xi32, #tpu.memory_space<hbm>> -> memref<128xi32, #tpu.memory_space<hbm>>
      tpu.enqueue_dma source(%dma_start3A_89 : memref<128xi32, #tpu.memory_space<hbm>>) target(%dma_start3A_88 : memref<128xi32, #tpu.memory_space<vmem>>) target_semaphore(%arg42 : memref<!tpu.dma_semaphore, #tpu.memory_space<semaphore_mem>>)
      %dma_wait3A = tpu.memref_slice %arg2[%multiple_of3A] : memref<16384xi32, #tpu.memory_space<hbm>> -> memref<32xi32, #tpu.memory_space<hbm>>
      %dma_wait3A_90 = tpu.memref_slice %arg2[%multiple_of3A] : memref<16384xi32, #tpu.memory_space<hbm>> -> memref<32xi32, #tpu.memory_space<hbm>>
      tpu.wait_dma2 semaphore(%arg42 : memref<!tpu.dma_semaphore, #tpu.memory_space<semaphore_mem>>) src(%dma_wait3A_90 : memref<32xi32, #tpu.memory_space<hbm>>) dst(%arg17 : memref<32xi32, #tpu.memory_space<vmem>>)
      %dma_wait3A_91 = tpu.memref_slice %arg3[%multiple_of3A] : memref<16384xi32, #tpu.memory_space<hbm>> -> memref<32xi32, #tpu.memory_space<hbm>>
      %dma_wait3A_92 = tpu.memref_slice %arg3[%multiple_of3A] : memref<16384xi32, #tpu.memory_space<hbm>> -> memref<32xi32, #tpu.memory_space<hbm>>
      tpu.wait_dma2 semaphore(%arg42 : memref<!tpu.dma_semaphore, #tpu.memory_space<semaphore_mem>>) src(%dma_wait3A_92 : memref<32xi32, #tpu.memory_space<hbm>>) dst(%arg18 : memref<32xi32, #tpu.memory_space<vmem>>)
      %dma_wait3A_93 = arith.constant 0 : i32
      %dma_wait3A_94 = arith.constant 0 : i32
      %dma_wait3A_95 = tpu.memref_slice %arg19[%dma_wait3A_93, %dma_wait3A_94] : memref<5x128xi32, #tpu.memory_space<vmem>> -> memref<1x128xi32, #tpu.memory_space<vmem>>
      %dma_wait3A_96 = tpu.memref_squeeze %dma_wait3A_95 : memref<1x128xi32, #tpu.memory_space<vmem>> -> memref<128xi32, #tpu.memory_space<vmem>>
      %dma_wait3A_97 = tpu.memref_slice %arg4[%add3A_36] : memref<327680xi32, #tpu.memory_space<hbm>> -> memref<128xi32, #tpu.memory_space<hbm>>
      %dma_wait3A_98 = arith.constant 0 : i32
      %dma_wait3A_99 = tpu.memref_slice %arg19[%dma_wait3A_93, %dma_wait3A_98] : memref<5x128xi32, #tpu.memory_space<vmem>> -> memref<1x128xi32, #tpu.memory_space<vmem>>
      %dma_wait3A_100 = tpu.memref_squeeze %dma_wait3A_99 : memref<1x128xi32, #tpu.memory_space<vmem>> -> memref<128xi32, #tpu.memory_space<vmem>>
      %dma_wait3A_101 = tpu.memref_slice %arg4[%add3A_36] : memref<327680xi32, #tpu.memory_space<hbm>> -> memref<128xi32, #tpu.memory_space<hbm>>
      tpu.wait_dma2 semaphore(%arg42 : memref<!tpu.dma_semaphore, #tpu.memory_space<semaphore_mem>>) src(%dma_wait3A_101 : memref<128xi32, #tpu.memory_space<hbm>>) dst(%dma_wait3A_100 : memref<128xi32, #tpu.memory_space<vmem>>)
      %dma_wait3A_102 = arith.constant 1 : i32
      %dma_wait3A_103 = arith.constant 0 : i32
      %dma_wait3A_104 = tpu.memref_slice %arg19[%dma_wait3A_102, %dma_wait3A_103] : memref<5x128xi32, #tpu.memory_space<vmem>> -> memref<1x128xi32, #tpu.memory_space<vmem>>
      %dma_wait3A_105 = tpu.memref_squeeze %dma_wait3A_104 : memref<1x128xi32, #tpu.memory_space<vmem>> -> memref<128xi32, #tpu.memory_space<vmem>>
      %dma_wait3A_106 = tpu.memref_slice %arg4[%add3A_47] : memref<327680xi32, #tpu.memory_space<hbm>> -> memref<128xi32, #tpu.memory_space<hbm>>
      %dma_wait3A_107 = arith.constant 0 : i32
      %dma_wait3A_108 = tpu.memref_slice %arg19[%dma_wait3A_102, %dma_wait3A_107] : memref<5x128xi32, #tpu.memory_space<vmem>> -> memref<1x128xi32, #tpu.memory_space<vmem>>
      %dma_wait3A_109 = tpu.memref_squeeze %dma_wait3A_108 : memref<1x128xi32, #tpu.memory_space<vmem>> -> memref<128xi32, #tpu.memory_space<vmem>>
      %dma_wait3A_110 = tpu.memref_slice %arg4[%add3A_47] : memref<327680xi32, #tpu.memory_space<hbm>> -> memref<128xi32, #tpu.memory_space<hbm>>
      tpu.wait_dma2 semaphore(%arg42 : memref<!tpu.dma_semaphore, #tpu.memory_space<semaphore_mem>>) src(%dma_wait3A_110 : memref<128xi32, #tpu.memory_space<hbm>>) dst(%dma_wait3A_109 : memref<128xi32, #tpu.memory_space<vmem>>)
      %dma_wait3A_111 = arith.constant 2 : i32
      %dma_wait3A_112 = arith.constant 0 : i32
      %dma_wait3A_113 = tpu.memref_slice %arg19[%dma_wait3A_111, %dma_wait3A_112] : memref<5x128xi32, #tpu.memory_space<vmem>> -> memref<1x128xi32, #tpu.memory_space<vmem>>
      %dma_wait3A_114 = tpu.memref_squeeze %dma_wait3A_113 : memref<1x128xi32, #tpu.memory_space<vmem>> -> memref<128xi32, #tpu.memory_space<vmem>>
      %dma_wait3A_115 = tpu.memref_slice %arg4[%add3A_58] : memref<327680xi32, #tpu.memory_space<hbm>> -> memref<128xi32, #tpu.memory_space<hbm>>
      %dma_wait3A_116 = arith.constant 0 : i32
      %dma_wait3A_117 = tpu.memref_slice %arg19[%dma_wait3A_111, %dma_wait3A_116] : memref<5x128xi32, #tpu.memory_space<vmem>> -> memref<1x128xi32, #tpu.memory_space<vmem>>
      %dma_wait3A_118 = tpu.memref_squeeze %dma_wait3A_117 : memref<1x128xi32, #tpu.memory_space<vmem>> -> memref<128xi32, #tpu.memory_space<vmem>>
      %dma_wait3A_119 = tpu.memref_slice %arg4[%add3A_58] : memref<327680xi32, #tpu.memory_space<hbm>> -> memref<128xi32, #tpu.memory_space<hbm>>
      tpu.wait_dma2 semaphore(%arg42 : memref<!tpu.dma_semaphore, #tpu.memory_space<semaphore_mem>>) src(%dma_wait3A_119 : memref<128xi32, #tpu.memory_space<hbm>>) dst(%dma_wait3A_118 : memref<128xi32, #tpu.memory_space<vmem>>)
      %dma_wait3A_120 = arith.constant 3 : i32
      %dma_wait3A_121 = arith.constant 0 : i32
      %dma_wait3A_122 = tpu.memref_slice %arg19[%dma_wait3A_120, %dma_wait3A_121] : memref<5x128xi32, #tpu.memory_space<vmem>> -> memref<1x128xi32, #tpu.memory_space<vmem>>
      %dma_wait3A_123 = tpu.memref_squeeze %dma_wait3A_122 : memref<1x128xi32, #tpu.memory_space<vmem>> -> memref<128xi32, #tpu.memory_space<vmem>>
      %dma_wait3A_124 = tpu.memref_slice %arg4[%add3A_69] : memref<327680xi32, #tpu.memory_space<hbm>> -> memref<128xi32, #tpu.memory_space<hbm>>
      %dma_wait3A_125 = arith.constant 0 : i32
      %dma_wait3A_126 = tpu.memref_slice %arg19[%dma_wait3A_120, %dma_wait3A_125] : memref<5x128xi32, #tpu.memory_space<vmem>> -> memref<1x128xi32, #tpu.memory_space<vmem>>
      %dma_wait3A_127 = tpu.memref_squeeze %dma_wait3A_126 : memref<1x128xi32, #tpu.memory_space<vmem>> -> memref<128xi32, #tpu.memory_space<vmem>>
      %dma_wait3A_128 = tpu.memref_slice %arg4[%add3A_69] : memref<327680xi32, #tpu.memory_space<hbm>> -> memref<128xi32, #tpu.memory_space<hbm>>
      tpu.wait_dma2 semaphore(%arg42 : memref<!tpu.dma_semaphore, #tpu.memory_space<semaphore_mem>>) src(%dma_wait3A_128 : memref<128xi32, #tpu.memory_space<hbm>>) dst(%dma_wait3A_127 : memref<128xi32, #tpu.memory_space<vmem>>)
      %dma_wait3A_129 = arith.constant 4 : i32
      %dma_wait3A_130 = arith.constant 0 : i32
      %dma_wait3A_131 = tpu.memref_slice %arg19[%dma_wait3A_129, %dma_wait3A_130] : memref<5x128xi32, #tpu.memory_space<vmem>> -> memref<1x128xi32, #tpu.memory_space<vmem>>
      %dma_wait3A_132 = tpu.memref_squeeze %dma_wait3A_131 : memref<1x128xi32, #tpu.memory_space<vmem>> -> memref<128xi32, #tpu.memory_space<vmem>>
      %dma_wait3A_133 = tpu.memref_slice %arg4[%add3A_80] : memref<327680xi32, #tpu.memory_space<hbm>> -> memref<128xi32, #tpu.memory_space<hbm>>
      %dma_wait3A_134 = arith.constant 0 : i32
      %dma_wait3A_135 = tpu.memref_slice %arg19[%dma_wait3A_129, %dma_wait3A_134] : memref<5x128xi32, #tpu.memory_space<vmem>> -> memref<1x128xi32, #tpu.memory_space<vmem>>
      %dma_wait3A_136 = tpu.memref_squeeze %dma_wait3A_135 : memref<1x128xi32, #tpu.memory_space<vmem>> -> memref<128xi32, #tpu.memory_space<vmem>>
      %dma_wait3A_137 = tpu.memref_slice %arg4[%add3A_80] : memref<327680xi32, #tpu.memory_space<hbm>> -> memref<128xi32, #tpu.memory_space<hbm>>
      tpu.wait_dma2 semaphore(%arg42 : memref<!tpu.dma_semaphore, #tpu.memory_space<semaphore_mem>>) src(%dma_wait3A_137 : memref<128xi32, #tpu.memory_space<hbm>>) dst(%dma_wait3A_136 : memref<128xi32, #tpu.memory_space<vmem>>)
      %get3A = arith.constant 0 : index
      %get3A_138 = tpu.vector_load %arg17[%get3A] {strides = array<i32>} : memref<32xi32, #tpu.memory_space<vmem>>, vector<16xi32>,
      %shift_right_logical3A = arith.shrui %get3A_138, %broadcast_in_dim3A_7 : vector<16xi32>
      %swap3A = arith.constant 0 : index
      %swap3A_139 = tpu.vector_load %arg20[%swap3A] {strides = array<i32>} : memref<32xi32, #tpu.memory_space<vmem>>, vector<16xi32>,
      tpu.vector_store %arg20[%swap3A], %shift_right_logical3A {strides = array<i32>} : memref<32xi32, #tpu.memory_space<vmem>>, vector<16xi32>,
      %get3A_140 = arith.constant 0 : index
      %get3A_141 = tpu.vector_load %arg18[%get3A_140] {strides = array<i32>} : memref<32xi32, #tpu.memory_space<vmem>>, vector<16xi32>,
      %shift_right_logical3A_142 = arith.shrui %get3A_141, %broadcast_in_dim3A_7 : vector<16xi32>
      %swap3A_143 = arith.constant 0 : index
      %swap3A_144 = tpu.vector_load %arg21[%swap3A_143] {strides = array<i32>} : memref<32xi32, #tpu.memory_space<vmem>>, vector<16xi32>,
      tpu.vector_store %arg21[%swap3A_143], %shift_right_logical3A_142 {strides = array<i32>} : memref<32xi32, #tpu.memory_space<vmem>>, vector<16xi32>,
      %mul3A_145 = arith.muli %get3A_141, %broadcast_in_dim3A_15 : vector<16xi32>
      %shift_right_logical3A_146 = arith.shrui %mul3A_145, %broadcast_in_dim3A_7 : vector<16xi32>
      %swap3A_147 = arith.constant 0 : index
      %swap3A_148 = tpu.vector_load %arg22[%swap3A_147] {strides = array<i32>} : memref<64xi32, #tpu.memory_space<vmem>>, vector<16xi32>,
      tpu.vector_store %arg22[%swap3A_147], %shift_right_logical3A_146 {strides = array<i32>} : memref<64xi32, #tpu.memory_space<vmem>>, vector<16xi32>,
      %add3A_149 = arith.addi %shift_right_logical3A_146, %broadcast_in_dim3A_5 : vector<16xi32>
      %min3A = arith.minsi %add3A_149, %broadcast_in_dim3A_17 : vector<16xi32>
      %swap3A_150 = arith.constant 32 : index
      %swap3A_151 = tpu.vector_load %arg22[%swap3A_150] {strides = array<i32>} : memref<64xi32, #tpu.memory_space<vmem>>, vector<16xi32>,
      tpu.vector_store %arg22[%swap3A_150], %min3A {strides = array<i32>} : memref<64xi32, #tpu.memory_space<vmem>>, vector<16xi32>,
      %get3A_152 = arith.constant 16 : index
      %get3A_153 = tpu.vector_load %arg17[%get3A_152] {strides = array<i32>} : memref<32xi32, #tpu.memory_space<vmem>>, vector<16xi32>,
      %shift_right_logical3A_154 = arith.shrui %get3A_153, %broadcast_in_dim3A_7 : vector<16xi32>
      %swap3A_155 = arith.constant 16 : index
      %swap3A_156 = tpu.vector_load %arg20[%swap3A_155] {strides = array<i32>} : memref<32xi32, #tpu.memory_space<vmem>>, vector<16xi32>,
      tpu.vector_store %arg20[%swap3A_155], %shift_right_logical3A_154 {strides = array<i32>} : memref<32xi32, #tpu.memory_space<vmem>>, vector<16xi32>,
      %get3A_157 = arith.constant 16 : index
      %get3A_158 = tpu.vector_load %arg18[%get3A_157] {strides = array<i32>} : memref<32xi32, #tpu.memory_space<vmem>>, vector<16xi32>,
      %shift_right_logical3A_159 = arith.shrui %get3A_158, %broadcast_in_dim3A_7 : vector<16xi32>
      %swap3A_160 = arith.constant 16 : index
      %swap3A_161 = tpu.vector_load %arg21[%swap3A_160] {strides = array<i32>} : memref<32xi32, #tpu.memory_space<vmem>>, vector<16xi32>,
      tpu.vector_store %arg21[%swap3A_160], %shift_right_logical3A_159 {strides = array<i32>} : memref<32xi32, #tpu.memory_space<vmem>>, vector<16xi32>,
      %mul3A_162 = arith.muli %get3A_158, %broadcast_in_dim3A_15 : vector<16xi32>
      %shift_right_logical3A_163 = arith.shrui %mul3A_162, %broadcast_in_dim3A_7 : vector<16xi32>
      %swap3A_164 = arith.constant 16 : index
      %swap3A_165 = tpu.vector_load %arg22[%swap3A_164] {strides = array<i32>} : memref<64xi32, #tpu.memory_space<vmem>>, vector<16xi32>,
      tpu.vector_store %arg22[%swap3A_164], %shift_right_logical3A_163 {strides = array<i32>} : memref<64xi32, #tpu.memory_space<vmem>>, vector<16xi32>,
      %add3A_166 = arith.addi %shift_right_logical3A_163, %broadcast_in_dim3A_5 : vector<16xi32>
      %min3A_167 = arith.minsi %add3A_166, %broadcast_in_dim3A_17 : vector<16xi32>
      %swap3A_168 = arith.constant 48 : index
      %swap3A_169 = tpu.vector_load %arg22[%swap3A_168] {strides = array<i32>} : memref<64xi32, #tpu.memory_space<vmem>>, vector<16xi32>,
      tpu.vector_store %arg22[%swap3A_168], %min3A_167 {strides = array<i32>} : memref<64xi32, #tpu.memory_space<vmem>>, vector<16xi32>,
      %get3A_170 = arith.constant 0 : i32
      %get3A_171 = arith.index_cast %get3A_170 : i32 to index
      %get3A_172 = arith.constant 0 : index
      %get3A_173 = tpu.vector_load %arg19[%get3A_171, %get3A_172] {strides = array<i32>} : memref<5x128xi32, #tpu.memory_space<vmem>>, vector<16xi32>,
      %shift_right_logical3A_174 = arith.shrui %get3A_173, %broadcast_in_dim3A_7 : vector<16xi32>
      %swap3A_175 = arith.constant 0 : i32
      %swap3A_176 = arith.index_cast %swap3A_175 : i32 to index
      %swap3A_177 = arith.constant 0 : index
      %swap3A_178 = tpu.vector_load %arg23[%swap3A_176, %swap3A_177] {strides = array<i32>} : memref<5x128xi32, #tpu.memory_space<vmem>>, vector<16xi32>,
      tpu.vector_store %arg23[%swap3A_176, %swap3A_177], %shift_right_logical3A_174 {strides = array<i32>} : memref<5x128xi32, #tpu.memory_space<vmem>>, vector<16xi32>,
      %get3A_179 = arith.constant 0 : i32
      %get3A_180 = arith.index_cast %get3A_179 : i32 to index
      %get3A_181 = arith.constant 16 : index
      %get3A_182 = tpu.vector_load %arg19[%get3A_180, %get3A_181] {strides = array<i32>} : memref<5x128xi32, #tpu.memory_space<vmem>>, vector<16xi32>,
      %shift_right_logical3A_183 = arith.shrui %get3A_182, %broadcast_in_dim3A_7 : vector<16xi32>
      %swap3A_184 = arith.constant 0 : i32
      %swap3A_185 = arith.index_cast %swap3A_184 : i32 to index
      %swap3A_186 = arith.constant 16 : index
      %swap3A_187 = tpu.vector_load %arg23[%swap3A_185, %swap3A_186] {strides = array<i32>} : memref<5x128xi32, #tpu.memory_space<vmem>>, vector<16xi32>,
      tpu.vector_store %arg23[%swap3A_185, %swap3A_186], %shift_right_logical3A_183 {strides = array<i32>} : memref<5x128xi32, #tpu.memory_space<vmem>>, vector<16xi32>,
      %get3A_188 = arith.constant 0 : i32
      %get3A_189 = arith.index_cast %get3A_188 : i32 to index
      %get3A_190 = arith.constant 32 : index
      %get3A_191 = tpu.vector_load %arg19[%get3A_189, %get3A_190] {strides = array<i32>} : memref<5x128xi32, #tpu.memory_space<vmem>>, vector<16xi32>,
      %shift_right_logical3A_192 = arith.shrui %get3A_191, %broadcast_in_dim3A_7 : vector<16xi32>
      %swap3A_193 = arith.constant 0 : i32
      %swap3A_194 = arith.index_cast %swap3A_193 : i32 to index
      %swap3A_195 = arith.constant 32 : index
      %swap3A_196 = tpu.vector_load %arg23[%swap3A_194, %swap3A_195] {strides = array<i32>} : memref<5x128xi32, #tpu.memory_space<vmem>>, vector<16xi32>,
      tpu.vector_store %arg23[%swap3A_194, %swap3A_195], %shift_right_logical3A_192 {strides = array<i32>} : memref<5x128xi32, #tpu.memory_space<vmem>>, vector<16xi32>,
      %get3A_197 = arith.constant 0 : i32
      %get3A_198 = arith.index_cast %get3A_197 : i32 to index
      %get3A_199 = arith.constant 48 : index
      %get3A_200 = tpu.vector_load %arg19[%get3A_198, %get3A_199] {strides = array<i32>} : memref<5x128xi32, #tpu.memory_space<vmem>>, vector<16xi32>,
      %shift_right_logical3A_201 = arith.shrui %get3A_200, %broadcast_in_dim3A_7 : vector<16xi32>
      %swap3A_202 = arith.constant 0 : i32
      %swap3A_203 = arith.index_cast %swap3A_202 : i32 to index
      %swap3A_204 = arith.constant 48 : index
      %swap3A_205 = tpu.vector_load %arg23[%swap3A_203, %swap3A_204] {strides = array<i32>} : memref<5x128xi32, #tpu.memory_space<vmem>>, vector<16xi32>,
      tpu.vector_store %arg23[%swap3A_203, %swap3A_204], %shift_right_logical3A_201 {strides = array<i32>} : memref<5x128xi32, #tpu.memory_space<vmem>>, vector<16xi32>,
      %get3A_206 = arith.constant 0 : i32
      %get3A_207 = arith.index_cast %get3A_206 : i32 to index
      %get3A_208 = arith.constant 64 : index
      %get3A_209 = tpu.vector_load %arg19[%get3A_207, %get3A_208] {strides = array<i32>} : memref<5x128xi32, #tpu.memory_space<vmem>>, vector<16xi32>,
      %shift_right_logical3A_210 = arith.shrui %get3A_209, %broadcast_in_dim3A_7 : vector<16xi32>
      %swap3A_211 = arith.constant 0 : i32
      %swap3A_212 = arith.index_cast %swap3A_211 : i32 to index
      %swap3A_213 = arith.constant 64 : index
      %swap3A_214 = tpu.vector_load %arg23[%swap3A_212, %swap3A_213] {strides = array<i32>} : memref<5x128xi32, #tpu.memory_space<vmem>>, vector<16xi32>,
      tpu.vector_store %arg23[%swap3A_212, %swap3A_213], %shift_right_logical3A_210 {strides = array<i32>} : memref<5x128xi32, #tpu.memory_space<vmem>>, vector<16xi32>,
      %get3A_215 = arith.constant 0 : i32
      %get3A_216 = arith.index_cast %get3A_215 : i32 to index
      %get3A_217 = arith.constant 80 : index
      %get3A_218 = tpu.vector_load %arg19[%get3A_216, %get3A_217] {strides = array<i32>} : memref<5x128xi32, #tpu.memory_space<vmem>>, vector<16xi32>,
      %shift_right_logical3A_219 = arith.shrui %get3A_218, %broadcast_in_dim3A_7 : vector<16xi32>
      %swap3A_220 = arith.constant 0 : i32
      %swap3A_221 = arith.index_cast %swap3A_220 : i32 to index
      %swap3A_222 = arith.constant 80 : index
      %swap3A_223 = tpu.vector_load %arg23[%swap3A_221, %swap3A_222] {strides = array<i32>} : memref<5x128xi32, #tpu.memory_space<vmem>>, vector<16xi32>,
      tpu.vector_store %arg23[%swap3A_221, %swap3A_222], %shift_right_logical3A_219 {strides = array<i32>} : memref<5x128xi32, #tpu.memory_space<vmem>>, vector<16xi32>,
      %get3A_224 = arith.constant 0 : i32
      %get3A_225 = arith.index_cast %get3A_224 : i32 to index
      %get3A_226 = arith.constant 96 : index
      %get3A_227 = tpu.vector_load %arg19[%get3A_225, %get3A_226] {strides = array<i32>} : memref<5x128xi32, #tpu.memory_space<vmem>>, vector<16xi32>,
      %shift_right_logical3A_228 = arith.shrui %get3A_227, %broadcast_in_dim3A_7 : vector<16xi32>
      %swap3A_229 = arith.constant 0 : i32
      %swap3A_230 = arith.index_cast %swap3A_229 : i32 to index
      %swap3A_231 = arith.constant 96 : index
      %swap3A_232 = tpu.vector_load %arg23[%swap3A_230, %swap3A_231] {strides = array<i32>} : memref<5x128xi32, #tpu.memory_space<vmem>>, vector<16xi32>,
      tpu.vector_store %arg23[%swap3A_230, %swap3A_231], %shift_right_logical3A_228 {strides = array<i32>} : memref<5x128xi32, #tpu.memory_space<vmem>>, vector<16xi32>,
      %get3A_233 = arith.constant 0 : i32
      %get3A_234 = arith.index_cast %get3A_233 : i32 to index
      %get3A_235 = arith.constant 112 : index
      %get3A_236 = tpu.vector_load %arg19[%get3A_234, %get3A_235] {strides = array<i32>} : memref<5x128xi32, #tpu.memory_space<vmem>>, vector<16xi32>,
      %shift_right_logical3A_237 = arith.shrui %get3A_236, %broadcast_in_dim3A_7 : vector<16xi32>
      %swap3A_238 = arith.constant 0 : i32
      %swap3A_239 = arith.index_cast %swap3A_238 : i32 to index
      %swap3A_240 = arith.constant 112 : index
      %swap3A_241 = tpu.vector_load %arg23[%swap3A_239, %swap3A_240] {strides = array<i32>} : memref<5x128xi32, #tpu.memory_space<vmem>>, vector<16xi32>,
      tpu.vector_store %arg23[%swap3A_239, %swap3A_240], %shift_right_logical3A_237 {strides = array<i32>} : memref<5x128xi32, #tpu.memory_space<vmem>>, vector<16xi32>,
      %get3A_242 = arith.constant 1 : i32
      %get3A_243 = arith.index_cast %get3A_242 : i32 to index
      %get3A_244 = arith.constant 0 : index
      %get3A_245 = tpu.vector_load %arg19[%get3A_243, %get3A_244] {strides = array<i32>} : memref<5x128xi32, #tpu.memory_space<vmem>>, vector<16xi32>,
      %shift_right_logical3A_246 = arith.shrui %get3A_245, %broadcast_in_dim3A_7 : vector<16xi32>
      %swap3A_247 = arith.constant 1 : i32
      %swap3A_248 = arith.index_cast %swap3A_247 : i32 to index
      %swap3A_249 = arith.constant 0 : index
      %swap3A_250 = tpu.vector_load %arg23[%swap3A_248, %swap3A_249] {strides = array<i32>} : memref<5x128xi32, #tpu.memory_space<vmem>>, vector<16xi32>,
      tpu.vector_store %arg23[%swap3A_248, %swap3A_249], %shift_right_logical3A_246 {strides = array<i32>} : memref<5x128xi32, #tpu.memory_space<vmem>>, vector<16xi32>,
      %get3A_251 = arith.constant 1 : i32
      %get3A_252 = arith.index_cast %get3A_251 : i32 to index
      %get3A_253 = arith.constant 16 : index
      %get3A_254 = tpu.vector_load %arg19[%get3A_252, %get3A_253] {strides = array<i32>} : memref<5x128xi32, #tpu.memory_space<vmem>>, vector<16xi32>,
      %shift_right_logical3A_255 = arith.shrui %get3A_254, %broadcast_in_dim3A_7 : vector<16xi32>
      %swap3A_256 = arith.constant 1 : i32
      %swap3A_257 = arith.index_cast %swap3A_256 : i32 to index
      %swap3A_258 = arith.constant 16 : index
      %swap3A_259 = tpu.vector_load %arg23[%swap3A_257, %swap3A_258] {strides = array<i32>} : memref<5x128xi32, #tpu.memory_space<vmem>>, vector<16xi32>,
      tpu.vector_store %arg23[%swap3A_257, %swap3A_258], %shift_right_logical3A_255 {strides = array<i32>} : memref<5x128xi32, #tpu.memory_space<vmem>>, vector<16xi32>,
      %get3A_260 = arith.constant 1 : i32
      %get3A_261 = arith.index_cast %get3A_260 : i32 to index
      %get3A_262 = arith.constant 32 : index
      %get3A_263 = tpu.vector_load %arg19[%get3A_261, %get3A_262] {strides = array<i32>} : memref<5x128xi32, #tpu.memory_space<vmem>>, vector<16xi32>,
      %shift_right_logical3A_264 = arith.shrui %get3A_263, %broadcast_in_dim3A_7 : vector<16xi32>
      %swap3A_265 = arith.constant 1 : i32
      %swap3A_266 = arith.index_cast %swap3A_265 : i32 to index
      %swap3A_267 = arith.constant 32 : index
      %swap3A_268 = tpu.vector_load %arg23[%swap3A_266, %swap3A_267] {strides = array<i32>} : memref<5x128xi32, #tpu.memory_space<vmem>>, vector<16xi32>,
      tpu.vector_store %arg23[%swap3A_266, %swap3A_267], %shift_right_logical3A_264 {strides = array<i32>} : memref<5x128xi32, #tpu.memory_space<vmem>>, vector<16xi32>,
      %get3A_269 = arith.constant 1 : i32
      %get3A_270 = arith.index_cast %get3A_269 : i32 to index
      %get3A_271 = arith.constant 48 : index
      %get3A_272 = tpu.vector_load %arg19[%get3A_270, %get3A_271] {strides = array<i32>} : memref<5x128xi32, #tpu.memory_space<vmem>>, vector<16xi32>,
      %shift_right_logical3A_273 = arith.shrui %get3A_272, %broadcast_in_dim3A_7 : vector<16xi32>
      %swap3A_274 = arith.constant 1 : i32
      %swap3A_275 = arith.index_cast %swap3A_274 : i32 to index
      %swap3A_276 = arith.constant 48 : index
      %swap3A_277 = tpu.vector_load %arg23[%swap3A_275, %swap3A_276] {strides = array<i32>} : memref<5x128xi32, #tpu.memory_space<vmem>>, vector<16xi32>,
      tpu.vector_store %arg23[%swap3A_275, %swap3A_276], %shift_right_logical3A_273 {strides = array<i32>} : memref<5x128xi32, #tpu.memory_space<vmem>>, vector<16xi32>,
      %get3A_278 = arith.constant 1 : i32
      %get3A_279 = arith.index_cast %get3A_278 : i32 to index
      %get3A_280 = arith.constant 64 : index
      %get3A_281 = tpu.vector_load %arg19[%get3A_279, %get3A_280] {strides = array<i32>} : memref<5x128xi32, #tpu.memory_space<vmem>>, vector<16xi32>,
      %shift_right_logical3A_282 = arith.shrui %get3A_281, %broadcast_in_dim3A_7 : vector<16xi32>
      %swap3A_283 = arith.constant 1 : i32
      %swap3A_284 = arith.index_cast %swap3A_283 : i32 to index
      %swap3A_285 = arith.constant 64 : index
      %swap3A_286 = tpu.vector_load %arg23[%swap3A_284, %swap3A_285] {strides = array<i32>} : memref<5x128xi32, #tpu.memory_space<vmem>>, vector<16xi32>,
      tpu.vector_store %arg23[%swap3A_284, %swap3A_285], %shift_right_logical3A_282 {strides = array<i32>} : memref<5x128xi32, #tpu.memory_space<vmem>>, vector<16xi32>,
      %get3A_287 = arith.constant 1 : i32
      %get3A_288 = arith.index_cast %get3A_287 : i32 to index
      %get3A_289 = arith.constant 80 : index
      %get3A_290 = tpu.vector_load %arg19[%get3A_288, %get3A_289] {strides = array<i32>} : memref<5x128xi32, #tpu.memory_space<vmem>>, vector<16xi32>,
      %shift_right_logical3A_291 = arith.shrui %get3A_290, %broadcast_in_dim3A_7 : vector<16xi32>
      %swap3A_292 = arith.constant 1 : i32
      %swap3A_293 = arith.index_cast %swap3A_292 : i32 to index
      %swap3A_294 = arith.constant 80 : index
      %swap3A_295 = tpu.vector_load %arg23[%swap3A_293, %swap3A_294] {strides = array<i32>} : memref<5x128xi32, #tpu.memory_space<vmem>>, vector<16xi32>,
      tpu.vector_store %arg23[%swap3A_293, %swap3A_294], %shift_right_logical3A_291 {strides = array<i32>} : memref<5x128xi32, #tpu.memory_space<vmem>>, vector<16xi32>,
      %get3A_296 = arith.constant 1 : i32
      %get3A_297 = arith.index_cast %get3A_296 : i32 to index
      %get3A_298 = arith.constant 96 : index
      %get3A_299 = tpu.vector_load %arg19[%get3A_297, %get3A_298] {strides = array<i32>} : memref<5x128xi32, #tpu.memory_space<vmem>>, vector<16xi32>,
      %shift_right_logical3A_300 = arith.shrui %get3A_299, %broadcast_in_dim3A_7 : vector<16xi32>
      %swap3A_301 = arith.constant 1 : i32
      %swap3A_302 = arith.index_cast %swap3A_301 : i32 to index
      %swap3A_303 = arith.constant 96 : index
      %swap3A_304 = tpu.vector_load %arg23[%swap3A_302, %swap3A_303] {strides = array<i32>} : memref<5x128xi32, #tpu.memory_space<vmem>>, vector<16xi32>,
      tpu.vector_store %arg23[%swap3A_302, %swap3A_303], %shift_right_logical3A_300 {strides = array<i32>} : memref<5x128xi32, #tpu.memory_space<vmem>>, vector<16xi32>,
      %get3A_305 = arith.constant 1 : i32
      %get3A_306 = arith.index_cast %get3A_305 : i32 to index
      %get3A_307 = arith.constant 112 : index
      %get3A_308 = tpu.vector_load %arg19[%get3A_306, %get3A_307] {strides = array<i32>} : memref<5x128xi32, #tpu.memory_space<vmem>>, vector<16xi32>,
      %shift_right_logical3A_309 = arith.shrui %get3A_308, %broadcast_in_dim3A_7 : vector<16xi32>
      %swap3A_310 = arith.constant 1 : i32
      %swap3A_311 = arith.index_cast %swap3A_310 : i32 to index
      %swap3A_312 = arith.constant 112 : index
      %swap3A_313 = tpu.vector_load %arg23[%swap3A_311, %swap3A_312] {strides = array<i32>} : memref<5x128xi32, #tpu.memory_space<vmem>>, vector<16xi32>,
      tpu.vector_store %arg23[%swap3A_311, %swap3A_312], %shift_right_logical3A_309 {strides = array<i32>} : memref<5x128xi32, #tpu.memory_space<vmem>>, vector<16xi32>,
      %get3A_314 = arith.constant 2 : i32
      %get3A_315 = arith.index_cast %get3A_314 : i32 to index
      %get3A_316 = arith.constant 0 : index
      %get3A_317 = tpu.vector_load %arg19[%get3A_315, %get3A_316] {strides = array<i32>} : memref<5x128xi32, #tpu.memory_space<vmem>>, vector<16xi32>,
      %shift_right_logical3A_318 = arith.shrui %get3A_317, %broadcast_in_dim3A_7 : vector<16xi32>
      %swap3A_319 = arith.constant 2 : i32
      %swap3A_320 = arith.index_cast %swap3A_319 : i32 to index
      %swap3A_321 = arith.constant 0 : index
      %swap3A_322 = tpu.vector_load %arg23[%swap3A_320, %swap3A_321] {strides = array<i32>} : memref<5x128xi32, #tpu.memory_space<vmem>>, vector<16xi32>,
      tpu.vector_store %arg23[%swap3A_320, %swap3A_321], %shift_right_logical3A_318 {strides = array<i32>} : memref<5x128xi32, #tpu.memory_space<vmem>>, vector<16xi32>,
      %get3A_323 = arith.constant 2 : i32
      %get3A_324 = arith.index_cast %get3A_323 : i32 to index
      %get3A_325 = arith.constant 16 : index
      %get3A_326 = tpu.vector_load %arg19[%get3A_324, %get3A_325] {strides = array<i32>} : memref<5x128xi32, #tpu.memory_space<vmem>>, vector<16xi32>,
      %shift_right_logical3A_327 = arith.shrui %get3A_326, %broadcast_in_dim3A_7 : vector<16xi32>
      %swap3A_328 = arith.constant 2 : i32
      %swap3A_329 = arith.index_cast %swap3A_328 : i32 to index
      %swap3A_330 = arith.constant 16 : index
      %swap3A_331 = tpu.vector_load %arg23[%swap3A_329, %swap3A_330] {strides = array<i32>} : memref<5x128xi32, #tpu.memory_space<vmem>>, vector<16xi32>,
      tpu.vector_store %arg23[%swap3A_329, %swap3A_330], %shift_right_logical3A_327 {strides = array<i32>} : memref<5x128xi32, #tpu.memory_space<vmem>>, vector<16xi32>,
      %get3A_332 = arith.constant 2 : i32
      %get3A_333 = arith.index_cast %get3A_332 : i32 to index
      %get3A_334 = arith.constant 32 : index
      %get3A_335 = tpu.vector_load %arg19[%get3A_333, %get3A_334] {strides = array<i32>} : memref<5x128xi32, #tpu.memory_space<vmem>>, vector<16xi32>,
      %shift_right_logical3A_336 = arith.shrui %get3A_335, %broadcast_in_dim3A_7 : vector<16xi32>
      %swap3A_337 = arith.constant 2 : i32
      %swap3A_338 = arith.index_cast %swap3A_337 : i32 to index
      %swap3A_339 = arith.constant 32 : index
      %swap3A_340 = tpu.vector_load %arg23[%swap3A_338, %swap3A_339] {strides = array<i32>} : memref<5x128xi32, #tpu.memory_space<vmem>>, vector<16xi32>,
      tpu.vector_store %arg23[%swap3A_338, %swap3A_339], %shift_right_logical3A_336 {strides = array<i32>} : memref<5x128xi32, #tpu.memory_space<vmem>>, vector<16xi32>,
      %get3A_341 = arith.constant 2 : i32
      %get3A_342 = arith.index_cast %get3A_341 : i32 to index
      %get3A_343 = arith.constant 48 : index
      %get3A_344 = tpu.vector_load %arg19[%get3A_342, %get3A_343] {strides = array<i32>} : memref<5x128xi32, #tpu.memory_space<vmem>>, vector<16xi32>,
      %shift_right_logical3A_345 = arith.shrui %get3A_344, %broadcast_in_dim3A_7 : vector<16xi32>
      %swap3A_346 = arith.constant 2 : i32
      %swap3A_347 = arith.index_cast %swap3A_346 : i32 to index
      %swap3A_348 = arith.constant 48 : index
      %swap3A_349 = tpu.vector_load %arg23[%swap3A_347, %swap3A_348] {strides = array<i32>} : memref<5x128xi32, #tpu.memory_space<vmem>>, vector<16xi32>,
      tpu.vector_store %arg23[%swap3A_347, %swap3A_348], %shift_right_logical3A_345 {strides = array<i32>} : memref<5x128xi32, #tpu.memory_space<vmem>>, vector<16xi32>,
      %get3A_350 = arith.constant 2 : i32
      %get3A_351 = arith.index_cast %get3A_350 : i32 to index
      %get3A_352 = arith.constant 64 : index
      %get3A_353 = tpu.vector_load %arg19[%get3A_351, %get3A_352] {strides = array<i32>} : memref<5x128xi32, #tpu.memory_space<vmem>>, vector<16xi32>,
      %shift_right_logical3A_354 = arith.shrui %get3A_353, %broadcast_in_dim3A_7 : vector<16xi32>
      %swap3A_355 = arith.constant 2 : i32
      %swap3A_356 = arith.index_cast %swap3A_355 : i32 to index
      %swap3A_357 = arith.constant 64 : index
      %swap3A_358 = tpu.vector_load %arg23[%swap3A_356, %swap3A_357] {strides = array<i32>} : memref<5x128xi32, #tpu.memory_space<vmem>>, vector<16xi32>,
      tpu.vector_store %arg23[%swap3A_356, %swap3A_357], %shift_right_logical3A_354 {strides = array<i32>} : memref<5x128xi32, #tpu.memory_space<vmem>>, vector<16xi32>,
      %get3A_359 = arith.constant 2 : i32
      %get3A_360 = arith.index_cast %get3A_359 : i32 to index
      %get3A_361 = arith.constant 80 : index
      %get3A_362 = tpu.vector_load %arg19[%get3A_360, %get3A_361] {strides = array<i32>} : memref<5x128xi32, #tpu.memory_space<vmem>>, vector<16xi32>,
      %shift_right_logical3A_363 = arith.shrui %get3A_362, %broadcast_in_dim3A_7 : vector<16xi32>
      %swap3A_364 = arith.constant 2 : i32
      %swap3A_365 = arith.index_cast %swap3A_364 : i32 to index
      %swap3A_366 = arith.constant 80 : index
      %swap3A_367 = tpu.vector_load %arg23[%swap3A_365, %swap3A_366] {strides = array<i32>} : memref<5x128xi32, #tpu.memory_space<vmem>>, vector<16xi32>,
      tpu.vector_store %arg23[%swap3A_365, %swap3A_366], %shift_right_logical3A_363 {strides = array<i32>} : memref<5x128xi32, #tpu.memory_space<vmem>>, vector<16xi32>,
      %get3A_368 = arith.constant 2 : i32
      %get3A_369 = arith.index_cast %get3A_368 : i32 to index
      %get3A_370 = arith.constant 96 : index
      %get3A_371 = tpu.vector_load %arg19[%get3A_369, %get3A_370] {strides = array<i32>} : memref<5x128xi32, #tpu.memory_space<vmem>>, vector<16xi32>,
      %shift_right_logical3A_372 = arith.shrui %get3A_371, %broadcast_in_dim3A_7 : vector<16xi32>
      %swap3A_373 = arith.constant 2 : i32
      %swap3A_374 = arith.index_cast %swap3A_373 : i32 to index
      %swap3A_375 = arith.constant 96 : index
      %swap3A_376 = tpu.vector_load %arg23[%swap3A_374, %swap3A_375] {strides = array<i32>} : memref<5x128xi32, #tpu.memory_space<vmem>>, vector<16xi32>,
      tpu.vector_store %arg23[%swap3A_374, %swap3A_375], %shift_right_logical3A_372 {strides = array<i32>} : memref<5x128xi32, #tpu.memory_space<vmem>>, vector<16xi32>,
      %get3A_377 = arith.constant 2 : i32
      %get3A_378 = arith.index_cast %get3A_377 : i32 to index
      %get3A_379 = arith.constant 112 : index
      %get3A_380 = tpu.vector_load %arg19[%get3A_378, %get3A_379] {strides = array<i32>} : memref<5x128xi32, #tpu.memory_space<vmem>>, vector<16xi32>,
      %shift_right_logical3A_381 = arith.shrui %get3A_380, %broadcast_in_dim3A_7 : vector<16xi32>
      %swap3A_382 = arith.constant 2 : i32
      %swap3A_383 = arith.index_cast %swap3A_382 : i32 to index
      %swap3A_384 = arith.constant 112 : index
      %swap3A_385 = tpu.vector_load %arg23[%swap3A_383, %swap3A_384] {strides = array<i32>} : memref<5x128xi32, #tpu.memory_space<vmem>>, vector<16xi32>,
      tpu.vector_store %arg23[%swap3A_383, %swap3A_384], %shift_right_logical3A_381 {strides = array<i32>} : memref<5x128xi32, #tpu.memory_space<vmem>>, vector<16xi32>,
      %get3A_386 = arith.constant 3 : i32
      %get3A_387 = arith.index_cast %get3A_386 : i32 to index
      %get3A_388 = arith.constant 0 : index
      %get3A_389 = tpu.vector_load %arg19[%get3A_387, %get3A_388] {strides = array<i32>} : memref<5x128xi32, #tpu.memory_space<vmem>>, vector<16xi32>,
      %shift_right_logical3A_390 = arith.shrui %get3A_389, %broadcast_in_dim3A_7 : vector<16xi32>
      %swap3A_391 = arith.constant 3 : i32
      %swap3A_392 = arith.index_cast %swap3A_391 : i32 to index
      %swap3A_393 = arith.constant 0 : index
      %swap3A_394 = tpu.vector_load %arg23[%swap3A_392, %swap3A_393] {strides = array<i32>} : memref<5x128xi32, #tpu.memory_space<vmem>>, vector<16xi32>,
      tpu.vector_store %arg23[%swap3A_392, %swap3A_393], %shift_right_logical3A_390 {strides = array<i32>} : memref<5x128xi32, #tpu.memory_space<vmem>>, vector<16xi32>,
      %get3A_395 = arith.constant 3 : i32
      %get3A_396 = arith.index_cast %get3A_395 : i32 to index
      %get3A_397 = arith.constant 16 : index
      %get3A_398 = tpu.vector_load %arg19[%get3A_396, %get3A_397] {strides = array<i32>} : memref<5x128xi32, #tpu.memory_space<vmem>>, vector<16xi32>,
      %shift_right_logical3A_399 = arith.shrui %get3A_398, %broadcast_in_dim3A_7 : vector<16xi32>
      %swap3A_400 = arith.constant 3 : i32
      %swap3A_401 = arith.index_cast %swap3A_400 : i32 to index
      %swap3A_402 = arith.constant 16 : index
      %swap3A_403 = tpu.vector_load %arg23[%swap3A_401, %swap3A_402] {strides = array<i32>} : memref<5x128xi32, #tpu.memory_space<vmem>>, vector<16xi32>,
      tpu.vector_store %arg23[%swap3A_401, %swap3A_402], %shift_right_logical3A_399 {strides = array<i32>} : memref<5x128xi32, #tpu.memory_space<vmem>>, vector<16xi32>,
      %get3A_404 = arith.constant 3 : i32
      %get3A_405 = arith.index_cast %get3A_404 : i32 to index
      %get3A_406 = arith.constant 32 : index
      %get3A_407 = tpu.vector_load %arg19[%get3A_405, %get3A_406] {strides = array<i32>} : memref<5x128xi32, #tpu.memory_space<vmem>>, vector<16xi32>,
      %shift_right_logical3A_408 = arith.shrui %get3A_407, %broadcast_in_dim3A_7 : vector<16xi32>
      %swap3A_409 = arith.constant 3 : i32
      %swap3A_410 = arith.index_cast %swap3A_409 : i32 to index
      %swap3A_411 = arith.constant 32 : index
      %swap3A_412 = tpu.vector_load %arg23[%swap3A_410, %swap3A_411] {strides = array<i32>} : memref<5x128xi32, #tpu.memory_space<vmem>>, vector<16xi32>,
      tpu.vector_store %arg23[%swap3A_410, %swap3A_411], %shift_right_logical3A_408 {strides = array<i32>} : memref<5x128xi32, #tpu.memory_space<vmem>>, vector<16xi32>,
      %get3A_413 = arith.constant 3 : i32
      %get3A_414 = arith.index_cast %get3A_413 : i32 to index
      %get3A_415 = arith.constant 48 : index
      %get3A_416 = tpu.vector_load %arg19[%get3A_414, %get3A_415] {strides = array<i32>} : memref<5x128xi32, #tpu.memory_space<vmem>>, vector<16xi32>,
      %shift_right_logical3A_417 = arith.shrui %get3A_416, %broadcast_in_dim3A_7 : vector<16xi32>
      %swap3A_418 = arith.constant 3 : i32
      %swap3A_419 = arith.index_cast %swap3A_418 : i32 to index
      %swap3A_420 = arith.constant 48 : index
      %swap3A_421 = tpu.vector_load %arg23[%swap3A_419, %swap3A_420] {strides = array<i32>} : memref<5x128xi32, #tpu.memory_space<vmem>>, vector<16xi32>,
      tpu.vector_store %arg23[%swap3A_419, %swap3A_420], %shift_right_logical3A_417 {strides = array<i32>} : memref<5x128xi32, #tpu.memory_space<vmem>>, vector<16xi32>,
      %get3A_422 = arith.constant 3 : i32
      %get3A_423 = arith.index_cast %get3A_422 : i32 to index
      %get3A_424 = arith.constant 64 : index
      %get3A_425 = tpu.vector_load %arg19[%get3A_423, %get3A_424] {strides = array<i32>} : memref<5x128xi32, #tpu.memory_space<vmem>>, vector<16xi32>,
      %shift_right_logical3A_426 = arith.shrui %get3A_425, %broadcast_in_dim3A_7 : vector<16xi32>
      %swap3A_427 = arith.constant 3 : i32
      %swap3A_428 = arith.index_cast %swap3A_427 : i32 to index
      %swap3A_429 = arith.constant 64 : index
      %swap3A_430 = tpu.vector_load %arg23[%swap3A_428, %swap3A_429] {strides = array<i32>} : memref<5x128xi32, #tpu.memory_space<vmem>>, vector<16xi32>,
      tpu.vector_store %arg23[%swap3A_428, %swap3A_429], %shift_right_logical3A_426 {strides = array<i32>} : memref<5x128xi32, #tpu.memory_space<vmem>>, vector<16xi32>,
      %get3A_431 = arith.constant 3 : i32
      %get3A_432 = arith.index_cast %get3A_431 : i32 to index
      %get3A_433 = arith.constant 80 : index
      %get3A_434 = tpu.vector_load %arg19[%get3A_432, %get3A_433] {strides = array<i32>} : memref<5x128xi32, #tpu.memory_space<vmem>>, vector<16xi32>,
      %shift_right_logical3A_435 = arith.shrui %get3A_434, %broadcast_in_dim3A_7 : vector<16xi32>
      %swap3A_436 = arith.constant 3 : i32
      %swap3A_437 = arith.index_cast %swap3A_436 : i32 to index
      %swap3A_438 = arith.constant 80 : index
      %swap3A_439 = tpu.vector_load %arg23[%swap3A_437, %swap3A_438] {strides = array<i32>} : memref<5x128xi32, #tpu.memory_space<vmem>>, vector<16xi32>,
      tpu.vector_store %arg23[%swap3A_437, %swap3A_438], %shift_right_logical3A_435 {strides = array<i32>} : memref<5x128xi32, #tpu.memory_space<vmem>>, vector<16xi32>,
      %get3A_440 = arith.constant 3 : i32
      %get3A_441 = arith.index_cast %get3A_440 : i32 to index
      %get3A_442 = arith.constant 96 : index
      %get3A_443 = tpu.vector_load %arg19[%get3A_441, %get3A_442] {strides = array<i32>} : memref<5x128xi32, #tpu.memory_space<vmem>>, vector<16xi32>,
      %shift_right_logical3A_444 = arith.shrui %get3A_443, %broadcast_in_dim3A_7 : vector<16xi32>
      %swap3A_445 = arith.constant 3 : i32
      %swap3A_446 = arith.index_cast %swap3A_445 : i32 to index
      %swap3A_447 = arith.constant 96 : index
      %swap3A_448 = tpu.vector_load %arg23[%swap3A_446, %swap3A_447] {strides = array<i32>} : memref<5x128xi32, #tpu.memory_space<vmem>>, vector<16xi32>,
      tpu.vector_store %arg23[%swap3A_446, %swap3A_447], %shift_right_logical3A_444 {strides = array<i32>} : memref<5x128xi32, #tpu.memory_space<vmem>>, vector<16xi32>,
      %get3A_449 = arith.constant 3 : i32
      %get3A_450 = arith.index_cast %get3A_449 : i32 to index
      %get3A_451 = arith.constant 112 : index
      %get3A_452 = tpu.vector_load %arg19[%get3A_450, %get3A_451] {strides = array<i32>} : memref<5x128xi32, #tpu.memory_space<vmem>>, vector<16xi32>,
      %shift_right_logical3A_453 = arith.shrui %get3A_452, %broadcast_in_dim3A_7 : vector<16xi32>
      %swap3A_454 = arith.constant 3 : i32
      %swap3A_455 = arith.index_cast %swap3A_454 : i32 to index
      %swap3A_456 = arith.constant 112 : index
      %swap3A_457 = tpu.vector_load %arg23[%swap3A_455, %swap3A_456] {strides = array<i32>} : memref<5x128xi32, #tpu.memory_space<vmem>>, vector<16xi32>,
      tpu.vector_store %arg23[%swap3A_455, %swap3A_456], %shift_right_logical3A_453 {strides = array<i32>} : memref<5x128xi32, #tpu.memory_space<vmem>>, vector<16xi32>,
      %get3A_458 = arith.constant 4 : i32
      %get3A_459 = arith.index_cast %get3A_458 : i32 to index
      %get3A_460 = arith.constant 0 : index
      %get3A_461 = tpu.vector_load %arg19[%get3A_459, %get3A_460] {strides = array<i32>} : memref<5x128xi32, #tpu.memory_space<vmem>>, vector<16xi32>,
      %shift_right_logical3A_462 = arith.shrui %get3A_461, %broadcast_in_dim3A_7 : vector<16xi32>
      %swap3A_463 = arith.constant 4 : i32
      %swap3A_464 = arith.index_cast %swap3A_463 : i32 to index
      %swap3A_465 = arith.constant 0 : index
      %swap3A_466 = tpu.vector_load %arg23[%swap3A_464, %swap3A_465] {strides = array<i32>} : memref<5x128xi32, #tpu.memory_space<vmem>>, vector<16xi32>,
      tpu.vector_store %arg23[%swap3A_464, %swap3A_465], %shift_right_logical3A_462 {strides = array<i32>} : memref<5x128xi32, #tpu.memory_space<vmem>>, vector<16xi32>,
      %get3A_467 = arith.constant 4 : i32
      %get3A_468 = arith.index_cast %get3A_467 : i32 to index
      %get3A_469 = arith.constant 16 : index
      %get3A_470 = tpu.vector_load %arg19[%get3A_468, %get3A_469] {strides = array<i32>} : memref<5x128xi32, #tpu.memory_space<vmem>>, vector<16xi32>,
      %shift_right_logical3A_471 = arith.shrui %get3A_470, %broadcast_in_dim3A_7 : vector<16xi32>
      %swap3A_472 = arith.constant 4 : i32
      %swap3A_473 = arith.index_cast %swap3A_472 : i32 to index
      %swap3A_474 = arith.constant 16 : index
      %swap3A_475 = tpu.vector_load %arg23[%swap3A_473, %swap3A_474] {strides = array<i32>} : memref<5x128xi32, #tpu.memory_space<vmem>>, vector<16xi32>,
      tpu.vector_store %arg23[%swap3A_473, %swap3A_474], %shift_right_logical3A_471 {strides = array<i32>} : memref<5x128xi32, #tpu.memory_space<vmem>>, vector<16xi32>,
      %get3A_476 = arith.constant 4 : i32
      %get3A_477 = arith.index_cast %get3A_476 : i32 to index
      %get3A_478 = arith.constant 32 : index
      %get3A_479 = tpu.vector_load %arg19[%get3A_477, %get3A_478] {strides = array<i32>} : memref<5x128xi32, #tpu.memory_space<vmem>>, vector<16xi32>,
      %shift_right_logical3A_480 = arith.shrui %get3A_479, %broadcast_in_dim3A_7 : vector<16xi32>
      %swap3A_481 = arith.constant 4 : i32
      %swap3A_482 = arith.index_cast %swap3A_481 : i32 to index
      %swap3A_483 = arith.constant 32 : index
      %swap3A_484 = tpu.vector_load %arg23[%swap3A_482, %swap3A_483] {strides = array<i32>} : memref<5x128xi32, #tpu.memory_space<vmem>>, vector<16xi32>,
      tpu.vector_store %arg23[%swap3A_482, %swap3A_483], %shift_right_logical3A_480 {strides = array<i32>} : memref<5x128xi32, #tpu.memory_space<vmem>>, vector<16xi32>,
      %get3A_485 = arith.constant 4 : i32
      %get3A_486 = arith.index_cast %get3A_485 : i32 to index
      %get3A_487 = arith.constant 48 : index
      %get3A_488 = tpu.vector_load %arg19[%get3A_486, %get3A_487] {strides = array<i32>} : memref<5x128xi32, #tpu.memory_space<vmem>>, vector<16xi32>,
      %shift_right_logical3A_489 = arith.shrui %get3A_488, %broadcast_in_dim3A_7 : vector<16xi32>
      %swap3A_490 = arith.constant 4 : i32
      %swap3A_491 = arith.index_cast %swap3A_490 : i32 to index
      %swap3A_492 = arith.constant 48 : index
      %swap3A_493 = tpu.vector_load %arg23[%swap3A_491, %swap3A_492] {strides = array<i32>} : memref<5x128xi32, #tpu.memory_space<vmem>>, vector<16xi32>,
      tpu.vector_store %arg23[%swap3A_491, %swap3A_492], %shift_right_logical3A_489 {strides = array<i32>} : memref<5x128xi32, #tpu.memory_space<vmem>>, vector<16xi32>,
      %get3A_494 = arith.constant 4 : i32
      %get3A_495 = arith.index_cast %get3A_494 : i32 to index
      %get3A_496 = arith.constant 64 : index
      %get3A_497 = tpu.vector_load %arg19[%get3A_495, %get3A_496] {strides = array<i32>} : memref<5x128xi32, #tpu.memory_space<vmem>>, vector<16xi32>,
      %shift_right_logical3A_498 = arith.shrui %get3A_497, %broadcast_in_dim3A_7 : vector<16xi32>
      %swap3A_499 = arith.constant 4 : i32
      %swap3A_500 = arith.index_cast %swap3A_499 : i32 to index
      %swap3A_501 = arith.constant 64 : index
      %swap3A_502 = tpu.vector_load %arg23[%swap3A_500, %swap3A_501] {strides = array<i32>} : memref<5x128xi32, #tpu.memory_space<vmem>>, vector<16xi32>,
      tpu.vector_store %arg23[%swap3A_500, %swap3A_501], %shift_right_logical3A_498 {strides = array<i32>} : memref<5x128xi32, #tpu.memory_space<vmem>>, vector<16xi32>,
      %get3A_503 = arith.constant 4 : i32
      %get3A_504 = arith.index_cast %get3A_503 : i32 to index
      %get3A_505 = arith.constant 80 : index
      %get3A_506 = tpu.vector_load %arg19[%get3A_504, %get3A_505] {strides = array<i32>} : memref<5x128xi32, #tpu.memory_space<vmem>>, vector<16xi32>,
      %shift_right_logical3A_507 = arith.shrui %get3A_506, %broadcast_in_dim3A_7 : vector<16xi32>
      %swap3A_508 = arith.constant 4 : i32
      %swap3A_509 = arith.index_cast %swap3A_508 : i32 to index
      %swap3A_510 = arith.constant 80 : index
      %swap3A_511 = tpu.vector_load %arg23[%swap3A_509, %swap3A_510] {strides = array<i32>} : memref<5x128xi32, #tpu.memory_space<vmem>>, vector<16xi32>,
      tpu.vector_store %arg23[%swap3A_509, %swap3A_510], %shift_right_logical3A_507 {strides = array<i32>} : memref<5x128xi32, #tpu.memory_space<vmem>>, vector<16xi32>,
      %get3A_512 = arith.constant 4 : i32
      %get3A_513 = arith.index_cast %get3A_512 : i32 to index
      %get3A_514 = arith.constant 96 : index
      %get3A_515 = tpu.vector_load %arg19[%get3A_513, %get3A_514] {strides = array<i32>} : memref<5x128xi32, #tpu.memory_space<vmem>>, vector<16xi32>,
      %shift_right_logical3A_516 = arith.shrui %get3A_515, %broadcast_in_dim3A_7 : vector<16xi32>
      %swap3A_517 = arith.constant 4 : i32
      %swap3A_518 = arith.index_cast %swap3A_517 : i32 to index
      %swap3A_519 = arith.constant 96 : index
      %swap3A_520 = tpu.vector_load %arg23[%swap3A_518, %swap3A_519] {strides = array<i32>} : memref<5x128xi32, #tpu.memory_space<vmem>>, vector<16xi32>,
      tpu.vector_store %arg23[%swap3A_518, %swap3A_519], %shift_right_logical3A_516 {strides = array<i32>} : memref<5x128xi32, #tpu.memory_space<vmem>>, vector<16xi32>,
      %get3A_521 = arith.constant 4 : i32
      %get3A_522 = arith.index_cast %get3A_521 : i32 to index
      %get3A_523 = arith.constant 112 : index
      %get3A_524 = tpu.vector_load %arg19[%get3A_522, %get3A_523] {strides = array<i32>} : memref<5x128xi32, #tpu.memory_space<vmem>>, vector<16xi32>,
      %shift_right_logical3A_525 = arith.shrui %get3A_524, %broadcast_in_dim3A_7 : vector<16xi32>
      %swap3A_526 = arith.constant 4 : i32
      %swap3A_527 = arith.index_cast %swap3A_526 : i32 to index
      %swap3A_528 = arith.constant 112 : index
      %swap3A_529 = tpu.vector_load %arg23[%swap3A_527, %swap3A_528] {strides = array<i32>} : memref<5x128xi32, #tpu.memory_space<vmem>>, vector<16xi32>,
      tpu.vector_store %arg23[%swap3A_527, %swap3A_528], %shift_right_logical3A_525 {strides = array<i32>} : memref<5x128xi32, #tpu.memory_space<vmem>>, vector<16xi32>,
      %dma_start3A_530 = arith.constant 0 : i32
      %dma_start3A_531 = arith.constant 0 : i32
      %dma_start3A_532 = tpu.memref_slice %arg5[%dma_start3A_530, %dma_start3A_531] : memref<100000x64xf32, #tpu.memory_space<hbm>> -> memref<100000x64xf32, #tpu.memory_space<hbm>>
      tpu.enqueue_indirect_dma source(%dma_start3A_532 : memref<100000x64xf32, #tpu.memory_space<hbm>>) target(%arg24 : memref<32x64xf32, #tpu.memory_space<vmem>>) offsets(%arg17 : memref<32xi32, #tpu.memory_space<vmem>>) semaphore(%arg41 : memref<!tpu.dma_semaphore, #tpu.memory_space<semaphore_mem>>)
      %dma_start3A_533 = arith.constant 0 : i32
      %dma_start3A_534 = arith.constant 0 : i32
      %dma_start3A_535 = tpu.memref_slice %arg6[%dma_start3A_533, %dma_start3A_534] : memref<100000x64xf32, #tpu.memory_space<hbm>> -> memref<100000x64xf32, #tpu.memory_space<hbm>>
      tpu.enqueue_indirect_dma source(%dma_start3A_535 : memref<100000x64xf32, #tpu.memory_space<hbm>>) target(%arg25 : memref<32x64xf32, #tpu.memory_space<vmem>>) offsets(%arg18 : memref<32xi32, #tpu.memory_space<vmem>>) semaphore(%arg41 : memref<!tpu.dma_semaphore, #tpu.memory_space<semaphore_mem>>)
      %dma_start3A_536 = arith.constant 0 : i32
      %dma_start3A_537 = arith.constant 0 : i32
      %dma_start3A_538 = tpu.memref_slice %arg9[%dma_start3A_536, %dma_start3A_537] : memref<62500x16xi32, #tpu.memory_space<hbm>> -> memref<62500x16xi32, #tpu.memory_space<hbm>>
      tpu.enqueue_indirect_dma source(%dma_start3A_538 : memref<62500x16xi32, #tpu.memory_space<hbm>>) target(%arg27 : memref<64x16xi32, #tpu.memory_space<vmem>>) offsets(%arg22 : memref<64xi32, #tpu.memory_space<vmem>>) semaphore(%arg41 : memref<!tpu.dma_semaphore, #tpu.memory_space<semaphore_mem>>)
      %dma_start3A_539 = arith.constant 0 : i32
      %dma_start3A_540 = arith.constant 0 : i32
      %dma_start3A_541 = tpu.memref_slice %arg10[%dma_start3A_539, %dma_start3A_540] : memref<62500x16xf32, #tpu.memory_space<hbm>> -> memref<62500x16xf32, #tpu.memory_space<hbm>>
      tpu.enqueue_indirect_dma source(%dma_start3A_541 : memref<62500x16xf32, #tpu.memory_space<hbm>>) target(%arg28 : memref<64x16xf32, #tpu.memory_space<vmem>>) offsets(%arg22 : memref<64xi32, #tpu.memory_space<vmem>>) semaphore(%arg41 : memref<!tpu.dma_semaphore, #tpu.memory_space<semaphore_mem>>)
      %dma_start3A_542 = arith.constant 0 : i32
      %dma_start3A_543 = arith.constant 0 : i32
      %dma_start3A_544 = tpu.memref_slice %arg7[%dma_start3A_542, %dma_start3A_543] : memref<6250x16xf32, #tpu.memory_space<hbm>> -> memref<6250x16xf32, #tpu.memory_space<hbm>>
      tpu.enqueue_indirect_dma source(%dma_start3A_544 : memref<6250x16xf32, #tpu.memory_space<hbm>>) target(%arg29 : memref<32x16xf32, #tpu.memory_space<vmem>>) offsets(%arg20 : memref<32xi32, #tpu.memory_space<vmem>>) semaphore(%arg41 : memref<!tpu.dma_semaphore, #tpu.memory_space<semaphore_mem>>)
      %dma_start3A_545 = arith.constant 0 : i32
      %dma_start3A_546 = arith.constant 0 : i32
      %dma_start3A_547 = tpu.memref_slice %arg8[%dma_start3A_545, %dma_start3A_546] : memref<6250x16xf32, #tpu.memory_space<hbm>> -> memref<6250x16xf32, #tpu.memory_space<hbm>>
      tpu.enqueue_indirect_dma source(%dma_start3A_547 : memref<6250x16xf32, #tpu.memory_space<hbm>>) target(%arg30 : memref<32x16xf32, #tpu.memory_space<vmem>>) offsets(%arg21 : memref<32xi32, #tpu.memory_space<vmem>>) semaphore(%arg41 : memref<!tpu.dma_semaphore, #tpu.memory_space<semaphore_mem>>)
      %dma_start3A_548 = arith.constant 0 : i32
      %dma_start3A_549 = arith.constant 0 : i32
      %dma_start3A_550 = arith.constant 0 : i32
      %dma_start3A_551 = tpu.memref_slice %arg26[%dma_start3A_549, %dma_start3A_550] : memref<640x64xf32, #tpu.memory_space<vmem>> -> memref<128x64xf32, #tpu.memory_space<vmem>>
      %dma_start3A_552 = arith.constant 0 : i32
      %dma_start3A_553 = tpu.memref_slice %arg19[%dma_start3A_548, %dma_start3A_552] : memref<5x128xi32, #tpu.memory_space<vmem>> -> memref<1x128xi32, #tpu.memory_space<vmem>>
      %dma_start3A_554 = tpu.memref_squeeze %dma_start3A_553 : memref<1x128xi32, #tpu.memory_space<vmem>> -> memref<128xi32, #tpu.memory_space<vmem>>
      %dma_start3A_555 = arith.constant 0 : i32
      %dma_start3A_556 = arith.constant 0 : i32
      %dma_start3A_557 = tpu.memref_slice %arg6[%dma_start3A_555, %dma_start3A_556] : memref<100000x64xf32, #tpu.memory_space<hbm>> -> memref<100000x64xf32, #tpu.memory_space<hbm>>
      tpu.enqueue_indirect_dma source(%dma_start3A_557 : memref<100000x64xf32, #tpu.memory_space<hbm>>) target(%dma_start3A_551 : memref<128x64xf32, #tpu.memory_space<vmem>>) offsets(%dma_start3A_554 : memref<128xi32, #tpu.memory_space<vmem>>) semaphore(%arg41 : memref<!tpu.dma_semaphore, #tpu.memory_space<semaphore_mem>>)
      %dma_start3A_558 = arith.constant 0 : i32
      %dma_start3A_559 = arith.constant 0 : i32
      %dma_start3A_560 = arith.constant 0 : i32
      %dma_start3A_561 = tpu.memref_slice %arg31[%dma_start3A_559, %dma_start3A_560] : memref<640x16xf32, #tpu.memory_space<vmem>> -> memref<128x16xf32, #tpu.memory_space<vmem>>
      %dma_start3A_562 = arith.constant 0 : i32
      %dma_start3A_563 = tpu.memref_slice %arg23[%dma_start3A_558, %dma_start3A_562] : memref<5x128xi32, #tpu.memory_space<vmem>> -> memref<1x128xi32, #tpu.memory_space<vmem>>
      %dma_start3A_564 = tpu.memref_squeeze %dma_start3A_563 : memref<1x128xi32, #tpu.memory_space<vmem>> -> memref<128xi32, #tpu.memory_space<vmem>>
      %dma_start3A_565 = arith.constant 0 : i32
      %dma_start3A_566 = arith.constant 0 : i32
      %dma_start3A_567 = tpu.memref_slice %arg8[%dma_start3A_565, %dma_start3A_566] : memref<6250x16xf32, #tpu.memory_space<hbm>> -> memref<6250x16xf32, #tpu.memory_space<hbm>>
      tpu.enqueue_indirect_dma source(%dma_start3A_567 : memref<6250x16xf32, #tpu.memory_space<hbm>>) target(%dma_start3A_561 : memref<128x16xf32, #tpu.memory_space<vmem>>) offsets(%dma_start3A_564 : memref<128xi32, #tpu.memory_space<vmem>>) semaphore(%arg41 : memref<!tpu.dma_semaphore, #tpu.memory_space<semaphore_mem>>)
      %dma_start3A_568 = arith.constant 1 : i32
      %dma_start3A_569 = arith.constant 128 : i32
      %dma_start3A_570 = arith.constant 0 : i32
      %dma_start3A_571 = tpu.memref_slice %arg26[%dma_start3A_569, %dma_start3A_570] : memref<640x64xf32, #tpu.memory_space<vmem>> -> memref<128x64xf32, #tpu.memory_space<vmem>>
      %dma_start3A_572 = arith.constant 0 : i32
      %dma_start3A_573 = tpu.memref_slice %arg19[%dma_start3A_568, %dma_start3A_572] : memref<5x128xi32, #tpu.memory_space<vmem>> -> memref<1x128xi32, #tpu.memory_space<vmem>>
      %dma_start3A_574 = tpu.memref_squeeze %dma_start3A_573 : memref<1x128xi32, #tpu.memory_space<vmem>> -> memref<128xi32, #tpu.memory_space<vmem>>
      %dma_start3A_575 = arith.constant 0 : i32
      %dma_start3A_576 = arith.constant 0 : i32
      %dma_start3A_577 = tpu.memref_slice %arg6[%dma_start3A_575, %dma_start3A_576] : memref<100000x64xf32, #tpu.memory_space<hbm>> -> memref<100000x64xf32, #tpu.memory_space<hbm>>
      tpu.enqueue_indirect_dma source(%dma_start3A_577 : memref<100000x64xf32, #tpu.memory_space<hbm>>) target(%dma_start3A_571 : memref<128x64xf32, #tpu.memory_space<vmem>>) offsets(%dma_start3A_574 : memref<128xi32, #tpu.memory_space<vmem>>) semaphore(%arg41 : memref<!tpu.dma_semaphore, #tpu.memory_space<semaphore_mem>>)
      %dma_start3A_578 = arith.constant 1 : i32
      %dma_start3A_579 = arith.constant 128 : i32
      %dma_start3A_580 = arith.constant 0 : i32
      %dma_start3A_581 = tpu.memref_slice %arg31[%dma_start3A_579, %dma_start3A_580] : memref<640x16xf32, #tpu.memory_space<vmem>> -> memref<128x16xf32, #tpu.memory_space<vmem>>
      %dma_start3A_582 = arith.constant 0 : i32
      %dma_start3A_583 = tpu.memref_slice %arg23[%dma_start3A_578, %dma_start3A_582] : memref<5x128xi32, #tpu.memory_space<vmem>> -> memref<1x128xi32, #tpu.memory_space<vmem>>
      %dma_start3A_584 = tpu.memref_squeeze %dma_start3A_583 : memref<1x128xi32, #tpu.memory_space<vmem>> -> memref<128xi32, #tpu.memory_space<vmem>>
      %dma_start3A_585 = arith.constant 0 : i32
      %dma_start3A_586 = arith.constant 0 : i32
      %dma_start3A_587 = tpu.memref_slice %arg8[%dma_start3A_585, %dma_start3A_586] : memref<6250x16xf32, #tpu.memory_space<hbm>> -> memref<6250x16xf32, #tpu.memory_space<hbm>>
      tpu.enqueue_indirect_dma source(%dma_start3A_587 : memref<6250x16xf32, #tpu.memory_space<hbm>>) target(%dma_start3A_581 : memref<128x16xf32, #tpu.memory_space<vmem>>) offsets(%dma_start3A_584 : memref<128xi32, #tpu.memory_space<vmem>>) semaphore(%arg41 : memref<!tpu.dma_semaphore, #tpu.memory_space<semaphore_mem>>)
      %dma_start3A_588 = arith.constant 2 : i32
      %dma_start3A_589 = arith.constant 256 : i32
      %dma_start3A_590 = arith.constant 0 : i32
      %dma_start3A_591 = tpu.memref_slice %arg26[%dma_start3A_589, %dma_start3A_590] : memref<640x64xf32, #tpu.memory_space<vmem>> -> memref<128x64xf32, #tpu.memory_space<vmem>>
      %dma_start3A_592 = arith.constant 0 : i32
      %dma_start3A_593 = tpu.memref_slice %arg19[%dma_start3A_588, %dma_start3A_592] : memref<5x128xi32, #tpu.memory_space<vmem>> -> memref<1x128xi32, #tpu.memory_space<vmem>>
      %dma_start3A_594 = tpu.memref_squeeze %dma_start3A_593 : memref<1x128xi32, #tpu.memory_space<vmem>> -> memref<128xi32, #tpu.memory_space<vmem>>
      %dma_start3A_595 = arith.constant 0 : i32
      %dma_start3A_596 = arith.constant 0 : i32
      %dma_start3A_597 = tpu.memref_slice %arg6[%dma_start3A_595, %dma_start3A_596] : memref<100000x64xf32, #tpu.memory_space<hbm>> -> memref<100000x64xf32, #tpu.memory_space<hbm>>
      tpu.enqueue_indirect_dma source(%dma_start3A_597 : memref<100000x64xf32, #tpu.memory_space<hbm>>) target(%dma_start3A_591 : memref<128x64xf32, #tpu.memory_space<vmem>>) offsets(%dma_start3A_594 : memref<128xi32, #tpu.memory_space<vmem>>) semaphore(%arg41 : memref<!tpu.dma_semaphore, #tpu.memory_space<semaphore_mem>>)
      %dma_start3A_598 = arith.constant 2 : i32
      %dma_start3A_599 = arith.constant 256 : i32
      %dma_start3A_600 = arith.constant 0 : i32
      %dma_start3A_601 = tpu.memref_slice %arg31[%dma_start3A_599, %dma_start3A_600] : memref<640x16xf32, #tpu.memory_space<vmem>> -> memref<128x16xf32, #tpu.memory_space<vmem>>
      %dma_start3A_602 = arith.constant 0 : i32
      %dma_start3A_603 = tpu.memref_slice %arg23[%dma_start3A_598, %dma_start3A_602] : memref<5x128xi32, #tpu.memory_space<vmem>> -> memref<1x128xi32, #tpu.memory_space<vmem>>
      %dma_start3A_604 = tpu.memref_squeeze %dma_start3A_603 : memref<1x128xi32, #tpu.memory_space<vmem>> -> memref<128xi32, #tpu.memory_space<vmem>>
      %dma_start3A_605 = arith.constant 0 : i32
      %dma_start3A_606 = arith.constant 0 : i32
      %dma_start3A_607 = tpu.memref_slice %arg8[%dma_start3A_605, %dma_start3A_606] : memref<6250x16xf32, #tpu.memory_space<hbm>> -> memref<6250x16xf32, #tpu.memory_space<hbm>>
      tpu.enqueue_indirect_dma source(%dma_start3A_607 : memref<6250x16xf32, #tpu.memory_space<hbm>>) target(%dma_start3A_601 : memref<128x16xf32, #tpu.memory_space<vmem>>) offsets(%dma_start3A_604 : memref<128xi32, #tpu.memory_space<vmem>>) semaphore(%arg41 : memref<!tpu.dma_semaphore, #tpu.memory_space<semaphore_mem>>)
      %dma_start3A_608 = arith.constant 3 : i32
      %dma_start3A_609 = arith.constant 384 : i32
      %dma_start3A_610 = arith.constant 0 : i32
      %dma_start3A_611 = tpu.memref_slice %arg26[%dma_start3A_609, %dma_start3A_610] : memref<640x64xf32, #tpu.memory_space<vmem>> -> memref<128x64xf32, #tpu.memory_space<vmem>>
      %dma_start3A_612 = arith.constant 0 : i32
      %dma_start3A_613 = tpu.memref_slice %arg19[%dma_start3A_608, %dma_start3A_612] : memref<5x128xi32, #tpu.memory_space<vmem>> -> memref<1x128xi32, #tpu.memory_space<vmem>>
      %dma_start3A_614 = tpu.memref_squeeze %dma_start3A_613 : memref<1x128xi32, #tpu.memory_space<vmem>> -> memref<128xi32, #tpu.memory_space<vmem>>
      %dma_start3A_615 = arith.constant 0 : i32
      %dma_start3A_616 = arith.constant 0 : i32
      %dma_start3A_617 = tpu.memref_slice %arg6[%dma_start3A_615, %dma_start3A_616] : memref<100000x64xf32, #tpu.memory_space<hbm>> -> memref<100000x64xf32, #tpu.memory_space<hbm>>
      tpu.enqueue_indirect_dma source(%dma_start3A_617 : memref<100000x64xf32, #tpu.memory_space<hbm>>) target(%dma_start3A_611 : memref<128x64xf32, #tpu.memory_space<vmem>>) offsets(%dma_start3A_614 : memref<128xi32, #tpu.memory_space<vmem>>) semaphore(%arg41 : memref<!tpu.dma_semaphore, #tpu.memory_space<semaphore_mem>>)
      %dma_start3A_618 = arith.constant 3 : i32
      %dma_start3A_619 = arith.constant 384 : i32
      %dma_start3A_620 = arith.constant 0 : i32
      %dma_start3A_621 = tpu.memref_slice %arg31[%dma_start3A_619, %dma_start3A_620] : memref<640x16xf32, #tpu.memory_space<vmem>> -> memref<128x16xf32, #tpu.memory_space<vmem>>
      %dma_start3A_622 = arith.constant 0 : i32
      %dma_start3A_623 = tpu.memref_slice %arg23[%dma_start3A_618, %dma_start3A_622] : memref<5x128xi32, #tpu.memory_space<vmem>> -> memref<1x128xi32, #tpu.memory_space<vmem>>
      %dma_start3A_624 = tpu.memref_squeeze %dma_start3A_623 : memref<1x128xi32, #tpu.memory_space<vmem>> -> memref<128xi32, #tpu.memory_space<vmem>>
      %dma_start3A_625 = arith.constant 0 : i32
      %dma_start3A_626 = arith.constant 0 : i32
      %dma_start3A_627 = tpu.memref_slice %arg8[%dma_start3A_625, %dma_start3A_626] : memref<6250x16xf32, #tpu.memory_space<hbm>> -> memref<6250x16xf32, #tpu.memory_space<hbm>>
      tpu.enqueue_indirect_dma source(%dma_start3A_627 : memref<6250x16xf32, #tpu.memory_space<hbm>>) target(%dma_start3A_621 : memref<128x16xf32, #tpu.memory_space<vmem>>) offsets(%dma_start3A_624 : memref<128xi32, #tpu.memory_space<vmem>>) semaphore(%arg41 : memref<!tpu.dma_semaphore, #tpu.memory_space<semaphore_mem>>)
      %dma_start3A_628 = arith.constant 4 : i32
      %dma_start3A_629 = arith.constant 512 : i32
      %dma_start3A_630 = arith.constant 0 : i32
      %dma_start3A_631 = tpu.memref_slice %arg26[%dma_start3A_629, %dma_start3A_630] : memref<640x64xf32, #tpu.memory_space<vmem>> -> memref<128x64xf32, #tpu.memory_space<vmem>>
      %dma_start3A_632 = arith.constant 0 : i32
      %dma_start3A_633 = tpu.memref_slice %arg19[%dma_start3A_628, %dma_start3A_632] : memref<5x128xi32, #tpu.memory_space<vmem>> -> memref<1x128xi32, #tpu.memory_space<vmem>>
      %dma_start3A_634 = tpu.memref_squeeze %dma_start3A_633 : memref<1x128xi32, #tpu.memory_space<vmem>> -> memref<128xi32, #tpu.memory_space<vmem>>
      %dma_start3A_635 = arith.constant 0 : i32
      %dma_start3A_636 = arith.constant 0 : i32
      %dma_start3A_637 = tpu.memref_slice %arg6[%dma_start3A_635, %dma_start3A_636] : memref<100000x64xf32, #tpu.memory_space<hbm>> -> memref<100000x64xf32, #tpu.memory_space<hbm>>
      tpu.enqueue_indirect_dma source(%dma_start3A_637 : memref<100000x64xf32, #tpu.memory_space<hbm>>) target(%dma_start3A_631 : memref<128x64xf32, #tpu.memory_space<vmem>>) offsets(%dma_start3A_634 : memref<128xi32, #tpu.memory_space<vmem>>) semaphore(%arg41 : memref<!tpu.dma_semaphore, #tpu.memory_space<semaphore_mem>>)
      %dma_start3A_638 = arith.constant 4 : i32
      %dma_start3A_639 = arith.constant 512 : i32
      %dma_start3A_640 = arith.constant 0 : i32
      %dma_start3A_641 = tpu.memref_slice %arg31[%dma_start3A_639, %dma_start3A_640] : memref<640x16xf32, #tpu.memory_space<vmem>> -> memref<128x16xf32, #tpu.memory_space<vmem>>
      %dma_start3A_642 = arith.constant 0 : i32
      %dma_start3A_643 = tpu.memref_slice %arg23[%dma_start3A_638, %dma_start3A_642] : memref<5x128xi32, #tpu.memory_space<vmem>> -> memref<1x128xi32, #tpu.memory_space<vmem>>
      %dma_start3A_644 = tpu.memref_squeeze %dma_start3A_643 : memref<1x128xi32, #tpu.memory_space<vmem>> -> memref<128xi32, #tpu.memory_space<vmem>>
      %dma_start3A_645 = arith.constant 0 : i32
      %dma_start3A_646 = arith.constant 0 : i32
      %dma_start3A_647 = tpu.memref_slice %arg8[%dma_start3A_645, %dma_start3A_646] : memref<6250x16xf32, #tpu.memory_space<hbm>> -> memref<6250x16xf32, #tpu.memory_space<hbm>>
      tpu.enqueue_indirect_dma source(%dma_start3A_647 : memref<6250x16xf32, #tpu.memory_space<hbm>>) target(%dma_start3A_641 : memref<128x16xf32, #tpu.memory_space<vmem>>) offsets(%dma_start3A_644 : memref<128xi32, #tpu.memory_space<vmem>>) semaphore(%arg41 : memref<!tpu.dma_semaphore, #tpu.memory_space<semaphore_mem>>)
      %dma_wait3A_648 = arith.constant 0 : i32
      %dma_wait3A_649 = arith.constant 0 : i32
      %dma_wait3A_650 = tpu.memref_slice %arg5[%dma_wait3A_648, %dma_wait3A_649] : memref<100000x64xf32, #tpu.memory_space<hbm>> -> memref<100000x64xf32, #tpu.memory_space<hbm>>
      tpu.wait_indirect_dma semaphore(%arg41 : memref<!tpu.dma_semaphore, #tpu.memory_space<semaphore_mem>>) src(%dma_wait3A_650 : memref<100000x64xf32, #tpu.memory_space<hbm>>) dst(%arg24 : memref<32x64xf32, #tpu.memory_space<vmem>>)
      %dma_wait3A_651 = arith.constant 0 : i32
      %dma_wait3A_652 = arith.constant 0 : i32
      %dma_wait3A_653 = tpu.memref_slice %arg6[%dma_wait3A_651, %dma_wait3A_652] : memref<100000x64xf32, #tpu.memory_space<hbm>> -> memref<100000x64xf32, #tpu.memory_space<hbm>>
      tpu.wait_indirect_dma semaphore(%arg41 : memref<!tpu.dma_semaphore, #tpu.memory_space<semaphore_mem>>) src(%dma_wait3A_653 : memref<100000x64xf32, #tpu.memory_space<hbm>>) dst(%arg25 : memref<32x64xf32, #tpu.memory_space<vmem>>)
      %dma_wait3A_654 = arith.constant 0 : i32
      %dma_wait3A_655 = arith.constant 0 : i32
      %dma_wait3A_656 = tpu.memref_slice %arg9[%dma_wait3A_654, %dma_wait3A_655] : memref<62500x16xi32, #tpu.memory_space<hbm>> -> memref<62500x16xi32, #tpu.memory_space<hbm>>
      tpu.wait_indirect_dma semaphore(%arg41 : memref<!tpu.dma_semaphore, #tpu.memory_space<semaphore_mem>>) src(%dma_wait3A_656 : memref<62500x16xi32, #tpu.memory_space<hbm>>) dst(%arg27 : memref<64x16xi32, #tpu.memory_space<vmem>>)
      %dma_wait3A_657 = arith.constant 0 : i32
      %dma_wait3A_658 = arith.constant 0 : i32
      %dma_wait3A_659 = tpu.memref_slice %arg10[%dma_wait3A_657, %dma_wait3A_658] : memref<62500x16xf32, #tpu.memory_space<hbm>> -> memref<62500x16xf32, #tpu.memory_space<hbm>>
      tpu.wait_indirect_dma semaphore(%arg41 : memref<!tpu.dma_semaphore, #tpu.memory_space<semaphore_mem>>) src(%dma_wait3A_659 : memref<62500x16xf32, #tpu.memory_space<hbm>>) dst(%arg28 : memref<64x16xf32, #tpu.memory_space<vmem>>)
      %dma_wait3A_660 = arith.constant 0 : i32
      %dma_wait3A_661 = arith.constant 0 : i32
      %dma_wait3A_662 = tpu.memref_slice %arg7[%dma_wait3A_660, %dma_wait3A_661] : memref<6250x16xf32, #tpu.memory_space<hbm>> -> memref<6250x16xf32, #tpu.memory_space<hbm>>
      tpu.wait_indirect_dma semaphore(%arg41 : memref<!tpu.dma_semaphore, #tpu.memory_space<semaphore_mem>>) src(%dma_wait3A_662 : memref<6250x16xf32, #tpu.memory_space<hbm>>) dst(%arg29 : memref<32x16xf32, #tpu.memory_space<vmem>>)
      %dma_wait3A_663 = arith.constant 0 : i32
      %dma_wait3A_664 = arith.constant 0 : i32
      %dma_wait3A_665 = tpu.memref_slice %arg8[%dma_wait3A_663, %dma_wait3A_664] : memref<6250x16xf32, #tpu.memory_space<hbm>> -> memref<6250x16xf32, #tpu.memory_space<hbm>>
      tpu.wait_indirect_dma semaphore(%arg41 : memref<!tpu.dma_semaphore, #tpu.memory_space<semaphore_mem>>) src(%dma_wait3A_665 : memref<6250x16xf32, #tpu.memory_space<hbm>>) dst(%arg30 : memref<32x16xf32, #tpu.memory_space<vmem>>)
      %dma_wait3A_666 = arith.constant 0 : i32
      %dma_wait3A_667 = arith.constant 0 : i32
      %dma_wait3A_668 = arith.constant 0 : i32
      %dma_wait3A_669 = tpu.memref_slice %arg26[%dma_wait3A_667, %dma_wait3A_668] : memref<640x64xf32, #tpu.memory_space<vmem>> -> memref<128x64xf32, #tpu.memory_space<vmem>>
      %dma_wait3A_670 = arith.constant 0 : i32
      %dma_wait3A_671 = tpu.memref_slice %arg19[%dma_wait3A_666, %dma_wait3A_670] : memref<5x128xi32, #tpu.memory_space<vmem>> -> memref<1x128xi32, #tpu.memory_space<vmem>>
      %dma_wait3A_672 = tpu.memref_squeeze %dma_wait3A_671 : memref<1x128xi32, #tpu.memory_space<vmem>> -> memref<128xi32, #tpu.memory_space<vmem>>
      %dma_wait3A_673 = arith.constant 0 : i32
      %dma_wait3A_674 = arith.constant 0 : i32
      %dma_wait3A_675 = tpu.memref_slice %arg6[%dma_wait3A_673, %dma_wait3A_674] : memref<100000x64xf32, #tpu.memory_space<hbm>> -> memref<100000x64xf32, #tpu.memory_space<hbm>>
      tpu.wait_indirect_dma semaphore(%arg41 : memref<!tpu.dma_semaphore, #tpu.memory_space<semaphore_mem>>) src(%dma_wait3A_675 : memref<100000x64xf32, #tpu.memory_space<hbm>>) dst(%dma_wait3A_669 : memref<128x64xf32, #tpu.memory_space<vmem>>)
      %dma_wait3A_676 = arith.constant 0 : i32
      %dma_wait3A_677 = arith.constant 0 : i32
      %dma_wait3A_678 = arith.constant 0 : i32
      %dma_wait3A_679 = tpu.memref_slice %arg31[%dma_wait3A_677, %dma_wait3A_678] : memref<640x16xf32, #tpu.memory_space<vmem>> -> memref<128x16xf32, #tpu.memory_space<vmem>>
      %dma_wait3A_680 = arith.constant 0 : i32
      %dma_wait3A_681 = tpu.memref_slice %arg23[%dma_wait3A_676, %dma_wait3A_680] : memref<5x128xi32, #tpu.memory_space<vmem>> -> memref<1x128xi32, #tpu.memory_space<vmem>>
      %dma_wait3A_682 = tpu.memref_squeeze %dma_wait3A_681 : memref<1x128xi32, #tpu.memory_space<vmem>> -> memref<128xi32, #tpu.memory_space<vmem>>
      %dma_wait3A_683 = arith.constant 0 : i32
      %dma_wait3A_684 = arith.constant 0 : i32
      %dma_wait3A_685 = tpu.memref_slice %arg8[%dma_wait3A_683, %dma_wait3A_684] : memref<6250x16xf32, #tpu.memory_space<hbm>> -> memref<6250x16xf32, #tpu.memory_space<hbm>>
      tpu.wait_indirect_dma semaphore(%arg41 : memref<!tpu.dma_semaphore, #tpu.memory_space<semaphore_mem>>) src(%dma_wait3A_685 : memref<6250x16xf32, #tpu.memory_space<hbm>>) dst(%dma_wait3A_679 : memref<128x16xf32, #tpu.memory_space<vmem>>)
      %dma_wait3A_686 = arith.constant 1 : i32
      %dma_wait3A_687 = arith.constant 128 : i32
      %dma_wait3A_688 = arith.constant 0 : i32
      %dma_wait3A_689 = tpu.memref_slice %arg26[%dma_wait3A_687, %dma_wait3A_688] : memref<640x64xf32, #tpu.memory_space<vmem>> -> memref<128x64xf32, #tpu.memory_space<vmem>>
      %dma_wait3A_690 = arith.constant 0 : i32
      %dma_wait3A_691 = tpu.memref_slice %arg19[%dma_wait3A_686, %dma_wait3A_690] : memref<5x128xi32, #tpu.memory_space<vmem>> -> memref<1x128xi32, #tpu.memory_space<vmem>>
      %dma_wait3A_692 = tpu.memref_squeeze %dma_wait3A_691 : memref<1x128xi32, #tpu.memory_space<vmem>> -> memref<128xi32, #tpu.memory_space<vmem>>
      %dma_wait3A_693 = arith.constant 0 : i32
      %dma_wait3A_694 = arith.constant 0 : i32
      %dma_wait3A_695 = tpu.memref_slice %arg6[%dma_wait3A_693, %dma_wait3A_694] : memref<100000x64xf32, #tpu.memory_space<hbm>> -> memref<100000x64xf32, #tpu.memory_space<hbm>>
      tpu.wait_indirect_dma semaphore(%arg41 : memref<!tpu.dma_semaphore, #tpu.memory_space<semaphore_mem>>) src(%dma_wait3A_695 : memref<100000x64xf32, #tpu.memory_space<hbm>>) dst(%dma_wait3A_689 : memref<128x64xf32, #tpu.memory_space<vmem>>)
      %dma_wait3A_696 = arith.constant 1 : i32
      %dma_wait3A_697 = arith.constant 128 : i32
      %dma_wait3A_698 = arith.constant 0 : i32
      %dma_wait3A_699 = tpu.memref_slice %arg31[%dma_wait3A_697, %dma_wait3A_698] : memref<640x16xf32, #tpu.memory_space<vmem>> -> memref<128x16xf32, #tpu.memory_space<vmem>>
      %dma_wait3A_700 = arith.constant 0 : i32
      %dma_wait3A_701 = tpu.memref_slice %arg23[%dma_wait3A_696, %dma_wait3A_700] : memref<5x128xi32, #tpu.memory_space<vmem>> -> memref<1x128xi32, #tpu.memory_space<vmem>>
      %dma_wait3A_702 = tpu.memref_squeeze %dma_wait3A_701 : memref<1x128xi32, #tpu.memory_space<vmem>> -> memref<128xi32, #tpu.memory_space<vmem>>
      %dma_wait3A_703 = arith.constant 0 : i32
      %dma_wait3A_704 = arith.constant 0 : i32
      %dma_wait3A_705 = tpu.memref_slice %arg8[%dma_wait3A_703, %dma_wait3A_704] : memref<6250x16xf32, #tpu.memory_space<hbm>> -> memref<6250x16xf32, #tpu.memory_space<hbm>>
      tpu.wait_indirect_dma semaphore(%arg41 : memref<!tpu.dma_semaphore, #tpu.memory_space<semaphore_mem>>) src(%dma_wait3A_705 : memref<6250x16xf32, #tpu.memory_space<hbm>>) dst(%dma_wait3A_699 : memref<128x16xf32, #tpu.memory_space<vmem>>)
      %dma_wait3A_706 = arith.constant 2 : i32
      %dma_wait3A_707 = arith.constant 256 : i32
      %dma_wait3A_708 = arith.constant 0 : i32
      %dma_wait3A_709 = tpu.memref_slice %arg26[%dma_wait3A_707, %dma_wait3A_708] : memref<640x64xf32, #tpu.memory_space<vmem>> -> memref<128x64xf32, #tpu.memory_space<vmem>>
      %dma_wait3A_710 = arith.constant 0 : i32
      %dma_wait3A_711 = tpu.memref_slice %arg19[%dma_wait3A_706, %dma_wait3A_710] : memref<5x128xi32, #tpu.memory_space<vmem>> -> memref<1x128xi32, #tpu.memory_space<vmem>>
      %dma_wait3A_712 = tpu.memref_squeeze %dma_wait3A_711 : memref<1x128xi32, #tpu.memory_space<vmem>> -> memref<128xi32, #tpu.memory_space<vmem>>
      %dma_wait3A_713 = arith.constant 0 : i32
      %dma_wait3A_714 = arith.constant 0 : i32
      %dma_wait3A_715 = tpu.memref_slice %arg6[%dma_wait3A_713, %dma_wait3A_714] : memref<100000x64xf32, #tpu.memory_space<hbm>> -> memref<100000x64xf32, #tpu.memory_space<hbm>>
      tpu.wait_indirect_dma semaphore(%arg41 : memref<!tpu.dma_semaphore, #tpu.memory_space<semaphore_mem>>) src(%dma_wait3A_715 : memref<100000x64xf32, #tpu.memory_space<hbm>>) dst(%dma_wait3A_709 : memref<128x64xf32, #tpu.memory_space<vmem>>)
      %dma_wait3A_716 = arith.constant 2 : i32
      %dma_wait3A_717 = arith.constant 256 : i32
      %dma_wait3A_718 = arith.constant 0 : i32
      %dma_wait3A_719 = tpu.memref_slice %arg31[%dma_wait3A_717, %dma_wait3A_718] : memref<640x16xf32, #tpu.memory_space<vmem>> -> memref<128x16xf32, #tpu.memory_space<vmem>>
      %dma_wait3A_720 = arith.constant 0 : i32
      %dma_wait3A_721 = tpu.memref_slice %arg23[%dma_wait3A_716, %dma_wait3A_720] : memref<5x128xi32, #tpu.memory_space<vmem>> -> memref<1x128xi32, #tpu.memory_space<vmem>>
      %dma_wait3A_722 = tpu.memref_squeeze %dma_wait3A_721 : memref<1x128xi32, #tpu.memory_space<vmem>> -> memref<128xi32, #tpu.memory_space<vmem>>
      %dma_wait3A_723 = arith.constant 0 : i32
      %dma_wait3A_724 = arith.constant 0 : i32
      %dma_wait3A_725 = tpu.memref_slice %arg8[%dma_wait3A_723, %dma_wait3A_724] : memref<6250x16xf32, #tpu.memory_space<hbm>> -> memref<6250x16xf32, #tpu.memory_space<hbm>>
      tpu.wait_indirect_dma semaphore(%arg41 : memref<!tpu.dma_semaphore, #tpu.memory_space<semaphore_mem>>) src(%dma_wait3A_725 : memref<6250x16xf32, #tpu.memory_space<hbm>>) dst(%dma_wait3A_719 : memref<128x16xf32, #tpu.memory_space<vmem>>)
      %dma_wait3A_726 = arith.constant 3 : i32
      %dma_wait3A_727 = arith.constant 384 : i32
      %dma_wait3A_728 = arith.constant 0 : i32
      %dma_wait3A_729 = tpu.memref_slice %arg26[%dma_wait3A_727, %dma_wait3A_728] : memref<640x64xf32, #tpu.memory_space<vmem>> -> memref<128x64xf32, #tpu.memory_space<vmem>>
      %dma_wait3A_730 = arith.constant 0 : i32
      %dma_wait3A_731 = tpu.memref_slice %arg19[%dma_wait3A_726, %dma_wait3A_730] : memref<5x128xi32, #tpu.memory_space<vmem>> -> memref<1x128xi32, #tpu.memory_space<vmem>>
      %dma_wait3A_732 = tpu.memref_squeeze %dma_wait3A_731 : memref<1x128xi32, #tpu.memory_space<vmem>> -> memref<128xi32, #tpu.memory_space<vmem>>
      %dma_wait3A_733 = arith.constant 0 : i32
      %dma_wait3A_734 = arith.constant 0 : i32
      %dma_wait3A_735 = tpu.memref_slice %arg6[%dma_wait3A_733, %dma_wait3A_734] : memref<100000x64xf32, #tpu.memory_space<hbm>> -> memref<100000x64xf32, #tpu.memory_space<hbm>>
      tpu.wait_indirect_dma semaphore(%arg41 : memref<!tpu.dma_semaphore, #tpu.memory_space<semaphore_mem>>) src(%dma_wait3A_735 : memref<100000x64xf32, #tpu.memory_space<hbm>>) dst(%dma_wait3A_729 : memref<128x64xf32, #tpu.memory_space<vmem>>)
      %dma_wait3A_736 = arith.constant 3 : i32
      %dma_wait3A_737 = arith.constant 384 : i32
      %dma_wait3A_738 = arith.constant 0 : i32
      %dma_wait3A_739 = tpu.memref_slice %arg31[%dma_wait3A_737, %dma_wait3A_738] : memref<640x16xf32, #tpu.memory_space<vmem>> -> memref<128x16xf32, #tpu.memory_space<vmem>>
      %dma_wait3A_740 = arith.constant 0 : i32
      %dma_wait3A_741 = tpu.memref_slice %arg23[%dma_wait3A_736, %dma_wait3A_740] : memref<5x128xi32, #tpu.memory_space<vmem>> -> memref<1x128xi32, #tpu.memory_space<vmem>>
      %dma_wait3A_742 = tpu.memref_squeeze %dma_wait3A_741 : memref<1x128xi32, #tpu.memory_space<vmem>> -> memref<128xi32, #tpu.memory_space<vmem>>
      %dma_wait3A_743 = arith.constant 0 : i32
      %dma_wait3A_744 = arith.constant 0 : i32
      %dma_wait3A_745 = tpu.memref_slice %arg8[%dma_wait3A_743, %dma_wait3A_744] : memref<6250x16xf32, #tpu.memory_space<hbm>> -> memref<6250x16xf32, #tpu.memory_space<hbm>>
      tpu.wait_indirect_dma semaphore(%arg41 : memref<!tpu.dma_semaphore, #tpu.memory_space<semaphore_mem>>) src(%dma_wait3A_745 : memref<6250x16xf32, #tpu.memory_space<hbm>>) dst(%dma_wait3A_739 : memref<128x16xf32, #tpu.memory_space<vmem>>)
      %dma_wait3A_746 = arith.constant 4 : i32
      %dma_wait3A_747 = arith.constant 512 : i32
      %dma_wait3A_748 = arith.constant 0 : i32
      %dma_wait3A_749 = tpu.memref_slice %arg26[%dma_wait3A_747, %dma_wait3A_748] : memref<640x64xf32, #tpu.memory_space<vmem>> -> memref<128x64xf32, #tpu.memory_space<vmem>>
      %dma_wait3A_750 = arith.constant 0 : i32
      %dma_wait3A_751 = tpu.memref_slice %arg19[%dma_wait3A_746, %dma_wait3A_750] : memref<5x128xi32, #tpu.memory_space<vmem>> -> memref<1x128xi32, #tpu.memory_space<vmem>>
      %dma_wait3A_752 = tpu.memref_squeeze %dma_wait3A_751 : memref<1x128xi32, #tpu.memory_space<vmem>> -> memref<128xi32, #tpu.memory_space<vmem>>
      %dma_wait3A_753 = arith.constant 0 : i32
      %dma_wait3A_754 = arith.constant 0 : i32
      %dma_wait3A_755 = tpu.memref_slice %arg6[%dma_wait3A_753, %dma_wait3A_754] : memref<100000x64xf32, #tpu.memory_space<hbm>> -> memref<100000x64xf32, #tpu.memory_space<hbm>>
      tpu.wait_indirect_dma semaphore(%arg41 : memref<!tpu.dma_semaphore, #tpu.memory_space<semaphore_mem>>) src(%dma_wait3A_755 : memref<100000x64xf32, #tpu.memory_space<hbm>>) dst(%dma_wait3A_749 : memref<128x64xf32, #tpu.memory_space<vmem>>)
      %dma_wait3A_756 = arith.constant 4 : i32
      %dma_wait3A_757 = arith.constant 512 : i32
      %dma_wait3A_758 = arith.constant 0 : i32
      %dma_wait3A_759 = tpu.memref_slice %arg31[%dma_wait3A_757, %dma_wait3A_758] : memref<640x16xf32, #tpu.memory_space<vmem>> -> memref<128x16xf32, #tpu.memory_space<vmem>>
      %dma_wait3A_760 = arith.constant 0 : i32
      %dma_wait3A_761 = tpu.memref_slice %arg23[%dma_wait3A_756, %dma_wait3A_760] : memref<5x128xi32, #tpu.memory_space<vmem>> -> memref<1x128xi32, #tpu.memory_space<vmem>>
      %dma_wait3A_762 = tpu.memref_squeeze %dma_wait3A_761 : memref<1x128xi32, #tpu.memory_space<vmem>> -> memref<128xi32, #tpu.memory_space<vmem>>
      %dma_wait3A_763 = arith.constant 0 : i32
      %dma_wait3A_764 = arith.constant 0 : i32
      %dma_wait3A_765 = tpu.memref_slice %arg8[%dma_wait3A_763, %dma_wait3A_764] : memref<6250x16xf32, #tpu.memory_space<hbm>> -> memref<6250x16xf32, #tpu.memory_space<hbm>>
      tpu.wait_indirect_dma semaphore(%arg41 : memref<!tpu.dma_semaphore, #tpu.memory_space<semaphore_mem>>) src(%dma_wait3A_765 : memref<6250x16xf32, #tpu.memory_space<hbm>>) dst(%dma_wait3A_759 : memref<128x16xf32, #tpu.memory_space<vmem>>)
      %broadcast_in_dim3A_766 = arith.constant 0 : i32
      %broadcast_in_dim3A_767 = vector.broadcast %broadcast_in_dim3A_766 : i32 to vector<16xi32>
      %add3A_768 = arith.addi %iota3A, %broadcast_in_dim3A_767 : vector<16xi32>
      %div3A = arith.divsi %add3A_768, %broadcast_in_dim3A_15 : vector<16xi32>
      %mul3A_769 = arith.muli %div3A, %broadcast_in_dim3A_15 : vector<16xi32>
      %sub3A = arith.subi %add3A_768, %mul3A_769 : vector<16xi32>
      %gather3A = tpu.vector_load_idx %arg18[%div3A] : memref<32xi32, #tpu.memory_space<vmem>>[vector<16xi32>], vector<16xi32>,
      %mul3A_770 = arith.muli %gather3A, %broadcast_in_dim3A_15 : vector<16xi32>
      %shift_right_logical3A_771 = arith.shrui %mul3A_770, %broadcast_in_dim3A_7 : vector<16xi32>
      %add3A_772 = arith.addi %mul3A_770, %sub3A : vector<16xi32>
      %shift_right_logical3A_773 = arith.shrui %add3A_772, %broadcast_in_dim3A_7 : vector<16xi32>
      %sub3A_774 = arith.subi %shift_right_logical3A_773, %shift_right_logical3A_771 : vector<16xi32>
      %broadcast_in_dim3A_775 = arith.constant 32 : i32
      %broadcast_in_dim3A_776 = vector.broadcast %broadcast_in_dim3A_775 : i32 to vector<16xi32>
      %mul3A_777 = arith.muli %sub3A_774, %broadcast_in_dim3A_776 : vector<16xi32>
      %add3A_778 = arith.addi %div3A, %mul3A_777 : vector<16xi32>
      %and3A = arith.andi %add3A_772, %broadcast_in_dim3A_9 : vector<16xi32>
      %gather3A_779 = tpu.vector_load_idx %arg27[%add3A_778, %and3A] : memref<64x16xi32, #tpu.memory_space<vmem>>[vector<16xi32>, vector<16xi32>], vector<16xi32>,
      %swap3A_780 = arith.constant 0 : i32
      %swap3A_781 = arith.index_cast %swap3A_780 : i32 to index
      %swap3A_782 = arith.constant 0 : index
      %swap3A_783 = tpu.vector_load %arg32[%swap3A_781, %swap3A_782] {strides = array<i32>} : memref<2x128xi32, #tpu.memory_space<vmem>>, vector<16xi32>,
      tpu.vector_store %arg32[%swap3A_781, %swap3A_782], %gather3A_779 {strides = array<i32>} : memref<2x128xi32, #tpu.memory_space<vmem>>, vector<16xi32>,
      %gather3A_784 = tpu.vector_load_idx %arg28[%add3A_778, %and3A] : memref<64x16xf32, #tpu.memory_space<vmem>>[vector<16xi32>, vector<16xi32>], vector<16xf32>,
      %swap3A_785 = arith.constant 0 : index
      %swap3A_786 = tpu.vector_load %arg40[%swap3A_785] {strides = array<i32>} : memref<320xf32, #tpu.memory_space<vmem>>, vector<16xf32>,
      tpu.vector_store %arg40[%swap3A_785], %gather3A_784 {strides = array<i32>} : memref<320xf32, #tpu.memory_space<vmem>>, vector<16xf32>,
      %broadcast_in_dim3A_787 = arith.constant 16 : i32
      %broadcast_in_dim3A_788 = vector.broadcast %broadcast_in_dim3A_787 : i32 to vector<16xi32>
      %add3A_789 = arith.addi %iota3A, %broadcast_in_dim3A_788 : vector<16xi32>
      %div3A_790 = arith.divsi %add3A_789, %broadcast_in_dim3A_15 : vector<16xi32>
      %mul3A_791 = arith.muli %div3A_790, %broadcast_in_dim3A_15 : vector<16xi32>
      %sub3A_792 = arith.subi %add3A_789, %mul3A_791 : vector<16xi32>
      %gather3A_793 = tpu.vector_load_idx %arg18[%div3A_790] : memref<32xi32, #tpu.memory_space<vmem>>[vector<16xi32>], vector<16xi32>,
      %mul3A_794 = arith.muli %gather3A_793, %broadcast_in_dim3A_15 : vector<16xi32>
      %shift_right_logical3A_795 = arith.shrui %mul3A_794, %broadcast_in_dim3A_7 : vector<16xi32>
      %add3A_796 = arith.addi %mul3A_794, %sub3A_792 : vector<16xi32>
      %shift_right_logical3A_797 = arith.shrui %add3A_796, %broadcast_in_dim3A_7 : vector<16xi32>
      %sub3A_798 = arith.subi %shift_right_logical3A_797, %shift_right_logical3A_795 : vector<16xi32>
      %broadcast_in_dim3A_799 = arith.constant 32 : i32
      %broadcast_in_dim3A_800 = vector.broadcast %broadcast_in_dim3A_799 : i32 to vector<16xi32>
      %mul3A_801 = arith.muli %sub3A_798, %broadcast_in_dim3A_800 : vector<16xi32>
      %add3A_802 = arith.addi %div3A_790, %mul3A_801 : vector<16xi32>
      %and3A_803 = arith.andi %add3A_796, %broadcast_in_dim3A_9 : vector<16xi32>
      %gather3A_804 = tpu.vector_load_idx %arg27[%add3A_802, %and3A_803] : memref<64x16xi32, #tpu.memory_space<vmem>>[vector<16xi32>, vector<16xi32>], vector<16xi32>,
      %swap3A_805 = arith.constant 0 : i32
      %swap3A_806 = arith.index_cast %swap3A_805 : i32 to index
      %swap3A_807 = arith.constant 16 : index
      %swap3A_808 = tpu.vector_load %arg32[%swap3A_806, %swap3A_807] {strides = array<i32>} : memref<2x128xi32, #tpu.memory_space<vmem>>, vector<16xi32>,
      tpu.vector_store %arg32[%swap3A_806, %swap3A_807], %gather3A_804 {strides = array<i32>} : memref<2x128xi32, #tpu.memory_space<vmem>>, vector<16xi32>,
      %gather3A_809 = tpu.vector_load_idx %arg28[%add3A_802, %and3A_803] : memref<64x16xf32, #tpu.memory_space<vmem>>[vector<16xi32>, vector<16xi32>], vector<16xf32>,
      %swap3A_810 = arith.constant 16 : index
      %swap3A_811 = tpu.vector_load %arg40[%swap3A_810] {strides = array<i32>} : memref<320xf32, #tpu.memory_space<vmem>>, vector<16xf32>,
      tpu.vector_store %arg40[%swap3A_810], %gather3A_809 {strides = array<i32>} : memref<320xf32, #tpu.memory_space<vmem>>, vector<16xf32>,
      %broadcast_in_dim3A_812 = arith.constant 32 : i32
      %broadcast_in_dim3A_813 = vector.broadcast %broadcast_in_dim3A_812 : i32 to vector<16xi32>
      %add3A_814 = arith.addi %iota3A, %broadcast_in_dim3A_813 : vector<16xi32>
      %div3A_815 = arith.divsi %add3A_814, %broadcast_in_dim3A_15 : vector<16xi32>
      %mul3A_816 = arith.muli %div3A_815, %broadcast_in_dim3A_15 : vector<16xi32>
      %sub3A_817 = arith.subi %add3A_814, %mul3A_816 : vector<16xi32>
      %gather3A_818 = tpu.vector_load_idx %arg18[%div3A_815] : memref<32xi32, #tpu.memory_space<vmem>>[vector<16xi32>], vector<16xi32>,
      %mul3A_819 = arith.muli %gather3A_818, %broadcast_in_dim3A_15 : vector<16xi32>
      %shift_right_logical3A_820 = arith.shrui %mul3A_819, %broadcast_in_dim3A_7 : vector<16xi32>
      %add3A_821 = arith.addi %mul3A_819, %sub3A_817 : vector<16xi32>
      %shift_right_logical3A_822 = arith.shrui %add3A_821, %broadcast_in_dim3A_7 : vector<16xi32>
      %sub3A_823 = arith.subi %shift_right_logical3A_822, %shift_right_logical3A_820 : vector<16xi32>
      %broadcast_in_dim3A_824 = arith.constant 32 : i32
      %broadcast_in_dim3A_825 = vector.broadcast %broadcast_in_dim3A_824 : i32 to vector<16xi32>
      %mul3A_826 = arith.muli %sub3A_823, %broadcast_in_dim3A_825 : vector<16xi32>
      %add3A_827 = arith.addi %div3A_815, %mul3A_826 : vector<16xi32>
      %and3A_828 = arith.andi %add3A_821, %broadcast_in_dim3A_9 : vector<16xi32>
      %gather3A_829 = tpu.vector_load_idx %arg27[%add3A_827, %and3A_828] : memref<64x16xi32, #tpu.memory_space<vmem>>[vector<16xi32>, vector<16xi32>], vector<16xi32>,
      %swap3A_830 = arith.constant 0 : i32
      %swap3A_831 = arith.index_cast %swap3A_830 : i32 to index
      %swap3A_832 = arith.constant 32 : index
      %swap3A_833 = tpu.vector_load %arg32[%swap3A_831, %swap3A_832] {strides = array<i32>} : memref<2x128xi32, #tpu.memory_space<vmem>>, vector<16xi32>,
      tpu.vector_store %arg32[%swap3A_831, %swap3A_832], %gather3A_829 {strides = array<i32>} : memref<2x128xi32, #tpu.memory_space<vmem>>, vector<16xi32>,
      %gather3A_834 = tpu.vector_load_idx %arg28[%add3A_827, %and3A_828] : memref<64x16xf32, #tpu.memory_space<vmem>>[vector<16xi32>, vector<16xi32>], vector<16xf32>,
      %swap3A_835 = arith.constant 32 : index
      %swap3A_836 = tpu.vector_load %arg40[%swap3A_835] {strides = array<i32>} : memref<320xf32, #tpu.memory_space<vmem>>, vector<16xf32>,
      tpu.vector_store %arg40[%swap3A_835], %gather3A_834 {strides = array<i32>} : memref<320xf32, #tpu.memory_space<vmem>>, vector<16xf32>,
      %broadcast_in_dim3A_837 = arith.constant 48 : i32
      %broadcast_in_dim3A_838 = vector.broadcast %broadcast_in_dim3A_837 : i32 to vector<16xi32>
      %add3A_839 = arith.addi %iota3A, %broadcast_in_dim3A_838 : vector<16xi32>
      %div3A_840 = arith.divsi %add3A_839, %broadcast_in_dim3A_15 : vector<16xi32>
      %mul3A_841 = arith.muli %div3A_840, %broadcast_in_dim3A_15 : vector<16xi32>
      %sub3A_842 = arith.subi %add3A_839, %mul3A_841 : vector<16xi32>
      %gather3A_843 = tpu.vector_load_idx %arg18[%div3A_840] : memref<32xi32, #tpu.memory_space<vmem>>[vector<16xi32>], vector<16xi32>,
      %mul3A_844 = arith.muli %gather3A_843, %broadcast_in_dim3A_15 : vector<16xi32>
      %shift_right_logical3A_845 = arith.shrui %mul3A_844, %broadcast_in_dim3A_7 : vector<16xi32>
      %add3A_846 = arith.addi %mul3A_844, %sub3A_842 : vector<16xi32>
      %shift_right_logical3A_847 = arith.shrui %add3A_846, %broadcast_in_dim3A_7 : vector<16xi32>
      %sub3A_848 = arith.subi %shift_right_logical3A_847, %shift_right_logical3A_845 : vector<16xi32>
      %broadcast_in_dim3A_849 = arith.constant 32 : i32
      %broadcast_in_dim3A_850 = vector.broadcast %broadcast_in_dim3A_849 : i32 to vector<16xi32>
      %mul3A_851 = arith.muli %sub3A_848, %broadcast_in_dim3A_850 : vector<16xi32>
      %add3A_852 = arith.addi %div3A_840, %mul3A_851 : vector<16xi32>
      %and3A_853 = arith.andi %add3A_846, %broadcast_in_dim3A_9 : vector<16xi32>
      %gather3A_854 = tpu.vector_load_idx %arg27[%add3A_852, %and3A_853] : memref<64x16xi32, #tpu.memory_space<vmem>>[vector<16xi32>, vector<16xi32>], vector<16xi32>,
      %swap3A_855 = arith.constant 0 : i32
      %swap3A_856 = arith.index_cast %swap3A_855 : i32 to index
      %swap3A_857 = arith.constant 48 : index
      %swap3A_858 = tpu.vector_load %arg32[%swap3A_856, %swap3A_857] {strides = array<i32>} : memref<2x128xi32, #tpu.memory_space<vmem>>, vector<16xi32>,
      tpu.vector_store %arg32[%swap3A_856, %swap3A_857], %gather3A_854 {strides = array<i32>} : memref<2x128xi32, #tpu.memory_space<vmem>>, vector<16xi32>,
      %gather3A_859 = tpu.vector_load_idx %arg28[%add3A_852, %and3A_853] : memref<64x16xf32, #tpu.memory_space<vmem>>[vector<16xi32>, vector<16xi32>], vector<16xf32>,
      %swap3A_860 = arith.constant 48 : index
      %swap3A_861 = tpu.vector_load %arg40[%swap3A_860] {strides = array<i32>} : memref<320xf32, #tpu.memory_space<vmem>>, vector<16xf32>,
      tpu.vector_store %arg40[%swap3A_860], %gather3A_859 {strides = array<i32>} : memref<320xf32, #tpu.memory_space<vmem>>, vector<16xf32>,
      %broadcast_in_dim3A_862 = arith.constant 64 : i32
      %broadcast_in_dim3A_863 = vector.broadcast %broadcast_in_dim3A_862 : i32 to vector<16xi32>
      %add3A_864 = arith.addi %iota3A, %broadcast_in_dim3A_863 : vector<16xi32>
      %div3A_865 = arith.divsi %add3A_864, %broadcast_in_dim3A_15 : vector<16xi32>
      %mul3A_866 = arith.muli %div3A_865, %broadcast_in_dim3A_15 : vector<16xi32>
      %sub3A_867 = arith.subi %add3A_864, %mul3A_866 : vector<16xi32>
      %gather3A_868 = tpu.vector_load_idx %arg18[%div3A_865] : memref<32xi32, #tpu.memory_space<vmem>>[vector<16xi32>], vector<16xi32>,
      %mul3A_869 = arith.muli %gather3A_868, %broadcast_in_dim3A_15 : vector<16xi32>
      %shift_right_logical3A_870 = arith.shrui %mul3A_869, %broadcast_in_dim3A_7 : vector<16xi32>
      %add3A_871 = arith.addi %mul3A_869, %sub3A_867 : vector<16xi32>
      %shift_right_logical3A_872 = arith.shrui %add3A_871, %broadcast_in_dim3A_7 : vector<16xi32>
      %sub3A_873 = arith.subi %shift_right_logical3A_872, %shift_right_logical3A_870 : vector<16xi32>
      %broadcast_in_dim3A_874 = arith.constant 32 : i32
      %broadcast_in_dim3A_875 = vector.broadcast %broadcast_in_dim3A_874 : i32 to vector<16xi32>
      %mul3A_876 = arith.muli %sub3A_873, %broadcast_in_dim3A_875 : vector<16xi32>
      %add3A_877 = arith.addi %div3A_865, %mul3A_876 : vector<16xi32>
      %and3A_878 = arith.andi %add3A_871, %broadcast_in_dim3A_9 : vector<16xi32>
      %gather3A_879 = tpu.vector_load_idx %arg27[%add3A_877, %and3A_878] : memref<64x16xi32, #tpu.memory_space<vmem>>[vector<16xi32>, vector<16xi32>], vector<16xi32>,
      %swap3A_880 = arith.constant 0 : i32
      %swap3A_881 = arith.index_cast %swap3A_880 : i32 to index
      %swap3A_882 = arith.constant 64 : index
      %swap3A_883 = tpu.vector_load %arg32[%swap3A_881, %swap3A_882] {strides = array<i32>} : memref<2x128xi32, #tpu.memory_space<vmem>>, vector<16xi32>,
      tpu.vector_store %arg32[%swap3A_881, %swap3A_882], %gather3A_879 {strides = array<i32>} : memref<2x128xi32, #tpu.memory_space<vmem>>, vector<16xi32>,
      %gather3A_884 = tpu.vector_load_idx %arg28[%add3A_877, %and3A_878] : memref<64x16xf32, #tpu.memory_space<vmem>>[vector<16xi32>, vector<16xi32>], vector<16xf32>,
      %swap3A_885 = arith.constant 64 : index
      %swap3A_886 = tpu.vector_load %arg40[%swap3A_885] {strides = array<i32>} : memref<320xf32, #tpu.memory_space<vmem>>, vector<16xf32>,
      tpu.vector_store %arg40[%swap3A_885], %gather3A_884 {strides = array<i32>} : memref<320xf32, #tpu.memory_space<vmem>>, vector<16xf32>,
      %broadcast_in_dim3A_887 = arith.constant 80 : i32
      %broadcast_in_dim3A_888 = vector.broadcast %broadcast_in_dim3A_887 : i32 to vector<16xi32>
      %add3A_889 = arith.addi %iota3A, %broadcast_in_dim3A_888 : vector<16xi32>
      %div3A_890 = arith.divsi %add3A_889, %broadcast_in_dim3A_15 : vector<16xi32>
      %mul3A_891 = arith.muli %div3A_890, %broadcast_in_dim3A_15 : vector<16xi32>
      %sub3A_892 = arith.subi %add3A_889, %mul3A_891 : vector<16xi32>
      %gather3A_893 = tpu.vector_load_idx %arg18[%div3A_890] : memref<32xi32, #tpu.memory_space<vmem>>[vector<16xi32>], vector<16xi32>,
      %mul3A_894 = arith.muli %gather3A_893, %broadcast_in_dim3A_15 : vector<16xi32>
      %shift_right_logical3A_895 = arith.shrui %mul3A_894, %broadcast_in_dim3A_7 : vector<16xi32>
      %add3A_896 = arith.addi %mul3A_894, %sub3A_892 : vector<16xi32>
      %shift_right_logical3A_897 = arith.shrui %add3A_896, %broadcast_in_dim3A_7 : vector<16xi32>
      %sub3A_898 = arith.subi %shift_right_logical3A_897, %shift_right_logical3A_895 : vector<16xi32>
      %broadcast_in_dim3A_899 = arith.constant 32 : i32
      %broadcast_in_dim3A_900 = vector.broadcast %broadcast_in_dim3A_899 : i32 to vector<16xi32>
      %mul3A_901 = arith.muli %sub3A_898, %broadcast_in_dim3A_900 : vector<16xi32>
      %add3A_902 = arith.addi %div3A_890, %mul3A_901 : vector<16xi32>
      %and3A_903 = arith.andi %add3A_896, %broadcast_in_dim3A_9 : vector<16xi32>
      %gather3A_904 = tpu.vector_load_idx %arg27[%add3A_902, %and3A_903] : memref<64x16xi32, #tpu.memory_space<vmem>>[vector<16xi32>, vector<16xi32>], vector<16xi32>,
      %swap3A_905 = arith.constant 0 : i32
      %swap3A_906 = arith.index_cast %swap3A_905 : i32 to index
      %swap3A_907 = arith.constant 80 : index
      %swap3A_908 = tpu.vector_load %arg32[%swap3A_906, %swap3A_907] {strides = array<i32>} : memref<2x128xi32, #tpu.memory_space<vmem>>, vector<16xi32>,
      tpu.vector_store %arg32[%swap3A_906, %swap3A_907], %gather3A_904 {strides = array<i32>} : memref<2x128xi32, #tpu.memory_space<vmem>>, vector<16xi32>,
      %gather3A_909 = tpu.vector_load_idx %arg28[%add3A_902, %and3A_903] : memref<64x16xf32, #tpu.memory_space<vmem>>[vector<16xi32>, vector<16xi32>], vector<16xf32>,
      %swap3A_910 = arith.constant 80 : index
      %swap3A_911 = tpu.vector_load %arg40[%swap3A_910] {strides = array<i32>} : memref<320xf32, #tpu.memory_space<vmem>>, vector<16xf32>,
      tpu.vector_store %arg40[%swap3A_910], %gather3A_909 {strides = array<i32>} : memref<320xf32, #tpu.memory_space<vmem>>, vector<16xf32>,
      %broadcast_in_dim3A_912 = arith.constant 96 : i32
      %broadcast_in_dim3A_913 = vector.broadcast %broadcast_in_dim3A_912 : i32 to vector<16xi32>
      %add3A_914 = arith.addi %iota3A, %broadcast_in_dim3A_913 : vector<16xi32>
      %div3A_915 = arith.divsi %add3A_914, %broadcast_in_dim3A_15 : vector<16xi32>
      %mul3A_916 = arith.muli %div3A_915, %broadcast_in_dim3A_15 : vector<16xi32>
      %sub3A_917 = arith.subi %add3A_914, %mul3A_916 : vector<16xi32>
      %gather3A_918 = tpu.vector_load_idx %arg18[%div3A_915] : memref<32xi32, #tpu.memory_space<vmem>>[vector<16xi32>], vector<16xi32>,
      %mul3A_919 = arith.muli %gather3A_918, %broadcast_in_dim3A_15 : vector<16xi32>
      %shift_right_logical3A_920 = arith.shrui %mul3A_919, %broadcast_in_dim3A_7 : vector<16xi32>
      %add3A_921 = arith.addi %mul3A_919, %sub3A_917 : vector<16xi32>
      %shift_right_logical3A_922 = arith.shrui %add3A_921, %broadcast_in_dim3A_7 : vector<16xi32>
      %sub3A_923 = arith.subi %shift_right_logical3A_922, %shift_right_logical3A_920 : vector<16xi32>
      %broadcast_in_dim3A_924 = arith.constant 32 : i32
      %broadcast_in_dim3A_925 = vector.broadcast %broadcast_in_dim3A_924 : i32 to vector<16xi32>
      %mul3A_926 = arith.muli %sub3A_923, %broadcast_in_dim3A_925 : vector<16xi32>
      %add3A_927 = arith.addi %div3A_915, %mul3A_926 : vector<16xi32>
      %and3A_928 = arith.andi %add3A_921, %broadcast_in_dim3A_9 : vector<16xi32>
      %gather3A_929 = tpu.vector_load_idx %arg27[%add3A_927, %and3A_928] : memref<64x16xi32, #tpu.memory_space<vmem>>[vector<16xi32>, vector<16xi32>], vector<16xi32>,
      %swap3A_930 = arith.constant 0 : i32
      %swap3A_931 = arith.index_cast %swap3A_930 : i32 to index
      %swap3A_932 = arith.constant 96 : index
      %swap3A_933 = tpu.vector_load %arg32[%swap3A_931, %swap3A_932] {strides = array<i32>} : memref<2x128xi32, #tpu.memory_space<vmem>>, vector<16xi32>,
      tpu.vector_store %arg32[%swap3A_931, %swap3A_932], %gather3A_929 {strides = array<i32>} : memref<2x128xi32, #tpu.memory_space<vmem>>, vector<16xi32>,
      %gather3A_934 = tpu.vector_load_idx %arg28[%add3A_927, %and3A_928] : memref<64x16xf32, #tpu.memory_space<vmem>>[vector<16xi32>, vector<16xi32>], vector<16xf32>,
      %swap3A_935 = arith.constant 96 : index
      %swap3A_936 = tpu.vector_load %arg40[%swap3A_935] {strides = array<i32>} : memref<320xf32, #tpu.memory_space<vmem>>, vector<16xf32>,
      tpu.vector_store %arg40[%swap3A_935], %gather3A_934 {strides = array<i32>} : memref<320xf32, #tpu.memory_space<vmem>>, vector<16xf32>,
      %broadcast_in_dim3A_937 = arith.constant 112 : i32
      %broadcast_in_dim3A_938 = vector.broadcast %broadcast_in_dim3A_937 : i32 to vector<16xi32>
      %add3A_939 = arith.addi %iota3A, %broadcast_in_dim3A_938 : vector<16xi32>
      %div3A_940 = arith.divsi %add3A_939, %broadcast_in_dim3A_15 : vector<16xi32>
      %mul3A_941 = arith.muli %div3A_940, %broadcast_in_dim3A_15 : vector<16xi32>
      %sub3A_942 = arith.subi %add3A_939, %mul3A_941 : vector<16xi32>
      %gather3A_943 = tpu.vector_load_idx %arg18[%div3A_940] : memref<32xi32, #tpu.memory_space<vmem>>[vector<16xi32>], vector<16xi32>,
      %mul3A_944 = arith.muli %gather3A_943, %broadcast_in_dim3A_15 : vector<16xi32>
      %shift_right_logical3A_945 = arith.shrui %mul3A_944, %broadcast_in_dim3A_7 : vector<16xi32>
      %add3A_946 = arith.addi %mul3A_944, %sub3A_942 : vector<16xi32>
      %shift_right_logical3A_947 = arith.shrui %add3A_946, %broadcast_in_dim3A_7 : vector<16xi32>
      %sub3A_948 = arith.subi %shift_right_logical3A_947, %shift_right_logical3A_945 : vector<16xi32>
      %broadcast_in_dim3A_949 = arith.constant 32 : i32
      %broadcast_in_dim3A_950 = vector.broadcast %broadcast_in_dim3A_949 : i32 to vector<16xi32>
      %mul3A_951 = arith.muli %sub3A_948, %broadcast_in_dim3A_950 : vector<16xi32>
      %add3A_952 = arith.addi %div3A_940, %mul3A_951 : vector<16xi32>
      %and3A_953 = arith.andi %add3A_946, %broadcast_in_dim3A_9 : vector<16xi32>
      %gather3A_954 = tpu.vector_load_idx %arg27[%add3A_952, %and3A_953] : memref<64x16xi32, #tpu.memory_space<vmem>>[vector<16xi32>, vector<16xi32>], vector<16xi32>,
      %swap3A_955 = arith.constant 0 : i32
      %swap3A_956 = arith.index_cast %swap3A_955 : i32 to index
      %swap3A_957 = arith.constant 112 : index
      %swap3A_958 = tpu.vector_load %arg32[%swap3A_956, %swap3A_957] {strides = array<i32>} : memref<2x128xi32, #tpu.memory_space<vmem>>, vector<16xi32>,
      tpu.vector_store %arg32[%swap3A_956, %swap3A_957], %gather3A_954 {strides = array<i32>} : memref<2x128xi32, #tpu.memory_space<vmem>>, vector<16xi32>,
      %gather3A_959 = tpu.vector_load_idx %arg28[%add3A_952, %and3A_953] : memref<64x16xf32, #tpu.memory_space<vmem>>[vector<16xi32>, vector<16xi32>], vector<16xf32>,
      %swap3A_960 = arith.constant 112 : index
      %swap3A_961 = tpu.vector_load %arg40[%swap3A_960] {strides = array<i32>} : memref<320xf32, #tpu.memory_space<vmem>>, vector<16xf32>,
      tpu.vector_store %arg40[%swap3A_960], %gather3A_959 {strides = array<i32>} : memref<320xf32, #tpu.memory_space<vmem>>, vector<16xf32>,
      %broadcast_in_dim3A_962 = arith.constant 128 : i32
      %broadcast_in_dim3A_963 = vector.broadcast %broadcast_in_dim3A_962 : i32 to vector<16xi32>
      %add3A_964 = arith.addi %iota3A, %broadcast_in_dim3A_963 : vector<16xi32>
      %div3A_965 = arith.divsi %add3A_964, %broadcast_in_dim3A_15 : vector<16xi32>
      %mul3A_966 = arith.muli %div3A_965, %broadcast_in_dim3A_15 : vector<16xi32>
      %sub3A_967 = arith.subi %add3A_964, %mul3A_966 : vector<16xi32>
      %gather3A_968 = tpu.vector_load_idx %arg18[%div3A_965] : memref<32xi32, #tpu.memory_space<vmem>>[vector<16xi32>], vector<16xi32>,
      %mul3A_969 = arith.muli %gather3A_968, %broadcast_in_dim3A_15 : vector<16xi32>
      %shift_right_logical3A_970 = arith.shrui %mul3A_969, %broadcast_in_dim3A_7 : vector<16xi32>
      %add3A_971 = arith.addi %mul3A_969, %sub3A_967 : vector<16xi32>
      %shift_right_logical3A_972 = arith.shrui %add3A_971, %broadcast_in_dim3A_7 : vector<16xi32>
      %sub3A_973 = arith.subi %shift_right_logical3A_972, %shift_right_logical3A_970 : vector<16xi32>
      %broadcast_in_dim3A_974 = arith.constant 32 : i32
      %broadcast_in_dim3A_975 = vector.broadcast %broadcast_in_dim3A_974 : i32 to vector<16xi32>
      %mul3A_976 = arith.muli %sub3A_973, %broadcast_in_dim3A_975 : vector<16xi32>
      %add3A_977 = arith.addi %div3A_965, %mul3A_976 : vector<16xi32>
      %and3A_978 = arith.andi %add3A_971, %broadcast_in_dim3A_9 : vector<16xi32>
      %gather3A_979 = tpu.vector_load_idx %arg27[%add3A_977, %and3A_978] : memref<64x16xi32, #tpu.memory_space<vmem>>[vector<16xi32>, vector<16xi32>], vector<16xi32>,
      %swap3A_980 = arith.constant 1 : i32
      %swap3A_981 = arith.index_cast %swap3A_980 : i32 to index
      %swap3A_982 = arith.constant 0 : index
      %swap3A_983 = tpu.vector_load %arg32[%swap3A_981, %swap3A_982] {strides = array<i32>} : memref<2x128xi32, #tpu.memory_space<vmem>>, vector<16xi32>,
      tpu.vector_store %arg32[%swap3A_981, %swap3A_982], %gather3A_979 {strides = array<i32>} : memref<2x128xi32, #tpu.memory_space<vmem>>, vector<16xi32>,
      %gather3A_984 = tpu.vector_load_idx %arg28[%add3A_977, %and3A_978] : memref<64x16xf32, #tpu.memory_space<vmem>>[vector<16xi32>, vector<16xi32>], vector<16xf32>,
      %swap3A_985 = arith.constant 128 : index
      %swap3A_986 = tpu.vector_load %arg40[%swap3A_985] {strides = array<i32>} : memref<320xf32, #tpu.memory_space<vmem>>, vector<16xf32>,
      tpu.vector_store %arg40[%swap3A_985], %gather3A_984 {strides = array<i32>} : memref<320xf32, #tpu.memory_space<vmem>>, vector<16xf32>,
      %broadcast_in_dim3A_987 = arith.constant 144 : i32
      %broadcast_in_dim3A_988 = vector.broadcast %broadcast_in_dim3A_987 : i32 to vector<16xi32>
      %add3A_989 = arith.addi %iota3A, %broadcast_in_dim3A_988 : vector<16xi32>
      %div3A_990 = arith.divsi %add3A_989, %broadcast_in_dim3A_15 : vector<16xi32>
      %mul3A_991 = arith.muli %div3A_990, %broadcast_in_dim3A_15 : vector<16xi32>
      %sub3A_992 = arith.subi %add3A_989, %mul3A_991 : vector<16xi32>
      %gather3A_993 = tpu.vector_load_idx %arg18[%div3A_990] : memref<32xi32, #tpu.memory_space<vmem>>[vector<16xi32>], vector<16xi32>,
      %mul3A_994 = arith.muli %gather3A_993, %broadcast_in_dim3A_15 : vector<16xi32>
      %shift_right_logical3A_995 = arith.shrui %mul3A_994, %broadcast_in_dim3A_7 : vector<16xi32>
      %add3A_996 = arith.addi %mul3A_994, %sub3A_992 : vector<16xi32>
      %shift_right_logical3A_997 = arith.shrui %add3A_996, %broadcast_in_dim3A_7 : vector<16xi32>
      %sub3A_998 = arith.subi %shift_right_logical3A_997, %shift_right_logical3A_995 : vector<16xi32>
      %broadcast_in_dim3A_999 = arith.constant 32 : i32
      %broadcast_in_dim3A_1000 = vector.broadcast %broadcast_in_dim3A_999 : i32 to vector<16xi32>
      %mul3A_1001 = arith.muli %sub3A_998, %broadcast_in_dim3A_1000 : vector<16xi32>
      %add3A_1002 = arith.addi %div3A_990, %mul3A_1001 : vector<16xi32>
      %and3A_1003 = arith.andi %add3A_996, %broadcast_in_dim3A_9 : vector<16xi32>
      %gather3A_1004 = tpu.vector_load_idx %arg27[%add3A_1002, %and3A_1003] : memref<64x16xi32, #tpu.memory_space<vmem>>[vector<16xi32>, vector<16xi32>], vector<16xi32>,
      %swap3A_1005 = arith.constant 1 : i32
      %swap3A_1006 = arith.index_cast %swap3A_1005 : i32 to index
      %swap3A_1007 = arith.constant 16 : index
      %swap3A_1008 = tpu.vector_load %arg32[%swap3A_1006, %swap3A_1007] {strides = array<i32>} : memref<2x128xi32, #tpu.memory_space<vmem>>, vector<16xi32>,
      tpu.vector_store %arg32[%swap3A_1006, %swap3A_1007], %gather3A_1004 {strides = array<i32>} : memref<2x128xi32, #tpu.memory_space<vmem>>, vector<16xi32>,
      %gather3A_1009 = tpu.vector_load_idx %arg28[%add3A_1002, %and3A_1003] : memref<64x16xf32, #tpu.memory_space<vmem>>[vector<16xi32>, vector<16xi32>], vector<16xf32>,
      %swap3A_1010 = arith.constant 144 : index
      %swap3A_1011 = tpu.vector_load %arg40[%swap3A_1010] {strides = array<i32>} : memref<320xf32, #tpu.memory_space<vmem>>, vector<16xf32>,
      tpu.vector_store %arg40[%swap3A_1010], %gather3A_1009 {strides = array<i32>} : memref<320xf32, #tpu.memory_space<vmem>>, vector<16xf32>,
      %broadcast_in_dim3A_1012 = arith.constant 160 : i32
      %broadcast_in_dim3A_1013 = vector.broadcast %broadcast_in_dim3A_1012 : i32 to vector<16xi32>
      %add3A_1014 = arith.addi %iota3A, %broadcast_in_dim3A_1013 : vector<16xi32>
      %div3A_1015 = arith.divsi %add3A_1014, %broadcast_in_dim3A_15 : vector<16xi32>
      %mul3A_1016 = arith.muli %div3A_1015, %broadcast_in_dim3A_15 : vector<16xi32>
      %sub3A_1017 = arith.subi %add3A_1014, %mul3A_1016 : vector<16xi32>
      %gather3A_1018 = tpu.vector_load_idx %arg18[%div3A_1015] : memref<32xi32, #tpu.memory_space<vmem>>[vector<16xi32>], vector<16xi32>,
      %mul3A_1019 = arith.muli %gather3A_1018, %broadcast_in_dim3A_15 : vector<16xi32>
      %shift_right_logical3A_1020 = arith.shrui %mul3A_1019, %broadcast_in_dim3A_7 : vector<16xi32>
      %add3A_1021 = arith.addi %mul3A_1019, %sub3A_1017 : vector<16xi32>
      %shift_right_logical3A_1022 = arith.shrui %add3A_1021, %broadcast_in_dim3A_7 : vector<16xi32>
      %sub3A_1023 = arith.subi %shift_right_logical3A_1022, %shift_right_logical3A_1020 : vector<16xi32>
      %broadcast_in_dim3A_1024 = arith.constant 32 : i32
      %broadcast_in_dim3A_1025 = vector.broadcast %broadcast_in_dim3A_1024 : i32 to vector<16xi32>
      %mul3A_1026 = arith.muli %sub3A_1023, %broadcast_in_dim3A_1025 : vector<16xi32>
      %add3A_1027 = arith.addi %div3A_1015, %mul3A_1026 : vector<16xi32>
      %and3A_1028 = arith.andi %add3A_1021, %broadcast_in_dim3A_9 : vector<16xi32>
      %gather3A_1029 = tpu.vector_load_idx %arg27[%add3A_1027, %and3A_1028] : memref<64x16xi32, #tpu.memory_space<vmem>>[vector<16xi32>, vector<16xi32>], vector<16xi32>,
      %swap3A_1030 = arith.constant 1 : i32
      %swap3A_1031 = arith.index_cast %swap3A_1030 : i32 to index
      %swap3A_1032 = arith.constant 32 : index
      %swap3A_1033 = tpu.vector_load %arg32[%swap3A_1031, %swap3A_1032] {strides = array<i32>} : memref<2x128xi32, #tpu.memory_space<vmem>>, vector<16xi32>,
      tpu.vector_store %arg32[%swap3A_1031, %swap3A_1032], %gather3A_1029 {strides = array<i32>} : memref<2x128xi32, #tpu.memory_space<vmem>>, vector<16xi32>,
      %gather3A_1034 = tpu.vector_load_idx %arg28[%add3A_1027, %and3A_1028] : memref<64x16xf32, #tpu.memory_space<vmem>>[vector<16xi32>, vector<16xi32>], vector<16xf32>,
      %swap3A_1035 = arith.constant 160 : index
      %swap3A_1036 = tpu.vector_load %arg40[%swap3A_1035] {strides = array<i32>} : memref<320xf32, #tpu.memory_space<vmem>>, vector<16xf32>,
      tpu.vector_store %arg40[%swap3A_1035], %gather3A_1034 {strides = array<i32>} : memref<320xf32, #tpu.memory_space<vmem>>, vector<16xf32>,
      %broadcast_in_dim3A_1037 = arith.constant 176 : i32
      %broadcast_in_dim3A_1038 = vector.broadcast %broadcast_in_dim3A_1037 : i32 to vector<16xi32>
      %add3A_1039 = arith.addi %iota3A, %broadcast_in_dim3A_1038 : vector<16xi32>
      %div3A_1040 = arith.divsi %add3A_1039, %broadcast_in_dim3A_15 : vector<16xi32>
      %mul3A_1041 = arith.muli %div3A_1040, %broadcast_in_dim3A_15 : vector<16xi32>
      %sub3A_1042 = arith.subi %add3A_1039, %mul3A_1041 : vector<16xi32>
      %gather3A_1043 = tpu.vector_load_idx %arg18[%div3A_1040] : memref<32xi32, #tpu.memory_space<vmem>>[vector<16xi32>], vector<16xi32>,
      %mul3A_1044 = arith.muli %gather3A_1043, %broadcast_in_dim3A_15 : vector<16xi32>
      %shift_right_logical3A_1045 = arith.shrui %mul3A_1044, %broadcast_in_dim3A_7 : vector<16xi32>
      %add3A_1046 = arith.addi %mul3A_1044, %sub3A_1042 : vector<16xi32>
      %shift_right_logical3A_1047 = arith.shrui %add3A_1046, %broadcast_in_dim3A_7 : vector<16xi32>
      %sub3A_1048 = arith.subi %shift_right_logical3A_1047, %shift_right_logical3A_1045 : vector<16xi32>
      %broadcast_in_dim3A_1049 = arith.constant 32 : i32
      %broadcast_in_dim3A_1050 = vector.broadcast %broadcast_in_dim3A_1049 : i32 to vector<16xi32>
      %mul3A_1051 = arith.muli %sub3A_1048, %broadcast_in_dim3A_1050 : vector<16xi32>
      %add3A_1052 = arith.addi %div3A_1040, %mul3A_1051 : vector<16xi32>
      %and3A_1053 = arith.andi %add3A_1046, %broadcast_in_dim3A_9 : vector<16xi32>
      %gather3A_1054 = tpu.vector_load_idx %arg27[%add3A_1052, %and3A_1053] : memref<64x16xi32, #tpu.memory_space<vmem>>[vector<16xi32>, vector<16xi32>], vector<16xi32>,
      %swap3A_1055 = arith.constant 1 : i32
      %swap3A_1056 = arith.index_cast %swap3A_1055 : i32 to index
      %swap3A_1057 = arith.constant 48 : index
      %swap3A_1058 = tpu.vector_load %arg32[%swap3A_1056, %swap3A_1057] {strides = array<i32>} : memref<2x128xi32, #tpu.memory_space<vmem>>, vector<16xi32>,
      tpu.vector_store %arg32[%swap3A_1056, %swap3A_1057], %gather3A_1054 {strides = array<i32>} : memref<2x128xi32, #tpu.memory_space<vmem>>, vector<16xi32>,
      %gather3A_1059 = tpu.vector_load_idx %arg28[%add3A_1052, %and3A_1053] : memref<64x16xf32, #tpu.memory_space<vmem>>[vector<16xi32>, vector<16xi32>], vector<16xf32>,
      %swap3A_1060 = arith.constant 176 : index
      %swap3A_1061 = tpu.vector_load %arg40[%swap3A_1060] {strides = array<i32>} : memref<320xf32, #tpu.memory_space<vmem>>, vector<16xf32>,
      tpu.vector_store %arg40[%swap3A_1060], %gather3A_1059 {strides = array<i32>} : memref<320xf32, #tpu.memory_space<vmem>>, vector<16xf32>,
      %broadcast_in_dim3A_1062 = arith.constant 192 : i32
      %broadcast_in_dim3A_1063 = vector.broadcast %broadcast_in_dim3A_1062 : i32 to vector<16xi32>
      %add3A_1064 = arith.addi %iota3A, %broadcast_in_dim3A_1063 : vector<16xi32>
      %div3A_1065 = arith.divsi %add3A_1064, %broadcast_in_dim3A_15 : vector<16xi32>
      %mul3A_1066 = arith.muli %div3A_1065, %broadcast_in_dim3A_15 : vector<16xi32>
      %sub3A_1067 = arith.subi %add3A_1064, %mul3A_1066 : vector<16xi32>
      %gather3A_1068 = tpu.vector_load_idx %arg18[%div3A_1065] : memref<32xi32, #tpu.memory_space<vmem>>[vector<16xi32>], vector<16xi32>,
      %mul3A_1069 = arith.muli %gather3A_1068, %broadcast_in_dim3A_15 : vector<16xi32>
      %shift_right_logical3A_1070 = arith.shrui %mul3A_1069, %broadcast_in_dim3A_7 : vector<16xi32>
      %add3A_1071 = arith.addi %mul3A_1069, %sub3A_1067 : vector<16xi32>
      %shift_right_logical3A_1072 = arith.shrui %add3A_1071, %broadcast_in_dim3A_7 : vector<16xi32>
      %sub3A_1073 = arith.subi %shift_right_logical3A_1072, %shift_right_logical3A_1070 : vector<16xi32>
      %broadcast_in_dim3A_1074 = arith.constant 32 : i32
      %broadcast_in_dim3A_1075 = vector.broadcast %broadcast_in_dim3A_1074 : i32 to vector<16xi32>
      %mul3A_1076 = arith.muli %sub3A_1073, %broadcast_in_dim3A_1075 : vector<16xi32>
      %add3A_1077 = arith.addi %div3A_1065, %mul3A_1076 : vector<16xi32>
      %and3A_1078 = arith.andi %add3A_1071, %broadcast_in_dim3A_9 : vector<16xi32>
      %gather3A_1079 = tpu.vector_load_idx %arg27[%add3A_1077, %and3A_1078] : memref<64x16xi32, #tpu.memory_space<vmem>>[vector<16xi32>, vector<16xi32>], vector<16xi32>,
      %swap3A_1080 = arith.constant 1 : i32
      %swap3A_1081 = arith.index_cast %swap3A_1080 : i32 to index
      %swap3A_1082 = arith.constant 64 : index
      %swap3A_1083 = tpu.vector_load %arg32[%swap3A_1081, %swap3A_1082] {strides = array<i32>} : memref<2x128xi32, #tpu.memory_space<vmem>>, vector<16xi32>,
      tpu.vector_store %arg32[%swap3A_1081, %swap3A_1082], %gather3A_1079 {strides = array<i32>} : memref<2x128xi32, #tpu.memory_space<vmem>>, vector<16xi32>,
      %gather3A_1084 = tpu.vector_load_idx %arg28[%add3A_1077, %and3A_1078] : memref<64x16xf32, #tpu.memory_space<vmem>>[vector<16xi32>, vector<16xi32>], vector<16xf32>,
      %swap3A_1085 = arith.constant 192 : index
      %swap3A_1086 = tpu.vector_load %arg40[%swap3A_1085] {strides = array<i32>} : memref<320xf32, #tpu.memory_space<vmem>>, vector<16xf32>,
      tpu.vector_store %arg40[%swap3A_1085], %gather3A_1084 {strides = array<i32>} : memref<320xf32, #tpu.memory_space<vmem>>, vector<16xf32>,
      %broadcast_in_dim3A_1087 = arith.constant 208 : i32
      %broadcast_in_dim3A_1088 = vector.broadcast %broadcast_in_dim3A_1087 : i32 to vector<16xi32>
      %add3A_1089 = arith.addi %iota3A, %broadcast_in_dim3A_1088 : vector<16xi32>
      %div3A_1090 = arith.divsi %add3A_1089, %broadcast_in_dim3A_15 : vector<16xi32>
      %mul3A_1091 = arith.muli %div3A_1090, %broadcast_in_dim3A_15 : vector<16xi32>
      %sub3A_1092 = arith.subi %add3A_1089, %mul3A_1091 : vector<16xi32>
      %gather3A_1093 = tpu.vector_load_idx %arg18[%div3A_1090] : memref<32xi32, #tpu.memory_space<vmem>>[vector<16xi32>], vector<16xi32>,
      %mul3A_1094 = arith.muli %gather3A_1093, %broadcast_in_dim3A_15 : vector<16xi32>
      %shift_right_logical3A_1095 = arith.shrui %mul3A_1094, %broadcast_in_dim3A_7 : vector<16xi32>
      %add3A_1096 = arith.addi %mul3A_1094, %sub3A_1092 : vector<16xi32>
      %shift_right_logical3A_1097 = arith.shrui %add3A_1096, %broadcast_in_dim3A_7 : vector<16xi32>
      %sub3A_1098 = arith.subi %shift_right_logical3A_1097, %shift_right_logical3A_1095 : vector<16xi32>
      %broadcast_in_dim3A_1099 = arith.constant 32 : i32
      %broadcast_in_dim3A_1100 = vector.broadcast %broadcast_in_dim3A_1099 : i32 to vector<16xi32>
      %mul3A_1101 = arith.muli %sub3A_1098, %broadcast_in_dim3A_1100 : vector<16xi32>
      %add3A_1102 = arith.addi %div3A_1090, %mul3A_1101 : vector<16xi32>
      %and3A_1103 = arith.andi %add3A_1096, %broadcast_in_dim3A_9 : vector<16xi32>
      %gather3A_1104 = tpu.vector_load_idx %arg27[%add3A_1102, %and3A_1103] : memref<64x16xi32, #tpu.memory_space<vmem>>[vector<16xi32>, vector<16xi32>], vector<16xi32>,
      %swap3A_1105 = arith.constant 1 : i32
      %swap3A_1106 = arith.index_cast %swap3A_1105 : i32 to index
      %swap3A_1107 = arith.constant 80 : index
      %swap3A_1108 = tpu.vector_load %arg32[%swap3A_1106, %swap3A_1107] {strides = array<i32>} : memref<2x128xi32, #tpu.memory_space<vmem>>, vector<16xi32>,
      tpu.vector_store %arg32[%swap3A_1106, %swap3A_1107], %gather3A_1104 {strides = array<i32>} : memref<2x128xi32, #tpu.memory_space<vmem>>, vector<16xi32>,
      %gather3A_1109 = tpu.vector_load_idx %arg28[%add3A_1102, %and3A_1103] : memref<64x16xf32, #tpu.memory_space<vmem>>[vector<16xi32>, vector<16xi32>], vector<16xf32>,
      %swap3A_1110 = arith.constant 208 : index
      %swap3A_1111 = tpu.vector_load %arg40[%swap3A_1110] {strides = array<i32>} : memref<320xf32, #tpu.memory_space<vmem>>, vector<16xf32>,
      tpu.vector_store %arg40[%swap3A_1110], %gather3A_1109 {strides = array<i32>} : memref<320xf32, #tpu.memory_space<vmem>>, vector<16xf32>,
      %broadcast_in_dim3A_1112 = arith.constant 224 : i32
      %broadcast_in_dim3A_1113 = vector.broadcast %broadcast_in_dim3A_1112 : i32 to vector<16xi32>
      %add3A_1114 = arith.addi %iota3A, %broadcast_in_dim3A_1113 : vector<16xi32>
      %div3A_1115 = arith.divsi %add3A_1114, %broadcast_in_dim3A_15 : vector<16xi32>
      %mul3A_1116 = arith.muli %div3A_1115, %broadcast_in_dim3A_15 : vector<16xi32>
      %sub3A_1117 = arith.subi %add3A_1114, %mul3A_1116 : vector<16xi32>
      %gather3A_1118 = tpu.vector_load_idx %arg18[%div3A_1115] : memref<32xi32, #tpu.memory_space<vmem>>[vector<16xi32>], vector<16xi32>,
      %mul3A_1119 = arith.muli %gather3A_1118, %broadcast_in_dim3A_15 : vector<16xi32>
      %shift_right_logical3A_1120 = arith.shrui %mul3A_1119, %broadcast_in_dim3A_7 : vector<16xi32>
      %add3A_1121 = arith.addi %mul3A_1119, %sub3A_1117 : vector<16xi32>
      %shift_right_logical3A_1122 = arith.shrui %add3A_1121, %broadcast_in_dim3A_7 : vector<16xi32>
      %sub3A_1123 = arith.subi %shift_right_logical3A_1122, %shift_right_logical3A_1120 : vector<16xi32>
      %broadcast_in_dim3A_1124 = arith.constant 32 : i32
      %broadcast_in_dim3A_1125 = vector.broadcast %broadcast_in_dim3A_1124 : i32 to vector<16xi32>
      %mul3A_1126 = arith.muli %sub3A_1123, %broadcast_in_dim3A_1125 : vector<16xi32>
      %add3A_1127 = arith.addi %div3A_1115, %mul3A_1126 : vector<16xi32>
      %and3A_1128 = arith.andi %add3A_1121, %broadcast_in_dim3A_9 : vector<16xi32>
      %gather3A_1129 = tpu.vector_load_idx %arg27[%add3A_1127, %and3A_1128] : memref<64x16xi32, #tpu.memory_space<vmem>>[vector<16xi32>, vector<16xi32>], vector<16xi32>,
      %swap3A_1130 = arith.constant 1 : i32
      %swap3A_1131 = arith.index_cast %swap3A_1130 : i32 to index
      %swap3A_1132 = arith.constant 96 : index
      %swap3A_1133 = tpu.vector_load %arg32[%swap3A_1131, %swap3A_1132] {strides = array<i32>} : memref<2x128xi32, #tpu.memory_space<vmem>>, vector<16xi32>,
      tpu.vector_store %arg32[%swap3A_1131, %swap3A_1132], %gather3A_1129 {strides = array<i32>} : memref<2x128xi32, #tpu.memory_space<vmem>>, vector<16xi32>,
      %gather3A_1134 = tpu.vector_load_idx %arg28[%add3A_1127, %and3A_1128] : memref<64x16xf32, #tpu.memory_space<vmem>>[vector<16xi32>, vector<16xi32>], vector<16xf32>,
      %swap3A_1135 = arith.constant 224 : index
      %swap3A_1136 = tpu.vector_load %arg40[%swap3A_1135] {strides = array<i32>} : memref<320xf32, #tpu.memory_space<vmem>>, vector<16xf32>,
      tpu.vector_store %arg40[%swap3A_1135], %gather3A_1134 {strides = array<i32>} : memref<320xf32, #tpu.memory_space<vmem>>, vector<16xf32>,
      %broadcast_in_dim3A_1137 = arith.constant 240 : i32
      %broadcast_in_dim3A_1138 = vector.broadcast %broadcast_in_dim3A_1137 : i32 to vector<16xi32>
      %add3A_1139 = arith.addi %iota3A, %broadcast_in_dim3A_1138 : vector<16xi32>
      %div3A_1140 = arith.divsi %add3A_1139, %broadcast_in_dim3A_15 : vector<16xi32>
      %mul3A_1141 = arith.muli %div3A_1140, %broadcast_in_dim3A_15 : vector<16xi32>
      %sub3A_1142 = arith.subi %add3A_1139, %mul3A_1141 : vector<16xi32>
      %gather3A_1143 = tpu.vector_load_idx %arg18[%div3A_1140] : memref<32xi32, #tpu.memory_space<vmem>>[vector<16xi32>], vector<16xi32>,
      %mul3A_1144 = arith.muli %gather3A_1143, %broadcast_in_dim3A_15 : vector<16xi32>
      %shift_right_logical3A_1145 = arith.shrui %mul3A_1144, %broadcast_in_dim3A_7 : vector<16xi32>
      %add3A_1146 = arith.addi %mul3A_1144, %sub3A_1142 : vector<16xi32>
      %shift_right_logical3A_1147 = arith.shrui %add3A_1146, %broadcast_in_dim3A_7 : vector<16xi32>
      %sub3A_1148 = arith.subi %shift_right_logical3A_1147, %shift_right_logical3A_1145 : vector<16xi32>
      %broadcast_in_dim3A_1149 = arith.constant 32 : i32
      %broadcast_in_dim3A_1150 = vector.broadcast %broadcast_in_dim3A_1149 : i32 to vector<16xi32>
      %mul3A_1151 = arith.muli %sub3A_1148, %broadcast_in_dim3A_1150 : vector<16xi32>
      %add3A_1152 = arith.addi %div3A_1140, %mul3A_1151 : vector<16xi32>
      %and3A_1153 = arith.andi %add3A_1146, %broadcast_in_dim3A_9 : vector<16xi32>
      %gather3A_1154 = tpu.vector_load_idx %arg27[%add3A_1152, %and3A_1153] : memref<64x16xi32, #tpu.memory_space<vmem>>[vector<16xi32>, vector<16xi32>], vector<16xi32>,
      %swap3A_1155 = arith.constant 1 : i32
      %swap3A_1156 = arith.index_cast %swap3A_1155 : i32 to index
      %swap3A_1157 = arith.constant 112 : index
      %swap3A_1158 = tpu.vector_load %arg32[%swap3A_1156, %swap3A_1157] {strides = array<i32>} : memref<2x128xi32, #tpu.memory_space<vmem>>, vector<16xi32>,
      tpu.vector_store %arg32[%swap3A_1156, %swap3A_1157], %gather3A_1154 {strides = array<i32>} : memref<2x128xi32, #tpu.memory_space<vmem>>, vector<16xi32>,
      %gather3A_1159 = tpu.vector_load_idx %arg28[%add3A_1152, %and3A_1153] : memref<64x16xf32, #tpu.memory_space<vmem>>[vector<16xi32>, vector<16xi32>], vector<16xf32>,
      %swap3A_1160 = arith.constant 240 : index
      %swap3A_1161 = tpu.vector_load %arg40[%swap3A_1160] {strides = array<i32>} : memref<320xf32, #tpu.memory_space<vmem>>, vector<16xf32>,
      tpu.vector_store %arg40[%swap3A_1160], %gather3A_1159 {strides = array<i32>} : memref<320xf32, #tpu.memory_space<vmem>>, vector<16xf32>,
      %broadcast_in_dim3A_1162 = arith.constant 256 : i32
      %broadcast_in_dim3A_1163 = vector.broadcast %broadcast_in_dim3A_1162 : i32 to vector<16xi32>
      %add3A_1164 = arith.addi %iota3A, %broadcast_in_dim3A_1163 : vector<16xi32>
      %div3A_1165 = arith.divsi %add3A_1164, %broadcast_in_dim3A_15 : vector<16xi32>
      %mul3A_1166 = arith.muli %div3A_1165, %broadcast_in_dim3A_15 : vector<16xi32>
      %sub3A_1167 = arith.subi %add3A_1164, %mul3A_1166 : vector<16xi32>
      %gather3A_1168 = tpu.vector_load_idx %arg18[%div3A_1165] : memref<32xi32, #tpu.memory_space<vmem>>[vector<16xi32>], vector<16xi32>,
      %mul3A_1169 = arith.muli %gather3A_1168, %broadcast_in_dim3A_15 : vector<16xi32>
      %shift_right_logical3A_1170 = arith.shrui %mul3A_1169, %broadcast_in_dim3A_7 : vector<16xi32>
      %add3A_1171 = arith.addi %mul3A_1169, %sub3A_1167 : vector<16xi32>
      %shift_right_logical3A_1172 = arith.shrui %add3A_1171, %broadcast_in_dim3A_7 : vector<16xi32>
      %sub3A_1173 = arith.subi %shift_right_logical3A_1172, %shift_right_logical3A_1170 : vector<16xi32>
      %broadcast_in_dim3A_1174 = arith.constant 32 : i32
      %broadcast_in_dim3A_1175 = vector.broadcast %broadcast_in_dim3A_1174 : i32 to vector<16xi32>
      %mul3A_1176 = arith.muli %sub3A_1173, %broadcast_in_dim3A_1175 : vector<16xi32>
      %add3A_1177 = arith.addi %div3A_1165, %mul3A_1176 : vector<16xi32>
      %and3A_1178 = arith.andi %add3A_1171, %broadcast_in_dim3A_9 : vector<16xi32>
      %gather3A_1179 = tpu.vector_load_idx %arg27[%add3A_1177, %and3A_1178] : memref<64x16xi32, #tpu.memory_space<vmem>>[vector<16xi32>, vector<16xi32>], vector<16xi32>,
      %swap3A_1180 = arith.constant 0 : index
      %swap3A_1181 = tpu.vector_load %arg33[%swap3A_1180] {strides = array<i32>} : memref<64xi32, #tpu.memory_space<vmem>>, vector<16xi32>,
      tpu.vector_store %arg33[%swap3A_1180], %gather3A_1179 {strides = array<i32>} : memref<64xi32, #tpu.memory_space<vmem>>, vector<16xi32>,
      %gather3A_1182 = tpu.vector_load_idx %arg28[%add3A_1177, %and3A_1178] : memref<64x16xf32, #tpu.memory_space<vmem>>[vector<16xi32>, vector<16xi32>], vector<16xf32>,
      %swap3A_1183 = arith.constant 256 : index
      %swap3A_1184 = tpu.vector_load %arg40[%swap3A_1183] {strides = array<i32>} : memref<320xf32, #tpu.memory_space<vmem>>, vector<16xf32>,
      tpu.vector_store %arg40[%swap3A_1183], %gather3A_1182 {strides = array<i32>} : memref<320xf32, #tpu.memory_space<vmem>>, vector<16xf32>,
      %broadcast_in_dim3A_1185 = arith.constant 272 : i32
      %broadcast_in_dim3A_1186 = vector.broadcast %broadcast_in_dim3A_1185 : i32 to vector<16xi32>
      %add3A_1187 = arith.addi %iota3A, %broadcast_in_dim3A_1186 : vector<16xi32>
      %div3A_1188 = arith.divsi %add3A_1187, %broadcast_in_dim3A_15 : vector<16xi32>
      %mul3A_1189 = arith.muli %div3A_1188, %broadcast_in_dim3A_15 : vector<16xi32>
      %sub3A_1190 = arith.subi %add3A_1187, %mul3A_1189 : vector<16xi32>
      %gather3A_1191 = tpu.vector_load_idx %arg18[%div3A_1188] : memref<32xi32, #tpu.memory_space<vmem>>[vector<16xi32>], vector<16xi32>,
      %mul3A_1192 = arith.muli %gather3A_1191, %broadcast_in_dim3A_15 : vector<16xi32>
      %shift_right_logical3A_1193 = arith.shrui %mul3A_1192, %broadcast_in_dim3A_7 : vector<16xi32>
      %add3A_1194 = arith.addi %mul3A_1192, %sub3A_1190 : vector<16xi32>
      %shift_right_logical3A_1195 = arith.shrui %add3A_1194, %broadcast_in_dim3A_7 : vector<16xi32>
      %sub3A_1196 = arith.subi %shift_right_logical3A_1195, %shift_right_logical3A_1193 : vector<16xi32>
      %broadcast_in_dim3A_1197 = arith.constant 32 : i32
      %broadcast_in_dim3A_1198 = vector.broadcast %broadcast_in_dim3A_1197 : i32 to vector<16xi32>
      %mul3A_1199 = arith.muli %sub3A_1196, %broadcast_in_dim3A_1198 : vector<16xi32>
      %add3A_1200 = arith.addi %div3A_1188, %mul3A_1199 : vector<16xi32>
      %and3A_1201 = arith.andi %add3A_1194, %broadcast_in_dim3A_9 : vector<16xi32>
      %gather3A_1202 = tpu.vector_load_idx %arg27[%add3A_1200, %and3A_1201] : memref<64x16xi32, #tpu.memory_space<vmem>>[vector<16xi32>, vector<16xi32>], vector<16xi32>,
      %swap3A_1203 = arith.constant 16 : index
      %swap3A_1204 = tpu.vector_load %arg33[%swap3A_1203] {strides = array<i32>} : memref<64xi32, #tpu.memory_space<vmem>>, vector<16xi32>,
      tpu.vector_store %arg33[%swap3A_1203], %gather3A_1202 {strides = array<i32>} : memref<64xi32, #tpu.memory_space<vmem>>, vector<16xi32>,
      %gather3A_1205 = tpu.vector_load_idx %arg28[%add3A_1200, %and3A_1201] : memref<64x16xf32, #tpu.memory_space<vmem>>[vector<16xi32>, vector<16xi32>], vector<16xf32>,
      %swap3A_1206 = arith.constant 272 : index
      %swap3A_1207 = tpu.vector_load %arg40[%swap3A_1206] {strides = array<i32>} : memref<320xf32, #tpu.memory_space<vmem>>, vector<16xf32>,
      tpu.vector_store %arg40[%swap3A_1206], %gather3A_1205 {strides = array<i32>} : memref<320xf32, #tpu.memory_space<vmem>>, vector<16xf32>,
      %broadcast_in_dim3A_1208 = arith.constant 288 : i32
      %broadcast_in_dim3A_1209 = vector.broadcast %broadcast_in_dim3A_1208 : i32 to vector<16xi32>
      %add3A_1210 = arith.addi %iota3A, %broadcast_in_dim3A_1209 : vector<16xi32>
      %div3A_1211 = arith.divsi %add3A_1210, %broadcast_in_dim3A_15 : vector<16xi32>
      %mul3A_1212 = arith.muli %div3A_1211, %broadcast_in_dim3A_15 : vector<16xi32>
      %sub3A_1213 = arith.subi %add3A_1210, %mul3A_1212 : vector<16xi32>
      %gather3A_1214 = tpu.vector_load_idx %arg18[%div3A_1211] : memref<32xi32, #tpu.memory_space<vmem>>[vector<16xi32>], vector<16xi32>,
      %mul3A_1215 = arith.muli %gather3A_1214, %broadcast_in_dim3A_15 : vector<16xi32>
      %shift_right_logical3A_1216 = arith.shrui %mul3A_1215, %broadcast_in_dim3A_7 : vector<16xi32>
      %add3A_1217 = arith.addi %mul3A_1215, %sub3A_1213 : vector<16xi32>
      %shift_right_logical3A_1218 = arith.shrui %add3A_1217, %broadcast_in_dim3A_7 : vector<16xi32>
      %sub3A_1219 = arith.subi %shift_right_logical3A_1218, %shift_right_logical3A_1216 : vector<16xi32>
      %broadcast_in_dim3A_1220 = arith.constant 32 : i32
      %broadcast_in_dim3A_1221 = vector.broadcast %broadcast_in_dim3A_1220 : i32 to vector<16xi32>
      %mul3A_1222 = arith.muli %sub3A_1219, %broadcast_in_dim3A_1221 : vector<16xi32>
      %add3A_1223 = arith.addi %div3A_1211, %mul3A_1222 : vector<16xi32>
      %and3A_1224 = arith.andi %add3A_1217, %broadcast_in_dim3A_9 : vector<16xi32>
      %gather3A_1225 = tpu.vector_load_idx %arg27[%add3A_1223, %and3A_1224] : memref<64x16xi32, #tpu.memory_space<vmem>>[vector<16xi32>, vector<16xi32>], vector<16xi32>,
      %swap3A_1226 = arith.constant 32 : index
      %swap3A_1227 = tpu.vector_load %arg33[%swap3A_1226] {strides = array<i32>} : memref<64xi32, #tpu.memory_space<vmem>>, vector<16xi32>,
      tpu.vector_store %arg33[%swap3A_1226], %gather3A_1225 {strides = array<i32>} : memref<64xi32, #tpu.memory_space<vmem>>, vector<16xi32>,
      %gather3A_1228 = tpu.vector_load_idx %arg28[%add3A_1223, %and3A_1224] : memref<64x16xf32, #tpu.memory_space<vmem>>[vector<16xi32>, vector<16xi32>], vector<16xf32>,
      %swap3A_1229 = arith.constant 288 : index
      %swap3A_1230 = tpu.vector_load %arg40[%swap3A_1229] {strides = array<i32>} : memref<320xf32, #tpu.memory_space<vmem>>, vector<16xf32>,
      tpu.vector_store %arg40[%swap3A_1229], %gather3A_1228 {strides = array<i32>} : memref<320xf32, #tpu.memory_space<vmem>>, vector<16xf32>,
      %broadcast_in_dim3A_1231 = arith.constant 304 : i32
      %broadcast_in_dim3A_1232 = vector.broadcast %broadcast_in_dim3A_1231 : i32 to vector<16xi32>
      %add3A_1233 = arith.addi %iota3A, %broadcast_in_dim3A_1232 : vector<16xi32>
      %div3A_1234 = arith.divsi %add3A_1233, %broadcast_in_dim3A_15 : vector<16xi32>
      %mul3A_1235 = arith.muli %div3A_1234, %broadcast_in_dim3A_15 : vector<16xi32>
      %sub3A_1236 = arith.subi %add3A_1233, %mul3A_1235 : vector<16xi32>
      %gather3A_1237 = tpu.vector_load_idx %arg18[%div3A_1234] : memref<32xi32, #tpu.memory_space<vmem>>[vector<16xi32>], vector<16xi32>,
      %mul3A_1238 = arith.muli %gather3A_1237, %broadcast_in_dim3A_15 : vector<16xi32>
      %shift_right_logical3A_1239 = arith.shrui %mul3A_1238, %broadcast_in_dim3A_7 : vector<16xi32>
      %add3A_1240 = arith.addi %mul3A_1238, %sub3A_1236 : vector<16xi32>
      %shift_right_logical3A_1241 = arith.shrui %add3A_1240, %broadcast_in_dim3A_7 : vector<16xi32>
      %sub3A_1242 = arith.subi %shift_right_logical3A_1241, %shift_right_logical3A_1239 : vector<16xi32>
      %broadcast_in_dim3A_1243 = arith.constant 32 : i32
      %broadcast_in_dim3A_1244 = vector.broadcast %broadcast_in_dim3A_1243 : i32 to vector<16xi32>
      %mul3A_1245 = arith.muli %sub3A_1242, %broadcast_in_dim3A_1244 : vector<16xi32>
      %add3A_1246 = arith.addi %div3A_1234, %mul3A_1245 : vector<16xi32>
      %and3A_1247 = arith.andi %add3A_1240, %broadcast_in_dim3A_9 : vector<16xi32>
      %gather3A_1248 = tpu.vector_load_idx %arg27[%add3A_1246, %and3A_1247] : memref<64x16xi32, #tpu.memory_space<vmem>>[vector<16xi32>, vector<16xi32>], vector<16xi32>,
      %swap3A_1249 = arith.constant 48 : index
      %swap3A_1250 = tpu.vector_load %arg33[%swap3A_1249] {strides = array<i32>} : memref<64xi32, #tpu.memory_space<vmem>>, vector<16xi32>,
      tpu.vector_store %arg33[%swap3A_1249], %gather3A_1248 {strides = array<i32>} : memref<64xi32, #tpu.memory_space<vmem>>, vector<16xi32>,
      %gather3A_1251 = tpu.vector_load_idx %arg28[%add3A_1246, %and3A_1247] : memref<64x16xf32, #tpu.memory_space<vmem>>[vector<16xi32>, vector<16xi32>], vector<16xf32>,
      %swap3A_1252 = arith.constant 304 : index
      %swap3A_1253 = tpu.vector_load %arg40[%swap3A_1252] {strides = array<i32>} : memref<320xf32, #tpu.memory_space<vmem>>, vector<16xf32>,
      tpu.vector_store %arg40[%swap3A_1252], %gather3A_1251 {strides = array<i32>} : memref<320xf32, #tpu.memory_space<vmem>>, vector<16xf32>,
      %dma_start3A_1254 = arith.constant 0 : i32
      %dma_start3A_1255 = arith.constant 0 : i32
      %dma_start3A_1256 = arith.constant 0 : i32
      %dma_start3A_1257 = tpu.memref_slice %arg34[%dma_start3A_1255, %dma_start3A_1256] : memref<320x64xf32, #tpu.memory_space<vmem>> -> memref<128x64xf32, #tpu.memory_space<vmem>>
      %dma_start3A_1258 = arith.constant 0 : i32
      %dma_start3A_1259 = tpu.memref_slice %arg32[%dma_start3A_1254, %dma_start3A_1258] : memref<2x128xi32, #tpu.memory_space<vmem>> -> memref<1x128xi32, #tpu.memory_space<vmem>>
      %dma_start3A_1260 = tpu.memref_squeeze %dma_start3A_1259 : memref<1x128xi32, #tpu.memory_space<vmem>> -> memref<128xi32, #tpu.memory_space<vmem>>
      %dma_start3A_1261 = arith.constant 0 : i32
      %dma_start3A_1262 = arith.constant 0 : i32
      %dma_start3A_1263 = tpu.memref_slice %arg6[%dma_start3A_1261, %dma_start3A_1262] : memref<100000x64xf32, #tpu.memory_space<hbm>> -> memref<100000x64xf32, #tpu.memory_space<hbm>>
      tpu.enqueue_indirect_dma source(%dma_start3A_1263 : memref<100000x64xf32, #tpu.memory_space<hbm>>) target(%dma_start3A_1257 : memref<128x64xf32, #tpu.memory_space<vmem>>) offsets(%dma_start3A_1260 : memref<128xi32, #tpu.memory_space<vmem>>) semaphore(%arg42 : memref<!tpu.dma_semaphore, #tpu.memory_space<semaphore_mem>>)
      %dma_start3A_1264 = arith.constant 1 : i32
      %dma_start3A_1265 = arith.constant 128 : i32
      %dma_start3A_1266 = arith.constant 0 : i32
      %dma_start3A_1267 = tpu.memref_slice %arg34[%dma_start3A_1265, %dma_start3A_1266] : memref<320x64xf32, #tpu.memory_space<vmem>> -> memref<128x64xf32, #tpu.memory_space<vmem>>
      %dma_start3A_1268 = arith.constant 0 : i32
      %dma_start3A_1269 = tpu.memref_slice %arg32[%dma_start3A_1264, %dma_start3A_1268] : memref<2x128xi32, #tpu.memory_space<vmem>> -> memref<1x128xi32, #tpu.memory_space<vmem>>
      %dma_start3A_1270 = tpu.memref_squeeze %dma_start3A_1269 : memref<1x128xi32, #tpu.memory_space<vmem>> -> memref<128xi32, #tpu.memory_space<vmem>>
      %dma_start3A_1271 = arith.constant 0 : i32
      %dma_start3A_1272 = arith.constant 0 : i32
      %dma_start3A_1273 = tpu.memref_slice %arg6[%dma_start3A_1271, %dma_start3A_1272] : memref<100000x64xf32, #tpu.memory_space<hbm>> -> memref<100000x64xf32, #tpu.memory_space<hbm>>
      tpu.enqueue_indirect_dma source(%dma_start3A_1273 : memref<100000x64xf32, #tpu.memory_space<hbm>>) target(%dma_start3A_1267 : memref<128x64xf32, #tpu.memory_space<vmem>>) offsets(%dma_start3A_1270 : memref<128xi32, #tpu.memory_space<vmem>>) semaphore(%arg42 : memref<!tpu.dma_semaphore, #tpu.memory_space<semaphore_mem>>)
      %dma_start3A_1274 = arith.constant 256 : i32
      %dma_start3A_1275 = arith.constant 0 : i32
      %dma_start3A_1276 = tpu.memref_slice %arg34[%dma_start3A_1274, %dma_start3A_1275] : memref<320x64xf32, #tpu.memory_space<vmem>> -> memref<64x64xf32, #tpu.memory_space<vmem>>
      %dma_start3A_1277 = arith.constant 0 : i32
      %dma_start3A_1278 = arith.constant 0 : i32
      %dma_start3A_1279 = tpu.memref_slice %arg6[%dma_start3A_1277, %dma_start3A_1278] : memref<100000x64xf32, #tpu.memory_space<hbm>> -> memref<100000x64xf32, #tpu.memory_space<hbm>>
      tpu.enqueue_indirect_dma source(%dma_start3A_1279 : memref<100000x64xf32, #tpu.memory_space<hbm>>) target(%dma_start3A_1276 : memref<64x64xf32, #tpu.memory_space<vmem>>) offsets(%arg33 : memref<64xi32, #tpu.memory_space<vmem>>) semaphore(%arg42 : memref<!tpu.dma_semaphore, #tpu.memory_space<semaphore_mem>>)
      %broadcast_in_dim3A_1280 = arith.constant 1.000000e+00 : f32
      %broadcast_in_dim3A_1281 = vector.broadcast %broadcast_in_dim3A_1280 : f32 to vector<16xf32>
      %broadcast_in_dim3A_1282 = arith.constant 1.000000e+00 : f32
      %broadcast_in_dim3A_1283 = vector.broadcast %broadcast_in_dim3A_1282 : f32 to vector<16xf32>
      %broadcast_in_dim3A_1284 = arith.constant 1.000000e+00 : f32
      %broadcast_in_dim3A_1285 = vector.broadcast %broadcast_in_dim3A_1284 : f32 to vector<16xf32>
      %broadcast_in_dim3A_1286 = arith.constant 1.000000e+00 : f32
      %broadcast_in_dim3A_1287 = vector.broadcast %broadcast_in_dim3A_1286 : f32 to vector<16xf32>
      %broadcast_in_dim3A_1288 = arith.constant 20 : i32
      %broadcast_in_dim3A_1289 = vector.broadcast %broadcast_in_dim3A_1288 : i32 to vector<16xi32>
      %broadcast_in_dim3A_1290 = arith.constant 0 : i32
      %broadcast_in_dim3A_1291 = vector.broadcast %broadcast_in_dim3A_1290 : i32 to vector<16xi32>
      %add3A_1292 = arith.addi %iota3A, %broadcast_in_dim3A_1291 : vector<16xi32>
      %get3A_1293 = arith.constant 0 : index
      %get3A_1294 = tpu.vector_load %arg17[%get3A_1293] {strides = array<i32>} : memref<32xi32, #tpu.memory_space<vmem>>, vector<16xi32>,
      %get3A_1295 = arith.constant 0 : index
      %get3A_1296 = tpu.vector_load %arg18[%get3A_1295] {strides = array<i32>} : memref<32xi32, #tpu.memory_space<vmem>>, vector<16xi32>,
      %and3A_1297 = arith.andi %get3A_1294, %broadcast_in_dim3A_9 : vector<16xi32>
      %gather3A_1298 = tpu.vector_load_idx %arg29[%add3A_1292, %and3A_1297] : memref<32x16xf32, #tpu.memory_space<vmem>>[vector<16xi32>, vector<16xi32>], vector<16xf32>,
      %and3A_1299 = arith.andi %get3A_1296, %broadcast_in_dim3A_9 : vector<16xi32>
      %gather3A_1300 = tpu.vector_load_idx %arg30[%add3A_1292, %and3A_1299] : memref<32x16xf32, #tpu.memory_space<vmem>>[vector<16xi32>, vector<16xi32>], vector<16xf32>,
      %scan3A_1301 = arith.constant 0 : i32
      %scan3A_1302 = arith.constant 64 : i32
      %scan3A_1303 = arith.addi %scan3A_1301, %scan3A_1302 : i32
      %scan3A_1304 = arith.constant 1 : i32
      %scan3A_1305:2 = scf.for %scan3A_1975 = %scan3A_1301 to %scan3A_1303 step %scan3A_1304 iter_args(%scan3A_1976 = %broadcast_in_dim3A_1, %scan3A_1977 = %broadcast_in_dim3A_3) -> (vector<16xi32>, vector<16xf32>)  : i32 {
        %gather3A_1978 = tpu.vector_load_idx %arg24[%add3A_1292, %scan3A_1976] : memref<32x64xf32, #tpu.memory_space<vmem>>[vector<16xi32>, vector<16xi32>], vector<16xf32>,
        %gather3A_1979 = tpu.vector_load_idx %arg25[%add3A_1292, %scan3A_1976] : memref<32x64xf32, #tpu.memory_space<vmem>>[vector<16xi32>, vector<16xi32>], vector<16xf32>,
        %mul3A_1980 = arith.mulf %gather3A_1978, %gather3A_1979 : vector<16xf32>
        %add3A_1981 = arith.addf %scan3A_1977, %mul3A_1980 : vector<16xf32>
        %add3A_1982 = arith.addi %scan3A_1976, %broadcast_in_dim3A_5 : vector<16xi32>
        scf.yield %add3A_1982, %add3A_1981 : vector<16xi32>, vector<16xf32>
      }
      %scan3A_1306 = arith.constant 64 : i32
      %swap3A_1307 = arith.constant 0 : index
      %swap3A_1308 = tpu.vector_load %arg35[%swap3A_1307] {strides = array<i32>} : memref<32xf32, #tpu.memory_space<vmem>>, vector<16xf32>,
      tpu.vector_store %arg35[%swap3A_1307], %scan3A_1305#1 {strides = array<i32>} : memref<32xf32, #tpu.memory_space<vmem>>, vector<16xf32>,
      %mul3A_1309 = arith.mulf %broadcast_in_dim3A_1283, %gather3A_1298 : vector<16xf32>
      %mul3A_1310 = arith.mulf %mul3A_1309, %gather3A_1300 : vector<16xf32>
      %add3A_1311 = arith.addf %broadcast_in_dim3A_1281, %mul3A_1310 : vector<16xf32>
      %swap3A_1312 = arith.constant 0 : index
      %swap3A_1313 = tpu.vector_load %arg36[%swap3A_1312] {strides = array<i32>} : memref<32xf32, #tpu.memory_space<vmem>>, vector<16xf32>,
      tpu.vector_store %arg36[%swap3A_1312], %add3A_1311 {strides = array<i32>} : memref<32xf32, #tpu.memory_space<vmem>>, vector<16xf32>,
      %mul3A_1314 = arith.muli %add3A_1292, %broadcast_in_dim3A_1289 : vector<16xi32>
      %broadcast_in_dim3A_1315 = arith.constant 0 : i32
      %broadcast_in_dim3A_1316 = vector.broadcast %broadcast_in_dim3A_1315 : i32 to vector<16xi32>
      %add3A_1317 = arith.addi %mul3A_1314, %broadcast_in_dim3A_1316 : vector<16xi32>
      %mul3A_1318 = arith.muli %add3A_1292, %broadcast_in_dim3A_1289 : vector<16xi32>
      %broadcast_in_dim3A_1319 = arith.constant 1 : i32
      %broadcast_in_dim3A_1320 = vector.broadcast %broadcast_in_dim3A_1319 : i32 to vector<16xi32>
      %add3A_1321 = arith.addi %mul3A_1318, %broadcast_in_dim3A_1320 : vector<16xi32>
      %mul3A_1322 = arith.muli %add3A_1292, %broadcast_in_dim3A_1289 : vector<16xi32>
      %broadcast_in_dim3A_1323 = arith.constant 2 : i32
      %broadcast_in_dim3A_1324 = vector.broadcast %broadcast_in_dim3A_1323 : i32 to vector<16xi32>
      %add3A_1325 = arith.addi %mul3A_1322, %broadcast_in_dim3A_1324 : vector<16xi32>
      %mul3A_1326 = arith.muli %add3A_1292, %broadcast_in_dim3A_1289 : vector<16xi32>
      %broadcast_in_dim3A_1327 = arith.constant 3 : i32
      %broadcast_in_dim3A_1328 = vector.broadcast %broadcast_in_dim3A_1327 : i32 to vector<16xi32>
      %add3A_1329 = arith.addi %mul3A_1326, %broadcast_in_dim3A_1328 : vector<16xi32>
      %mul3A_1330 = arith.muli %add3A_1292, %broadcast_in_dim3A_1289 : vector<16xi32>
      %broadcast_in_dim3A_1331 = arith.constant 4 : i32
      %broadcast_in_dim3A_1332 = vector.broadcast %broadcast_in_dim3A_1331 : i32 to vector<16xi32>
      %add3A_1333 = arith.addi %mul3A_1330, %broadcast_in_dim3A_1332 : vector<16xi32>
      %mul3A_1334 = arith.muli %add3A_1292, %broadcast_in_dim3A_1289 : vector<16xi32>
      %broadcast_in_dim3A_1335 = arith.constant 5 : i32
      %broadcast_in_dim3A_1336 = vector.broadcast %broadcast_in_dim3A_1335 : i32 to vector<16xi32>
      %add3A_1337 = arith.addi %mul3A_1334, %broadcast_in_dim3A_1336 : vector<16xi32>
      %mul3A_1338 = arith.muli %add3A_1292, %broadcast_in_dim3A_1289 : vector<16xi32>
      %broadcast_in_dim3A_1339 = arith.constant 6 : i32
      %broadcast_in_dim3A_1340 = vector.broadcast %broadcast_in_dim3A_1339 : i32 to vector<16xi32>
      %add3A_1341 = arith.addi %mul3A_1338, %broadcast_in_dim3A_1340 : vector<16xi32>
      %mul3A_1342 = arith.muli %add3A_1292, %broadcast_in_dim3A_1289 : vector<16xi32>
      %broadcast_in_dim3A_1343 = arith.constant 7 : i32
      %broadcast_in_dim3A_1344 = vector.broadcast %broadcast_in_dim3A_1343 : i32 to vector<16xi32>
      %add3A_1345 = arith.addi %mul3A_1342, %broadcast_in_dim3A_1344 : vector<16xi32>
      %mul3A_1346 = arith.muli %add3A_1292, %broadcast_in_dim3A_1289 : vector<16xi32>
      %broadcast_in_dim3A_1347 = arith.constant 8 : i32
      %broadcast_in_dim3A_1348 = vector.broadcast %broadcast_in_dim3A_1347 : i32 to vector<16xi32>
      %add3A_1349 = arith.addi %mul3A_1346, %broadcast_in_dim3A_1348 : vector<16xi32>
      %mul3A_1350 = arith.muli %add3A_1292, %broadcast_in_dim3A_1289 : vector<16xi32>
      %broadcast_in_dim3A_1351 = arith.constant 9 : i32
      %broadcast_in_dim3A_1352 = vector.broadcast %broadcast_in_dim3A_1351 : i32 to vector<16xi32>
      %add3A_1353 = arith.addi %mul3A_1350, %broadcast_in_dim3A_1352 : vector<16xi32>
      %mul3A_1354 = arith.muli %add3A_1292, %broadcast_in_dim3A_1289 : vector<16xi32>
      %broadcast_in_dim3A_1355 = arith.constant 10 : i32
      %broadcast_in_dim3A_1356 = vector.broadcast %broadcast_in_dim3A_1355 : i32 to vector<16xi32>
      %add3A_1357 = arith.addi %mul3A_1354, %broadcast_in_dim3A_1356 : vector<16xi32>
      %mul3A_1358 = arith.muli %add3A_1292, %broadcast_in_dim3A_1289 : vector<16xi32>
      %broadcast_in_dim3A_1359 = arith.constant 11 : i32
      %broadcast_in_dim3A_1360 = vector.broadcast %broadcast_in_dim3A_1359 : i32 to vector<16xi32>
      %add3A_1361 = arith.addi %mul3A_1358, %broadcast_in_dim3A_1360 : vector<16xi32>
      %mul3A_1362 = arith.muli %add3A_1292, %broadcast_in_dim3A_1289 : vector<16xi32>
      %broadcast_in_dim3A_1363 = arith.constant 12 : i32
      %broadcast_in_dim3A_1364 = vector.broadcast %broadcast_in_dim3A_1363 : i32 to vector<16xi32>
      %add3A_1365 = arith.addi %mul3A_1362, %broadcast_in_dim3A_1364 : vector<16xi32>
      %mul3A_1366 = arith.muli %add3A_1292, %broadcast_in_dim3A_1289 : vector<16xi32>
      %broadcast_in_dim3A_1367 = arith.constant 13 : i32
      %broadcast_in_dim3A_1368 = vector.broadcast %broadcast_in_dim3A_1367 : i32 to vector<16xi32>
      %add3A_1369 = arith.addi %mul3A_1366, %broadcast_in_dim3A_1368 : vector<16xi32>
      %mul3A_1370 = arith.muli %add3A_1292, %broadcast_in_dim3A_1289 : vector<16xi32>
      %broadcast_in_dim3A_1371 = arith.constant 14 : i32
      %broadcast_in_dim3A_1372 = vector.broadcast %broadcast_in_dim3A_1371 : i32 to vector<16xi32>
      %add3A_1373 = arith.addi %mul3A_1370, %broadcast_in_dim3A_1372 : vector<16xi32>
      %mul3A_1374 = arith.muli %add3A_1292, %broadcast_in_dim3A_1289 : vector<16xi32>
      %broadcast_in_dim3A_1375 = arith.constant 15 : i32
      %broadcast_in_dim3A_1376 = vector.broadcast %broadcast_in_dim3A_1375 : i32 to vector<16xi32>
      %add3A_1377 = arith.addi %mul3A_1374, %broadcast_in_dim3A_1376 : vector<16xi32>
      %mul3A_1378 = arith.muli %add3A_1292, %broadcast_in_dim3A_1289 : vector<16xi32>
      %broadcast_in_dim3A_1379 = arith.constant 16 : i32
      %broadcast_in_dim3A_1380 = vector.broadcast %broadcast_in_dim3A_1379 : i32 to vector<16xi32>
      %add3A_1381 = arith.addi %mul3A_1378, %broadcast_in_dim3A_1380 : vector<16xi32>
      %mul3A_1382 = arith.muli %add3A_1292, %broadcast_in_dim3A_1289 : vector<16xi32>
      %broadcast_in_dim3A_1383 = arith.constant 17 : i32
      %broadcast_in_dim3A_1384 = vector.broadcast %broadcast_in_dim3A_1383 : i32 to vector<16xi32>
      %add3A_1385 = arith.addi %mul3A_1382, %broadcast_in_dim3A_1384 : vector<16xi32>
      %mul3A_1386 = arith.muli %add3A_1292, %broadcast_in_dim3A_1289 : vector<16xi32>
      %broadcast_in_dim3A_1387 = arith.constant 18 : i32
      %broadcast_in_dim3A_1388 = vector.broadcast %broadcast_in_dim3A_1387 : i32 to vector<16xi32>
      %add3A_1389 = arith.addi %mul3A_1386, %broadcast_in_dim3A_1388 : vector<16xi32>
      %mul3A_1390 = arith.muli %add3A_1292, %broadcast_in_dim3A_1289 : vector<16xi32>
      %broadcast_in_dim3A_1391 = arith.constant 19 : i32
      %broadcast_in_dim3A_1392 = vector.broadcast %broadcast_in_dim3A_1391 : i32 to vector<16xi32>
      %add3A_1393 = arith.addi %mul3A_1390, %broadcast_in_dim3A_1392 : vector<16xi32>
      %scan3A_1394 = arith.constant 0 : i32
      %scan3A_1395 = arith.constant 64 : i32
      %scan3A_1396 = arith.addi %scan3A_1394, %scan3A_1395 : i32
      %scan3A_1397 = arith.constant 1 : i32
      %scan3A_1398:21 = scf.for %scan3A_1975 = %scan3A_1394 to %scan3A_1396 step %scan3A_1397 iter_args(%scan3A_1976 = %broadcast_in_dim3A_1, %scan3A_1977 = %broadcast_in_dim3A_3, %scan3A_1978 = %broadcast_in_dim3A_3, %scan3A_1979 = %broadcast_in_dim3A_3, %scan3A_1980 = %broadcast_in_dim3A_3, %scan3A_1981 = %broadcast_in_dim3A_3, %scan3A_1982 = %broadcast_in_dim3A_3, %scan3A_1983 = %broadcast_in_dim3A_3, %scan3A_1984 = %broadcast_in_dim3A_3, %scan3A_1985 = %broadcast_in_dim3A_3, %scan3A_1986 = %broadcast_in_dim3A_3, %scan3A_1987 = %broadcast_in_dim3A_3, %scan3A_1988 = %broadcast_in_dim3A_3, %scan3A_1989 = %broadcast_in_dim3A_3, %scan3A_1990 = %broadcast_in_dim3A_3, %scan3A_1991 = %broadcast_in_dim3A_3, %scan3A_1992 = %broadcast_in_dim3A_3, %scan3A_1993 = %broadcast_in_dim3A_3, %scan3A_1994 = %broadcast_in_dim3A_3, %scan3A_1995 = %broadcast_in_dim3A_3, %scan3A_1996 = %broadcast_in_dim3A_3) -> (vector<16xi32>, vector<16xf32>, vector<16xf32>, vector<16xf32>, vector<16xf32>, vector<16xf32>, vector<16xf32>, vector<16xf32>, vector<16xf32>, vector<16xf32>, vector<16xf32>, vector<16xf32>, vector<16xf32>, vector<16xf32>, vector<16xf32>, vector<16xf32>, vector<16xf32>, vector<16xf32>, vector<16xf32>, vector<16xf32>, vector<16xf32>)  : i32 {
        %gather3A_1997 = tpu.vector_load_idx %arg24[%add3A_1292, %scan3A_1976] : memref<32x64xf32, #tpu.memory_space<vmem>>[vector<16xi32>, vector<16xi32>], vector<16xf32>,
        %gather3A_1998 = tpu.vector_load_idx %arg26[%add3A_1317, %scan3A_1976] : memref<640x64xf32, #tpu.memory_space<vmem>>[vector<16xi32>, vector<16xi32>], vector<16xf32>,
        %mul3A_1999 = arith.mulf %gather3A_1997, %gather3A_1998 : vector<16xf32>
        %add3A_2000 = arith.addf %scan3A_1977, %mul3A_1999 : vector<16xf32>
        %gather3A_2001 = tpu.vector_load_idx %arg26[%add3A_1321, %scan3A_1976] : memref<640x64xf32, #tpu.memory_space<vmem>>[vector<16xi32>, vector<16xi32>], vector<16xf32>,
        %mul3A_2002 = arith.mulf %gather3A_1997, %gather3A_2001 : vector<16xf32>
        %add3A_2003 = arith.addf %scan3A_1978, %mul3A_2002 : vector<16xf32>
        %gather3A_2004 = tpu.vector_load_idx %arg26[%add3A_1325, %scan3A_1976] : memref<640x64xf32, #tpu.memory_space<vmem>>[vector<16xi32>, vector<16xi32>], vector<16xf32>,
        %mul3A_2005 = arith.mulf %gather3A_1997, %gather3A_2004 : vector<16xf32>
        %add3A_2006 = arith.addf %scan3A_1979, %mul3A_2005 : vector<16xf32>
        %gather3A_2007 = tpu.vector_load_idx %arg26[%add3A_1329, %scan3A_1976] : memref<640x64xf32, #tpu.memory_space<vmem>>[vector<16xi32>, vector<16xi32>], vector<16xf32>,
        %mul3A_2008 = arith.mulf %gather3A_1997, %gather3A_2007 : vector<16xf32>
        %add3A_2009 = arith.addf %scan3A_1980, %mul3A_2008 : vector<16xf32>
        %gather3A_2010 = tpu.vector_load_idx %arg26[%add3A_1333, %scan3A_1976] : memref<640x64xf32, #tpu.memory_space<vmem>>[vector<16xi32>, vector<16xi32>], vector<16xf32>,
        %mul3A_2011 = arith.mulf %gather3A_1997, %gather3A_2010 : vector<16xf32>
        %add3A_2012 = arith.addf %scan3A_1981, %mul3A_2011 : vector<16xf32>
        %gather3A_2013 = tpu.vector_load_idx %arg26[%add3A_1337, %scan3A_1976] : memref<640x64xf32, #tpu.memory_space<vmem>>[vector<16xi32>, vector<16xi32>], vector<16xf32>,
        %mul3A_2014 = arith.mulf %gather3A_1997, %gather3A_2013 : vector<16xf32>
        %add3A_2015 = arith.addf %scan3A_1982, %mul3A_2014 : vector<16xf32>
        %gather3A_2016 = tpu.vector_load_idx %arg26[%add3A_1341, %scan3A_1976] : memref<640x64xf32, #tpu.memory_space<vmem>>[vector<16xi32>, vector<16xi32>], vector<16xf32>,
        %mul3A_2017 = arith.mulf %gather3A_1997, %gather3A_2016 : vector<16xf32>
        %add3A_2018 = arith.addf %scan3A_1983, %mul3A_2017 : vector<16xf32>
        %gather3A_2019 = tpu.vector_load_idx %arg26[%add3A_1345, %scan3A_1976] : memref<640x64xf32, #tpu.memory_space<vmem>>[vector<16xi32>, vector<16xi32>], vector<16xf32>,
        %mul3A_2020 = arith.mulf %gather3A_1997, %gather3A_2019 : vector<16xf32>
        %add3A_2021 = arith.addf %scan3A_1984, %mul3A_2020 : vector<16xf32>
        %gather3A_2022 = tpu.vector_load_idx %arg26[%add3A_1349, %scan3A_1976] : memref<640x64xf32, #tpu.memory_space<vmem>>[vector<16xi32>, vector<16xi32>], vector<16xf32>,
        %mul3A_2023 = arith.mulf %gather3A_1997, %gather3A_2022 : vector<16xf32>
        %add3A_2024 = arith.addf %scan3A_1985, %mul3A_2023 : vector<16xf32>
        %gather3A_2025 = tpu.vector_load_idx %arg26[%add3A_1353, %scan3A_1976] : memref<640x64xf32, #tpu.memory_space<vmem>>[vector<16xi32>, vector<16xi32>], vector<16xf32>,
        %mul3A_2026 = arith.mulf %gather3A_1997, %gather3A_2025 : vector<16xf32>
        %add3A_2027 = arith.addf %scan3A_1986, %mul3A_2026 : vector<16xf32>
        %gather3A_2028 = tpu.vector_load_idx %arg26[%add3A_1357, %scan3A_1976] : memref<640x64xf32, #tpu.memory_space<vmem>>[vector<16xi32>, vector<16xi32>], vector<16xf32>,
        %mul3A_2029 = arith.mulf %gather3A_1997, %gather3A_2028 : vector<16xf32>
        %add3A_2030 = arith.addf %scan3A_1987, %mul3A_2029 : vector<16xf32>
        %gather3A_2031 = tpu.vector_load_idx %arg26[%add3A_1361, %scan3A_1976] : memref<640x64xf32, #tpu.memory_space<vmem>>[vector<16xi32>, vector<16xi32>], vector<16xf32>,
        %mul3A_2032 = arith.mulf %gather3A_1997, %gather3A_2031 : vector<16xf32>
        %add3A_2033 = arith.addf %scan3A_1988, %mul3A_2032 : vector<16xf32>
        %gather3A_2034 = tpu.vector_load_idx %arg26[%add3A_1365, %scan3A_1976] : memref<640x64xf32, #tpu.memory_space<vmem>>[vector<16xi32>, vector<16xi32>], vector<16xf32>,
        %mul3A_2035 = arith.mulf %gather3A_1997, %gather3A_2034 : vector<16xf32>
        %add3A_2036 = arith.addf %scan3A_1989, %mul3A_2035 : vector<16xf32>
        %gather3A_2037 = tpu.vector_load_idx %arg26[%add3A_1369, %scan3A_1976] : memref<640x64xf32, #tpu.memory_space<vmem>>[vector<16xi32>, vector<16xi32>], vector<16xf32>,
        %mul3A_2038 = arith.mulf %gather3A_1997, %gather3A_2037 : vector<16xf32>
        %add3A_2039 = arith.addf %scan3A_1990, %mul3A_2038 : vector<16xf32>
        %gather3A_2040 = tpu.vector_load_idx %arg26[%add3A_1373, %scan3A_1976] : memref<640x64xf32, #tpu.memory_space<vmem>>[vector<16xi32>, vector<16xi32>], vector<16xf32>,
        %mul3A_2041 = arith.mulf %gather3A_1997, %gather3A_2040 : vector<16xf32>
        %add3A_2042 = arith.addf %scan3A_1991, %mul3A_2041 : vector<16xf32>
        %gather3A_2043 = tpu.vector_load_idx %arg26[%add3A_1377, %scan3A_1976] : memref<640x64xf32, #tpu.memory_space<vmem>>[vector<16xi32>, vector<16xi32>], vector<16xf32>,
        %mul3A_2044 = arith.mulf %gather3A_1997, %gather3A_2043 : vector<16xf32>
        %add3A_2045 = arith.addf %scan3A_1992, %mul3A_2044 : vector<16xf32>
        %gather3A_2046 = tpu.vector_load_idx %arg26[%add3A_1381, %scan3A_1976] : memref<640x64xf32, #tpu.memory_space<vmem>>[vector<16xi32>, vector<16xi32>], vector<16xf32>,
        %mul3A_2047 = arith.mulf %gather3A_1997, %gather3A_2046 : vector<16xf32>
        %add3A_2048 = arith.addf %scan3A_1993, %mul3A_2047 : vector<16xf32>
        %gather3A_2049 = tpu.vector_load_idx %arg26[%add3A_1385, %scan3A_1976] : memref<640x64xf32, #tpu.memory_space<vmem>>[vector<16xi32>, vector<16xi32>], vector<16xf32>,
        %mul3A_2050 = arith.mulf %gather3A_1997, %gather3A_2049 : vector<16xf32>
        %add3A_2051 = arith.addf %scan3A_1994, %mul3A_2050 : vector<16xf32>
        %gather3A_2052 = tpu.vector_load_idx %arg26[%add3A_1389, %scan3A_1976] : memref<640x64xf32, #tpu.memory_space<vmem>>[vector<16xi32>, vector<16xi32>], vector<16xf32>,
        %mul3A_2053 = arith.mulf %gather3A_1997, %gather3A_2052 : vector<16xf32>
        %add3A_2054 = arith.addf %scan3A_1995, %mul3A_2053 : vector<16xf32>
        %gather3A_2055 = tpu.vector_load_idx %arg26[%add3A_1393, %scan3A_1976] : memref<640x64xf32, #tpu.memory_space<vmem>>[vector<16xi32>, vector<16xi32>], vector<16xf32>,
        %mul3A_2056 = arith.mulf %gather3A_1997, %gather3A_2055 : vector<16xf32>
        %add3A_2057 = arith.addf %scan3A_1996, %mul3A_2056 : vector<16xf32>
        %add3A_2058 = arith.addi %scan3A_1976, %broadcast_in_dim3A_5 : vector<16xi32>
        scf.yield %add3A_2058, %add3A_2000, %add3A_2003, %add3A_2006, %add3A_2009, %add3A_2012, %add3A_2015, %add3A_2018, %add3A_2021, %add3A_2024, %add3A_2027, %add3A_2030, %add3A_2033, %add3A_2036, %add3A_2039, %add3A_2042, %add3A_2045, %add3A_2048, %add3A_2051, %add3A_2054, %add3A_2057 : vector<16xi32>, vector<16xf32>, vector<16xf32>, vector<16xf32>, vector<16xf32>, vector<16xf32>, vector<16xf32>, vector<16xf32>, vector<16xf32>, vector<16xf32>, vector<16xf32>, vector<16xf32>, vector<16xf32>, vector<16xf32>, vector<16xf32>, vector<16xf32>, vector<16xf32>, vector<16xf32>, vector<16xf32>, vector<16xf32>, vector<16xf32>
      }
      %scan3A_1399 = arith.constant 64 : i32
      tpu.vector_store_idx %arg37[%add3A_1317], %scan3A_1398#1 : memref<640xf32, #tpu.memory_space<vmem>>[vector<16xi32>], vector<16xf32>,
      %shift_right_logical3A_1400 = arith.shrui %add3A_1317, %broadcast_in_dim3A_11 : vector<16xi32>
      %and3A_1401 = arith.andi %add3A_1317, %broadcast_in_dim3A_13 : vector<16xi32>
      %gather3A_1402 = tpu.vector_load_idx %arg19[%shift_right_logical3A_1400, %and3A_1401] : memref<5x128xi32, #tpu.memory_space<vmem>>[vector<16xi32>, vector<16xi32>], vector<16xi32>,
      %and3A_1403 = arith.andi %gather3A_1402, %broadcast_in_dim3A_9 : vector<16xi32>
      %gather3A_1404 = tpu.vector_load_idx %arg31[%add3A_1317, %and3A_1403] : memref<640x16xf32, #tpu.memory_space<vmem>>[vector<16xi32>, vector<16xi32>], vector<16xf32>,
      %mul3A_1405 = arith.mulf %broadcast_in_dim3A_1287, %gather3A_1298 : vector<16xf32>
      %mul3A_1406 = arith.mulf %mul3A_1405, %gather3A_1404 : vector<16xf32>
      %add3A_1407 = arith.addf %broadcast_in_dim3A_1285, %mul3A_1406 : vector<16xf32>
      tpu.vector_store_idx %arg38[%add3A_1317], %add3A_1407 : memref<640xf32, #tpu.memory_space<vmem>>[vector<16xi32>], vector<16xf32>,
      tpu.vector_store_idx %arg37[%add3A_1321], %scan3A_1398#2 : memref<640xf32, #tpu.memory_space<vmem>>[vector<16xi32>], vector<16xf32>,
      %shift_right_logical3A_1408 = arith.shrui %add3A_1321, %broadcast_in_dim3A_11 : vector<16xi32>
      %and3A_1409 = arith.andi %add3A_1321, %broadcast_in_dim3A_13 : vector<16xi32>
      %gather3A_1410 = tpu.vector_load_idx %arg19[%shift_right_logical3A_1408, %and3A_1409] : memref<5x128xi32, #tpu.memory_space<vmem>>[vector<16xi32>, vector<16xi32>], vector<16xi32>,
      %and3A_1411 = arith.andi %gather3A_1410, %broadcast_in_dim3A_9 : vector<16xi32>
      %gather3A_1412 = tpu.vector_load_idx %arg31[%add3A_1321, %and3A_1411] : memref<640x16xf32, #tpu.memory_space<vmem>>[vector<16xi32>, vector<16xi32>], vector<16xf32>,
      %mul3A_1413 = arith.mulf %broadcast_in_dim3A_1287, %gather3A_1298 : vector<16xf32>
      %mul3A_1414 = arith.mulf %mul3A_1413, %gather3A_1412 : vector<16xf32>
      %add3A_1415 = arith.addf %broadcast_in_dim3A_1285, %mul3A_1414 : vector<16xf32>
      tpu.vector_store_idx %arg38[%add3A_1321], %add3A_1415 : memref<640xf32, #tpu.memory_space<vmem>>[vector<16xi32>], vector<16xf32>,
      tpu.vector_store_idx %arg37[%add3A_1325], %scan3A_1398#3 : memref<640xf32, #tpu.memory_space<vmem>>[vector<16xi32>], vector<16xf32>,
      %shift_right_logical3A_1416 = arith.shrui %add3A_1325, %broadcast_in_dim3A_11 : vector<16xi32>
      %and3A_1417 = arith.andi %add3A_1325, %broadcast_in_dim3A_13 : vector<16xi32>
      %gather3A_1418 = tpu.vector_load_idx %arg19[%shift_right_logical3A_1416, %and3A_1417] : memref<5x128xi32, #tpu.memory_space<vmem>>[vector<16xi32>, vector<16xi32>], vector<16xi32>,
      %and3A_1419 = arith.andi %gather3A_1418, %broadcast_in_dim3A_9 : vector<16xi32>
      %gather3A_1420 = tpu.vector_load_idx %arg31[%add3A_1325, %and3A_1419] : memref<640x16xf32, #tpu.memory_space<vmem>>[vector<16xi32>, vector<16xi32>], vector<16xf32>,
      %mul3A_1421 = arith.mulf %broadcast_in_dim3A_1287, %gather3A_1298 : vector<16xf32>
      %mul3A_1422 = arith.mulf %mul3A_1421, %gather3A_1420 : vector<16xf32>
      %add3A_1423 = arith.addf %broadcast_in_dim3A_1285, %mul3A_1422 : vector<16xf32>
      tpu.vector_store_idx %arg38[%add3A_1325], %add3A_1423 : memref<640xf32, #tpu.memory_space<vmem>>[vector<16xi32>], vector<16xf32>,
      tpu.vector_store_idx %arg37[%add3A_1329], %scan3A_1398#4 : memref<640xf32, #tpu.memory_space<vmem>>[vector<16xi32>], vector<16xf32>,
      %shift_right_logical3A_1424 = arith.shrui %add3A_1329, %broadcast_in_dim3A_11 : vector<16xi32>
      %and3A_1425 = arith.andi %add3A_1329, %broadcast_in_dim3A_13 : vector<16xi32>
      %gather3A_1426 = tpu.vector_load_idx %arg19[%shift_right_logical3A_1424, %and3A_1425] : memref<5x128xi32, #tpu.memory_space<vmem>>[vector<16xi32>, vector<16xi32>], vector<16xi32>,
      %and3A_1427 = arith.andi %gather3A_1426, %broadcast_in_dim3A_9 : vector<16xi32>
      %gather3A_1428 = tpu.vector_load_idx %arg31[%add3A_1329, %and3A_1427] : memref<640x16xf32, #tpu.memory_space<vmem>>[vector<16xi32>, vector<16xi32>], vector<16xf32>,
      %mul3A_1429 = arith.mulf %broadcast_in_dim3A_1287, %gather3A_1298 : vector<16xf32>
      %mul3A_1430 = arith.mulf %mul3A_1429, %gather3A_1428 : vector<16xf32>
      %add3A_1431 = arith.addf %broadcast_in_dim3A_1285, %mul3A_1430 : vector<16xf32>
      tpu.vector_store_idx %arg38[%add3A_1329], %add3A_1431 : memref<640xf32, #tpu.memory_space<vmem>>[vector<16xi32>], vector<16xf32>,
      tpu.vector_store_idx %arg37[%add3A_1333], %scan3A_1398#5 : memref<640xf32, #tpu.memory_space<vmem>>[vector<16xi32>], vector<16xf32>,
      %shift_right_logical3A_1432 = arith.shrui %add3A_1333, %broadcast_in_dim3A_11 : vector<16xi32>
      %and3A_1433 = arith.andi %add3A_1333, %broadcast_in_dim3A_13 : vector<16xi32>
      %gather3A_1434 = tpu.vector_load_idx %arg19[%shift_right_logical3A_1432, %and3A_1433] : memref<5x128xi32, #tpu.memory_space<vmem>>[vector<16xi32>, vector<16xi32>], vector<16xi32>,
      %and3A_1435 = arith.andi %gather3A_1434, %broadcast_in_dim3A_9 : vector<16xi32>
      %gather3A_1436 = tpu.vector_load_idx %arg31[%add3A_1333, %and3A_1435] : memref<640x16xf32, #tpu.memory_space<vmem>>[vector<16xi32>, vector<16xi32>], vector<16xf32>,
      %mul3A_1437 = arith.mulf %broadcast_in_dim3A_1287, %gather3A_1298 : vector<16xf32>
      %mul3A_1438 = arith.mulf %mul3A_1437, %gather3A_1436 : vector<16xf32>
      %add3A_1439 = arith.addf %broadcast_in_dim3A_1285, %mul3A_1438 : vector<16xf32>
      tpu.vector_store_idx %arg38[%add3A_1333], %add3A_1439 : memref<640xf32, #tpu.memory_space<vmem>>[vector<16xi32>], vector<16xf32>,
      tpu.vector_store_idx %arg37[%add3A_1337], %scan3A_1398#6 : memref<640xf32, #tpu.memory_space<vmem>>[vector<16xi32>], vector<16xf32>,
      %shift_right_logical3A_1440 = arith.shrui %add3A_1337, %broadcast_in_dim3A_11 : vector<16xi32>
      %and3A_1441 = arith.andi %add3A_1337, %broadcast_in_dim3A_13 : vector<16xi32>
      %gather3A_1442 = tpu.vector_load_idx %arg19[%shift_right_logical3A_1440, %and3A_1441] : memref<5x128xi32, #tpu.memory_space<vmem>>[vector<16xi32>, vector<16xi32>], vector<16xi32>,
      %and3A_1443 = arith.andi %gather3A_1442, %broadcast_in_dim3A_9 : vector<16xi32>
      %gather3A_1444 = tpu.vector_load_idx %arg31[%add3A_1337, %and3A_1443] : memref<640x16xf32, #tpu.memory_space<vmem>>[vector<16xi32>, vector<16xi32>], vector<16xf32>,
      %mul3A_1445 = arith.mulf %broadcast_in_dim3A_1287, %gather3A_1298 : vector<16xf32>
      %mul3A_1446 = arith.mulf %mul3A_1445, %gather3A_1444 : vector<16xf32>
      %add3A_1447 = arith.addf %broadcast_in_dim3A_1285, %mul3A_1446 : vector<16xf32>
      tpu.vector_store_idx %arg38[%add3A_1337], %add3A_1447 : memref<640xf32, #tpu.memory_space<vmem>>[vector<16xi32>], vector<16xf32>,
      tpu.vector_store_idx %arg37[%add3A_1341], %scan3A_1398#7 : memref<640xf32, #tpu.memory_space<vmem>>[vector<16xi32>], vector<16xf32>,
      %shift_right_logical3A_1448 = arith.shrui %add3A_1341, %broadcast_in_dim3A_11 : vector<16xi32>
      %and3A_1449 = arith.andi %add3A_1341, %broadcast_in_dim3A_13 : vector<16xi32>
      %gather3A_1450 = tpu.vector_load_idx %arg19[%shift_right_logical3A_1448, %and3A_1449] : memref<5x128xi32, #tpu.memory_space<vmem>>[vector<16xi32>, vector<16xi32>], vector<16xi32>,
      %and3A_1451 = arith.andi %gather3A_1450, %broadcast_in_dim3A_9 : vector<16xi32>
      %gather3A_1452 = tpu.vector_load_idx %arg31[%add3A_1341, %and3A_1451] : memref<640x16xf32, #tpu.memory_space<vmem>>[vector<16xi32>, vector<16xi32>], vector<16xf32>,
      %mul3A_1453 = arith.mulf %broadcast_in_dim3A_1287, %gather3A_1298 : vector<16xf32>
      %mul3A_1454 = arith.mulf %mul3A_1453, %gather3A_1452 : vector<16xf32>
      %add3A_1455 = arith.addf %broadcast_in_dim3A_1285, %mul3A_1454 : vector<16xf32>
      tpu.vector_store_idx %arg38[%add3A_1341], %add3A_1455 : memref<640xf32, #tpu.memory_space<vmem>>[vector<16xi32>], vector<16xf32>,
      tpu.vector_store_idx %arg37[%add3A_1345], %scan3A_1398#8 : memref<640xf32, #tpu.memory_space<vmem>>[vector<16xi32>], vector<16xf32>,
      %shift_right_logical3A_1456 = arith.shrui %add3A_1345, %broadcast_in_dim3A_11 : vector<16xi32>
      %and3A_1457 = arith.andi %add3A_1345, %broadcast_in_dim3A_13 : vector<16xi32>
      %gather3A_1458 = tpu.vector_load_idx %arg19[%shift_right_logical3A_1456, %and3A_1457] : memref<5x128xi32, #tpu.memory_space<vmem>>[vector<16xi32>, vector<16xi32>], vector<16xi32>,
      %and3A_1459 = arith.andi %gather3A_1458, %broadcast_in_dim3A_9 : vector<16xi32>
      %gather3A_1460 = tpu.vector_load_idx %arg31[%add3A_1345, %and3A_1459] : memref<640x16xf32, #tpu.memory_space<vmem>>[vector<16xi32>, vector<16xi32>], vector<16xf32>,
      %mul3A_1461 = arith.mulf %broadcast_in_dim3A_1287, %gather3A_1298 : vector<16xf32>
      %mul3A_1462 = arith.mulf %mul3A_1461, %gather3A_1460 : vector<16xf32>
      %add3A_1463 = arith.addf %broadcast_in_dim3A_1285, %mul3A_1462 : vector<16xf32>
      tpu.vector_store_idx %arg38[%add3A_1345], %add3A_1463 : memref<640xf32, #tpu.memory_space<vmem>>[vector<16xi32>], vector<16xf32>,
      tpu.vector_store_idx %arg37[%add3A_1349], %scan3A_1398#9 : memref<640xf32, #tpu.memory_space<vmem>>[vector<16xi32>], vector<16xf32>,
      %shift_right_logical3A_1464 = arith.shrui %add3A_1349, %broadcast_in_dim3A_11 : vector<16xi32>
      %and3A_1465 = arith.andi %add3A_1349, %broadcast_in_dim3A_13 : vector<16xi32>
      %gather3A_1466 = tpu.vector_load_idx %arg19[%shift_right_logical3A_1464, %and3A_1465] : memref<5x128xi32, #tpu.memory_space<vmem>>[vector<16xi32>, vector<16xi32>], vector<16xi32>,
      %and3A_1467 = arith.andi %gather3A_1466, %broadcast_in_dim3A_9 : vector<16xi32>
      %gather3A_1468 = tpu.vector_load_idx %arg31[%add3A_1349, %and3A_1467] : memref<640x16xf32, #tpu.memory_space<vmem>>[vector<16xi32>, vector<16xi32>], vector<16xf32>,
      %mul3A_1469 = arith.mulf %broadcast_in_dim3A_1287, %gather3A_1298 : vector<16xf32>
      %mul3A_1470 = arith.mulf %mul3A_1469, %gather3A_1468 : vector<16xf32>
      %add3A_1471 = arith.addf %broadcast_in_dim3A_1285, %mul3A_1470 : vector<16xf32>
      tpu.vector_store_idx %arg38[%add3A_1349], %add3A_1471 : memref<640xf32, #tpu.memory_space<vmem>>[vector<16xi32>], vector<16xf32>,
      tpu.vector_store_idx %arg37[%add3A_1353], %scan3A_1398#10 : memref<640xf32, #tpu.memory_space<vmem>>[vector<16xi32>], vector<16xf32>,
      %shift_right_logical3A_1472 = arith.shrui %add3A_1353, %broadcast_in_dim3A_11 : vector<16xi32>
      %and3A_1473 = arith.andi %add3A_1353, %broadcast_in_dim3A_13 : vector<16xi32>
      %gather3A_1474 = tpu.vector_load_idx %arg19[%shift_right_logical3A_1472, %and3A_1473] : memref<5x128xi32, #tpu.memory_space<vmem>>[vector<16xi32>, vector<16xi32>], vector<16xi32>,
      %and3A_1475 = arith.andi %gather3A_1474, %broadcast_in_dim3A_9 : vector<16xi32>
      %gather3A_1476 = tpu.vector_load_idx %arg31[%add3A_1353, %and3A_1475] : memref<640x16xf32, #tpu.memory_space<vmem>>[vector<16xi32>, vector<16xi32>], vector<16xf32>,
      %mul3A_1477 = arith.mulf %broadcast_in_dim3A_1287, %gather3A_1298 : vector<16xf32>
      %mul3A_1478 = arith.mulf %mul3A_1477, %gather3A_1476 : vector<16xf32>
      %add3A_1479 = arith.addf %broadcast_in_dim3A_1285, %mul3A_1478 : vector<16xf32>
      tpu.vector_store_idx %arg38[%add3A_1353], %add3A_1479 : memref<640xf32, #tpu.memory_space<vmem>>[vector<16xi32>], vector<16xf32>,
      tpu.vector_store_idx %arg37[%add3A_1357], %scan3A_1398#11 : memref<640xf32, #tpu.memory_space<vmem>>[vector<16xi32>], vector<16xf32>,
      %shift_right_logical3A_1480 = arith.shrui %add3A_1357, %broadcast_in_dim3A_11 : vector<16xi32>
      %and3A_1481 = arith.andi %add3A_1357, %broadcast_in_dim3A_13 : vector<16xi32>
      %gather3A_1482 = tpu.vector_load_idx %arg19[%shift_right_logical3A_1480, %and3A_1481] : memref<5x128xi32, #tpu.memory_space<vmem>>[vector<16xi32>, vector<16xi32>], vector<16xi32>,
      %and3A_1483 = arith.andi %gather3A_1482, %broadcast_in_dim3A_9 : vector<16xi32>
      %gather3A_1484 = tpu.vector_load_idx %arg31[%add3A_1357, %and3A_1483] : memref<640x16xf32, #tpu.memory_space<vmem>>[vector<16xi32>, vector<16xi32>], vector<16xf32>,
      %mul3A_1485 = arith.mulf %broadcast_in_dim3A_1287, %gather3A_1298 : vector<16xf32>
      %mul3A_1486 = arith.mulf %mul3A_1485, %gather3A_1484 : vector<16xf32>
      %add3A_1487 = arith.addf %broadcast_in_dim3A_1285, %mul3A_1486 : vector<16xf32>
      tpu.vector_store_idx %arg38[%add3A_1357], %add3A_1487 : memref<640xf32, #tpu.memory_space<vmem>>[vector<16xi32>], vector<16xf32>,
      tpu.vector_store_idx %arg37[%add3A_1361], %scan3A_1398#12 : memref<640xf32, #tpu.memory_space<vmem>>[vector<16xi32>], vector<16xf32>,
      %shift_right_logical3A_1488 = arith.shrui %add3A_1361, %broadcast_in_dim3A_11 : vector<16xi32>
      %and3A_1489 = arith.andi %add3A_1361, %broadcast_in_dim3A_13 : vector<16xi32>
      %gather3A_1490 = tpu.vector_load_idx %arg19[%shift_right_logical3A_1488, %and3A_1489] : memref<5x128xi32, #tpu.memory_space<vmem>>[vector<16xi32>, vector<16xi32>], vector<16xi32>,
      %and3A_1491 = arith.andi %gather3A_1490, %broadcast_in_dim3A_9 : vector<16xi32>
      %gather3A_1492 = tpu.vector_load_idx %arg31[%add3A_1361, %and3A_1491] : memref<640x16xf32, #tpu.memory_space<vmem>>[vector<16xi32>, vector<16xi32>], vector<16xf32>,
      %mul3A_1493 = arith.mulf %broadcast_in_dim3A_1287, %gather3A_1298 : vector<16xf32>
      %mul3A_1494 = arith.mulf %mul3A_1493, %gather3A_1492 : vector<16xf32>
      %add3A_1495 = arith.addf %broadcast_in_dim3A_1285, %mul3A_1494 : vector<16xf32>
      tpu.vector_store_idx %arg38[%add3A_1361], %add3A_1495 : memref<640xf32, #tpu.memory_space<vmem>>[vector<16xi32>], vector<16xf32>,
      tpu.vector_store_idx %arg37[%add3A_1365], %scan3A_1398#13 : memref<640xf32, #tpu.memory_space<vmem>>[vector<16xi32>], vector<16xf32>,
      %shift_right_logical3A_1496 = arith.shrui %add3A_1365, %broadcast_in_dim3A_11 : vector<16xi32>
      %and3A_1497 = arith.andi %add3A_1365, %broadcast_in_dim3A_13 : vector<16xi32>
      %gather3A_1498 = tpu.vector_load_idx %arg19[%shift_right_logical3A_1496, %and3A_1497] : memref<5x128xi32, #tpu.memory_space<vmem>>[vector<16xi32>, vector<16xi32>], vector<16xi32>,
      %and3A_1499 = arith.andi %gather3A_1498, %broadcast_in_dim3A_9 : vector<16xi32>
      %gather3A_1500 = tpu.vector_load_idx %arg31[%add3A_1365, %and3A_1499] : memref<640x16xf32, #tpu.memory_space<vmem>>[vector<16xi32>, vector<16xi32>], vector<16xf32>,
      %mul3A_1501 = arith.mulf %broadcast_in_dim3A_1287, %gather3A_1298 : vector<16xf32>
      %mul3A_1502 = arith.mulf %mul3A_1501, %gather3A_1500 : vector<16xf32>
      %add3A_1503 = arith.addf %broadcast_in_dim3A_1285, %mul3A_1502 : vector<16xf32>
      tpu.vector_store_idx %arg38[%add3A_1365], %add3A_1503 : memref<640xf32, #tpu.memory_space<vmem>>[vector<16xi32>], vector<16xf32>,
      tpu.vector_store_idx %arg37[%add3A_1369], %scan3A_1398#14 : memref<640xf32, #tpu.memory_space<vmem>>[vector<16xi32>], vector<16xf32>,
      %shift_right_logical3A_1504 = arith.shrui %add3A_1369, %broadcast_in_dim3A_11 : vector<16xi32>
      %and3A_1505 = arith.andi %add3A_1369, %broadcast_in_dim3A_13 : vector<16xi32>
      %gather3A_1506 = tpu.vector_load_idx %arg19[%shift_right_logical3A_1504, %and3A_1505] : memref<5x128xi32, #tpu.memory_space<vmem>>[vector<16xi32>, vector<16xi32>], vector<16xi32>,
      %and3A_1507 = arith.andi %gather3A_1506, %broadcast_in_dim3A_9 : vector<16xi32>
      %gather3A_1508 = tpu.vector_load_idx %arg31[%add3A_1369, %and3A_1507] : memref<640x16xf32, #tpu.memory_space<vmem>>[vector<16xi32>, vector<16xi32>], vector<16xf32>,
      %mul3A_1509 = arith.mulf %broadcast_in_dim3A_1287, %gather3A_1298 : vector<16xf32>
      %mul3A_1510 = arith.mulf %mul3A_1509, %gather3A_1508 : vector<16xf32>
      %add3A_1511 = arith.addf %broadcast_in_dim3A_1285, %mul3A_1510 : vector<16xf32>
      tpu.vector_store_idx %arg38[%add3A_1369], %add3A_1511 : memref<640xf32, #tpu.memory_space<vmem>>[vector<16xi32>], vector<16xf32>,
      tpu.vector_store_idx %arg37[%add3A_1373], %scan3A_1398#15 : memref<640xf32, #tpu.memory_space<vmem>>[vector<16xi32>], vector<16xf32>,
      %shift_right_logical3A_1512 = arith.shrui %add3A_1373, %broadcast_in_dim3A_11 : vector<16xi32>
      %and3A_1513 = arith.andi %add3A_1373, %broadcast_in_dim3A_13 : vector<16xi32>
      %gather3A_1514 = tpu.vector_load_idx %arg19[%shift_right_logical3A_1512, %and3A_1513] : memref<5x128xi32, #tpu.memory_space<vmem>>[vector<16xi32>, vector<16xi32>], vector<16xi32>,
      %and3A_1515 = arith.andi %gather3A_1514, %broadcast_in_dim3A_9 : vector<16xi32>
      %gather3A_1516 = tpu.vector_load_idx %arg31[%add3A_1373, %and3A_1515] : memref<640x16xf32, #tpu.memory_space<vmem>>[vector<16xi32>, vector<16xi32>], vector<16xf32>,
      %mul3A_1517 = arith.mulf %broadcast_in_dim3A_1287, %gather3A_1298 : vector<16xf32>
      %mul3A_1518 = arith.mulf %mul3A_1517, %gather3A_1516 : vector<16xf32>
      %add3A_1519 = arith.addf %broadcast_in_dim3A_1285, %mul3A_1518 : vector<16xf32>
      tpu.vector_store_idx %arg38[%add3A_1373], %add3A_1519 : memref<640xf32, #tpu.memory_space<vmem>>[vector<16xi32>], vector<16xf32>,
      tpu.vector_store_idx %arg37[%add3A_1377], %scan3A_1398#16 : memref<640xf32, #tpu.memory_space<vmem>>[vector<16xi32>], vector<16xf32>,
      %shift_right_logical3A_1520 = arith.shrui %add3A_1377, %broadcast_in_dim3A_11 : vector<16xi32>
      %and3A_1521 = arith.andi %add3A_1377, %broadcast_in_dim3A_13 : vector<16xi32>
      %gather3A_1522 = tpu.vector_load_idx %arg19[%shift_right_logical3A_1520, %and3A_1521] : memref<5x128xi32, #tpu.memory_space<vmem>>[vector<16xi32>, vector<16xi32>], vector<16xi32>,
      %and3A_1523 = arith.andi %gather3A_1522, %broadcast_in_dim3A_9 : vector<16xi32>
      %gather3A_1524 = tpu.vector_load_idx %arg31[%add3A_1377, %and3A_1523] : memref<640x16xf32, #tpu.memory_space<vmem>>[vector<16xi32>, vector<16xi32>], vector<16xf32>,
      %mul3A_1525 = arith.mulf %broadcast_in_dim3A_1287, %gather3A_1298 : vector<16xf32>
      %mul3A_1526 = arith.mulf %mul3A_1525, %gather3A_1524 : vector<16xf32>
      %add3A_1527 = arith.addf %broadcast_in_dim3A_1285, %mul3A_1526 : vector<16xf32>
      tpu.vector_store_idx %arg38[%add3A_1377], %add3A_1527 : memref<640xf32, #tpu.memory_space<vmem>>[vector<16xi32>], vector<16xf32>,
      tpu.vector_store_idx %arg37[%add3A_1381], %scan3A_1398#17 : memref<640xf32, #tpu.memory_space<vmem>>[vector<16xi32>], vector<16xf32>,
      %shift_right_logical3A_1528 = arith.shrui %add3A_1381, %broadcast_in_dim3A_11 : vector<16xi32>
      %and3A_1529 = arith.andi %add3A_1381, %broadcast_in_dim3A_13 : vector<16xi32>
      %gather3A_1530 = tpu.vector_load_idx %arg19[%shift_right_logical3A_1528, %and3A_1529] : memref<5x128xi32, #tpu.memory_space<vmem>>[vector<16xi32>, vector<16xi32>], vector<16xi32>,
      %and3A_1531 = arith.andi %gather3A_1530, %broadcast_in_dim3A_9 : vector<16xi32>
      %gather3A_1532 = tpu.vector_load_idx %arg31[%add3A_1381, %and3A_1531] : memref<640x16xf32, #tpu.memory_space<vmem>>[vector<16xi32>, vector<16xi32>], vector<16xf32>,
      %mul3A_1533 = arith.mulf %broadcast_in_dim3A_1287, %gather3A_1298 : vector<16xf32>
      %mul3A_1534 = arith.mulf %mul3A_1533, %gather3A_1532 : vector<16xf32>
      %add3A_1535 = arith.addf %broadcast_in_dim3A_1285, %mul3A_1534 : vector<16xf32>
      tpu.vector_store_idx %arg38[%add3A_1381], %add3A_1535 : memref<640xf32, #tpu.memory_space<vmem>>[vector<16xi32>], vector<16xf32>,
      tpu.vector_store_idx %arg37[%add3A_1385], %scan3A_1398#18 : memref<640xf32, #tpu.memory_space<vmem>>[vector<16xi32>], vector<16xf32>,
      %shift_right_logical3A_1536 = arith.shrui %add3A_1385, %broadcast_in_dim3A_11 : vector<16xi32>
      %and3A_1537 = arith.andi %add3A_1385, %broadcast_in_dim3A_13 : vector<16xi32>
      %gather3A_1538 = tpu.vector_load_idx %arg19[%shift_right_logical3A_1536, %and3A_1537] : memref<5x128xi32, #tpu.memory_space<vmem>>[vector<16xi32>, vector<16xi32>], vector<16xi32>,
      %and3A_1539 = arith.andi %gather3A_1538, %broadcast_in_dim3A_9 : vector<16xi32>
      %gather3A_1540 = tpu.vector_load_idx %arg31[%add3A_1385, %and3A_1539] : memref<640x16xf32, #tpu.memory_space<vmem>>[vector<16xi32>, vector<16xi32>], vector<16xf32>,
      %mul3A_1541 = arith.mulf %broadcast_in_dim3A_1287, %gather3A_1298 : vector<16xf32>
      %mul3A_1542 = arith.mulf %mul3A_1541, %gather3A_1540 : vector<16xf32>
      %add3A_1543 = arith.addf %broadcast_in_dim3A_1285, %mul3A_1542 : vector<16xf32>
      tpu.vector_store_idx %arg38[%add3A_1385], %add3A_1543 : memref<640xf32, #tpu.memory_space<vmem>>[vector<16xi32>], vector<16xf32>,
      tpu.vector_store_idx %arg37[%add3A_1389], %scan3A_1398#19 : memref<640xf32, #tpu.memory_space<vmem>>[vector<16xi32>], vector<16xf32>,
      %shift_right_logical3A_1544 = arith.shrui %add3A_1389, %broadcast_in_dim3A_11 : vector<16xi32>
      %and3A_1545 = arith.andi %add3A_1389, %broadcast_in_dim3A_13 : vector<16xi32>
      %gather3A_1546 = tpu.vector_load_idx %arg19[%shift_right_logical3A_1544, %and3A_1545] : memref<5x128xi32, #tpu.memory_space<vmem>>[vector<16xi32>, vector<16xi32>], vector<16xi32>,
      %and3A_1547 = arith.andi %gather3A_1546, %broadcast_in_dim3A_9 : vector<16xi32>
      %gather3A_1548 = tpu.vector_load_idx %arg31[%add3A_1389, %and3A_1547] : memref<640x16xf32, #tpu.memory_space<vmem>>[vector<16xi32>, vector<16xi32>], vector<16xf32>,
      %mul3A_1549 = arith.mulf %broadcast_in_dim3A_1287, %gather3A_1298 : vector<16xf32>
      %mul3A_1550 = arith.mulf %mul3A_1549, %gather3A_1548 : vector<16xf32>
      %add3A_1551 = arith.addf %broadcast_in_dim3A_1285, %mul3A_1550 : vector<16xf32>
      tpu.vector_store_idx %arg38[%add3A_1389], %add3A_1551 : memref<640xf32, #tpu.memory_space<vmem>>[vector<16xi32>], vector<16xf32>,
      tpu.vector_store_idx %arg37[%add3A_1393], %scan3A_1398#20 : memref<640xf32, #tpu.memory_space<vmem>>[vector<16xi32>], vector<16xf32>,
      %shift_right_logical3A_1552 = arith.shrui %add3A_1393, %broadcast_in_dim3A_11 : vector<16xi32>
      %and3A_1553 = arith.andi %add3A_1393, %broadcast_in_dim3A_13 : vector<16xi32>
      %gather3A_1554 = tpu.vector_load_idx %arg19[%shift_right_logical3A_1552, %and3A_1553] : memref<5x128xi32, #tpu.memory_space<vmem>>[vector<16xi32>, vector<16xi32>], vector<16xi32>,
      %and3A_1555 = arith.andi %gather3A_1554, %broadcast_in_dim3A_9 : vector<16xi32>
      %gather3A_1556 = tpu.vector_load_idx %arg31[%add3A_1393, %and3A_1555] : memref<640x16xf32, #tpu.memory_space<vmem>>[vector<16xi32>, vector<16xi32>], vector<16xf32>,
      %mul3A_1557 = arith.mulf %broadcast_in_dim3A_1287, %gather3A_1298 : vector<16xf32>
      %mul3A_1558 = arith.mulf %mul3A_1557, %gather3A_1556 : vector<16xf32>
      %add3A_1559 = arith.addf %broadcast_in_dim3A_1285, %mul3A_1558 : vector<16xf32>
      tpu.vector_store_idx %arg38[%add3A_1393], %add3A_1559 : memref<640xf32, #tpu.memory_space<vmem>>[vector<16xi32>], vector<16xf32>,
      %dma_wait3A_1560 = arith.constant 0 : i32
      %dma_wait3A_1561 = arith.constant 0 : i32
      %dma_wait3A_1562 = arith.constant 0 : i32
      %dma_wait3A_1563 = tpu.memref_slice %arg34[%dma_wait3A_1561, %dma_wait3A_1562] : memref<320x64xf32, #tpu.memory_space<vmem>> -> memref<128x64xf32, #tpu.memory_space<vmem>>
      %dma_wait3A_1564 = arith.constant 0 : i32
      %dma_wait3A_1565 = tpu.memref_slice %arg32[%dma_wait3A_1560, %dma_wait3A_1564] : memref<2x128xi32, #tpu.memory_space<vmem>> -> memref<1x128xi32, #tpu.memory_space<vmem>>
      %dma_wait3A_1566 = tpu.memref_squeeze %dma_wait3A_1565 : memref<1x128xi32, #tpu.memory_space<vmem>> -> memref<128xi32, #tpu.memory_space<vmem>>
      %dma_wait3A_1567 = arith.constant 0 : i32
      %dma_wait3A_1568 = arith.constant 0 : i32
      %dma_wait3A_1569 = tpu.memref_slice %arg6[%dma_wait3A_1567, %dma_wait3A_1568] : memref<100000x64xf32, #tpu.memory_space<hbm>> -> memref<100000x64xf32, #tpu.memory_space<hbm>>
      tpu.wait_indirect_dma semaphore(%arg42 : memref<!tpu.dma_semaphore, #tpu.memory_space<semaphore_mem>>) src(%dma_wait3A_1569 : memref<100000x64xf32, #tpu.memory_space<hbm>>) dst(%dma_wait3A_1563 : memref<128x64xf32, #tpu.memory_space<vmem>>)
      %dma_wait3A_1570 = arith.constant 1 : i32
      %dma_wait3A_1571 = arith.constant 128 : i32
      %dma_wait3A_1572 = arith.constant 0 : i32
      %dma_wait3A_1573 = tpu.memref_slice %arg34[%dma_wait3A_1571, %dma_wait3A_1572] : memref<320x64xf32, #tpu.memory_space<vmem>> -> memref<128x64xf32, #tpu.memory_space<vmem>>
      %dma_wait3A_1574 = arith.constant 0 : i32
      %dma_wait3A_1575 = tpu.memref_slice %arg32[%dma_wait3A_1570, %dma_wait3A_1574] : memref<2x128xi32, #tpu.memory_space<vmem>> -> memref<1x128xi32, #tpu.memory_space<vmem>>
      %dma_wait3A_1576 = tpu.memref_squeeze %dma_wait3A_1575 : memref<1x128xi32, #tpu.memory_space<vmem>> -> memref<128xi32, #tpu.memory_space<vmem>>
      %dma_wait3A_1577 = arith.constant 0 : i32
      %dma_wait3A_1578 = arith.constant 0 : i32
      %dma_wait3A_1579 = tpu.memref_slice %arg6[%dma_wait3A_1577, %dma_wait3A_1578] : memref<100000x64xf32, #tpu.memory_space<hbm>> -> memref<100000x64xf32, #tpu.memory_space<hbm>>
      tpu.wait_indirect_dma semaphore(%arg42 : memref<!tpu.dma_semaphore, #tpu.memory_space<semaphore_mem>>) src(%dma_wait3A_1579 : memref<100000x64xf32, #tpu.memory_space<hbm>>) dst(%dma_wait3A_1573 : memref<128x64xf32, #tpu.memory_space<vmem>>)
      %dma_wait3A_1580 = arith.constant 256 : i32
      %dma_wait3A_1581 = arith.constant 0 : i32
      %dma_wait3A_1582 = tpu.memref_slice %arg34[%dma_wait3A_1580, %dma_wait3A_1581] : memref<320x64xf32, #tpu.memory_space<vmem>> -> memref<64x64xf32, #tpu.memory_space<vmem>>
      %dma_wait3A_1583 = arith.constant 0 : i32
      %dma_wait3A_1584 = arith.constant 0 : i32
      %dma_wait3A_1585 = tpu.memref_slice %arg6[%dma_wait3A_1583, %dma_wait3A_1584] : memref<100000x64xf32, #tpu.memory_space<hbm>> -> memref<100000x64xf32, #tpu.memory_space<hbm>>
      tpu.wait_indirect_dma semaphore(%arg42 : memref<!tpu.dma_semaphore, #tpu.memory_space<semaphore_mem>>) src(%dma_wait3A_1585 : memref<100000x64xf32, #tpu.memory_space<hbm>>) dst(%dma_wait3A_1582 : memref<64x64xf32, #tpu.memory_space<vmem>>)
      %mul3A_1586 = arith.muli %add3A_1292, %broadcast_in_dim3A_15 : vector<16xi32>
      %broadcast_in_dim3A_1587 = arith.constant 0 : i32
      %broadcast_in_dim3A_1588 = vector.broadcast %broadcast_in_dim3A_1587 : i32 to vector<16xi32>
      %add3A_1589 = arith.addi %mul3A_1586, %broadcast_in_dim3A_1588 : vector<16xi32>
      %mul3A_1590 = arith.muli %add3A_1292, %broadcast_in_dim3A_15 : vector<16xi32>
      %broadcast_in_dim3A_1591 = arith.constant 1 : i32
      %broadcast_in_dim3A_1592 = vector.broadcast %broadcast_in_dim3A_1591 : i32 to vector<16xi32>
      %add3A_1593 = arith.addi %mul3A_1590, %broadcast_in_dim3A_1592 : vector<16xi32>
      %mul3A_1594 = arith.muli %add3A_1292, %broadcast_in_dim3A_15 : vector<16xi32>
      %broadcast_in_dim3A_1595 = arith.constant 2 : i32
      %broadcast_in_dim3A_1596 = vector.broadcast %broadcast_in_dim3A_1595 : i32 to vector<16xi32>
      %add3A_1597 = arith.addi %mul3A_1594, %broadcast_in_dim3A_1596 : vector<16xi32>
      %mul3A_1598 = arith.muli %add3A_1292, %broadcast_in_dim3A_15 : vector<16xi32>
      %broadcast_in_dim3A_1599 = arith.constant 3 : i32
      %broadcast_in_dim3A_1600 = vector.broadcast %broadcast_in_dim3A_1599 : i32 to vector<16xi32>
      %add3A_1601 = arith.addi %mul3A_1598, %broadcast_in_dim3A_1600 : vector<16xi32>
      %mul3A_1602 = arith.muli %add3A_1292, %broadcast_in_dim3A_15 : vector<16xi32>
      %broadcast_in_dim3A_1603 = arith.constant 4 : i32
      %broadcast_in_dim3A_1604 = vector.broadcast %broadcast_in_dim3A_1603 : i32 to vector<16xi32>
      %add3A_1605 = arith.addi %mul3A_1602, %broadcast_in_dim3A_1604 : vector<16xi32>
      %mul3A_1606 = arith.muli %add3A_1292, %broadcast_in_dim3A_15 : vector<16xi32>
      %broadcast_in_dim3A_1607 = arith.constant 5 : i32
      %broadcast_in_dim3A_1608 = vector.broadcast %broadcast_in_dim3A_1607 : i32 to vector<16xi32>
      %add3A_1609 = arith.addi %mul3A_1606, %broadcast_in_dim3A_1608 : vector<16xi32>
      %mul3A_1610 = arith.muli %add3A_1292, %broadcast_in_dim3A_15 : vector<16xi32>
      %broadcast_in_dim3A_1611 = arith.constant 6 : i32
      %broadcast_in_dim3A_1612 = vector.broadcast %broadcast_in_dim3A_1611 : i32 to vector<16xi32>
      %add3A_1613 = arith.addi %mul3A_1610, %broadcast_in_dim3A_1612 : vector<16xi32>
      %mul3A_1614 = arith.muli %add3A_1292, %broadcast_in_dim3A_15 : vector<16xi32>
      %broadcast_in_dim3A_1615 = arith.constant 7 : i32
      %broadcast_in_dim3A_1616 = vector.broadcast %broadcast_in_dim3A_1615 : i32 to vector<16xi32>
      %add3A_1617 = arith.addi %mul3A_1614, %broadcast_in_dim3A_1616 : vector<16xi32>
      %mul3A_1618 = arith.muli %add3A_1292, %broadcast_in_dim3A_15 : vector<16xi32>
      %broadcast_in_dim3A_1619 = arith.constant 8 : i32
      %broadcast_in_dim3A_1620 = vector.broadcast %broadcast_in_dim3A_1619 : i32 to vector<16xi32>
      %add3A_1621 = arith.addi %mul3A_1618, %broadcast_in_dim3A_1620 : vector<16xi32>
      %mul3A_1622 = arith.muli %add3A_1292, %broadcast_in_dim3A_15 : vector<16xi32>
      %broadcast_in_dim3A_1623 = arith.constant 9 : i32
      %broadcast_in_dim3A_1624 = vector.broadcast %broadcast_in_dim3A_1623 : i32 to vector<16xi32>
      %add3A_1625 = arith.addi %mul3A_1622, %broadcast_in_dim3A_1624 : vector<16xi32>
      %scan3A_1626 = arith.constant 0 : i32
      %scan3A_1627 = arith.constant 64 : i32
      %scan3A_1628 = arith.addi %scan3A_1626, %scan3A_1627 : i32
      %scan3A_1629 = arith.constant 1 : i32
      %scan3A_1630:11 = scf.for %scan3A_1975 = %scan3A_1626 to %scan3A_1628 step %scan3A_1629 iter_args(%scan3A_1976 = %broadcast_in_dim3A_1, %scan3A_1977 = %broadcast_in_dim3A_3, %scan3A_1978 = %broadcast_in_dim3A_3, %scan3A_1979 = %broadcast_in_dim3A_3, %scan3A_1980 = %broadcast_in_dim3A_3, %scan3A_1981 = %broadcast_in_dim3A_3, %scan3A_1982 = %broadcast_in_dim3A_3, %scan3A_1983 = %broadcast_in_dim3A_3, %scan3A_1984 = %broadcast_in_dim3A_3, %scan3A_1985 = %broadcast_in_dim3A_3, %scan3A_1986 = %broadcast_in_dim3A_3) -> (vector<16xi32>, vector<16xf32>, vector<16xf32>, vector<16xf32>, vector<16xf32>, vector<16xf32>, vector<16xf32>, vector<16xf32>, vector<16xf32>, vector<16xf32>, vector<16xf32>)  : i32 {
        %gather3A_1987 = tpu.vector_load_idx %arg24[%add3A_1292, %scan3A_1976] : memref<32x64xf32, #tpu.memory_space<vmem>>[vector<16xi32>, vector<16xi32>], vector<16xf32>,
        %gather3A_1988 = tpu.vector_load_idx %arg34[%add3A_1589, %scan3A_1976] : memref<320x64xf32, #tpu.memory_space<vmem>>[vector<16xi32>, vector<16xi32>], vector<16xf32>,
        %mul3A_1989 = arith.mulf %gather3A_1987, %gather3A_1988 : vector<16xf32>
        %add3A_1990 = arith.addf %scan3A_1977, %mul3A_1989 : vector<16xf32>
        %gather3A_1991 = tpu.vector_load_idx %arg34[%add3A_1593, %scan3A_1976] : memref<320x64xf32, #tpu.memory_space<vmem>>[vector<16xi32>, vector<16xi32>], vector<16xf32>,
        %mul3A_1992 = arith.mulf %gather3A_1987, %gather3A_1991 : vector<16xf32>
        %add3A_1993 = arith.addf %scan3A_1978, %mul3A_1992 : vector<16xf32>
        %gather3A_1994 = tpu.vector_load_idx %arg34[%add3A_1597, %scan3A_1976] : memref<320x64xf32, #tpu.memory_space<vmem>>[vector<16xi32>, vector<16xi32>], vector<16xf32>,
        %mul3A_1995 = arith.mulf %gather3A_1987, %gather3A_1994 : vector<16xf32>
        %add3A_1996 = arith.addf %scan3A_1979, %mul3A_1995 : vector<16xf32>
        %gather3A_1997 = tpu.vector_load_idx %arg34[%add3A_1601, %scan3A_1976] : memref<320x64xf32, #tpu.memory_space<vmem>>[vector<16xi32>, vector<16xi32>], vector<16xf32>,
        %mul3A_1998 = arith.mulf %gather3A_1987, %gather3A_1997 : vector<16xf32>
        %add3A_1999 = arith.addf %scan3A_1980, %mul3A_1998 : vector<16xf32>
        %gather3A_2000 = tpu.vector_load_idx %arg34[%add3A_1605, %scan3A_1976] : memref<320x64xf32, #tpu.memory_space<vmem>>[vector<16xi32>, vector<16xi32>], vector<16xf32>,
        %mul3A_2001 = arith.mulf %gather3A_1987, %gather3A_2000 : vector<16xf32>
        %add3A_2002 = arith.addf %scan3A_1981, %mul3A_2001 : vector<16xf32>
        %gather3A_2003 = tpu.vector_load_idx %arg34[%add3A_1609, %scan3A_1976] : memref<320x64xf32, #tpu.memory_space<vmem>>[vector<16xi32>, vector<16xi32>], vector<16xf32>,
        %mul3A_2004 = arith.mulf %gather3A_1987, %gather3A_2003 : vector<16xf32>
        %add3A_2005 = arith.addf %scan3A_1982, %mul3A_2004 : vector<16xf32>
        %gather3A_2006 = tpu.vector_load_idx %arg34[%add3A_1613, %scan3A_1976] : memref<320x64xf32, #tpu.memory_space<vmem>>[vector<16xi32>, vector<16xi32>], vector<16xf32>,
        %mul3A_2007 = arith.mulf %gather3A_1987, %gather3A_2006 : vector<16xf32>
        %add3A_2008 = arith.addf %scan3A_1983, %mul3A_2007 : vector<16xf32>
        %gather3A_2009 = tpu.vector_load_idx %arg34[%add3A_1617, %scan3A_1976] : memref<320x64xf32, #tpu.memory_space<vmem>>[vector<16xi32>, vector<16xi32>], vector<16xf32>,
        %mul3A_2010 = arith.mulf %gather3A_1987, %gather3A_2009 : vector<16xf32>
        %add3A_2011 = arith.addf %scan3A_1984, %mul3A_2010 : vector<16xf32>
        %gather3A_2012 = tpu.vector_load_idx %arg34[%add3A_1621, %scan3A_1976] : memref<320x64xf32, #tpu.memory_space<vmem>>[vector<16xi32>, vector<16xi32>], vector<16xf32>,
        %mul3A_2013 = arith.mulf %gather3A_1987, %gather3A_2012 : vector<16xf32>
        %add3A_2014 = arith.addf %scan3A_1985, %mul3A_2013 : vector<16xf32>
        %gather3A_2015 = tpu.vector_load_idx %arg34[%add3A_1625, %scan3A_1976] : memref<320x64xf32, #tpu.memory_space<vmem>>[vector<16xi32>, vector<16xi32>], vector<16xf32>,
        %mul3A_2016 = arith.mulf %gather3A_1987, %gather3A_2015 : vector<16xf32>
        %add3A_2017 = arith.addf %scan3A_1986, %mul3A_2016 : vector<16xf32>
        %add3A_2018 = arith.addi %scan3A_1976, %broadcast_in_dim3A_5 : vector<16xi32>
        scf.yield %add3A_2018, %add3A_1990, %add3A_1993, %add3A_1996, %add3A_1999, %add3A_2002, %add3A_2005, %add3A_2008, %add3A_2011, %add3A_2014, %add3A_2017 : vector<16xi32>, vector<16xf32>, vector<16xf32>, vector<16xf32>, vector<16xf32>, vector<16xf32>, vector<16xf32>, vector<16xf32>, vector<16xf32>, vector<16xf32>, vector<16xf32>
      }
      %scan3A_1631 = arith.constant 64 : i32
      tpu.vector_store_idx %arg39[%add3A_1589], %scan3A_1630#1 : memref<320xf32, #tpu.memory_space<vmem>>[vector<16xi32>], vector<16xf32>,
      tpu.vector_store_idx %arg39[%add3A_1593], %scan3A_1630#2 : memref<320xf32, #tpu.memory_space<vmem>>[vector<16xi32>], vector<16xf32>,
      tpu.vector_store_idx %arg39[%add3A_1597], %scan3A_1630#3 : memref<320xf32, #tpu.memory_space<vmem>>[vector<16xi32>], vector<16xf32>,
      tpu.vector_store_idx %arg39[%add3A_1601], %scan3A_1630#4 : memref<320xf32, #tpu.memory_space<vmem>>[vector<16xi32>], vector<16xf32>,
      tpu.vector_store_idx %arg39[%add3A_1605], %scan3A_1630#5 : memref<320xf32, #tpu.memory_space<vmem>>[vector<16xi32>], vector<16xf32>,
      tpu.vector_store_idx %arg39[%add3A_1609], %scan3A_1630#6 : memref<320xf32, #tpu.memory_space<vmem>>[vector<16xi32>], vector<16xf32>,
      tpu.vector_store_idx %arg39[%add3A_1613], %scan3A_1630#7 : memref<320xf32, #tpu.memory_space<vmem>>[vector<16xi32>], vector<16xf32>,
      tpu.vector_store_idx %arg39[%add3A_1617], %scan3A_1630#8 : memref<320xf32, #tpu.memory_space<vmem>>[vector<16xi32>], vector<16xf32>,
      tpu.vector_store_idx %arg39[%add3A_1621], %scan3A_1630#9 : memref<320xf32, #tpu.memory_space<vmem>>[vector<16xi32>], vector<16xf32>,
      tpu.vector_store_idx %arg39[%add3A_1625], %scan3A_1630#10 : memref<320xf32, #tpu.memory_space<vmem>>[vector<16xi32>], vector<16xf32>,
      %broadcast_in_dim3A_1632 = arith.constant 16 : i32
      %broadcast_in_dim3A_1633 = vector.broadcast %broadcast_in_dim3A_1632 : i32 to vector<16xi32>
      %add3A_1634 = arith.addi %iota3A, %broadcast_in_dim3A_1633 : vector<16xi32>
      %get3A_1635 = arith.constant 16 : index
      %get3A_1636 = tpu.vector_load %arg17[%get3A_1635] {strides = array<i32>} : memref<32xi32, #tpu.memory_space<vmem>>, vector<16xi32>,
      %get3A_1637 = arith.constant 16 : index
      %get3A_1638 = tpu.vector_load %arg18[%get3A_1637] {strides = array<i32>} : memref<32xi32, #tpu.memory_space<vmem>>, vector<16xi32>,
      %and3A_1639 = arith.andi %get3A_1636, %broadcast_in_dim3A_9 : vector<16xi32>
      %gather3A_1640 = tpu.vector_load_idx %arg29[%add3A_1634, %and3A_1639] : memref<32x16xf32, #tpu.memory_space<vmem>>[vector<16xi32>, vector<16xi32>], vector<16xf32>,
      %and3A_1641 = arith.andi %get3A_1638, %broadcast_in_dim3A_9 : vector<16xi32>
      %gather3A_1642 = tpu.vector_load_idx %arg30[%add3A_1634, %and3A_1641] : memref<32x16xf32, #tpu.memory_space<vmem>>[vector<16xi32>, vector<16xi32>], vector<16xf32>,
      %scan3A_1643 = arith.constant 0 : i32
      %scan3A_1644 = arith.constant 64 : i32
      %scan3A_1645 = arith.addi %scan3A_1643, %scan3A_1644 : i32
      %scan3A_1646 = arith.constant 1 : i32
      %scan3A_1647:2 = scf.for %scan3A_1975 = %scan3A_1643 to %scan3A_1645 step %scan3A_1646 iter_args(%scan3A_1976 = %broadcast_in_dim3A_1, %scan3A_1977 = %broadcast_in_dim3A_3) -> (vector<16xi32>, vector<16xf32>)  : i32 {
        %gather3A_1978 = tpu.vector_load_idx %arg24[%add3A_1634, %scan3A_1976] : memref<32x64xf32, #tpu.memory_space<vmem>>[vector<16xi32>, vector<16xi32>], vector<16xf32>,
        %gather3A_1979 = tpu.vector_load_idx %arg25[%add3A_1634, %scan3A_1976] : memref<32x64xf32, #tpu.memory_space<vmem>>[vector<16xi32>, vector<16xi32>], vector<16xf32>,
        %mul3A_1980 = arith.mulf %gather3A_1978, %gather3A_1979 : vector<16xf32>
        %add3A_1981 = arith.addf %scan3A_1977, %mul3A_1980 : vector<16xf32>
        %add3A_1982 = arith.addi %scan3A_1976, %broadcast_in_dim3A_5 : vector<16xi32>
        scf.yield %add3A_1982, %add3A_1981 : vector<16xi32>, vector<16xf32>
      }
      %scan3A_1648 = arith.constant 64 : i32
      %swap3A_1649 = arith.constant 16 : index
      %swap3A_1650 = tpu.vector_load %arg35[%swap3A_1649] {strides = array<i32>} : memref<32xf32, #tpu.memory_space<vmem>>, vector<16xf32>,
      tpu.vector_store %arg35[%swap3A_1649], %scan3A_1647#1 {strides = array<i32>} : memref<32xf32, #tpu.memory_space<vmem>>, vector<16xf32>,
      %mul3A_1651 = arith.mulf %broadcast_in_dim3A_1283, %gather3A_1640 : vector<16xf32>
      %mul3A_1652 = arith.mulf %mul3A_1651, %gather3A_1642 : vector<16xf32>
      %add3A_1653 = arith.addf %broadcast_in_dim3A_1281, %mul3A_1652 : vector<16xf32>
      %swap3A_1654 = arith.constant 16 : index
      %swap3A_1655 = tpu.vector_load %arg36[%swap3A_1654] {strides = array<i32>} : memref<32xf32, #tpu.memory_space<vmem>>, vector<16xf32>,
      tpu.vector_store %arg36[%swap3A_1654], %add3A_1653 {strides = array<i32>} : memref<32xf32, #tpu.memory_space<vmem>>, vector<16xf32>,
      %mul3A_1656 = arith.muli %add3A_1634, %broadcast_in_dim3A_1289 : vector<16xi32>
      %broadcast_in_dim3A_1657 = arith.constant 0 : i32
      %broadcast_in_dim3A_1658 = vector.broadcast %broadcast_in_dim3A_1657 : i32 to vector<16xi32>
      %add3A_1659 = arith.addi %mul3A_1656, %broadcast_in_dim3A_1658 : vector<16xi32>
      %mul3A_1660 = arith.muli %add3A_1634, %broadcast_in_dim3A_1289 : vector<16xi32>
      %broadcast_in_dim3A_1661 = arith.constant 1 : i32
      %broadcast_in_dim3A_1662 = vector.broadcast %broadcast_in_dim3A_1661 : i32 to vector<16xi32>
      %add3A_1663 = arith.addi %mul3A_1660, %broadcast_in_dim3A_1662 : vector<16xi32>
      %mul3A_1664 = arith.muli %add3A_1634, %broadcast_in_dim3A_1289 : vector<16xi32>
      %broadcast_in_dim3A_1665 = arith.constant 2 : i32
      %broadcast_in_dim3A_1666 = vector.broadcast %broadcast_in_dim3A_1665 : i32 to vector<16xi32>
      %add3A_1667 = arith.addi %mul3A_1664, %broadcast_in_dim3A_1666 : vector<16xi32>
      %mul3A_1668 = arith.muli %add3A_1634, %broadcast_in_dim3A_1289 : vector<16xi32>
      %broadcast_in_dim3A_1669 = arith.constant 3 : i32
      %broadcast_in_dim3A_1670 = vector.broadcast %broadcast_in_dim3A_1669 : i32 to vector<16xi32>
      %add3A_1671 = arith.addi %mul3A_1668, %broadcast_in_dim3A_1670 : vector<16xi32>
      %mul3A_1672 = arith.muli %add3A_1634, %broadcast_in_dim3A_1289 : vector<16xi32>
      %broadcast_in_dim3A_1673 = arith.constant 4 : i32
      %broadcast_in_dim3A_1674 = vector.broadcast %broadcast_in_dim3A_1673 : i32 to vector<16xi32>
      %add3A_1675 = arith.addi %mul3A_1672, %broadcast_in_dim3A_1674 : vector<16xi32>
      %mul3A_1676 = arith.muli %add3A_1634, %broadcast_in_dim3A_1289 : vector<16xi32>
      %broadcast_in_dim3A_1677 = arith.constant 5 : i32
      %broadcast_in_dim3A_1678 = vector.broadcast %broadcast_in_dim3A_1677 : i32 to vector<16xi32>
      %add3A_1679 = arith.addi %mul3A_1676, %broadcast_in_dim3A_1678 : vector<16xi32>
      %mul3A_1680 = arith.muli %add3A_1634, %broadcast_in_dim3A_1289 : vector<16xi32>
      %broadcast_in_dim3A_1681 = arith.constant 6 : i32
      %broadcast_in_dim3A_1682 = vector.broadcast %broadcast_in_dim3A_1681 : i32 to vector<16xi32>
      %add3A_1683 = arith.addi %mul3A_1680, %broadcast_in_dim3A_1682 : vector<16xi32>
      %mul3A_1684 = arith.muli %add3A_1634, %broadcast_in_dim3A_1289 : vector<16xi32>
      %broadcast_in_dim3A_1685 = arith.constant 7 : i32
      %broadcast_in_dim3A_1686 = vector.broadcast %broadcast_in_dim3A_1685 : i32 to vector<16xi32>
      %add3A_1687 = arith.addi %mul3A_1684, %broadcast_in_dim3A_1686 : vector<16xi32>
      %mul3A_1688 = arith.muli %add3A_1634, %broadcast_in_dim3A_1289 : vector<16xi32>
      %broadcast_in_dim3A_1689 = arith.constant 8 : i32
      %broadcast_in_dim3A_1690 = vector.broadcast %broadcast_in_dim3A_1689 : i32 to vector<16xi32>
      %add3A_1691 = arith.addi %mul3A_1688, %broadcast_in_dim3A_1690 : vector<16xi32>
      %mul3A_1692 = arith.muli %add3A_1634, %broadcast_in_dim3A_1289 : vector<16xi32>
      %broadcast_in_dim3A_1693 = arith.constant 9 : i32
      %broadcast_in_dim3A_1694 = vector.broadcast %broadcast_in_dim3A_1693 : i32 to vector<16xi32>
      %add3A_1695 = arith.addi %mul3A_1692, %broadcast_in_dim3A_1694 : vector<16xi32>
      %mul3A_1696 = arith.muli %add3A_1634, %broadcast_in_dim3A_1289 : vector<16xi32>
      %broadcast_in_dim3A_1697 = arith.constant 10 : i32
      %broadcast_in_dim3A_1698 = vector.broadcast %broadcast_in_dim3A_1697 : i32 to vector<16xi32>
      %add3A_1699 = arith.addi %mul3A_1696, %broadcast_in_dim3A_1698 : vector<16xi32>
      %mul3A_1700 = arith.muli %add3A_1634, %broadcast_in_dim3A_1289 : vector<16xi32>
      %broadcast_in_dim3A_1701 = arith.constant 11 : i32
      %broadcast_in_dim3A_1702 = vector.broadcast %broadcast_in_dim3A_1701 : i32 to vector<16xi32>
      %add3A_1703 = arith.addi %mul3A_1700, %broadcast_in_dim3A_1702 : vector<16xi32>
      %mul3A_1704 = arith.muli %add3A_1634, %broadcast_in_dim3A_1289 : vector<16xi32>
      %broadcast_in_dim3A_1705 = arith.constant 12 : i32
      %broadcast_in_dim3A_1706 = vector.broadcast %broadcast_in_dim3A_1705 : i32 to vector<16xi32>
      %add3A_1707 = arith.addi %mul3A_1704, %broadcast_in_dim3A_1706 : vector<16xi32>
      %mul3A_1708 = arith.muli %add3A_1634, %broadcast_in_dim3A_1289 : vector<16xi32>
      %broadcast_in_dim3A_1709 = arith.constant 13 : i32
      %broadcast_in_dim3A_1710 = vector.broadcast %broadcast_in_dim3A_1709 : i32 to vector<16xi32>
      %add3A_1711 = arith.addi %mul3A_1708, %broadcast_in_dim3A_1710 : vector<16xi32>
      %mul3A_1712 = arith.muli %add3A_1634, %broadcast_in_dim3A_1289 : vector<16xi32>
      %broadcast_in_dim3A_1713 = arith.constant 14 : i32
      %broadcast_in_dim3A_1714 = vector.broadcast %broadcast_in_dim3A_1713 : i32 to vector<16xi32>
      %add3A_1715 = arith.addi %mul3A_1712, %broadcast_in_dim3A_1714 : vector<16xi32>
      %mul3A_1716 = arith.muli %add3A_1634, %broadcast_in_dim3A_1289 : vector<16xi32>
      %broadcast_in_dim3A_1717 = arith.constant 15 : i32
      %broadcast_in_dim3A_1718 = vector.broadcast %broadcast_in_dim3A_1717 : i32 to vector<16xi32>
      %add3A_1719 = arith.addi %mul3A_1716, %broadcast_in_dim3A_1718 : vector<16xi32>
      %mul3A_1720 = arith.muli %add3A_1634, %broadcast_in_dim3A_1289 : vector<16xi32>
      %broadcast_in_dim3A_1721 = arith.constant 16 : i32
      %broadcast_in_dim3A_1722 = vector.broadcast %broadcast_in_dim3A_1721 : i32 to vector<16xi32>
      %add3A_1723 = arith.addi %mul3A_1720, %broadcast_in_dim3A_1722 : vector<16xi32>
      %mul3A_1724 = arith.muli %add3A_1634, %broadcast_in_dim3A_1289 : vector<16xi32>
      %broadcast_in_dim3A_1725 = arith.constant 17 : i32
      %broadcast_in_dim3A_1726 = vector.broadcast %broadcast_in_dim3A_1725 : i32 to vector<16xi32>
      %add3A_1727 = arith.addi %mul3A_1724, %broadcast_in_dim3A_1726 : vector<16xi32>
      %mul3A_1728 = arith.muli %add3A_1634, %broadcast_in_dim3A_1289 : vector<16xi32>
      %broadcast_in_dim3A_1729 = arith.constant 18 : i32
      %broadcast_in_dim3A_1730 = vector.broadcast %broadcast_in_dim3A_1729 : i32 to vector<16xi32>
      %add3A_1731 = arith.addi %mul3A_1728, %broadcast_in_dim3A_1730 : vector<16xi32>
      %mul3A_1732 = arith.muli %add3A_1634, %broadcast_in_dim3A_1289 : vector<16xi32>
      %broadcast_in_dim3A_1733 = arith.constant 19 : i32
      %broadcast_in_dim3A_1734 = vector.broadcast %broadcast_in_dim3A_1733 : i32 to vector<16xi32>
      %add3A_1735 = arith.addi %mul3A_1732, %broadcast_in_dim3A_1734 : vector<16xi32>
      %scan3A_1736 = arith.constant 0 : i32
      %scan3A_1737 = arith.constant 64 : i32
      %scan3A_1738 = arith.addi %scan3A_1736, %scan3A_1737 : i32
      %scan3A_1739 = arith.constant 1 : i32
      %scan3A_1740:21 = scf.for %scan3A_1975 = %scan3A_1736 to %scan3A_1738 step %scan3A_1739 iter_args(%scan3A_1976 = %broadcast_in_dim3A_1, %scan3A_1977 = %broadcast_in_dim3A_3, %scan3A_1978 = %broadcast_in_dim3A_3, %scan3A_1979 = %broadcast_in_dim3A_3, %scan3A_1980 = %broadcast_in_dim3A_3, %scan3A_1981 = %broadcast_in_dim3A_3, %scan3A_1982 = %broadcast_in_dim3A_3, %scan3A_1983 = %broadcast_in_dim3A_3, %scan3A_1984 = %broadcast_in_dim3A_3, %scan3A_1985 = %broadcast_in_dim3A_3, %scan3A_1986 = %broadcast_in_dim3A_3, %scan3A_1987 = %broadcast_in_dim3A_3, %scan3A_1988 = %broadcast_in_dim3A_3, %scan3A_1989 = %broadcast_in_dim3A_3, %scan3A_1990 = %broadcast_in_dim3A_3, %scan3A_1991 = %broadcast_in_dim3A_3, %scan3A_1992 = %broadcast_in_dim3A_3, %scan3A_1993 = %broadcast_in_dim3A_3, %scan3A_1994 = %broadcast_in_dim3A_3, %scan3A_1995 = %broadcast_in_dim3A_3, %scan3A_1996 = %broadcast_in_dim3A_3) -> (vector<16xi32>, vector<16xf32>, vector<16xf32>, vector<16xf32>, vector<16xf32>, vector<16xf32>, vector<16xf32>, vector<16xf32>, vector<16xf32>, vector<16xf32>, vector<16xf32>, vector<16xf32>, vector<16xf32>, vector<16xf32>, vector<16xf32>, vector<16xf32>, vector<16xf32>, vector<16xf32>, vector<16xf32>, vector<16xf32>, vector<16xf32>)  : i32 {
        %gather3A_1997 = tpu.vector_load_idx %arg24[%add3A_1634, %scan3A_1976] : memref<32x64xf32, #tpu.memory_space<vmem>>[vector<16xi32>, vector<16xi32>], vector<16xf32>,
        %gather3A_1998 = tpu.vector_load_idx %arg26[%add3A_1659, %scan3A_1976] : memref<640x64xf32, #tpu.memory_space<vmem>>[vector<16xi32>, vector<16xi32>], vector<16xf32>,
        %mul3A_1999 = arith.mulf %gather3A_1997, %gather3A_1998 : vector<16xf32>
        %add3A_2000 = arith.addf %scan3A_1977, %mul3A_1999 : vector<16xf32>
        %gather3A_2001 = tpu.vector_load_idx %arg26[%add3A_1663, %scan3A_1976] : memref<640x64xf32, #tpu.memory_space<vmem>>[vector<16xi32>, vector<16xi32>], vector<16xf32>,
        %mul3A_2002 = arith.mulf %gather3A_1997, %gather3A_2001 : vector<16xf32>
        %add3A_2003 = arith.addf %scan3A_1978, %mul3A_2002 : vector<16xf32>
        %gather3A_2004 = tpu.vector_load_idx %arg26[%add3A_1667, %scan3A_1976] : memref<640x64xf32, #tpu.memory_space<vmem>>[vector<16xi32>, vector<16xi32>], vector<16xf32>,
        %mul3A_2005 = arith.mulf %gather3A_1997, %gather3A_2004 : vector<16xf32>
        %add3A_2006 = arith.addf %scan3A_1979, %mul3A_2005 : vector<16xf32>
        %gather3A_2007 = tpu.vector_load_idx %arg26[%add3A_1671, %scan3A_1976] : memref<640x64xf32, #tpu.memory_space<vmem>>[vector<16xi32>, vector<16xi32>], vector<16xf32>,
        %mul3A_2008 = arith.mulf %gather3A_1997, %gather3A_2007 : vector<16xf32>
        %add3A_2009 = arith.addf %scan3A_1980, %mul3A_2008 : vector<16xf32>
        %gather3A_2010 = tpu.vector_load_idx %arg26[%add3A_1675, %scan3A_1976] : memref<640x64xf32, #tpu.memory_space<vmem>>[vector<16xi32>, vector<16xi32>], vector<16xf32>,
        %mul3A_2011 = arith.mulf %gather3A_1997, %gather3A_2010 : vector<16xf32>
        %add3A_2012 = arith.addf %scan3A_1981, %mul3A_2011 : vector<16xf32>
        %gather3A_2013 = tpu.vector_load_idx %arg26[%add3A_1679, %scan3A_1976] : memref<640x64xf32, #tpu.memory_space<vmem>>[vector<16xi32>, vector<16xi32>], vector<16xf32>,
        %mul3A_2014 = arith.mulf %gather3A_1997, %gather3A_2013 : vector<16xf32>
        %add3A_2015 = arith.addf %scan3A_1982, %mul3A_2014 : vector<16xf32>
        %gather3A_2016 = tpu.vector_load_idx %arg26[%add3A_1683, %scan3A_1976] : memref<640x64xf32, #tpu.memory_space<vmem>>[vector<16xi32>, vector<16xi32>], vector<16xf32>,
        %mul3A_2017 = arith.mulf %gather3A_1997, %gather3A_2016 : vector<16xf32>
        %add3A_2018 = arith.addf %scan3A_1983, %mul3A_2017 : vector<16xf32>
        %gather3A_2019 = tpu.vector_load_idx %arg26[%add3A_1687, %scan3A_1976] : memref<640x64xf32, #tpu.memory_space<vmem>>[vector<16xi32>, vector<16xi32>], vector<16xf32>,
        %mul3A_2020 = arith.mulf %gather3A_1997, %gather3A_2019 : vector<16xf32>
        %add3A_2021 = arith.addf %scan3A_1984, %mul3A_2020 : vector<16xf32>
        %gather3A_2022 = tpu.vector_load_idx %arg26[%add3A_1691, %scan3A_1976] : memref<640x64xf32, #tpu.memory_space<vmem>>[vector<16xi32>, vector<16xi32>], vector<16xf32>,
        %mul3A_2023 = arith.mulf %gather3A_1997, %gather3A_2022 : vector<16xf32>
        %add3A_2024 = arith.addf %scan3A_1985, %mul3A_2023 : vector<16xf32>
        %gather3A_2025 = tpu.vector_load_idx %arg26[%add3A_1695, %scan3A_1976] : memref<640x64xf32, #tpu.memory_space<vmem>>[vector<16xi32>, vector<16xi32>], vector<16xf32>,
        %mul3A_2026 = arith.mulf %gather3A_1997, %gather3A_2025 : vector<16xf32>
        %add3A_2027 = arith.addf %scan3A_1986, %mul3A_2026 : vector<16xf32>
        %gather3A_2028 = tpu.vector_load_idx %arg26[%add3A_1699, %scan3A_1976] : memref<640x64xf32, #tpu.memory_space<vmem>>[vector<16xi32>, vector<16xi32>], vector<16xf32>,
        %mul3A_2029 = arith.mulf %gather3A_1997, %gather3A_2028 : vector<16xf32>
        %add3A_2030 = arith.addf %scan3A_1987, %mul3A_2029 : vector<16xf32>
        %gather3A_2031 = tpu.vector_load_idx %arg26[%add3A_1703, %scan3A_1976] : memref<640x64xf32, #tpu.memory_space<vmem>>[vector<16xi32>, vector<16xi32>], vector<16xf32>,
        %mul3A_2032 = arith.mulf %gather3A_1997, %gather3A_2031 : vector<16xf32>
        %add3A_2033 = arith.addf %scan3A_1988, %mul3A_2032 : vector<16xf32>
        %gather3A_2034 = tpu.vector_load_idx %arg26[%add3A_1707, %scan3A_1976] : memref<640x64xf32, #tpu.memory_space<vmem>>[vector<16xi32>, vector<16xi32>], vector<16xf32>,
        %mul3A_2035 = arith.mulf %gather3A_1997, %gather3A_2034 : vector<16xf32>
        %add3A_2036 = arith.addf %scan3A_1989, %mul3A_2035 : vector<16xf32>
        %gather3A_2037 = tpu.vector_load_idx %arg26[%add3A_1711, %scan3A_1976] : memref<640x64xf32, #tpu.memory_space<vmem>>[vector<16xi32>, vector<16xi32>], vector<16xf32>,
        %mul3A_2038 = arith.mulf %gather3A_1997, %gather3A_2037 : vector<16xf32>
        %add3A_2039 = arith.addf %scan3A_1990, %mul3A_2038 : vector<16xf32>
        %gather3A_2040 = tpu.vector_load_idx %arg26[%add3A_1715, %scan3A_1976] : memref<640x64xf32, #tpu.memory_space<vmem>>[vector<16xi32>, vector<16xi32>], vector<16xf32>,
        %mul3A_2041 = arith.mulf %gather3A_1997, %gather3A_2040 : vector<16xf32>
        %add3A_2042 = arith.addf %scan3A_1991, %mul3A_2041 : vector<16xf32>
        %gather3A_2043 = tpu.vector_load_idx %arg26[%add3A_1719, %scan3A_1976] : memref<640x64xf32, #tpu.memory_space<vmem>>[vector<16xi32>, vector<16xi32>], vector<16xf32>,
        %mul3A_2044 = arith.mulf %gather3A_1997, %gather3A_2043 : vector<16xf32>
        %add3A_2045 = arith.addf %scan3A_1992, %mul3A_2044 : vector<16xf32>
        %gather3A_2046 = tpu.vector_load_idx %arg26[%add3A_1723, %scan3A_1976] : memref<640x64xf32, #tpu.memory_space<vmem>>[vector<16xi32>, vector<16xi32>], vector<16xf32>,
        %mul3A_2047 = arith.mulf %gather3A_1997, %gather3A_2046 : vector<16xf32>
        %add3A_2048 = arith.addf %scan3A_1993, %mul3A_2047 : vector<16xf32>
        %gather3A_2049 = tpu.vector_load_idx %arg26[%add3A_1727, %scan3A_1976] : memref<640x64xf32, #tpu.memory_space<vmem>>[vector<16xi32>, vector<16xi32>], vector<16xf32>,
        %mul3A_2050 = arith.mulf %gather3A_1997, %gather3A_2049 : vector<16xf32>
        %add3A_2051 = arith.addf %scan3A_1994, %mul3A_2050 : vector<16xf32>
        %gather3A_2052 = tpu.vector_load_idx %arg26[%add3A_1731, %scan3A_1976] : memref<640x64xf32, #tpu.memory_space<vmem>>[vector<16xi32>, vector<16xi32>], vector<16xf32>,
        %mul3A_2053 = arith.mulf %gather3A_1997, %gather3A_2052 : vector<16xf32>
        %add3A_2054 = arith.addf %scan3A_1995, %mul3A_2053 : vector<16xf32>
        %gather3A_2055 = tpu.vector_load_idx %arg26[%add3A_1735, %scan3A_1976] : memref<640x64xf32, #tpu.memory_space<vmem>>[vector<16xi32>, vector<16xi32>], vector<16xf32>,
        %mul3A_2056 = arith.mulf %gather3A_1997, %gather3A_2055 : vector<16xf32>
        %add3A_2057 = arith.addf %scan3A_1996, %mul3A_2056 : vector<16xf32>
        %add3A_2058 = arith.addi %scan3A_1976, %broadcast_in_dim3A_5 : vector<16xi32>
        scf.yield %add3A_2058, %add3A_2000, %add3A_2003, %add3A_2006, %add3A_2009, %add3A_2012, %add3A_2015, %add3A_2018, %add3A_2021, %add3A_2024, %add3A_2027, %add3A_2030, %add3A_2033, %add3A_2036, %add3A_2039, %add3A_2042, %add3A_2045, %add3A_2048, %add3A_2051, %add3A_2054, %add3A_2057 : vector<16xi32>, vector<16xf32>, vector<16xf32>, vector<16xf32>, vector<16xf32>, vector<16xf32>, vector<16xf32>, vector<16xf32>, vector<16xf32>, vector<16xf32>, vector<16xf32>, vector<16xf32>, vector<16xf32>, vector<16xf32>, vector<16xf32>, vector<16xf32>, vector<16xf32>, vector<16xf32>, vector<16xf32>, vector<16xf32>, vector<16xf32>
      }
      %scan3A_1741 = arith.constant 64 : i32
      tpu.vector_store_idx %arg37[%add3A_1659], %scan3A_1740#1 : memref<640xf32, #tpu.memory_space<vmem>>[vector<16xi32>], vector<16xf32>,
      %shift_right_logical3A_1742 = arith.shrui %add3A_1659, %broadcast_in_dim3A_11 : vector<16xi32>
      %and3A_1743 = arith.andi %add3A_1659, %broadcast_in_dim3A_13 : vector<16xi32>
      %gather3A_1744 = tpu.vector_load_idx %arg19[%shift_right_logical3A_1742, %and3A_1743] : memref<5x128xi32, #tpu.memory_space<vmem>>[vector<16xi32>, vector<16xi32>], vector<16xi32>,
      %and3A_1745 = arith.andi %gather3A_1744, %broadcast_in_dim3A_9 : vector<16xi32>
      %gather3A_1746 = tpu.vector_load_idx %arg31[%add3A_1659, %and3A_1745] : memref<640x16xf32, #tpu.memory_space<vmem>>[vector<16xi32>, vector<16xi32>], vector<16xf32>,
      %mul3A_1747 = arith.mulf %broadcast_in_dim3A_1287, %gather3A_1640 : vector<16xf32>
      %mul3A_1748 = arith.mulf %mul3A_1747, %gather3A_1746 : vector<16xf32>
      %add3A_1749 = arith.addf %broadcast_in_dim3A_1285, %mul3A_1748 : vector<16xf32>
      tpu.vector_store_idx %arg38[%add3A_1659], %add3A_1749 : memref<640xf32, #tpu.memory_space<vmem>>[vector<16xi32>], vector<16xf32>,
      tpu.vector_store_idx %arg37[%add3A_1663], %scan3A_1740#2 : memref<640xf32, #tpu.memory_space<vmem>>[vector<16xi32>], vector<16xf32>,
      %shift_right_logical3A_1750 = arith.shrui %add3A_1663, %broadcast_in_dim3A_11 : vector<16xi32>
      %and3A_1751 = arith.andi %add3A_1663, %broadcast_in_dim3A_13 : vector<16xi32>
      %gather3A_1752 = tpu.vector_load_idx %arg19[%shift_right_logical3A_1750, %and3A_1751] : memref<5x128xi32, #tpu.memory_space<vmem>>[vector<16xi32>, vector<16xi32>], vector<16xi32>,
      %and3A_1753 = arith.andi %gather3A_1752, %broadcast_in_dim3A_9 : vector<16xi32>
      %gather3A_1754 = tpu.vector_load_idx %arg31[%add3A_1663, %and3A_1753] : memref<640x16xf32, #tpu.memory_space<vmem>>[vector<16xi32>, vector<16xi32>], vector<16xf32>,
      %mul3A_1755 = arith.mulf %broadcast_in_dim3A_1287, %gather3A_1640 : vector<16xf32>
      %mul3A_1756 = arith.mulf %mul3A_1755, %gather3A_1754 : vector<16xf32>
      %add3A_1757 = arith.addf %broadcast_in_dim3A_1285, %mul3A_1756 : vector<16xf32>
      tpu.vector_store_idx %arg38[%add3A_1663], %add3A_1757 : memref<640xf32, #tpu.memory_space<vmem>>[vector<16xi32>], vector<16xf32>,
      tpu.vector_store_idx %arg37[%add3A_1667], %scan3A_1740#3 : memref<640xf32, #tpu.memory_space<vmem>>[vector<16xi32>], vector<16xf32>,
      %shift_right_logical3A_1758 = arith.shrui %add3A_1667, %broadcast_in_dim3A_11 : vector<16xi32>
      %and3A_1759 = arith.andi %add3A_1667, %broadcast_in_dim3A_13 : vector<16xi32>
      %gather3A_1760 = tpu.vector_load_idx %arg19[%shift_right_logical3A_1758, %and3A_1759] : memref<5x128xi32, #tpu.memory_space<vmem>>[vector<16xi32>, vector<16xi32>], vector<16xi32>,
      %and3A_1761 = arith.andi %gather3A_1760, %broadcast_in_dim3A_9 : vector<16xi32>
      %gather3A_1762 = tpu.vector_load_idx %arg31[%add3A_1667, %and3A_1761] : memref<640x16xf32, #tpu.memory_space<vmem>>[vector<16xi32>, vector<16xi32>], vector<16xf32>,
      %mul3A_1763 = arith.mulf %broadcast_in_dim3A_1287, %gather3A_1640 : vector<16xf32>
      %mul3A_1764 = arith.mulf %mul3A_1763, %gather3A_1762 : vector<16xf32>
      %add3A_1765 = arith.addf %broadcast_in_dim3A_1285, %mul3A_1764 : vector<16xf32>
      tpu.vector_store_idx %arg38[%add3A_1667], %add3A_1765 : memref<640xf32, #tpu.memory_space<vmem>>[vector<16xi32>], vector<16xf32>,
      tpu.vector_store_idx %arg37[%add3A_1671], %scan3A_1740#4 : memref<640xf32, #tpu.memory_space<vmem>>[vector<16xi32>], vector<16xf32>,
      %shift_right_logical3A_1766 = arith.shrui %add3A_1671, %broadcast_in_dim3A_11 : vector<16xi32>
      %and3A_1767 = arith.andi %add3A_1671, %broadcast_in_dim3A_13 : vector<16xi32>
      %gather3A_1768 = tpu.vector_load_idx %arg19[%shift_right_logical3A_1766, %and3A_1767] : memref<5x128xi32, #tpu.memory_space<vmem>>[vector<16xi32>, vector<16xi32>], vector<16xi32>,
      %and3A_1769 = arith.andi %gather3A_1768, %broadcast_in_dim3A_9 : vector<16xi32>
      %gather3A_1770 = tpu.vector_load_idx %arg31[%add3A_1671, %and3A_1769] : memref<640x16xf32, #tpu.memory_space<vmem>>[vector<16xi32>, vector<16xi32>], vector<16xf32>,
      %mul3A_1771 = arith.mulf %broadcast_in_dim3A_1287, %gather3A_1640 : vector<16xf32>
      %mul3A_1772 = arith.mulf %mul3A_1771, %gather3A_1770 : vector<16xf32>
      %add3A_1773 = arith.addf %broadcast_in_dim3A_1285, %mul3A_1772 : vector<16xf32>
      tpu.vector_store_idx %arg38[%add3A_1671], %add3A_1773 : memref<640xf32, #tpu.memory_space<vmem>>[vector<16xi32>], vector<16xf32>,
      tpu.vector_store_idx %arg37[%add3A_1675], %scan3A_1740#5 : memref<640xf32, #tpu.memory_space<vmem>>[vector<16xi32>], vector<16xf32>,
      %shift_right_logical3A_1774 = arith.shrui %add3A_1675, %broadcast_in_dim3A_11 : vector<16xi32>
      %and3A_1775 = arith.andi %add3A_1675, %broadcast_in_dim3A_13 : vector<16xi32>
      %gather3A_1776 = tpu.vector_load_idx %arg19[%shift_right_logical3A_1774, %and3A_1775] : memref<5x128xi32, #tpu.memory_space<vmem>>[vector<16xi32>, vector<16xi32>], vector<16xi32>,
      %and3A_1777 = arith.andi %gather3A_1776, %broadcast_in_dim3A_9 : vector<16xi32>
      %gather3A_1778 = tpu.vector_load_idx %arg31[%add3A_1675, %and3A_1777] : memref<640x16xf32, #tpu.memory_space<vmem>>[vector<16xi32>, vector<16xi32>], vector<16xf32>,
      %mul3A_1779 = arith.mulf %broadcast_in_dim3A_1287, %gather3A_1640 : vector<16xf32>
      %mul3A_1780 = arith.mulf %mul3A_1779, %gather3A_1778 : vector<16xf32>
      %add3A_1781 = arith.addf %broadcast_in_dim3A_1285, %mul3A_1780 : vector<16xf32>
      tpu.vector_store_idx %arg38[%add3A_1675], %add3A_1781 : memref<640xf32, #tpu.memory_space<vmem>>[vector<16xi32>], vector<16xf32>,
      tpu.vector_store_idx %arg37[%add3A_1679], %scan3A_1740#6 : memref<640xf32, #tpu.memory_space<vmem>>[vector<16xi32>], vector<16xf32>,
      %shift_right_logical3A_1782 = arith.shrui %add3A_1679, %broadcast_in_dim3A_11 : vector<16xi32>
      %and3A_1783 = arith.andi %add3A_1679, %broadcast_in_dim3A_13 : vector<16xi32>
      %gather3A_1784 = tpu.vector_load_idx %arg19[%shift_right_logical3A_1782, %and3A_1783] : memref<5x128xi32, #tpu.memory_space<vmem>>[vector<16xi32>, vector<16xi32>], vector<16xi32>,
      %and3A_1785 = arith.andi %gather3A_1784, %broadcast_in_dim3A_9 : vector<16xi32>
      %gather3A_1786 = tpu.vector_load_idx %arg31[%add3A_1679, %and3A_1785] : memref<640x16xf32, #tpu.memory_space<vmem>>[vector<16xi32>, vector<16xi32>], vector<16xf32>,
      %mul3A_1787 = arith.mulf %broadcast_in_dim3A_1287, %gather3A_1640 : vector<16xf32>
      %mul3A_1788 = arith.mulf %mul3A_1787, %gather3A_1786 : vector<16xf32>
      %add3A_1789 = arith.addf %broadcast_in_dim3A_1285, %mul3A_1788 : vector<16xf32>
      tpu.vector_store_idx %arg38[%add3A_1679], %add3A_1789 : memref<640xf32, #tpu.memory_space<vmem>>[vector<16xi32>], vector<16xf32>,
      tpu.vector_store_idx %arg37[%add3A_1683], %scan3A_1740#7 : memref<640xf32, #tpu.memory_space<vmem>>[vector<16xi32>], vector<16xf32>,
      %shift_right_logical3A_1790 = arith.shrui %add3A_1683, %broadcast_in_dim3A_11 : vector<16xi32>
      %and3A_1791 = arith.andi %add3A_1683, %broadcast_in_dim3A_13 : vector<16xi32>
      %gather3A_1792 = tpu.vector_load_idx %arg19[%shift_right_logical3A_1790, %and3A_1791] : memref<5x128xi32, #tpu.memory_space<vmem>>[vector<16xi32>, vector<16xi32>], vector<16xi32>,
      %and3A_1793 = arith.andi %gather3A_1792, %broadcast_in_dim3A_9 : vector<16xi32>
      %gather3A_1794 = tpu.vector_load_idx %arg31[%add3A_1683, %and3A_1793] : memref<640x16xf32, #tpu.memory_space<vmem>>[vector<16xi32>, vector<16xi32>], vector<16xf32>,
      %mul3A_1795 = arith.mulf %broadcast_in_dim3A_1287, %gather3A_1640 : vector<16xf32>
      %mul3A_1796 = arith.mulf %mul3A_1795, %gather3A_1794 : vector<16xf32>
      %add3A_1797 = arith.addf %broadcast_in_dim3A_1285, %mul3A_1796 : vector<16xf32>
      tpu.vector_store_idx %arg38[%add3A_1683], %add3A_1797 : memref<640xf32, #tpu.memory_space<vmem>>[vector<16xi32>], vector<16xf32>,
      tpu.vector_store_idx %arg37[%add3A_1687], %scan3A_1740#8 : memref<640xf32, #tpu.memory_space<vmem>>[vector<16xi32>], vector<16xf32>,
      %shift_right_logical3A_1798 = arith.shrui %add3A_1687, %broadcast_in_dim3A_11 : vector<16xi32>
      %and3A_1799 = arith.andi %add3A_1687, %broadcast_in_dim3A_13 : vector<16xi32>
      %gather3A_1800 = tpu.vector_load_idx %arg19[%shift_right_logical3A_1798, %and3A_1799] : memref<5x128xi32, #tpu.memory_space<vmem>>[vector<16xi32>, vector<16xi32>], vector<16xi32>,
      %and3A_1801 = arith.andi %gather3A_1800, %broadcast_in_dim3A_9 : vector<16xi32>
      %gather3A_1802 = tpu.vector_load_idx %arg31[%add3A_1687, %and3A_1801] : memref<640x16xf32, #tpu.memory_space<vmem>>[vector<16xi32>, vector<16xi32>], vector<16xf32>,
      %mul3A_1803 = arith.mulf %broadcast_in_dim3A_1287, %gather3A_1640 : vector<16xf32>
      %mul3A_1804 = arith.mulf %mul3A_1803, %gather3A_1802 : vector<16xf32>
      %add3A_1805 = arith.addf %broadcast_in_dim3A_1285, %mul3A_1804 : vector<16xf32>
      tpu.vector_store_idx %arg38[%add3A_1687], %add3A_1805 : memref<640xf32, #tpu.memory_space<vmem>>[vector<16xi32>], vector<16xf32>,
      tpu.vector_store_idx %arg37[%add3A_1691], %scan3A_1740#9 : memref<640xf32, #tpu.memory_space<vmem>>[vector<16xi32>], vector<16xf32>,
      %shift_right_logical3A_1806 = arith.shrui %add3A_1691, %broadcast_in_dim3A_11 : vector<16xi32>
      %and3A_1807 = arith.andi %add3A_1691, %broadcast_in_dim3A_13 : vector<16xi32>
      %gather3A_1808 = tpu.vector_load_idx %arg19[%shift_right_logical3A_1806, %and3A_1807] : memref<5x128xi32, #tpu.memory_space<vmem>>[vector<16xi32>, vector<16xi32>], vector<16xi32>,
      %and3A_1809 = arith.andi %gather3A_1808, %broadcast_in_dim3A_9 : vector<16xi32>
      %gather3A_1810 = tpu.vector_load_idx %arg31[%add3A_1691, %and3A_1809] : memref<640x16xf32, #tpu.memory_space<vmem>>[vector<16xi32>, vector<16xi32>], vector<16xf32>,
      %mul3A_1811 = arith.mulf %broadcast_in_dim3A_1287, %gather3A_1640 : vector<16xf32>
      %mul3A_1812 = arith.mulf %mul3A_1811, %gather3A_1810 : vector<16xf32>
      %add3A_1813 = arith.addf %broadcast_in_dim3A_1285, %mul3A_1812 : vector<16xf32>
      tpu.vector_store_idx %arg38[%add3A_1691], %add3A_1813 : memref<640xf32, #tpu.memory_space<vmem>>[vector<16xi32>], vector<16xf32>,
      tpu.vector_store_idx %arg37[%add3A_1695], %scan3A_1740#10 : memref<640xf32, #tpu.memory_space<vmem>>[vector<16xi32>], vector<16xf32>,
      %shift_right_logical3A_1814 = arith.shrui %add3A_1695, %broadcast_in_dim3A_11 : vector<16xi32>
      %and3A_1815 = arith.andi %add3A_1695, %broadcast_in_dim3A_13 : vector<16xi32>
      %gather3A_1816 = tpu.vector_load_idx %arg19[%shift_right_logical3A_1814, %and3A_1815] : memref<5x128xi32, #tpu.memory_space<vmem>>[vector<16xi32>, vector<16xi32>], vector<16xi32>,
      %and3A_1817 = arith.andi %gather3A_1816, %broadcast_in_dim3A_9 : vector<16xi32>
      %gather3A_1818 = tpu.vector_load_idx %arg31[%add3A_1695, %and3A_1817] : memref<640x16xf32, #tpu.memory_space<vmem>>[vector<16xi32>, vector<16xi32>], vector<16xf32>,
      %mul3A_1819 = arith.mulf %broadcast_in_dim3A_1287, %gather3A_1640 : vector<16xf32>
      %mul3A_1820 = arith.mulf %mul3A_1819, %gather3A_1818 : vector<16xf32>
      %add3A_1821 = arith.addf %broadcast_in_dim3A_1285, %mul3A_1820 : vector<16xf32>
      tpu.vector_store_idx %arg38[%add3A_1695], %add3A_1821 : memref<640xf32, #tpu.memory_space<vmem>>[vector<16xi32>], vector<16xf32>,
      tpu.vector_store_idx %arg37[%add3A_1699], %scan3A_1740#11 : memref<640xf32, #tpu.memory_space<vmem>>[vector<16xi32>], vector<16xf32>,
      %shift_right_logical3A_1822 = arith.shrui %add3A_1699, %broadcast_in_dim3A_11 : vector<16xi32>
      %and3A_1823 = arith.andi %add3A_1699, %broadcast_in_dim3A_13 : vector<16xi32>
      %gather3A_1824 = tpu.vector_load_idx %arg19[%shift_right_logical3A_1822, %and3A_1823] : memref<5x128xi32, #tpu.memory_space<vmem>>[vector<16xi32>, vector<16xi32>], vector<16xi32>,
      %and3A_1825 = arith.andi %gather3A_1824, %broadcast_in_dim3A_9 : vector<16xi32>
      %gather3A_1826 = tpu.vector_load_idx %arg31[%add3A_1699, %and3A_1825] : memref<640x16xf32, #tpu.memory_space<vmem>>[vector<16xi32>, vector<16xi32>], vector<16xf32>,
      %mul3A_1827 = arith.mulf %broadcast_in_dim3A_1287, %gather3A_1640 : vector<16xf32>
      %mul3A_1828 = arith.mulf %mul3A_1827, %gather3A_1826 : vector<16xf32>
      %add3A_1829 = arith.addf %broadcast_in_dim3A_1285, %mul3A_1828 : vector<16xf32>
      tpu.vector_store_idx %arg38[%add3A_1699], %add3A_1829 : memref<640xf32, #tpu.memory_space<vmem>>[vector<16xi32>], vector<16xf32>,
      tpu.vector_store_idx %arg37[%add3A_1703], %scan3A_1740#12 : memref<640xf32, #tpu.memory_space<vmem>>[vector<16xi32>], vector<16xf32>,
      %shift_right_logical3A_1830 = arith.shrui %add3A_1703, %broadcast_in_dim3A_11 : vector<16xi32>
      %and3A_1831 = arith.andi %add3A_1703, %broadcast_in_dim3A_13 : vector<16xi32>
      %gather3A_1832 = tpu.vector_load_idx %arg19[%shift_right_logical3A_1830, %and3A_1831] : memref<5x128xi32, #tpu.memory_space<vmem>>[vector<16xi32>, vector<16xi32>], vector<16xi32>,
      %and3A_1833 = arith.andi %gather3A_1832, %broadcast_in_dim3A_9 : vector<16xi32>
      %gather3A_1834 = tpu.vector_load_idx %arg31[%add3A_1703, %and3A_1833] : memref<640x16xf32, #tpu.memory_space<vmem>>[vector<16xi32>, vector<16xi32>], vector<16xf32>,
      %mul3A_1835 = arith.mulf %broadcast_in_dim3A_1287, %gather3A_1640 : vector<16xf32>
      %mul3A_1836 = arith.mulf %mul3A_1835, %gather3A_1834 : vector<16xf32>
      %add3A_1837 = arith.addf %broadcast_in_dim3A_1285, %mul3A_1836 : vector<16xf32>
      tpu.vector_store_idx %arg38[%add3A_1703], %add3A_1837 : memref<640xf32, #tpu.memory_space<vmem>>[vector<16xi32>], vector<16xf32>,
      tpu.vector_store_idx %arg37[%add3A_1707], %scan3A_1740#13 : memref<640xf32, #tpu.memory_space<vmem>>[vector<16xi32>], vector<16xf32>,
      %shift_right_logical3A_1838 = arith.shrui %add3A_1707, %broadcast_in_dim3A_11 : vector<16xi32>
      %and3A_1839 = arith.andi %add3A_1707, %broadcast_in_dim3A_13 : vector<16xi32>
      %gather3A_1840 = tpu.vector_load_idx %arg19[%shift_right_logical3A_1838, %and3A_1839] : memref<5x128xi32, #tpu.memory_space<vmem>>[vector<16xi32>, vector<16xi32>], vector<16xi32>,
      %and3A_1841 = arith.andi %gather3A_1840, %broadcast_in_dim3A_9 : vector<16xi32>
      %gather3A_1842 = tpu.vector_load_idx %arg31[%add3A_1707, %and3A_1841] : memref<640x16xf32, #tpu.memory_space<vmem>>[vector<16xi32>, vector<16xi32>], vector<16xf32>,
      %mul3A_1843 = arith.mulf %broadcast_in_dim3A_1287, %gather3A_1640 : vector<16xf32>
      %mul3A_1844 = arith.mulf %mul3A_1843, %gather3A_1842 : vector<16xf32>
      %add3A_1845 = arith.addf %broadcast_in_dim3A_1285, %mul3A_1844 : vector<16xf32>
      tpu.vector_store_idx %arg38[%add3A_1707], %add3A_1845 : memref<640xf32, #tpu.memory_space<vmem>>[vector<16xi32>], vector<16xf32>,
      tpu.vector_store_idx %arg37[%add3A_1711], %scan3A_1740#14 : memref<640xf32, #tpu.memory_space<vmem>>[vector<16xi32>], vector<16xf32>,
      %shift_right_logical3A_1846 = arith.shrui %add3A_1711, %broadcast_in_dim3A_11 : vector<16xi32>
      %and3A_1847 = arith.andi %add3A_1711, %broadcast_in_dim3A_13 : vector<16xi32>
      %gather3A_1848 = tpu.vector_load_idx %arg19[%shift_right_logical3A_1846, %and3A_1847] : memref<5x128xi32, #tpu.memory_space<vmem>>[vector<16xi32>, vector<16xi32>], vector<16xi32>,
      %and3A_1849 = arith.andi %gather3A_1848, %broadcast_in_dim3A_9 : vector<16xi32>
      %gather3A_1850 = tpu.vector_load_idx %arg31[%add3A_1711, %and3A_1849] : memref<640x16xf32, #tpu.memory_space<vmem>>[vector<16xi32>, vector<16xi32>], vector<16xf32>,
      %mul3A_1851 = arith.mulf %broadcast_in_dim3A_1287, %gather3A_1640 : vector<16xf32>
      %mul3A_1852 = arith.mulf %mul3A_1851, %gather3A_1850 : vector<16xf32>
      %add3A_1853 = arith.addf %broadcast_in_dim3A_1285, %mul3A_1852 : vector<16xf32>
      tpu.vector_store_idx %arg38[%add3A_1711], %add3A_1853 : memref<640xf32, #tpu.memory_space<vmem>>[vector<16xi32>], vector<16xf32>,
      tpu.vector_store_idx %arg37[%add3A_1715], %scan3A_1740#15 : memref<640xf32, #tpu.memory_space<vmem>>[vector<16xi32>], vector<16xf32>,
      %shift_right_logical3A_1854 = arith.shrui %add3A_1715, %broadcast_in_dim3A_11 : vector<16xi32>
      %and3A_1855 = arith.andi %add3A_1715, %broadcast_in_dim3A_13 : vector<16xi32>
      %gather3A_1856 = tpu.vector_load_idx %arg19[%shift_right_logical3A_1854, %and3A_1855] : memref<5x128xi32, #tpu.memory_space<vmem>>[vector<16xi32>, vector<16xi32>], vector<16xi32>,
      %and3A_1857 = arith.andi %gather3A_1856, %broadcast_in_dim3A_9 : vector<16xi32>
      %gather3A_1858 = tpu.vector_load_idx %arg31[%add3A_1715, %and3A_1857] : memref<640x16xf32, #tpu.memory_space<vmem>>[vector<16xi32>, vector<16xi32>], vector<16xf32>,
      %mul3A_1859 = arith.mulf %broadcast_in_dim3A_1287, %gather3A_1640 : vector<16xf32>
      %mul3A_1860 = arith.mulf %mul3A_1859, %gather3A_1858 : vector<16xf32>
      %add3A_1861 = arith.addf %broadcast_in_dim3A_1285, %mul3A_1860 : vector<16xf32>
      tpu.vector_store_idx %arg38[%add3A_1715], %add3A_1861 : memref<640xf32, #tpu.memory_space<vmem>>[vector<16xi32>], vector<16xf32>,
      tpu.vector_store_idx %arg37[%add3A_1719], %scan3A_1740#16 : memref<640xf32, #tpu.memory_space<vmem>>[vector<16xi32>], vector<16xf32>,
      %shift_right_logical3A_1862 = arith.shrui %add3A_1719, %broadcast_in_dim3A_11 : vector<16xi32>
      %and3A_1863 = arith.andi %add3A_1719, %broadcast_in_dim3A_13 : vector<16xi32>
      %gather3A_1864 = tpu.vector_load_idx %arg19[%shift_right_logical3A_1862, %and3A_1863] : memref<5x128xi32, #tpu.memory_space<vmem>>[vector<16xi32>, vector<16xi32>], vector<16xi32>,
      %and3A_1865 = arith.andi %gather3A_1864, %broadcast_in_dim3A_9 : vector<16xi32>
      %gather3A_1866 = tpu.vector_load_idx %arg31[%add3A_1719, %and3A_1865] : memref<640x16xf32, #tpu.memory_space<vmem>>[vector<16xi32>, vector<16xi32>], vector<16xf32>,
      %mul3A_1867 = arith.mulf %broadcast_in_dim3A_1287, %gather3A_1640 : vector<16xf32>
      %mul3A_1868 = arith.mulf %mul3A_1867, %gather3A_1866 : vector<16xf32>
      %add3A_1869 = arith.addf %broadcast_in_dim3A_1285, %mul3A_1868 : vector<16xf32>
      tpu.vector_store_idx %arg38[%add3A_1719], %add3A_1869 : memref<640xf32, #tpu.memory_space<vmem>>[vector<16xi32>], vector<16xf32>,
      tpu.vector_store_idx %arg37[%add3A_1723], %scan3A_1740#17 : memref<640xf32, #tpu.memory_space<vmem>>[vector<16xi32>], vector<16xf32>,
      %shift_right_logical3A_1870 = arith.shrui %add3A_1723, %broadcast_in_dim3A_11 : vector<16xi32>
      %and3A_1871 = arith.andi %add3A_1723, %broadcast_in_dim3A_13 : vector<16xi32>
      %gather3A_1872 = tpu.vector_load_idx %arg19[%shift_right_logical3A_1870, %and3A_1871] : memref<5x128xi32, #tpu.memory_space<vmem>>[vector<16xi32>, vector<16xi32>], vector<16xi32>,
      %and3A_1873 = arith.andi %gather3A_1872, %broadcast_in_dim3A_9 : vector<16xi32>
      %gather3A_1874 = tpu.vector_load_idx %arg31[%add3A_1723, %and3A_1873] : memref<640x16xf32, #tpu.memory_space<vmem>>[vector<16xi32>, vector<16xi32>], vector<16xf32>,
      %mul3A_1875 = arith.mulf %broadcast_in_dim3A_1287, %gather3A_1640 : vector<16xf32>
      %mul3A_1876 = arith.mulf %mul3A_1875, %gather3A_1874 : vector<16xf32>
      %add3A_1877 = arith.addf %broadcast_in_dim3A_1285, %mul3A_1876 : vector<16xf32>
      tpu.vector_store_idx %arg38[%add3A_1723], %add3A_1877 : memref<640xf32, #tpu.memory_space<vmem>>[vector<16xi32>], vector<16xf32>,
      tpu.vector_store_idx %arg37[%add3A_1727], %scan3A_1740#18 : memref<640xf32, #tpu.memory_space<vmem>>[vector<16xi32>], vector<16xf32>,
      %shift_right_logical3A_1878 = arith.shrui %add3A_1727, %broadcast_in_dim3A_11 : vector<16xi32>
      %and3A_1879 = arith.andi %add3A_1727, %broadcast_in_dim3A_13 : vector<16xi32>
      %gather3A_1880 = tpu.vector_load_idx %arg19[%shift_right_logical3A_1878, %and3A_1879] : memref<5x128xi32, #tpu.memory_space<vmem>>[vector<16xi32>, vector<16xi32>], vector<16xi32>,
      %and3A_1881 = arith.andi %gather3A_1880, %broadcast_in_dim3A_9 : vector<16xi32>
      %gather3A_1882 = tpu.vector_load_idx %arg31[%add3A_1727, %and3A_1881] : memref<640x16xf32, #tpu.memory_space<vmem>>[vector<16xi32>, vector<16xi32>], vector<16xf32>,
      %mul3A_1883 = arith.mulf %broadcast_in_dim3A_1287, %gather3A_1640 : vector<16xf32>
      %mul3A_1884 = arith.mulf %mul3A_1883, %gather3A_1882 : vector<16xf32>
      %add3A_1885 = arith.addf %broadcast_in_dim3A_1285, %mul3A_1884 : vector<16xf32>
      tpu.vector_store_idx %arg38[%add3A_1727], %add3A_1885 : memref<640xf32, #tpu.memory_space<vmem>>[vector<16xi32>], vector<16xf32>,
      tpu.vector_store_idx %arg37[%add3A_1731], %scan3A_1740#19 : memref<640xf32, #tpu.memory_space<vmem>>[vector<16xi32>], vector<16xf32>,
      %shift_right_logical3A_1886 = arith.shrui %add3A_1731, %broadcast_in_dim3A_11 : vector<16xi32>
      %and3A_1887 = arith.andi %add3A_1731, %broadcast_in_dim3A_13 : vector<16xi32>
      %gather3A_1888 = tpu.vector_load_idx %arg19[%shift_right_logical3A_1886, %and3A_1887] : memref<5x128xi32, #tpu.memory_space<vmem>>[vector<16xi32>, vector<16xi32>], vector<16xi32>,
      %and3A_1889 = arith.andi %gather3A_1888, %broadcast_in_dim3A_9 : vector<16xi32>
      %gather3A_1890 = tpu.vector_load_idx %arg31[%add3A_1731, %and3A_1889] : memref<640x16xf32, #tpu.memory_space<vmem>>[vector<16xi32>, vector<16xi32>], vector<16xf32>,
      %mul3A_1891 = arith.mulf %broadcast_in_dim3A_1287, %gather3A_1640 : vector<16xf32>
      %mul3A_1892 = arith.mulf %mul3A_1891, %gather3A_1890 : vector<16xf32>
      %add3A_1893 = arith.addf %broadcast_in_dim3A_1285, %mul3A_1892 : vector<16xf32>
      tpu.vector_store_idx %arg38[%add3A_1731], %add3A_1893 : memref<640xf32, #tpu.memory_space<vmem>>[vector<16xi32>], vector<16xf32>,
      tpu.vector_store_idx %arg37[%add3A_1735], %scan3A_1740#20 : memref<640xf32, #tpu.memory_space<vmem>>[vector<16xi32>], vector<16xf32>,
      %shift_right_logical3A_1894 = arith.shrui %add3A_1735, %broadcast_in_dim3A_11 : vector<16xi32>
      %and3A_1895 = arith.andi %add3A_1735, %broadcast_in_dim3A_13 : vector<16xi32>
      %gather3A_1896 = tpu.vector_load_idx %arg19[%shift_right_logical3A_1894, %and3A_1895] : memref<5x128xi32, #tpu.memory_space<vmem>>[vector<16xi32>, vector<16xi32>], vector<16xi32>,
      %and3A_1897 = arith.andi %gather3A_1896, %broadcast_in_dim3A_9 : vector<16xi32>
      %gather3A_1898 = tpu.vector_load_idx %arg31[%add3A_1735, %and3A_1897] : memref<640x16xf32, #tpu.memory_space<vmem>>[vector<16xi32>, vector<16xi32>], vector<16xf32>,
      %mul3A_1899 = arith.mulf %broadcast_in_dim3A_1287, %gather3A_1640 : vector<16xf32>
      %mul3A_1900 = arith.mulf %mul3A_1899, %gather3A_1898 : vector<16xf32>
      %add3A_1901 = arith.addf %broadcast_in_dim3A_1285, %mul3A_1900 : vector<16xf32>
      tpu.vector_store_idx %arg38[%add3A_1735], %add3A_1901 : memref<640xf32, #tpu.memory_space<vmem>>[vector<16xi32>], vector<16xf32>,
      %mul3A_1902 = arith.muli %add3A_1634, %broadcast_in_dim3A_15 : vector<16xi32>
      %broadcast_in_dim3A_1903 = arith.constant 0 : i32
      %broadcast_in_dim3A_1904 = vector.broadcast %broadcast_in_dim3A_1903 : i32 to vector<16xi32>
      %add3A_1905 = arith.addi %mul3A_1902, %broadcast_in_dim3A_1904 : vector<16xi32>
      %mul3A_1906 = arith.muli %add3A_1634, %broadcast_in_dim3A_15 : vector<16xi32>
      %broadcast_in_dim3A_1907 = arith.constant 1 : i32
      %broadcast_in_dim3A_1908 = vector.broadcast %broadcast_in_dim3A_1907 : i32 to vector<16xi32>
      %add3A_1909 = arith.addi %mul3A_1906, %broadcast_in_dim3A_1908 : vector<16xi32>
      %mul3A_1910 = arith.muli %add3A_1634, %broadcast_in_dim3A_15 : vector<16xi32>
      %broadcast_in_dim3A_1911 = arith.constant 2 : i32
      %broadcast_in_dim3A_1912 = vector.broadcast %broadcast_in_dim3A_1911 : i32 to vector<16xi32>
      %add3A_1913 = arith.addi %mul3A_1910, %broadcast_in_dim3A_1912 : vector<16xi32>
      %mul3A_1914 = arith.muli %add3A_1634, %broadcast_in_dim3A_15 : vector<16xi32>
      %broadcast_in_dim3A_1915 = arith.constant 3 : i32
      %broadcast_in_dim3A_1916 = vector.broadcast %broadcast_in_dim3A_1915 : i32 to vector<16xi32>
      %add3A_1917 = arith.addi %mul3A_1914, %broadcast_in_dim3A_1916 : vector<16xi32>
      %mul3A_1918 = arith.muli %add3A_1634, %broadcast_in_dim3A_15 : vector<16xi32>
      %broadcast_in_dim3A_1919 = arith.constant 4 : i32
      %broadcast_in_dim3A_1920 = vector.broadcast %broadcast_in_dim3A_1919 : i32 to vector<16xi32>
      %add3A_1921 = arith.addi %mul3A_1918, %broadcast_in_dim3A_1920 : vector<16xi32>
      %mul3A_1922 = arith.muli %add3A_1634, %broadcast_in_dim3A_15 : vector<16xi32>
      %broadcast_in_dim3A_1923 = arith.constant 5 : i32
      %broadcast_in_dim3A_1924 = vector.broadcast %broadcast_in_dim3A_1923 : i32 to vector<16xi32>
      %add3A_1925 = arith.addi %mul3A_1922, %broadcast_in_dim3A_1924 : vector<16xi32>
      %mul3A_1926 = arith.muli %add3A_1634, %broadcast_in_dim3A_15 : vector<16xi32>
      %broadcast_in_dim3A_1927 = arith.constant 6 : i32
      %broadcast_in_dim3A_1928 = vector.broadcast %broadcast_in_dim3A_1927 : i32 to vector<16xi32>
      %add3A_1929 = arith.addi %mul3A_1926, %broadcast_in_dim3A_1928 : vector<16xi32>
      %mul3A_1930 = arith.muli %add3A_1634, %broadcast_in_dim3A_15 : vector<16xi32>
      %broadcast_in_dim3A_1931 = arith.constant 7 : i32
      %broadcast_in_dim3A_1932 = vector.broadcast %broadcast_in_dim3A_1931 : i32 to vector<16xi32>
      %add3A_1933 = arith.addi %mul3A_1930, %broadcast_in_dim3A_1932 : vector<16xi32>
      %mul3A_1934 = arith.muli %add3A_1634, %broadcast_in_dim3A_15 : vector<16xi32>
      %broadcast_in_dim3A_1935 = arith.constant 8 : i32
      %broadcast_in_dim3A_1936 = vector.broadcast %broadcast_in_dim3A_1935 : i32 to vector<16xi32>
      %add3A_1937 = arith.addi %mul3A_1934, %broadcast_in_dim3A_1936 : vector<16xi32>
      %mul3A_1938 = arith.muli %add3A_1634, %broadcast_in_dim3A_15 : vector<16xi32>
      %broadcast_in_dim3A_1939 = arith.constant 9 : i32
      %broadcast_in_dim3A_1940 = vector.broadcast %broadcast_in_dim3A_1939 : i32 to vector<16xi32>
      %add3A_1941 = arith.addi %mul3A_1938, %broadcast_in_dim3A_1940 : vector<16xi32>
      %scan3A_1942 = arith.constant 0 : i32
      %scan3A_1943 = arith.constant 64 : i32
      %scan3A_1944 = arith.addi %scan3A_1942, %scan3A_1943 : i32
      %scan3A_1945 = arith.constant 1 : i32
      %scan3A_1946:11 = scf.for %scan3A_1975 = %scan3A_1942 to %scan3A_1944 step %scan3A_1945 iter_args(%scan3A_1976 = %broadcast_in_dim3A_1, %scan3A_1977 = %broadcast_in_dim3A_3, %scan3A_1978 = %broadcast_in_dim3A_3, %scan3A_1979 = %broadcast_in_dim3A_3, %scan3A_1980 = %broadcast_in_dim3A_3, %scan3A_1981 = %broadcast_in_dim3A_3, %scan3A_1982 = %broadcast_in_dim3A_3, %scan3A_1983 = %broadcast_in_dim3A_3, %scan3A_1984 = %broadcast_in_dim3A_3, %scan3A_1985 = %broadcast_in_dim3A_3, %scan3A_1986 = %broadcast_in_dim3A_3) -> (vector<16xi32>, vector<16xf32>, vector<16xf32>, vector<16xf32>, vector<16xf32>, vector<16xf32>, vector<16xf32>, vector<16xf32>, vector<16xf32>, vector<16xf32>, vector<16xf32>)  : i32 {
        %gather3A_1987 = tpu.vector_load_idx %arg24[%add3A_1634, %scan3A_1976] : memref<32x64xf32, #tpu.memory_space<vmem>>[vector<16xi32>, vector<16xi32>], vector<16xf32>,
        %gather3A_1988 = tpu.vector_load_idx %arg34[%add3A_1905, %scan3A_1976] : memref<320x64xf32, #tpu.memory_space<vmem>>[vector<16xi32>, vector<16xi32>], vector<16xf32>,
        %mul3A_1989 = arith.mulf %gather3A_1987, %gather3A_1988 : vector<16xf32>
        %add3A_1990 = arith.addf %scan3A_1977, %mul3A_1989 : vector<16xf32>
        %gather3A_1991 = tpu.vector_load_idx %arg34[%add3A_1909, %scan3A_1976] : memref<320x64xf32, #tpu.memory_space<vmem>>[vector<16xi32>, vector<16xi32>], vector<16xf32>,
        %mul3A_1992 = arith.mulf %gather3A_1987, %gather3A_1991 : vector<16xf32>
        %add3A_1993 = arith.addf %scan3A_1978, %mul3A_1992 : vector<16xf32>
        %gather3A_1994 = tpu.vector_load_idx %arg34[%add3A_1913, %scan3A_1976] : memref<320x64xf32, #tpu.memory_space<vmem>>[vector<16xi32>, vector<16xi32>], vector<16xf32>,
        %mul3A_1995 = arith.mulf %gather3A_1987, %gather3A_1994 : vector<16xf32>
        %add3A_1996 = arith.addf %scan3A_1979, %mul3A_1995 : vector<16xf32>
        %gather3A_1997 = tpu.vector_load_idx %arg34[%add3A_1917, %scan3A_1976] : memref<320x64xf32, #tpu.memory_space<vmem>>[vector<16xi32>, vector<16xi32>], vector<16xf32>,
        %mul3A_1998 = arith.mulf %gather3A_1987, %gather3A_1997 : vector<16xf32>
        %add3A_1999 = arith.addf %scan3A_1980, %mul3A_1998 : vector<16xf32>
        %gather3A_2000 = tpu.vector_load_idx %arg34[%add3A_1921, %scan3A_1976] : memref<320x64xf32, #tpu.memory_space<vmem>>[vector<16xi32>, vector<16xi32>], vector<16xf32>,
        %mul3A_2001 = arith.mulf %gather3A_1987, %gather3A_2000 : vector<16xf32>
        %add3A_2002 = arith.addf %scan3A_1981, %mul3A_2001 : vector<16xf32>
        %gather3A_2003 = tpu.vector_load_idx %arg34[%add3A_1925, %scan3A_1976] : memref<320x64xf32, #tpu.memory_space<vmem>>[vector<16xi32>, vector<16xi32>], vector<16xf32>,
        %mul3A_2004 = arith.mulf %gather3A_1987, %gather3A_2003 : vector<16xf32>
        %add3A_2005 = arith.addf %scan3A_1982, %mul3A_2004 : vector<16xf32>
        %gather3A_2006 = tpu.vector_load_idx %arg34[%add3A_1929, %scan3A_1976] : memref<320x64xf32, #tpu.memory_space<vmem>>[vector<16xi32>, vector<16xi32>], vector<16xf32>,
        %mul3A_2007 = arith.mulf %gather3A_1987, %gather3A_2006 : vector<16xf32>
        %add3A_2008 = arith.addf %scan3A_1983, %mul3A_2007 : vector<16xf32>
        %gather3A_2009 = tpu.vector_load_idx %arg34[%add3A_1933, %scan3A_1976] : memref<320x64xf32, #tpu.memory_space<vmem>>[vector<16xi32>, vector<16xi32>], vector<16xf32>,
        %mul3A_2010 = arith.mulf %gather3A_1987, %gather3A_2009 : vector<16xf32>
        %add3A_2011 = arith.addf %scan3A_1984, %mul3A_2010 : vector<16xf32>
        %gather3A_2012 = tpu.vector_load_idx %arg34[%add3A_1937, %scan3A_1976] : memref<320x64xf32, #tpu.memory_space<vmem>>[vector<16xi32>, vector<16xi32>], vector<16xf32>,
        %mul3A_2013 = arith.mulf %gather3A_1987, %gather3A_2012 : vector<16xf32>
        %add3A_2014 = arith.addf %scan3A_1985, %mul3A_2013 : vector<16xf32>
        %gather3A_2015 = tpu.vector_load_idx %arg34[%add3A_1941, %scan3A_1976] : memref<320x64xf32, #tpu.memory_space<vmem>>[vector<16xi32>, vector<16xi32>], vector<16xf32>,
        %mul3A_2016 = arith.mulf %gather3A_1987, %gather3A_2015 : vector<16xf32>
        %add3A_2017 = arith.addf %scan3A_1986, %mul3A_2016 : vector<16xf32>
        %add3A_2018 = arith.addi %scan3A_1976, %broadcast_in_dim3A_5 : vector<16xi32>
        scf.yield %add3A_2018, %add3A_1990, %add3A_1993, %add3A_1996, %add3A_1999, %add3A_2002, %add3A_2005, %add3A_2008, %add3A_2011, %add3A_2014, %add3A_2017 : vector<16xi32>, vector<16xf32>, vector<16xf32>, vector<16xf32>, vector<16xf32>, vector<16xf32>, vector<16xf32>, vector<16xf32>, vector<16xf32>, vector<16xf32>, vector<16xf32>
      }
      %scan3A_1947 = arith.constant 64 : i32
      tpu.vector_store_idx %arg39[%add3A_1905], %scan3A_1946#1 : memref<320xf32, #tpu.memory_space<vmem>>[vector<16xi32>], vector<16xf32>,
      tpu.vector_store_idx %arg39[%add3A_1909], %scan3A_1946#2 : memref<320xf32, #tpu.memory_space<vmem>>[vector<16xi32>], vector<16xf32>,
      tpu.vector_store_idx %arg39[%add3A_1913], %scan3A_1946#3 : memref<320xf32, #tpu.memory_space<vmem>>[vector<16xi32>], vector<16xf32>,
      tpu.vector_store_idx %arg39[%add3A_1917], %scan3A_1946#4 : memref<320xf32, #tpu.memory_space<vmem>>[vector<16xi32>], vector<16xf32>,
      tpu.vector_store_idx %arg39[%add3A_1921], %scan3A_1946#5 : memref<320xf32, #tpu.memory_space<vmem>>[vector<16xi32>], vector<16xf32>,
      tpu.vector_store_idx %arg39[%add3A_1925], %scan3A_1946#6 : memref<320xf32, #tpu.memory_space<vmem>>[vector<16xi32>], vector<16xf32>,
      tpu.vector_store_idx %arg39[%add3A_1929], %scan3A_1946#7 : memref<320xf32, #tpu.memory_space<vmem>>[vector<16xi32>], vector<16xf32>,
      tpu.vector_store_idx %arg39[%add3A_1933], %scan3A_1946#8 : memref<320xf32, #tpu.memory_space<vmem>>[vector<16xi32>], vector<16xf32>,
      tpu.vector_store_idx %arg39[%add3A_1937], %scan3A_1946#9 : memref<320xf32, #tpu.memory_space<vmem>>[vector<16xi32>], vector<16xf32>,
      tpu.vector_store_idx %arg39[%add3A_1941], %scan3A_1946#10 : memref<320xf32, #tpu.memory_space<vmem>>[vector<16xi32>], vector<16xf32>,
      %mul3A_1948 = arith.constant 10 : i32
      %mul3A_1949 = arith.muli %multiple_of3A, %mul3A_1948 : i32
      %multiple_of3A_1950 = tpu.assume_multiple %mul3A_1949, 8 : i32
      %dma_start3A_1951 = tpu.memref_slice %arg11[%multiple_of3A] : memref<16384xf32, #tpu.memory_space<hbm>> -> memref<32xf32, #tpu.memory_space<hbm>>
      %dma_start3A_1952 = tpu.memref_slice %arg11[%multiple_of3A] : memref<16384xf32, #tpu.memory_space<hbm>> -> memref<32xf32, #tpu.memory_space<hbm>>
      tpu.enqueue_dma source(%arg35 : memref<32xf32, #tpu.memory_space<vmem>>) target(%dma_start3A_1952 : memref<32xf32, #tpu.memory_space<hbm>>) target_semaphore(%arg42 : memref<!tpu.dma_semaphore, #tpu.memory_space<semaphore_mem>>)
      %dma_start3A_1953 = tpu.memref_slice %arg12[%multiple_of3A] : memref<16384xf32, #tpu.memory_space<hbm>> -> memref<32xf32, #tpu.memory_space<hbm>>
      %dma_start3A_1954 = tpu.memref_slice %arg12[%multiple_of3A] : memref<16384xf32, #tpu.memory_space<hbm>> -> memref<32xf32, #tpu.memory_space<hbm>>
      tpu.enqueue_dma source(%arg36 : memref<32xf32, #tpu.memory_space<vmem>>) target(%dma_start3A_1954 : memref<32xf32, #tpu.memory_space<hbm>>) target_semaphore(%arg42 : memref<!tpu.dma_semaphore, #tpu.memory_space<semaphore_mem>>)
      %dma_start3A_1955 = tpu.memref_slice %arg13[%multiple_of3A_31] : memref<327680xf32, #tpu.memory_space<hbm>> -> memref<640xf32, #tpu.memory_space<hbm>>
      %dma_start3A_1956 = tpu.memref_slice %arg13[%multiple_of3A_31] : memref<327680xf32, #tpu.memory_space<hbm>> -> memref<640xf32, #tpu.memory_space<hbm>>
      tpu.enqueue_dma source(%arg37 : memref<640xf32, #tpu.memory_space<vmem>>) target(%dma_start3A_1956 : memref<640xf32, #tpu.memory_space<hbm>>) target_semaphore(%arg42 : memref<!tpu.dma_semaphore, #tpu.memory_space<semaphore_mem>>)
      %dma_start3A_1957 = tpu.memref_slice %arg14[%multiple_of3A_31] : memref<327680xf32, #tpu.memory_space<hbm>> -> memref<640xf32, #tpu.memory_space<hbm>>
      %dma_start3A_1958 = tpu.memref_slice %arg14[%multiple_of3A_31] : memref<327680xf32, #tpu.memory_space<hbm>> -> memref<640xf32, #tpu.memory_space<hbm>>
      tpu.enqueue_dma source(%arg38 : memref<640xf32, #tpu.memory_space<vmem>>) target(%dma_start3A_1958 : memref<640xf32, #tpu.memory_space<hbm>>) target_semaphore(%arg42 : memref<!tpu.dma_semaphore, #tpu.memory_space<semaphore_mem>>)
      %dma_start3A_1959 = tpu.memref_slice %arg15[%multiple_of3A_1950] : memref<163840xf32, #tpu.memory_space<hbm>> -> memref<320xf32, #tpu.memory_space<hbm>>
      %dma_start3A_1960 = tpu.memref_slice %arg15[%multiple_of3A_1950] : memref<163840xf32, #tpu.memory_space<hbm>> -> memref<320xf32, #tpu.memory_space<hbm>>
      tpu.enqueue_dma source(%arg39 : memref<320xf32, #tpu.memory_space<vmem>>) target(%dma_start3A_1960 : memref<320xf32, #tpu.memory_space<hbm>>) target_semaphore(%arg42 : memref<!tpu.dma_semaphore, #tpu.memory_space<semaphore_mem>>)
      %dma_start3A_1961 = tpu.memref_slice %arg16[%multiple_of3A_1950] : memref<163840xf32, #tpu.memory_space<hbm>> -> memref<320xf32, #tpu.memory_space<hbm>>
      %dma_start3A_1962 = tpu.memref_slice %arg16[%multiple_of3A_1950] : memref<163840xf32, #tpu.memory_space<hbm>> -> memref<320xf32, #tpu.memory_space<hbm>>
      tpu.enqueue_dma source(%arg40 : memref<320xf32, #tpu.memory_space<vmem>>) target(%dma_start3A_1962 : memref<320xf32, #tpu.memory_space<hbm>>) target_semaphore(%arg42 : memref<!tpu.dma_semaphore, #tpu.memory_space<semaphore_mem>>)
      %dma_wait3A_1963 = tpu.memref_slice %arg11[%multiple_of3A] : memref<16384xf32, #tpu.memory_space<hbm>> -> memref<32xf32, #tpu.memory_space<hbm>>
      %dma_wait3A_1964 = tpu.memref_slice %arg11[%multiple_of3A] : memref<16384xf32, #tpu.memory_space<hbm>> -> memref<32xf32, #tpu.memory_space<hbm>>
      tpu.wait_dma2 semaphore(%arg42 : memref<!tpu.dma_semaphore, #tpu.memory_space<semaphore_mem>>) src(%arg35 : memref<32xf32, #tpu.memory_space<vmem>>) dst(%dma_wait3A_1964 : memref<32xf32, #tpu.memory_space<hbm>>)
      %dma_wait3A_1965 = tpu.memref_slice %arg12[%multiple_of3A] : memref<16384xf32, #tpu.memory_space<hbm>> -> memref<32xf32, #tpu.memory_space<hbm>>
      %dma_wait3A_1966 = tpu.memref_slice %arg12[%multiple_of3A] : memref<16384xf32, #tpu.memory_space<hbm>> -> memref<32xf32, #tpu.memory_space<hbm>>
      tpu.wait_dma2 semaphore(%arg42 : memref<!tpu.dma_semaphore, #tpu.memory_space<semaphore_mem>>) src(%arg36 : memref<32xf32, #tpu.memory_space<vmem>>) dst(%dma_wait3A_1966 : memref<32xf32, #tpu.memory_space<hbm>>)
      %dma_wait3A_1967 = tpu.memref_slice %arg13[%multiple_of3A_31] : memref<327680xf32, #tpu.memory_space<hbm>> -> memref<640xf32, #tpu.memory_space<hbm>>
      %dma_wait3A_1968 = tpu.memref_slice %arg13[%multiple_of3A_31] : memref<327680xf32, #tpu.memory_space<hbm>> -> memref<640xf32, #tpu.memory_space<hbm>>
      tpu.wait_dma2 semaphore(%arg42 : memref<!tpu.dma_semaphore, #tpu.memory_space<semaphore_mem>>) src(%arg37 : memref<640xf32, #tpu.memory_space<vmem>>) dst(%dma_wait3A_1968 : memref<640xf32, #tpu.memory_space<hbm>>)
      %dma_wait3A_1969 = tpu.memref_slice %arg14[%multiple_of3A_31] : memref<327680xf32, #tpu.memory_space<hbm>> -> memref<640xf32, #tpu.memory_space<hbm>>
      %dma_wait3A_1970 = tpu.memref_slice %arg14[%multiple_of3A_31] : memref<327680xf32, #tpu.memory_space<hbm>> -> memref<640xf32, #tpu.memory_space<hbm>>
      tpu.wait_dma2 semaphore(%arg42 : memref<!tpu.dma_semaphore, #tpu.memory_space<semaphore_mem>>) src(%arg38 : memref<640xf32, #tpu.memory_space<vmem>>) dst(%dma_wait3A_1970 : memref<640xf32, #tpu.memory_space<hbm>>)
      %dma_wait3A_1971 = tpu.memref_slice %arg15[%multiple_of3A_1950] : memref<163840xf32, #tpu.memory_space<hbm>> -> memref<320xf32, #tpu.memory_space<hbm>>
      %dma_wait3A_1972 = tpu.memref_slice %arg15[%multiple_of3A_1950] : memref<163840xf32, #tpu.memory_space<hbm>> -> memref<320xf32, #tpu.memory_space<hbm>>
      tpu.wait_dma2 semaphore(%arg42 : memref<!tpu.dma_semaphore, #tpu.memory_space<semaphore_mem>>) src(%arg39 : memref<320xf32, #tpu.memory_space<vmem>>) dst(%dma_wait3A_1972 : memref<320xf32, #tpu.memory_space<hbm>>)
      %dma_wait3A_1973 = tpu.memref_slice %arg16[%multiple_of3A_1950] : memref<163840xf32, #tpu.memory_space<hbm>> -> memref<320xf32, #tpu.memory_space<hbm>>
      %dma_wait3A_1974 = tpu.memref_slice %arg16[%multiple_of3A_1950] : memref<163840xf32, #tpu.memory_space<hbm>> -> memref<320xf32, #tpu.memory_space<hbm>>
      tpu.wait_dma2 semaphore(%arg42 : memref<!tpu.dma_semaphore, #tpu.memory_space<semaphore_mem>>) src(%arg40 : memref<320xf32, #tpu.memory_space<vmem>>) dst(%dma_wait3A_1974 : memref<320xf32, #tpu.memory_space<hbm>>)
    }
    %scan3A_22 = arith.constant 16 : i32
    return
  }
}

module attributes {stable_mosaic.version = 14 : i64} {
  func.func @_tc_body(%arg0: i32, %arg1: memref<128x128xf32, #tpu.memory_space<vmem>>, %arg2: memref<128x128xf32, #tpu.memory_space<vmem>>, %arg3: memref<2560x128xf32, #tpu.memory_space<vmem>>, %arg4: memref<2560x128xf32, #tpu.memory_space<vmem>>, %arg5: memref<1280x128xf32, #tpu.memory_space<vmem>>, %arg6: memref<1280x128xf32, #tpu.memory_space<vmem>>, %arg7: memref<1000x128xf32, #tpu.memory_space<vmem>>, %arg8: memref<1000x128xf32, #tpu.memory_space<vmem>>, %arg9: memref<1x1xf32, #tpu.memory_space<vmem>>) attributes {dimension_semantics = [#tpu.dimension_semantics<arbitrary>], iteration_bounds = array<i64: 50>, scalar_prefetch = 0 : i64, scratch_operands = 0 : i64, tpu.core_type = #tpu.core_type<tc>, window_params = [{pipeline_mode = #tpu.pipeline_mode<synchronous>, transform_indices = @transform_0, window_bounds = array<i64: 128, 128>}, {pipeline_mode = #tpu.pipeline_mode<synchronous>, transform_indices = @transform_1, window_bounds = array<i64: 128, 128>}, {pipeline_mode = #tpu.pipeline_mode<synchronous>, transform_indices = @transform_2, window_bounds = array<i64: 2560, 128>}, {pipeline_mode = #tpu.pipeline_mode<synchronous>, transform_indices = @transform_3, window_bounds = array<i64: 2560, 128>}, {pipeline_mode = #tpu.pipeline_mode<synchronous>, transform_indices = @transform_4, window_bounds = array<i64: 1280, 128>}, {pipeline_mode = #tpu.pipeline_mode<synchronous>, transform_indices = @transform_5, window_bounds = array<i64: 1280, 128>}, {transform_indices = @transform_6, window_bounds = array<i64: 1000, 128>}, {transform_indices = @transform_7, window_bounds = array<i64: 1000, 128>}, {pipeline_mode = #tpu.pipeline_mode<synchronous>, transform_indices = @transform_8, window_bounds = array<i64: 1, 1>}]} {
    %eq3A = arith.constant 0 : i32
    %eq3A_0 = arith.cmpi eq, %arg0, %eq3A : i32
    %convert_element_type3A = arith.extui %eq3A_0 : i1 to i32
    %cond3A = arith.constant 0 : i32
    %cond3A_1 = arith.cmpi ne, %convert_element_type3A, %cond3A : i32
    scf.if %cond3A_1 {
      %get3A_31 = arith.constant 0 : index
      %get3A_32 = arith.constant 0 : index
      %get3A_33 = vector.load %arg2[%get3A_31, %get3A_32] : memref<128x128xf32, #tpu.memory_space<vmem>>, vector<128x128xf32>
      %get3A_34 = arith.constant 0 : index
      %get3A_35 = arith.constant 0 : index
      %get3A_36 = vector.load %arg1[%get3A_34, %get3A_35] : memref<128x128xf32, #tpu.memory_space<vmem>>, vector<128x128xf32>
      %neg3A = arith.constant 0.000000e+00 : f32
      %neg3A_37 = vector.broadcast %neg3A : f32 to vector<128x128xf32>
      %neg3A_38 = arith.subf %neg3A_37, %get3A_36 : vector<128x128xf32>
      %max3A = arith.constant 0.000000e+00 : f32
      %max3A_39 = vector.broadcast %max3A : f32 to vector<128x128xf32>
      %max3A_40 = arith.maximumf %neg3A_38, %max3A_39 : vector<128x128xf32>
      %abs3A = math.absf %neg3A_38 : vector<128x128xf32>
      %neg3A_41 = arith.constant 0.000000e+00 : f32
      %neg3A_42 = vector.broadcast %neg3A_41 : f32 to vector<128x128xf32>
      %neg3A_43 = arith.subf %neg3A_42, %abs3A : vector<128x128xf32>
      %exp3A = math.exp %neg3A_43 : vector<128x128xf32>
      %log1p3A = math.log1p %exp3A : vector<128x128xf32>
      %add3A_44 = arith.addf %max3A_40, %log1p3A : vector<128x128xf32>
      %mul3A_45 = arith.mulf %get3A_33, %add3A_44 : vector<128x128xf32>
      %reduce_sum3A_46 = vector.shape_cast %mul3A_45 : vector<128x128xf32> to vector<1x128x128xf32>
      %reduce_sum3A_47 = arith.constant dense<0.000000e+00> : vector<1xf32>
      %reduce_sum3A_48 = vector.multi_reduction <add>, %reduce_sum3A_46, %reduce_sum3A_47 [1, 2] : vector<1x128x128xf32> to vector<1xf32>
      %reduce_sum3A_49 = vector.shape_cast %reduce_sum3A_48 : vector<1xf32> to vector<1x1x1xf32>
      %reduce_sum3A_50 = vector.extract %reduce_sum3A_49[0, 0, 0] : f32 from vector<1x1x1xf32>
      %get3A_51 = arith.constant 0 : index
      %get3A_52 = arith.constant 0 : index
      %get3A_53 = vector.load %arg4[%get3A_51, %get3A_52] : memref<2560x128xf32, #tpu.memory_space<vmem>>, vector<2560x128xf32>
      %get3A_54 = arith.constant 0 : index
      %get3A_55 = arith.constant 0 : index
      %get3A_56 = vector.load %arg3[%get3A_54, %get3A_55] : memref<2560x128xf32, #tpu.memory_space<vmem>>, vector<2560x128xf32>
      %max3A_57 = arith.constant 0.000000e+00 : f32
      %max3A_58 = vector.broadcast %max3A_57 : f32 to vector<2560x128xf32>
      %max3A_59 = arith.maximumf %get3A_56, %max3A_58 : vector<2560x128xf32>
      %abs3A_60 = math.absf %get3A_56 : vector<2560x128xf32>
      %neg3A_61 = arith.constant 0.000000e+00 : f32
      %neg3A_62 = vector.broadcast %neg3A_61 : f32 to vector<2560x128xf32>
      %neg3A_63 = arith.subf %neg3A_62, %abs3A_60 : vector<2560x128xf32>
      %exp3A_64 = math.exp %neg3A_63 : vector<2560x128xf32>
      %log1p3A_65 = math.log1p %exp3A_64 : vector<2560x128xf32>
      %add3A_66 = arith.addf %max3A_59, %log1p3A_65 : vector<2560x128xf32>
      %mul3A_67 = arith.mulf %get3A_53, %add3A_66 : vector<2560x128xf32>
      %reduce_sum3A_68 = vector.shape_cast %mul3A_67 : vector<2560x128xf32> to vector<1x2560x128xf32>
      %reduce_sum3A_69 = arith.constant dense<0.000000e+00> : vector<1xf32>
      %reduce_sum3A_70 = vector.multi_reduction <add>, %reduce_sum3A_68, %reduce_sum3A_69 [1, 2] : vector<1x2560x128xf32> to vector<1xf32>
      %reduce_sum3A_71 = vector.shape_cast %reduce_sum3A_70 : vector<1xf32> to vector<1x1x1xf32>
      %reduce_sum3A_72 = vector.extract %reduce_sum3A_71[0, 0, 0] : f32 from vector<1x1x1xf32>
      %mul3A_73 = arith.constant 5.000000e-02 : f32
      %mul3A_74 = arith.mulf %mul3A_73, %reduce_sum3A_72 : f32
      %get3A_75 = arith.constant 0 : index
      %get3A_76 = arith.constant 0 : index
      %get3A_77 = vector.load %arg6[%get3A_75, %get3A_76] : memref<1280x128xf32, #tpu.memory_space<vmem>>, vector<1280x128xf32>
      %get3A_78 = arith.constant 0 : index
      %get3A_79 = arith.constant 0 : index
      %get3A_80 = vector.load %arg5[%get3A_78, %get3A_79] : memref<1280x128xf32, #tpu.memory_space<vmem>>, vector<1280x128xf32>
      %neg3A_81 = arith.constant 0.000000e+00 : f32
      %neg3A_82 = vector.broadcast %neg3A_81 : f32 to vector<1280x128xf32>
      %neg3A_83 = arith.subf %neg3A_82, %get3A_80 : vector<1280x128xf32>
      %max3A_84 = arith.constant 0.000000e+00 : f32
      %max3A_85 = vector.broadcast %max3A_84 : f32 to vector<1280x128xf32>
      %max3A_86 = arith.maximumf %neg3A_83, %max3A_85 : vector<1280x128xf32>
      %abs3A_87 = math.absf %neg3A_83 : vector<1280x128xf32>
      %neg3A_88 = arith.constant 0.000000e+00 : f32
      %neg3A_89 = vector.broadcast %neg3A_88 : f32 to vector<1280x128xf32>
      %neg3A_90 = arith.subf %neg3A_89, %abs3A_87 : vector<1280x128xf32>
      %exp3A_91 = math.exp %neg3A_90 : vector<1280x128xf32>
      %log1p3A_92 = math.log1p %exp3A_91 : vector<1280x128xf32>
      %add3A_93 = arith.addf %max3A_86, %log1p3A_92 : vector<1280x128xf32>
      %mul3A_94 = arith.mulf %get3A_77, %add3A_93 : vector<1280x128xf32>
      %reduce_sum3A_95 = vector.shape_cast %mul3A_94 : vector<1280x128xf32> to vector<1x1280x128xf32>
      %reduce_sum3A_96 = arith.constant dense<0.000000e+00> : vector<1xf32>
      %reduce_sum3A_97 = vector.multi_reduction <add>, %reduce_sum3A_95, %reduce_sum3A_96 [1, 2] : vector<1x1280x128xf32> to vector<1xf32>
      %reduce_sum3A_98 = vector.shape_cast %reduce_sum3A_97 : vector<1xf32> to vector<1x1x1xf32>
      %reduce_sum3A_99 = vector.extract %reduce_sum3A_98[0, 0, 0] : f32 from vector<1x1x1xf32>
      %mul3A_100 = arith.constant 9.99999974E-6 : f32
      %mul3A_101 = arith.mulf %mul3A_100, %reduce_sum3A_99 : f32
      %add3A_102 = arith.addf %reduce_sum3A_50, %mul3A_74 : f32
      %add3A_103 = arith.addf %add3A_102, %mul3A_101 : f32
      %reshape3A_104 = vector.broadcast %add3A_103 : f32 to vector<1x1xf32>
      %swap3A_105 = arith.constant 0 : index
      %swap3A_106 = arith.constant 0 : index
      %swap3A_107 = vector.load %arg9[%swap3A_105, %swap3A_106] : memref<1x1xf32, #tpu.memory_space<vmem>>, vector<1x1xf32>
      tpu.vector_store %arg9[%swap3A_105, %swap3A_106], %reshape3A_104 {strides = array<i32>} : memref<1x1xf32, #tpu.memory_space<vmem>>, vector<1x1xf32>,
    } else {
    }
    %get3A = arith.constant 0 : index
    %get3A_2 = arith.constant 0 : index
    %get3A_3 = vector.load %arg9[%get3A, %get3A_2] : memref<1x1xf32, #tpu.memory_space<vmem>>, vector<1x1xf32>
    %get3A_4 = arith.constant 0 : index
    %get3A_5 = arith.constant 0 : index
    %get3A_6 = vector.load %arg7[%get3A_4, %get3A_5] : memref<1000x128xf32, #tpu.memory_space<vmem>>, vector<1000x128xf32>
    %get3A_7 = arith.constant 0 : index
    %get3A_8 = arith.constant 0 : index
    %get3A_9 = vector.load %arg7[%get3A_7, %get3A_8] : memref<1000x128xf32, #tpu.memory_space<vmem>>, vector<1000x128xf32>
    %mul3A = arith.mulf %get3A_6, %get3A_9 : vector<1000x128xf32>
    %reduce_sum3A = vector.shape_cast %mul3A : vector<1000x128xf32> to vector<1x1000x128xf32>
    %reduce_sum3A_10 = arith.constant dense<0.000000e+00> : vector<1xf32>
    %reduce_sum3A_11 = vector.multi_reduction <add>, %reduce_sum3A, %reduce_sum3A_10 [1, 2] : vector<1x1000x128xf32> to vector<1xf32>
    %reduce_sum3A_12 = vector.shape_cast %reduce_sum3A_11 : vector<1xf32> to vector<1x1x1xf32>
    %reduce_sum3A_13 = vector.extract %reduce_sum3A_12[0, 0, 0] : f32 from vector<1x1x1xf32>
    %get3A_14 = arith.constant 0 : index
    %get3A_15 = arith.constant 0 : index
    %get3A_16 = vector.load %arg8[%get3A_14, %get3A_15] : memref<1000x128xf32, #tpu.memory_space<vmem>>, vector<1000x128xf32>
    %get3A_17 = arith.constant 0 : index
    %get3A_18 = arith.constant 0 : index
    %get3A_19 = vector.load %arg8[%get3A_17, %get3A_18] : memref<1000x128xf32, #tpu.memory_space<vmem>>, vector<1000x128xf32>
    %mul3A_20 = arith.mulf %get3A_16, %get3A_19 : vector<1000x128xf32>
    %reduce_sum3A_21 = vector.shape_cast %mul3A_20 : vector<1000x128xf32> to vector<1x1000x128xf32>
    %reduce_sum3A_22 = arith.constant dense<0.000000e+00> : vector<1xf32>
    %reduce_sum3A_23 = vector.multi_reduction <add>, %reduce_sum3A_21, %reduce_sum3A_22 [1, 2] : vector<1x1000x128xf32> to vector<1xf32>
    %reduce_sum3A_24 = vector.shape_cast %reduce_sum3A_23 : vector<1xf32> to vector<1x1x1xf32>
    %reduce_sum3A_25 = vector.extract %reduce_sum3A_24[0, 0, 0] : f32 from vector<1x1x1xf32>
    %add3A = arith.addf %reduce_sum3A_13, %reduce_sum3A_25 : f32
    %mul3A_26 = arith.constant 5.000000e-06 : f32
    %mul3A_27 = arith.mulf %mul3A_26, %add3A : f32
    %reshape3A = vector.broadcast %mul3A_27 : f32 to vector<1x1xf32>
    %add3A_28 = arith.addf %get3A_3, %reshape3A : vector<1x1xf32>
    %swap3A = arith.constant 0 : index
    %swap3A_29 = arith.constant 0 : index
    %swap3A_30 = vector.load %arg9[%swap3A, %swap3A_29] : memref<1x1xf32, #tpu.memory_space<vmem>>, vector<1x1xf32>
    tpu.vector_store %arg9[%swap3A, %swap3A_29], %add3A_28 {strides = array<i32>} : memref<1x1xf32, #tpu.memory_space<vmem>>, vector<1x1xf32>,
    return
  }
  func.func @transform_0(%arg0: i32) -> (i32, i32) {
    %c0_i32 = arith.constant 0 : i32
    %c0_i32_0 = arith.constant 0 : i32
    %c0_i32_1 = arith.constant 0 : i32
    return %c0_i32, %c0_i32_0 : i32, i32
  }
  func.func @transform_1(%arg0: i32) -> (i32, i32) {
    %c0_i32 = arith.constant 0 : i32
    %c0_i32_0 = arith.constant 0 : i32
    %c0_i32_1 = arith.constant 0 : i32
    return %c0_i32, %c0_i32_0 : i32, i32
  }
  func.func @transform_2(%arg0: i32) -> (i32, i32) {
    %c0_i32 = arith.constant 0 : i32
    %c0_i32_0 = arith.constant 0 : i32
    %c0_i32_1 = arith.constant 0 : i32
    return %c0_i32, %c0_i32_0 : i32, i32
  }
  func.func @transform_3(%arg0: i32) -> (i32, i32) {
    %c0_i32 = arith.constant 0 : i32
    %c0_i32_0 = arith.constant 0 : i32
    %c0_i32_1 = arith.constant 0 : i32
    return %c0_i32, %c0_i32_0 : i32, i32
  }
  func.func @transform_4(%arg0: i32) -> (i32, i32) {
    %c0_i32 = arith.constant 0 : i32
    %c0_i32_0 = arith.constant 0 : i32
    %c0_i32_1 = arith.constant 0 : i32
    return %c0_i32, %c0_i32_0 : i32, i32
  }
  func.func @transform_5(%arg0: i32) -> (i32, i32) {
    %c0_i32 = arith.constant 0 : i32
    %c0_i32_0 = arith.constant 0 : i32
    %c0_i32_1 = arith.constant 0 : i32
    return %c0_i32, %c0_i32_0 : i32, i32
  }
  func.func @transform_6(%arg0: i32) -> (i32, i32) {
    %c0_i32 = arith.constant 0 : i32
    %c0_i32_0 = arith.constant 0 : i32
    return %arg0, %c0_i32 : i32, i32
  }
  func.func @transform_7(%arg0: i32) -> (i32, i32) {
    %c0_i32 = arith.constant 0 : i32
    %c0_i32_0 = arith.constant 0 : i32
    return %arg0, %c0_i32 : i32, i32
  }
  func.func @transform_8(%arg0: i32) -> (i32, i32) {
    %c0_i32 = arith.constant 0 : i32
    %c0_i32_0 = arith.constant 0 : i32
    %c0_i32_1 = arith.constant 0 : i32
    return %c0_i32, %c0_i32_0 : i32, i32
  }
}

</mosaic_0001>

<sc_bundles>
// kernel: kernel.4.cloned.1.call-start
scs
__scs_entry_jumppad:
0x0: {  	(pc) =	sbr.rel $0x88, $3  }
0x1: {  	(tag) =	ssettag $0x0;
	lr =	simm.s32 $0x1  }
0x2: {  	[smem:$0x3F98] =	sst lr;
	_ =	strace $0xD0000000  }
0x3: {  	_ = 	snop  }
0x4: {  	_ = 	snop  }
0x5: {  	_ = 	snop  }
0x6: {  	_ = 	snop  }
0x7: {  	_ = 	snop  }
__scs_overlays_trampoline_lowered:
0x8: {  	[smem:$0x3FA7] =	sst s0  }
0x9: {  	[smem:$0x3FA8] =	sst s1  }
0xa: {  	[smem:$0x3FA9] =	sst s2  }
0xb: {  	[smem:$0x3FAA] =	sst s3  }
0xc: {  	[smem:$0x3FAB] =	sst s4  }
0xd: {  	[smem:$0x3FAC] =	sst s5  }
0xe: {  	[smem:$0x3FAD] =	sst s6  }
0xf: {  	[smem:$0x3FAE] =	sst s7  }
0x10: {  	[smem:$0x3FAF] =	sst s8  }
0x11: {  	[smem:$0x3FB0] =	sst s9;
	s0 =	simm.s32 @!p0 $0x0  }
0x12: {  	s1 =	sld [smem:$0x3F96];
	s0 =	simm.s32 @p0 $0x1  }
0x13: {  	[smem:$0x3FB1] =	sst s0;
	s0 =	simm.s32 @!p1 $0x0  }
0x14: {  	s2 =	sld [smem:$0x3F95];
	s0 =	simm.s32 @p1 $0x1  }
0x15: {  	[smem:$0x3FB2] =	sst s0;
	s0 =	simm.s32 @!p2 $0x0  }
0x16: {  	s3 =	sld [smem:$0x3FDB];
	s0 =	simm.s32 @p2 $0x1  }
0x17: {  	s4 =	simm.s32 $0x1BF5;
	[smem:$0x3FB4] =	sst s0  }
0x18: {  	s0 =	sld [smem:$0x3F97];
	_ =	swait.ge [sflag:s4], $0x0  }
0x19: {  	s7 =	sld [smem:$0x3F98]  }
0x1a: {  	s8 =	sadd.s32 $0xFFFFE003, lr  }
0x1b: {  	s9 =	sadd.s32 $0xFFFFFEF7, lr;
	s5 =	simm.s32 $0xFFFFFFFF;
	p2 =	slt.u32 s8, $0xFFFFF086  }
0x1c: {  	p1 =	slt.u32 s9, $0xF7A;
	s5 =	simm.s32 @!p2 $0x0  }
0x1d: {  	s5 =	simm.s32 @p1 $0x1;
	p0 =	seq.s32 s7, s2  }
0x1e: {  	s7 =	smul.u32 @!p0 $0xF7A, s2;
	p2 =	seq.s32 @!p0 s5, $0x0  }
0x1f: {  	s9 =	smul.u32 $0xF7A, s1;
	s8 =	simm.s32 @!p0 $0x1BF5;
	p2 =	por !p2, p0  }
0x20: {  	[sflag:s8] =	ssyncset.s32 @!p0 $0xFFFFF086;
	s6 =	sadd.s32 @!p0 s3, s7;
	s7 =	simm.s32 @!p0 $0x108  }
0x21: {  	s3 =	sadd.s32 s3, s9;
	s6 =	sadd.s32 @!p0 $0x88, s6;
	s7 =	simm.s32 @p2 $0x1082  }
0x22: {  	[simem:s7], [sflag:s8] =	dma.local @!p0 [hbm:s6], $0xF7A  }
0x23: {  	s9 =	sor.u32 $0xD0000000, s2;
	s6 =	simm.s32 $0x108;
	_ =	swait.ge @!p0 [sflag:s8], $0x0  }
0x24: {  	s3 =	sadd.s32 $0x88, s3;
	s6 =	simm.s32 @!p1 $0x1082;
	[sflag:s4] =	ssyncset.s32 $0xFFFFF086  }
0x25: {  	[simem:s6], [sflag:s4] =	dma.local [hbm:s3], $0xF7A  }
0x26: {  	[smem:$0x3F98] =	sst s1;
	(tag) =	ssettag s2;
	_ =	strace s9  }
0x27: {  	s1 =	sld [smem:$0x3FA8]  }
0x28: {  	s2 =	sld [smem:$0x3FA9]  }
0x29: {  	s4 =	sld [smem:$0x3FAB]  }
0x2a: {  	p0 =	seq.s32 s5, $0x0;
	s5 =	sld [smem:$0x3FAC]  }
0x2b: {  	s6 =	sld [smem:$0x3FAD]  }
0x2c: {  	s7 =	sld [smem:$0x3FAE]  }
0x2d: {  	s3 =	simm.s32 $0x108;
	s8 =	sld [smem:$0x3FAF]  }
0x2e: {  	s3 =	simm.s32 @!p0 $0x1082;
	s9 =	sld [smem:$0x3FB0]  }
0x2f: {  	lr =	sadd.s32 s0, s3;
	s0 =	sld [smem:$0x3FA7]  }
0x30: {  	s3 =	sld [smem:$0x3FAA]  }
0x31: {  	[smem:$0x3FB3] =	sst s10  }
0x32: {  	s10 =	sld [smem:$0x3FB1];
	_ =	sdelay $0x3  }
0x33: {  	p0 =	seq.s32 s10, $0x1;
	s10 =	sld [smem:$0x3FB3];
	_ =	sdelay $0x3  }
0x34: {  	[smem:$0x3FB3] =	sst s10  }
0x35: {  	s10 =	sld [smem:$0x3FB2];
	_ =	sdelay $0x3  }
0x36: {  	p1 =	seq.s32 s10, $0x1;
	s10 =	sld [smem:$0x3FB3];
	_ =	sdelay $0x3  }
0x37: {  	[smem:$0x3FB3] =	sst s10  }
0x38: {  	s10 =	sld [smem:$0x3FB4]  }
0x39: {  	_ = 	snop;
	(pc) =	sbr.ind lr, $3  }
0x3a: {  	_ = 	snop  }
0x3b: {  	_ = 	snop  }
0x3c: {  	p2 =	seq.s32 s10, $0x1;
	s10 =	sld [smem:$0x3FB3]  }
0x3d: {  	_ =	shalt  }
0x3e: {  	_ =	shalt  }
0x3f: {  	_ =	shalt  }
0x40: {  	_ =	shalt  }
0x41: {  	_ =	shalt  }
0x42: {  	_ =	shalt  }
0x43: {  	_ =	shalt  }
0x44: {  	_ =	shalt  }
0x45: {  	_ =	shalt  }
0x46: {  	_ =	shalt  }
0x47: {  	_ =	shalt  }
0x48: {  	_ =	shalt  }
0x49: {  	_ =	shalt  }
0x4a: {  	_ =	shalt  }
0x4b: {  	_ =	shalt  }
0x4c: {  	_ =	shalt  }
0x4d: {  	_ =	shalt  }
0x4e: {  	_ =	shalt  }
0x4f: {  	_ =	shalt  }
0x50: {  	_ =	shalt  }
0x51: {  	_ =	shalt  }
0x52: {  	_ =	shalt  }
0x53: {  	_ =	shalt  }
0x54: {  	_ =	shalt  }
0x55: {  	_ =	shalt  }
0x56: {  	_ =	shalt  }
0x57: {  	_ =	shalt  }
0x58: {  	_ =	shalt  }
0x59: {  	_ =	shalt  }
0x5a: {  	_ =	shalt  }
0x5b: {  	_ =	shalt  }
0x5c: {  	_ =	shalt  }
0x5d: {  	_ =	shalt  }
0x5e: {  	_ =	shalt  }
0x5f: {  	_ =	shalt  }
0x60: {  	_ =	shalt  }
0x61: {  	_ =	shalt  }
0x62: {  	_ =	shalt  }
0x63: {  	_ =	shalt  }
0x64: {  	_ =	shalt  }
0x65: {  	_ =	shalt  }
0x66: {  	_ =	shalt  }
0x67: {  	_ =	shalt  }
0x68: {  	_ =	shalt  }
0x69: {  	_ =	shalt  }
0x6a: {  	_ =	shalt  }
0x6b: {  	_ =	shalt  }
0x6c: {  	_ =	shalt  }
0x6d: {  	_ =	shalt  }
0x6e: {  	_ =	shalt  }
0x6f: {  	_ =	shalt  }
0x70: {  	_ =	shalt  }
0x71: {  	_ =	shalt  }
0x72: {  	_ =	shalt  }
0x73: {  	_ =	shalt  }
0x74: {  	_ =	shalt  }
0x75: {  	_ =	shalt  }
0x76: {  	_ =	shalt  }
0x77: {  	_ =	shalt  }
0x78: {  	_ =	shalt  }
0x79: {  	_ =	shalt  }
0x7a: {  	_ =	shalt  }
0x7b: {  	_ =	shalt  }
0x7c: {  	_ =	shalt  }
0x7d: {  	_ =	shalt  }
0x7e: {  	_ =	shalt  }
0x7f: {  	_ =	shalt  }
0x80: {  	_ =	shalt  }
0x81: {  	_ =	shalt  }
0x82: {  	_ =	shalt  }
0x83: {  	_ =	shalt  }
0x84: {  	_ =	shalt  }
0x85: {  	_ =	shalt  }
0x86: {  	_ =	shalt  }
0x87: {  	_ =	shalt  }
.Lfunc_end0:
.L_simem_size_0:
called_computation_lowered:
.L_overlay_start_0:
0x88: {  	s2 =	sld [smem:$0x3FD9]  }
0x89: {  	s3 =	sld [smem:$0x3FFE];
	_ =	sdelay $0x1  }
0x8a: {  	s1 =	srdreg.scid  }
0x8b: {  	s0 =	sand.u32 $0x1, s1  }
0x8c: {  	s17 =	sshll.u32 s0, $0xA;
	s2 =	sadd.s32 s3, s2  }
0x8d: {  	s2 =	sadd.s32 s2, s17  }
0x8e: {  	[smem:$0x3FBF] =	sst s2  }
0x8f: {  	_ = 	snop  }
0x90: {  	s2 =	sld [smem:$0x3FC9]  }
0x91: {  	s18 =	sld [smem:$0x3FC8]  }
0x92: {  	s4 =	sld [smem:$0x3FC4]  }
0x93: {  	s5 =	sld [smem:$0x3FC3];
	(tm) =	ssettm $0x1  }
0x94: {  	s6 =	sld [smem:$0x3FFB];
	_ =	sdelay $0x3  }
0x95: {  	_ =	strace s6  }
0x96: {  	s6 =	sld [smem:$0x3FFC];
	_ =	sdelay $0x3  }
0x97: {  	_ =	strace s6  }
0x98: {  	s6 =	sld [smem:$0x3FFD];
	_ =	sdelay $0x3  }
0x99: {  	_ =	strace s6  }
0x9a: {  	_ =	strace $0x8FFFFFFF  }
0x9b: {  	s19 =	sld [smem:$0x3FDB];
	_ =	sdelay $0x1  }
0x9c: {  	s7 =	simm.s32 $_scs_section_size  }
0x9d: {  	s8 =	simm.s32 $_size__tile_overlayer_lowered;
	s9 =	simm.s32 $_tile_overlayer_lowered  }
0x9e: {  	s22 =	simm.s32 $0x1BFF;
	s21 =	sshll.u32 s9, $0x1;
	s6 =	sadd.s32 s7, s19  }
0x9f: {  	s10 =	simm.s32 $0x0;
	s20 =	sshll.u32 s8, $0x1;
	s8 =	sadd.s32 s21, s6  }
0xa0: {  	[timem:s10], [sflag:s22] =	dma.local [hbm:s8], s20  }
0xa1: {  	_ =	swait.ge [sflag:s22], s20  }
0xa2: {  	s7 =	ssub.s32 $0x0, s20;
	[sflag:s22] =	ssyncset.done $0x0  }
0xa3: {  	[sflag:s22] =	ssyncadd.s32 s7;
	_ =	sdelay $0x1  }
0xa4: {  	s23 =	simm.s32 $0x1B8B  }
0xa5: {  	_ =	swait.ge [sflag:s23], $0x1  }
0xa6: {  	[sflag:s23] =	ssyncset.done $0x0  }
0xa7: {  	s25 =	simm.s32 $0x1B8E;
	s24 =	sld [smem:$0x3FFE];
	[sflag:s23] =	ssyncadd.s32 $0xFFFFFFFF  }
0xa8: {  	s26 =	simm.s32 $execute0_lowered;
	[smem:$0x3FD2] =	sst s25  }
0xa9: {  	s8 =	sshll.u32 s26, $0x1;
	_ =	strace $0x80000046;
	[dreg:$0x1] =	wrdreg $0xFFFFFFFF  }
0xaa: {  	s28 =	simm.s32 $_size_execute0_lowered;
	s6 =	sadd.s32 s6, s8;
	[dreg:$0x0] =	wrdreg $0x0  }
0xab: {  	s8 =	sshll.u32 s28, $0x1;
	[dreg:$0x2] =	wrdreg s6  }
0xac: {  	[dreg:$0x3] =	wrdreg s8  }
0xad: {  	[dreg:$0x4] =	wrdreg $0xC0  }
0xae: {  	_ =	task [dreg:s10], $0x5FFFF  }
0xaf: {  	[dreg:$0x1] =	wrdreg $0xFFFFFFFF  }
0xb0: {  	[dreg:$0x0] =	wrdreg $0x60  }
0xb1: {  	[dreg:$0x2] =	wrdreg s2  }
0xb2: {  	[dreg:$0x3] =	wrdreg s18  }
0xb3: {  	[dreg:$0x4] =	wrdreg s24  }
0xb4: {  	[dreg:$0x5] =	wrdreg s4  }
0xb5: {  	[dreg:$0x6] =	wrdreg s5  }
0xb6: {  	[dreg:$0x7] =	wrdreg $0x9  }
0xb7: {  	_ =	task.clear_ibuf [dreg:s10], $0x8FFFF;
	_ =	strace $0x90000046  }
0xb8: {  	s29 =	simm.s32 $0x9;
	_ =	strace $0x80000048  }
0xb9: {  	_ =	swait.ge [sflag:s29], $0x1  }
0xba: {  	[sflag:s29] =	ssyncadd.s32 $0xFFFFFFFF  }
0xbb: {  	_ =	strace $0x90000048  }
0xbc: {  	_ =	sfence  }
0xbd: {  	s30 =	sld [smem:$0x0];
	_ =	sdelay $0x2  }
0xbe: {  	s31 =	sshll.u32 s1, $0xD;
	s1 =	sshrl.u32 s1, $0x2  }
0xbf: {  	s3 =	sand.u32 $0x4000, s31;
	s1 =	sadd.s32 s1, s30  }
0xc0: {  	s0 =	sor.u32 s3, s0;
	s1 =	sshll.u32 s1, $0x11  }
0xc1: {  	s0 =	sor.u32 s1, s0  }
0xc2: {  	s0 =	sadd.s32 $0x8F2B, s0  }
0xc3: {  	[sflag:s0] =	ssyncadd.remote.s32 $0x1  }
0xc4: {  	_ =	sfence.sel $0xFFFF  }
0xc5: {  	[dreg:$0x0] =	wrdreg $0xFFFFFFFF;
	(pc) =	sbr.abs _section_cstart, $3  }
0xc6: {  	[dreg:$0x1] =	wrdreg $0xFFFFFFFF  }
0xc7: {  	_ =	task.clear_ibuf [dreg:s10], $0x2FFFF;
	_ =	strace $0x9FFFFFFF  }
0xc8: {  	(tm) =	ssettm $0x7FFFFFFF  }
0xc9: {  	_ =	shalt  }
tec
execute0_lowered:
.L_overlay_start_1:
0x0: {  	(tag) =	ssettag $0x1  }
0x1: {  	v0 =	vimm.s32 $0x76543210  }
0x2: {  	v1 =	vimm.s32 $0x54321098;
	vm1 =	vcmask $0x2700;
	v53 =	vimm.s32 $0x32109876  }
0x3: {  	v54 =	vimm.s32 $0x10987654;
	v4 =	vimm.s32 $0x1;
	vm0 =	vcmask $0xF00  }
0x4: {  	v5 =	vimm.s32 $0x3;
	v56 =	vimm.s32 $0x10;
	vm2 =	vcmask $0x3710  }
0x5: {  	v8 =	vimm.s32 $0x98765432;
	v59 =	vimm.s32 $0x30;
	v63 =	vimm.s32 $0x5050404  }
0x6: {  	v12 =	vimm.s32 $0x50504040;
	vm3 =	vcmask $0x2F10;
	v0 =	vunpack.c.l.s4.s8 v0  }
0x7: {  	v1 =	vunpack.c.l.s4.s8 v1;
	v4 =	vsel vm1, $0x0, v4;
	v9 =	vsel vm0, $0x10, v59  }
0x8: {  	v8 =	vunpack.c.l.s4.s8 v8;
	v11 =	vunpack.c.0.s8.s32 v63;
	v61 =	vsel vm2, $0x20, v9  }
0x9: {  	v2 =	vunpack.c.0.s8.s32 v0;
	v3 =	vunpack.c.0.s8.s32 v1;
	v0 =	vunpack.c.l.s4.s8 v53  }
0xa: {  	[tilespmem:$0x1FD20] =	vst v4;
	v1 =	vunpack.c.l.s4.s8 v54;
	v10 =	vunpack.c.0.s8.s32 v8;
	v11 =	vnsel vm0, $0x6, v11  }
0xb: {  	[tilespmem:$0x1FD70] =	vst v61;
	v20 =	vsel vm3, $0x5, v11;
	v4 =	vcombine.low v2, v3;
	v6 =	vunpack.c.0.s8.s32 v0  }
0xc: {  	v7 =	vunpack.c.0.s8.s32 v1;
	v0 =	vsel vm1, $0x0, v56;
	v1 =	vand.u32 $0xF, v10;
	[tilespmem:$0x1FDB0] =	vst v20  }
0xd: {  	v18 =	vunpack.c.0.s8.s32 v12;
	[tilespmem:$0x1FD40] =	vst v0;
	v16 =	vcombine.low v1, v2;
	v55 =	vand.u32 $0xF, v4  }
0xe: {  	v4 =	vsel vm0, $0x1, v5;
	v5 =	vcombine.low v6, v7;
	[tilespmem:$0x1FD30] =	vst v55  }
0xf: {  	v3 =	vcombine.low v3, v6;
	v6 =	vnsel vm0, $0x60, v18;
	v57 =	vsel vm2, $0x2, v4;
	[tilespmem:$0x1FD90] =	vst v16  }
0x10: {  	v22 =	vsel vm3, $0x50, v6;
	[tilespmem:$0x1FD50] =	vst v57  }
0x11: {  	vm4 =	vcmask $0x1700;
	v58 =	vand.u32 $0xF, v5;
	[tilespmem:$0x1FDD0] =	vst v22  }
0x12: {  	v6 =	vimm.s32 $0x7;
	v5 =	vlaneseq.u32;
	v21 =	vand.u32 $0xF, v3;
	[tilespmem:$0x1FD60] =	vst v58  }
0x13: {  	v3 =	vcombine.low v7, v10;
	v7 =	vimm.s32 $0x70;
	v23 =	vsel vm4, $0x6, v6;
	[tilespmem:$0x1FDC0] =	vst v21  }
0x14: {  	v60 =	vshrl.u32 v5, $0x3;
	[tilespmem:$0x1FDE0] =	vst v23;
	v25 =	vsel vm4, $0x60, v7  }
0x15: {  	v62 =	vadd.s32 $0x3, v60;
	v17 =	vmul.u32 $0x10, v60;
	[tilespmem:$0x1FE00] =	vst v25  }
0x16: {  	v24 =	vand.u32 $0xF, v3;
	[tilespmem:$0x1FD80] =	vst v62  }
0x17: {  	s0 =	rddreg [dreg:$0x2];
	s5 =	simm.s32 $0x0;
	v6 =	vimm.s32 $0x90;
	v7 =	vimm.s32 $0xB;
	[tilespmem:$0x1FDF0] =	vst v24;
	v19 =	vadd.s32 $0x30, v17  }
0x18: {  	[smem:$0x7FF] =	sst s5;
	v26 =	vsel vm1, $0x80, v6;
	v6 =	vsel vm0, $0x9, v7;
	v7 =	vimm.s32 $0xB0;
	[tilespmem:$0x1FDA0] =	vst v19  }
0x19: {  	s4 =	rddreg [dreg:$0x4];
	v27 =	vsel vm2, $0xA, v6;
	v6 =	vsel vm0, $0x90, v7;
	_ =	strace $0x80000047;
	[tilespmem:$0x1FE10] =	vst v26  }
0x1a: {  	v28 =	vsel vm2, $0xA0, v6;
	[tilespmem:$0x1FE20] =	vst v27  }
0x1b: {  	v36 =	vimm.s32 $0x130;
	v29 =	vadd.s32 $0xB, v60;
	[tilespmem:$0x1FE30] =	vst v28  }
0x1c: {  	v9 =	vsel vm0, $0x110, v36;
	v30 =	vadd.s32 $0xB0, v17;
	[tilespmem:$0x1FE40] =	vst v29  }
0x1d: {  	v40 =	vsel vm2, $0x120, v9;
	[tilespmem:$0x1FE50] =	vst v30  }
0x1e: {  	v41 =	vadd.s32 $0x13, v60;
	[tilespmem:$0x1FED0] =	vst v40  }
0x1f: {  	v44 =	vimm.s32 $0x19;
	v42 =	vadd.s32 $0x130, v17;
	[tilespmem:$0x1FEE0] =	vst v41  }
0x20: {  	v47 =	vimm.s32 $0x190;
	v46 =	vsel vm1, $0x18, v44;
	[tilespmem:$0x1FEF0] =	vst v42  }
0x21: {  	v50 =	vimm.s32 $0x1B0;
	v48 =	vsel vm1, $0x180, v47;
	v3 =	vimm.s32 $0x9;
	[tilespmem:$0x1FF10] =	vst v46  }
0x22: {  	v51 =	vsel vm1, $0x8, v3;
	v3 =	vsel vm0, $0x190, v50;
	[tilespmem:$0x1FF20] =	vst v48  }
0x23: {  	v53 =	vsel vm2, $0x1A0, v3;
	v3 =	vimm.s32 $0x170;
	[tilespmem:$0x1FF40] =	vst v51  }
0x24: {  	vm5 =	vcmask $0x700;
	v52 =	vimm.s32 $0x1D1D1C1C;
	v56 =	vsel vm4, $0x160, v3;
	[tilespmem:$0x1FF50] =	vst v53  }
0x25: {  	s28 =	simm.s32 $0xDC0;
	s29 =	simm.s32 $0x300;
	v9 =	vunpack.c.0.s8.s32 v52;
	v61 =	vimm.s32 $0x1F0;
	v0 =	vadd.s32 $0x1B, v60;
	[tilespmem:$0x1FF80] =	vst v56  }
0x26: {  	s18 =	srdreg.scid;
	s1 =	sadd.s32 $0x4000, s0;
	v63 =	vmul.u32 $0x10, v5;
	v7 =	vimm.s32 $0xD0D0C0C;
	v58 =	vadd.s32 $0x1B0, v17;
	[tilespmem:$0x1FF90] =	vst v0  }
0x27: {  	s30 =	simm.s32 $0xB5C0;
	s15 =	sadd.s32 $0x194A00, s0;
	v62 =	vsel vm4, $0x1E0, v61;
	v6 =	vunpack.c.0.s8.s32 v7;
	v7 =	vimm.s32 $0xE0;
	[dreg:$0x6] =	wrdreg s1;
	[tilespmem:$0x1FFA0] =	vst v58  }
0x28: {  	vm6 =	vcmask $0x2F08;
	s31 =	simm.s32 $0xB9C0;
	s16 =	sadd.s32 $0x628A00, s0;
	v7 =	vsel vm5, $0xC0, v7;
	[dreg:$0x7] =	wrdreg s15;
	[tilespmem:$0x1FFE0] =	vst v62  }
0x29: {  	s7 =	simm.s32 $0x13B40;
	s17 =	sadd.s32 $0x647400, s0;
	v57 =	vnsel vm0, $0x1E, v9;
	[dreg:$0x8] =	wrdreg s16;
	v32 =	vsel vm6, $0xD0, v7;
	[tilespmem:$0x1FFF0] =	vst v63  }
0x2a: {  	s9 =	simm.s32 $0x13DC0;
	s2 =	sadd.s32 $0x4C0000, s0;
	[dreg:$0x9] =	wrdreg s17;
	v6 =	vnsel vm0, $0xE, v6;
	v0 =	vsel vm3, $0x1D, v57;
	[tilespmem:$0x1FE70] =	vst v32  }
0x2b: {  	s6 =	stileid.u32;
	s19 =	sadd.s32 $0x4C0800, s0;
	v3 =	vimm.s32 $0x1E0;
	[dreg:$0xa] =	wrdreg s2;
	v7 =	vimm.s32 $0x11;
	v31 =	vsel vm3, $0xD, v6;
	[tilespmem:$0x1FFB0] =	vst v0  }
0x2c: {  	s10 =	simm.s32 $0x14040;
	s20 =	sadd.s32 $0x4A2000, s0;
	[dreg:$0xb] =	wrdreg s19;
	v59 =	vsel vm5, $0x1C0, v3;
	v35 =	vsel vm1, $0x10, v7;
	[tilespmem:$0x1FE60] =	vst v31  }
0x2d: {  	v37 =	vimm.s32 $0x15151414;
	s12 =	simm.s32 $0x0;
	s21 =	sadd.s32 $0x4AC000, s0;
	[dreg:$0xc] =	wrdreg s20;
	v6 =	vimm.s32 $0xF;
	v0 =	vsel vm6, $0x1D0, v59;
	[tilespmem:$0x1FEA0] =	vst v35  }
0x2e: {  	s8 =	sadd.s32 $0x3DEA00, s0;
	s3 =	sadd.s32 $0x4B6000, s0;
	v60 =	vimm.s32 $0x1F;
	[dreg:$0xd] =	wrdreg s21;
	v33 =	vsel vm4, $0xE, v6;
	[tilespmem:$0x1FFC0] =	vst v0  }
0x2f: {  	s24 =	sshll.u32 s6, $0xA;
	s0 =	sadd.s32 $0x4BB000, s0;
	[dreg:$0xe] =	wrdreg s3;
	v7 =	vimm.s32 $0x13;
	v6 =	vimm.s32 $0xF0;
	v0 =	vsel vm4, $0x1E, v60;
	[tilespmem:$0x1FE80] =	vst v33  }
0x30: {  	s6 =	simm.s32 $0xEB00;
	v10 =	vunpack.c.0.s8.s32 v37;
	s1 =	sand.u32 $0x1, s18;
	[dreg:$0xf] =	wrdreg s0;
	v7 =	vsel vm0, $0x11, v7;
	v34 =	vsel vm4, $0xE0, v6;
	[tilespmem:$0x1FFD0] =	vst v0  }
0x31: {  	s20 =	simm.s32 $0x20;
	s21 =	simm.s32 $0xC0;
	s15 =	simm.s32 $0xBDC0;
	v6 =	vimm.s32 $0x110;
	v39 =	vsel vm2, $0x12, v7;
	[tilespmem:$0x1FE90] =	vst v34  }
0x32: {  	v45 =	vimm.s32 $0x1B;
	s0 =	simm.s32 $0xBFC0;
	s19 =	simm.s32 $0xC1C0;
	s22 =	ssub.s32 $0x2, s1;
	v38 =	vsel vm1, $0x100, v6;
	[tilespmem:$0x1FEC0] =	vst v39;
	v6 =	vnsel vm0, $0x16, v10  }
0x33: {  	s3 =	simm.s32 $0x1;
	s1 =	sshll.u32 s1, $0x9;
	s23 =	sshrl.u32 s22, $0x1;
	v7 =	vimm.s32 $0x160;
	v10 =	vsel vm0, $0x19, v45;
	[tilespmem:$0x1FEB0] =	vst v38;
	v43 =	vsel vm3, $0x15, v6  }
0x34: {  	s25 =	sor.u32 s1, s24;
	s24 =	simm.s32 $0x240;
	s1 =	simm.s32 $0x80;
	v6 =	vsel vm5, $0x140, v7;
	v49 =	vsel vm2, $0x1A, v10;
	[tilespmem:$0x1FF00] =	vst v43  }
0x35: {  	s2 =	ssub.s32 s22, s23;
	[dreg:$0x10] =	wrdreg s25;
	s22 =	simm.s32 $0x140;
	v7 =	vimm.s32 $0x17;
	[tilespmem:$0x1FF30] =	vst v49;
	v54 =	vsel vm6, $0x150, v6  }
0x36: {  	s23 =	simm.s32 $0x1C0;
	s25 =	simm.s32 $0x2;
	s26 =	smax.u32 s2, $0x1;
	v55 =	vsel vm4, $0x16, v7;
	[tilespmem:$0x1FF60] =	vst v54  }
0x37: {  	s2 =	simm.s32 $0x15C0;
	[dreg:$0x11] =	wrdreg s26;
	s26 =	simm.s32 $0x5C0;
	[tilespmem:$0x1FF70] =	vst v55  }
.LBB2_1:
0x38: {  	[dreg:$0x12] =	wrdreg s12;
	s11 =	simm.s32 $0x0  }
.LBB2_2:
0x39: {  	s12 =	sshll.u32 s11, $0x5;
	s13 =	rddreg [dreg:$0x10]  }
0x3a: {  	s12 =	sadd.s32 s13, s12  }
0x3b: {  	s14 =	rddreg [dreg:$0x0];
	s13 =	sshrl.u32 s12, $0x3  }
0x3c: {  	s16 =	rddreg [dreg:$0x1];
	s18 =	smul.u32 $0x14, s12;
	s14 =	sadd.s32 s14, s13  }
0x3d: {  	[tilespmem:s5], [sflag:$0x2] =	stream.linear.gather [hbm4b:s14+s5], $0x20, $0x38;
	[tilespmem:$0x142C0] =	vst v63  }
0x3e: {  	s17 =	rddreg [dreg:$0x6];
	s16 =	sadd.s32 s16, s13;
	s14 =	sshrl.u32 s18, $0x3  }
0x3f: {  	[tilespmem:s20], [sflag:$0x2] =	stream.linear.gather [hbm4b:s16+s5], $0x20, $0x38;
	[tilespmem:$0x142C0] =	vst v63  }
0x40: {  	s17 =	sadd.s32 s17, s14;
	s16 =	simm.s32 $0x40  }
0x41: {  	[tilespmem:s16], [sflag:$0x2] =	stream.linear.gather [hbm4b:s17+s5], $0x80, $0x38;
	[tilespmem:$0x142C0] =	vst v63  }
0x42: {  	s18 =	sadd.s32 $0x10, s17  }
0x43: {  	[tilespmem:s21], [sflag:$0x2] =	stream.linear.gather [hbm4b:s18+s5], $0x80, $0x38;
	[tilespmem:$0x142C0] =	vst v63  }
0x44: {  	s18 =	sadd.s32 $0x20, s17  }
0x45: {  	[tilespmem:s22], [sflag:$0x2] =	stream.linear.gather [hbm4b:s18+s5], $0x80, $0x38;
	[tilespmem:$0x142C0] =	vst v63  }
0x46: {  	s18 =	sadd.s32 $0x30, s17  }
0x47: {  	[tilespmem:s23], [sflag:$0x2] =	stream.linear.gather [hbm4b:s18+s5], $0x80, $0x38;
	[tilespmem:$0x142C0] =	vst v63  }
0x48: {  	s17 =	sadd.s32 $0x40, s17  }
0x49: {  	[tilespmem:s24], [sflag:$0x2] =	stream.linear.gather [hbm4b:s17+s5], $0x80, $0x38;
	[tilespmem:$0x142C0] =	vst v63  }
0x4a: {  	_ =	swait.ge [sflag:s25], $0x20  }
0x4b: {  	[sflag:s25] =	ssyncset.done $0x0  }
0x4c: {  	[sflag:s25] =	ssyncadd.s32 $0xFFFFFFE0  }
0x4d: {  	_ =	swait.ge [sflag:s25], $0x20  }
0x4e: {  	[sflag:s25] =	ssyncset.done $0x0  }
0x4f: {  	[sflag:s25] =	ssyncadd.s32 $0xFFFFFFE0  }
0x50: {  	_ =	swait.ge [sflag:s25], $0x80  }
0x51: {  	[sflag:s25] =	ssyncset.done $0x0  }
0x52: {  	[sflag:s25] =	ssyncadd.s32 $0xFFFFFF80  }
0x53: {  	_ =	swait.ge [sflag:s25], $0x80  }
0x54: {  	[sflag:s25] =	ssyncset.done $0x0  }
0x55: {  	[sflag:s25] =	ssyncadd.s32 $0xFFFFFF80  }
0x56: {  	_ =	swait.ge [sflag:s25], $0x80  }
0x57: {  	[sflag:s25] =	ssyncset.done $0x0  }
0x58: {  	[sflag:s25] =	ssyncadd.s32 $0xFFFFFF80  }
0x59: {  	_ =	swait.ge [sflag:s25], $0x80  }
0x5a: {  	[sflag:s25] =	ssyncset.done $0x0  }
0x5b: {  	[sflag:s25] =	ssyncadd.s32 $0xFFFFFF80  }
0x5c: {  	_ =	swait.ge [sflag:s25], $0x80  }
0x5d: {  	[sflag:s25] =	ssyncset.done $0x0  }
0x5e: {  	[sflag:s25] =	ssyncadd.s32 $0xFFFFFF80  }
0x5f: {  	v0 =	vld [tilespmem:$0x20]  }
0x60: {  	v2 =	vld [tilespmem:$0x0];
	_ =	sdelay $0x2  }
0x61: {  	v3 =	vld [tilespmem:$0x30]  }
0x62: {  	v7 =	vld [tilespmem:$0x10];
	v6 =	vmul.u32 $0xA, v0  }
0x63: {  	v2 =	vshrl.u32 v2, $0x4  }
0x64: {  	v0 =	vshrl.u32 v0, $0x4;
	[tilespmem:$0x2C0] =	vst v2;
	v2 =	vshrl.u32 v6, $0x4  }
0x65: {  	[tilespmem:$0x2E0] =	vst v0;
	v0 =	vmin.u32 v2, $0xF422  }
0x66: {  	v6 =	vld [tilespmem:$0x40];
	[tilespmem:$0x300] =	vst v2;
	v2 =	vmul.u32 $0xA, v3;
	v0 =	vadd.s32 $0x1, v0  }
0x67: {  	[tilespmem:$0x320] =	vst v0;
	v0 =	vshrl.u32 v7, $0x4;
	v7 =	vld [tilespmem:$0x50]  }
0x68: {  	v2 =	vshrl.u32 v2, $0x4;
	[tilespmem:$0x2D0] =	vst v0;
	v0 =	vshrl.u32 v3, $0x4;
	v3 =	vld [tilespmem:$0x60]  }
0x69: {  	v9 =	vld [tilespmem:$0x70];
	[tilespmem:$0x2F0] =	vst v0;
	v0 =	vmin.u32 v2, $0xF422  }
0x6a: {  	[tilespmem:$0x310] =	vst v2;
	v2 =	vld [tilespmem:$0x80];
	v0 =	vadd.s32 $0x1, v0  }
0x6b: {  	[tilespmem:$0x330] =	vst v0;
	v0 =	vshrl.u32 v6, $0x4;
	v6 =	vld [tilespmem:$0x90]  }
0x6c: {  	[tilespmem:$0x340] =	vst v0;
	v0 =	vshrl.u32 v7, $0x4;
	v7 =	vld [tilespmem:$0xA0]  }
0x6d: {  	[tilespmem:$0x350] =	vst v0;
	v0 =	vshrl.u32 v3, $0x4;
	v3 =	vld [tilespmem:$0xB0]  }
0x6e: {  	[tilespmem:$0x360] =	vst v0;
	v0 =	vshrl.u32 v9, $0x4;
	v9 =	vld [tilespmem:$0xC0]  }
0x6f: {  	[tilespmem:$0x370] =	vst v0;
	v0 =	vshrl.u32 v2, $0x4;
	v2 =	vld [tilespmem:$0xD0]  }
0x70: {  	[tilespmem:$0x380] =	vst v0;
	v0 =	vshrl.u32 v6, $0x4;
	v6 =	vld [tilespmem:$0xE0]  }
0x71: {  	[tilespmem:$0x390] =	vst v0;
	v0 =	vshrl.u32 v7, $0x4;
	v7 =	vld [tilespmem:$0xF0]  }
0x72: {  	[tilespmem:$0x3A0] =	vst v0;
	v0 =	vshrl.u32 v3, $0x4;
	v3 =	vld [tilespmem:$0x100]  }
0x73: {  	[tilespmem:$0x3B0] =	vst v0;
	v0 =	vshrl.u32 v9, $0x4;
	v9 =	vld [tilespmem:$0x110]  }
0x74: {  	[tilespmem:$0x3C0] =	vst v0;
	v0 =	vshrl.u32 v2, $0x4;
	v2 =	vld [tilespmem:$0x120]  }
0x75: {  	[tilespmem:$0x3D0] =	vst v0;
	v0 =	vshrl.u32 v6, $0x4;
	v6 =	vld [tilespmem:$0x130]  }
0x76: {  	[tilespmem:$0x3E0] =	vst v0;
	v0 =	vshrl.u32 v7, $0x4;
	v7 =	vld [tilespmem:$0x140]  }
0x77: {  	[tilespmem:$0x3F0] =	vst v0;
	v0 =	vshrl.u32 v3, $0x4;
	v3 =	vld [tilespmem:$0x150]  }
0x78: {  	[tilespmem:$0x400] =	vst v0;
	v0 =	vshrl.u32 v9, $0x4;
	v9 =	vld [tilespmem:$0x160]  }
0x79: {  	[tilespmem:$0x410] =	vst v0;
	v0 =	vshrl.u32 v2, $0x4;
	v2 =	vld [tilespmem:$0x170]  }
0x7a: {  	[tilespmem:$0x420] =	vst v0;
	v0 =	vshrl.u32 v6, $0x4;
	v6 =	vld [tilespmem:$0x180]  }
0x7b: {  	[tilespmem:$0x430] =	vst v0;
	v0 =	vshrl.u32 v7, $0x4;
	v7 =	vld [tilespmem:$0x190]  }
0x7c: {  	[tilespmem:$0x440] =	vst v0;
	v0 =	vshrl.u32 v3, $0x4;
	v3 =	vld [tilespmem:$0x1A0]  }
0x7d: {  	[tilespmem:$0x450] =	vst v0;
	v0 =	vshrl.u32 v9, $0x4;
	v9 =	vld [tilespmem:$0x1B0]  }
0x7e: {  	[tilespmem:$0x460] =	vst v0;
	v0 =	vshrl.u32 v2, $0x4;
	v2 =	vld [tilespmem:$0x1C0]  }
0x7f: {  	[tilespmem:$0x470] =	vst v0;
	v0 =	vshrl.u32 v6, $0x4;
	v6 =	vld [tilespmem:$0x1D0]  }
0x80: {  	[tilespmem:$0x480] =	vst v0;
	v0 =	vshrl.u32 v7, $0x4;
	v7 =	vld [tilespmem:$0x1E0]  }
0x81: {  	[tilespmem:$0x490] =	vst v0;
	v0 =	vshrl.u32 v3, $0x4;
	v3 =	vld [tilespmem:$0x1F0]  }
0x82: {  	[tilespmem:$0x4A0] =	vst v0;
	v0 =	vshrl.u32 v9, $0x4;
	v9 =	vld [tilespmem:$0x200]  }
0x83: {  	[tilespmem:$0x4B0] =	vst v0;
	v0 =	vshrl.u32 v2, $0x4;
	v2 =	vld [tilespmem:$0x210]  }
0x84: {  	[tilespmem:$0x4C0] =	vst v0;
	v0 =	vshrl.u32 v6, $0x4;
	v6 =	vld [tilespmem:$0x220]  }
0x85: {  	[tilespmem:$0x4D0] =	vst v0;
	v0 =	vshrl.u32 v7, $0x4;
	v7 =	vld [tilespmem:$0x230]  }
0x86: {  	[tilespmem:$0x4E0] =	vst v0;
	v0 =	vshrl.u32 v3, $0x4;
	v3 =	vld [tilespmem:$0x240]  }
0x87: {  	[tilespmem:$0x4F0] =	vst v0;
	v0 =	vshrl.u32 v9, $0x4;
	v9 =	vld [tilespmem:$0x250]  }
0x88: {  	[tilespmem:$0x500] =	vst v0;
	v0 =	vshrl.u32 v2, $0x4;
	v2 =	vld [tilespmem:$0x260]  }
0x89: {  	[tilespmem:$0x510] =	vst v0;
	v0 =	vshrl.u32 v6, $0x4;
	v6 =	vld [tilespmem:$0x270]  }
0x8a: {  	[tilespmem:$0x520] =	vst v0;
	v0 =	vshrl.u32 v7, $0x4;
	v7 =	vld [tilespmem:$0x280]  }
0x8b: {  	[tilespmem:$0x530] =	vst v0;
	v0 =	vshrl.u32 v3, $0x4;
	v3 =	vld [tilespmem:$0x290]  }
0x8c: {  	[tilespmem:$0x540] =	vst v0;
	v0 =	vshrl.u32 v9, $0x4;
	v9 =	vld [tilespmem:$0x2A0]  }
0x8d: {  	[tilespmem:$0x550] =	vst v0;
	v0 =	vshrl.u32 v2, $0x4;
	v2 =	vld [tilespmem:$0x2B0]  }
0x8e: {  	[tilespmem:$0x560] =	vst v0;
	v0 =	vshrl.u32 v6, $0x4  }
0x8f: {  	[tilespmem:$0x570] =	vst v0;
	v0 =	vshrl.u32 v7, $0x4  }
0x90: {  	[tilespmem:$0x580] =	vst v0;
	v0 =	vshrl.u32 v3, $0x4  }
0x91: {  	[tilespmem:$0x590] =	vst v0;
	v0 =	vshrl.u32 v9, $0x4  }
0x92: {  	[tilespmem:$0x5A0] =	vst v0;
	v0 =	vshrl.u32 v2, $0x4  }
0x93: {  	s18 =	rddreg [dreg:$0x7];
	[tilespmem:$0x5B0] =	vst v0  }
0x94: {  	[tilespmem:s26], [sflag:$0x1] =	stream.indirect.gather [hbm4b:s18+s20], $0x40, s5, s20, $0xb8;
	[tilespmem:$0x142C0] =	vst v63  }
0x95: {  	_ = 	snop  }
0x96: {  	[tilespmem:s28], [sflag:$0x1] =	stream.indirect.gather [hbm4b:s8+s20], $0x40, s20, s20, $0xb8;
	[tilespmem:$0x142C0] =	vst v63  }
0x97: {  	s18 =	rddreg [dreg:$0x8]  }
0x98: {  	[tilespmem:s30], [sflag:$0x1] =	stream.indirect.gather [hbm4b:s18+s16], $0x10, s29, s16, $0xb8;
	[tilespmem:$0x142C0] =	vst v63  }
0x99: {  	s18 =	rddreg [dreg:$0x9]  }
0x9a: {  	[tilespmem:s31], [sflag:$0x1] =	stream.indirect.gather [hbm4b:s18+s16], $0x10, s29, s16, $0xb8;
	[tilespmem:$0x142C0] =	vst v63  }
0x9b: {  	s17 =	rddreg [dreg:$0x3];
	s18 =	simm.s32 $0x2C0  }
0x9c: {  	[tilespmem:s15], [sflag:$0x1] =	stream.indirect.gather [hbm4b:s17+s20], $0x10, s18, s20, $0xb8;
	[tilespmem:$0x142C0] =	vst v63  }
0x9d: {  	s18 =	simm.s32 $0x2E0  }
0x9e: {  	[tilespmem:s0], [sflag:$0x1] =	stream.indirect.gather [hbm4b:s4+s20], $0x10, s18, s20, $0xb8;
	[tilespmem:$0x142C0] =	vst v63  }
0x9f: {  	_ = 	snop  }
0xa0: {  	[tilespmem:s2], [sflag:$0x1] =	stream.indirect.gather [hbm4b:s8+s1], $0x40, s16, s1, $0xb8;
	[tilespmem:$0x142C0] =	vst v63  }
0xa1: {  	s18 =	simm.s32 $0x340  }
0xa2: {  	[tilespmem:s19], [sflag:$0x1] =	stream.indirect.gather [hbm4b:s4+s1], $0x10, s18, s1, $0xb8;
	[tilespmem:$0x142C0] =	vst v63  }
0xa3: {  	s18 =	simm.s32 $0x35C0  }
0xa4: {  	[tilespmem:s18], [sflag:$0x1] =	stream.indirect.gather [hbm4b:s8+s1], $0x40, s21, s1, $0xb8;
	[tilespmem:$0x142C0] =	vst v63  }
0xa5: {  	s17 =	simm.s32 $0x3C0;
	s18 =	simm.s32 $0xC9C0  }
0xa6: {  	[tilespmem:s18], [sflag:$0x1] =	stream.indirect.gather [hbm4b:s4+s1], $0x10, s17, s1, $0xb8;
	[tilespmem:$0x142C0] =	vst v63  }
0xa7: {  	s18 =	simm.s32 $0x55C0  }
0xa8: {  	[tilespmem:s18], [sflag:$0x1] =	stream.indirect.gather [hbm4b:s8+s1], $0x40, s22, s1, $0xb8;
	[tilespmem:$0x142C0] =	vst v63  }
0xa9: {  	s17 =	simm.s32 $0x440;
	s18 =	simm.s32 $0xD1C0  }
0xaa: {  	[tilespmem:s18], [sflag:$0x1] =	stream.indirect.gather [hbm4b:s4+s1], $0x10, s17, s1, $0xb8;
	[tilespmem:$0x142C0] =	vst v63  }
0xab: {  	s18 =	simm.s32 $0x75C0  }
0xac: {  	[tilespmem:s18], [sflag:$0x1] =	stream.indirect.gather [hbm4b:s8+s1], $0x40, s23, s1, $0xb8;
	[tilespmem:$0x142C0] =	vst v63  }
0xad: {  	s17 =	simm.s32 $0x4C0;
	s18 =	simm.s32 $0xD9C0  }
0xae: {  	[tilespmem:s18], [sflag:$0x1] =	stream.indirect.gather [hbm4b:s4+s1], $0x10, s17, s1, $0xb8;
	[tilespmem:$0x142C0] =	vst v63  }
0xaf: {  	s18 =	simm.s32 $0x95C0  }
0xb0: {  	[tilespmem:s18], [sflag:$0x1] =	stream.indirect.gather [hbm4b:s8+s1], $0x40, s24, s1, $0xb8;
	[tilespmem:$0x142C0] =	vst v63  }
0xb1: {  	s17 =	simm.s32 $0x540;
	s18 =	simm.s32 $0xE1C0  }
0xb2: {  	[tilespmem:s18], [sflag:$0x1] =	stream.indirect.gather [hbm4b:s4+s1], $0x10, s17, s1, $0xb8;
	[tilespmem:$0x142C0] =	vst v63  }
0xb3: {  	_ =	swait.ge [sflag:s3], $0x800  }
0xb4: {  	[sflag:s3] =	ssyncset.done $0x0  }
0xb5: {  	[sflag:s3] =	ssyncadd.s32 $0xFFFFF800  }
0xb6: {  	_ =	swait.ge [sflag:s3], $0x800  }
0xb7: {  	[sflag:s3] =	ssyncset.done $0x0  }
0xb8: {  	[sflag:s3] =	ssyncadd.s32 $0xFFFFF800  }
0xb9: {  	_ =	swait.ge [sflag:s3], $0x400  }
0xba: {  	[sflag:s3] =	ssyncset.done $0x0  }
0xbb: {  	[sflag:s3] =	ssyncadd.s32 $0xFFFFFC00  }
0xbc: {  	_ =	swait.ge [sflag:s3], $0x400  }
0xbd: {  	[sflag:s3] =	ssyncset.done $0x0  }
0xbe: {  	[sflag:s3] =	ssyncadd.s32 $0xFFFFFC00  }
0xbf: {  	_ =	swait.ge [sflag:s3], $0x200  }
0xc0: {  	[sflag:s3] =	ssyncset.done $0x0  }
0xc1: {  	[sflag:s3] =	ssyncadd.s32 $0xFFFFFE00  }
0xc2: {  	_ =	swait.ge [sflag:s3], $0x200  }
0xc3: {  	[sflag:s3] =	ssyncset.done $0x0  }
0xc4: {  	[sflag:s3] =	ssyncadd.s32 $0xFFFFFE00  }
0xc5: {  	_ =	swait.ge [sflag:s3], $0x2000  }
0xc6: {  	[sflag:s3] =	ssyncset.done $0x0  }
0xc7: {  	[sflag:s3] =	ssyncadd.s32 $0xFFFFE000  }
0xc8: {  	_ =	swait.ge [sflag:s3], $0x800  }
0xc9: {  	[sflag:s3] =	ssyncset.done $0x0  }
0xca: {  	[sflag:s3] =	ssyncadd.s32 $0xFFFFF800  }
0xcb: {  	_ =	swait.ge [sflag:s3], $0x2000  }
0xcc: {  	[sflag:s3] =	ssyncset.done $0x0  }
0xcd: {  	[sflag:s3] =	ssyncadd.s32 $0xFFFFE000  }
0xce: {  	_ =	swait.ge [sflag:s3], $0x800  }
0xcf: {  	[sflag:s3] =	ssyncset.done $0x0  }
0xd0: {  	[sflag:s3] =	ssyncadd.s32 $0xFFFFF800  }
0xd1: {  	_ =	swait.ge [sflag:s3], $0x2000  }
0xd2: {  	[sflag:s3] =	ssyncset.done $0x0  }
0xd3: {  	[sflag:s3] =	ssyncadd.s32 $0xFFFFE000  }
0xd4: {  	_ =	swait.ge [sflag:s3], $0x800  }
0xd5: {  	[sflag:s3] =	ssyncset.done $0x0  }
0xd6: {  	[sflag:s3] =	ssyncadd.s32 $0xFFFFF800  }
0xd7: {  	_ =	swait.ge [sflag:s3], $0x2000  }
0xd8: {  	[sflag:s3] =	ssyncset.done $0x0  }
0xd9: {  	[sflag:s3] =	ssyncadd.s32 $0xFFFFE000  }
0xda: {  	_ =	swait.ge [sflag:s3], $0x800  }
0xdb: {  	[sflag:s3] =	ssyncset.done $0x0  }
0xdc: {  	[sflag:s3] =	ssyncadd.s32 $0xFFFFF800  }
0xdd: {  	_ =	swait.ge [sflag:s3], $0x2000  }
0xde: {  	[sflag:s3] =	ssyncset.done $0x0  }
0xdf: {  	[sflag:s3] =	ssyncadd.s32 $0xFFFFE000  }
0xe0: {  	_ =	swait.ge [sflag:s3], $0x800  }
0xe1: {  	v0 =	vld [tilespmem:$0x1FD20];
	_ =	sdelay $0x5  }
0xe2: {  	[sflag:s3] =	ssyncset.done $0x0  }
0xe3: {  	[sflag:s3] =	ssyncadd.s32 $0xFFFFF800  }
0xe4: {  	v0 =	vld.idx.msk [tilespmem:v0+s20+$0x0], $0xffff;
	_ =	sdelay $0x1  }
0xe5: {  	v1 =	vld [tilespmem:$0x1FD30];
	_ =	sdelay $0x2  }
0xe6: {  	v0 =	vmul.u32 $0xA, v0;
	_ =	sdelay $0x1  }
0xe7: {  	v2 =	vadd.s32 v1, v0  }
0xe8: {  	v0 =	vshrl.u32 v0, $0x4;
	v3 =	vshrl.u32 v2, $0x4  }
0xe9: {  	v0 =	vsub.s32 v3, v0  }
0xea: {  	v2 =	vand.u32 $0xF, v2;
	v0 =	vshll.u32 v0, $0x9  }
0xeb: {  	v0 =	vor.u32 v2, v0;
	v2 =	vld [tilespmem:$0x1FD40];
	_ =	sdelay $0x4  }
0xec: {  	v0 =	vor.u32 v2, v0;
	_ =	sdelay $0x4  }
0xed: {  	v2 =	vld.idx.msk [tilespmem:v0+s30+$0x0], $0xffff;
	_ =	sdelay $0x4  }
0xee: {  	[tilespmem:$0xE9C0] =	vst v2  }
0xef: {  	v0 =	vld.idx.msk [tilespmem:v0+s31+$0x0], $0xffff;
	_ =	sdelay $0x4  }
0xf0: {  	[tilespmem:$0x14180] =	vst v0;
	v0 =	vld [tilespmem:$0x1FD50];
	_ =	sdelay $0x7  }
0xf1: {  	v0 =	vld.idx.msk [tilespmem:v0+s20+$0x0], $0xffff;
	_ =	sdelay $0x1  }
0xf2: {  	v4 =	vld [tilespmem:$0x1FD60];
	_ =	sdelay $0x2  }
0xf3: {  	v0 =	vmul.u32 $0xA, v0;
	_ =	sdelay $0x1  }
0xf4: {  	v2 =	vadd.s32 v4, v0  }
0xf5: {  	v0 =	vshrl.u32 v0, $0x4;
	v3 =	vshrl.u32 v2, $0x4  }
0xf6: {  	v0 =	vsub.s32 v3, v0  }
0xf7: {  	v2 =	vand.u32 $0xF, v2;
	v0 =	vshll.u32 v0, $0x9  }
0xf8: {  	v0 =	vor.u32 v2, v0;
	v2 =	vld [tilespmem:$0x1FD70];
	_ =	sdelay $0x4  }
0xf9: {  	v0 =	vor.u32 v2, v0;
	_ =	sdelay $0x4  }
0xfa: {  	v2 =	vld.idx.msk [tilespmem:v0+s30+$0x0], $0xffff;
	_ =	sdelay $0x4  }
0xfb: {  	[tilespmem:$0xE9D0] =	vst v2  }
0xfc: {  	v0 =	vld.idx.msk [tilespmem:v0+s31+$0x0], $0xffff;
	_ =	sdelay $0x4  }
0xfd: {  	[tilespmem:$0x14190] =	vst v0;
	v0 =	vld [tilespmem:$0x1FD80];
	_ =	sdelay $0x7  }
0xfe: {  	v0 =	vld.idx.msk [tilespmem:v0+s20+$0x0], $0xffff;
	_ =	sdelay $0x1  }
0xff: {  	v6 =	vld [tilespmem:$0x1FD90];
	_ =	sdelay $0x2  }
0x100: {  	v0 =	vmul.u32 $0xA, v0;
	_ =	sdelay $0x1  }
0x101: {  	v2 =	vadd.s32 v6, v0  }
0x102: {  	v0 =	vshrl.u32 v0, $0x4;
	v3 =	vshrl.u32 v2, $0x4  }
0x103: {  	v0 =	vsub.s32 v3, v0  }
0x104: {  	v2 =	vand.u32 $0xF, v2;
	v0 =	vshll.u32 v0, $0x9  }
0x105: {  	v0 =	vor.u32 v2, v0;
	v2 =	vld [tilespmem:$0x1FDA0];
	_ =	sdelay $0x4  }
0x106: {  	v0 =	vor.u32 v2, v0;
	_ =	sdelay $0x4  }
0x107: {  	v2 =	vld.idx.msk [tilespmem:v0+s30+$0x0], $0xffff;
	_ =	sdelay $0x4  }
0x108: {  	[tilespmem:$0xE9E0] =	vst v2  }
0x109: {  	v0 =	vld.idx.msk [tilespmem:v0+s31+$0x0], $0xffff;
	_ =	sdelay $0x4  }
0x10a: {  	[tilespmem:$0x141A0] =	vst v0;
	v0 =	vld [tilespmem:$0x1FDB0];
	_ =	sdelay $0x7  }
0x10b: {  	v0 =	vld.idx.msk [tilespmem:v0+s20+$0x0], $0xffff;
	_ =	sdelay $0x1  }
0x10c: {  	v7 =	vld [tilespmem:$0x1FDC0];
	_ =	sdelay $0x2  }
0x10d: {  	v0 =	vmul.u32 $0xA, v0;
	_ =	sdelay $0x1  }
0x10e: {  	v2 =	vadd.s32 v7, v0  }
0x10f: {  	v0 =	vshrl.u32 v0, $0x4;
	v3 =	vshrl.u32 v2, $0x4  }
0x110: {  	v0 =	vsub.s32 v3, v0  }
0x111: {  	v2 =	vand.u32 $0xF, v2;
	v0 =	vshll.u32 v0, $0x9  }
0x112: {  	v0 =	vor.u32 v2, v0;
	v2 =	vld [tilespmem:$0x1FDD0];
	_ =	sdelay $0x4  }
0x113: {  	v0 =	vor.u32 v2, v0;
	_ =	sdelay $0x4  }
0x114: {  	v2 =	vld.idx.msk [tilespmem:v0+s30+$0x0], $0xffff;
	_ =	sdelay $0x4  }
0x115: {  	[tilespmem:$0xE9F0] =	vst v2  }
0x116: {  	v0 =	vld.idx.msk [tilespmem:v0+s31+$0x0], $0xffff;
	_ =	sdelay $0x4  }
0x117: {  	[tilespmem:$0x141B0] =	vst v0;
	v0 =	vld [tilespmem:$0x1FDE0];
	_ =	sdelay $0x7  }
0x118: {  	v0 =	vld.idx.msk [tilespmem:v0+s20+$0x0], $0xffff;
	_ =	sdelay $0x1  }
0x119: {  	v8 =	vld [tilespmem:$0x1FDF0];
	_ =	sdelay $0x2  }
0x11a: {  	v0 =	vmul.u32 $0xA, v0;
	_ =	sdelay $0x1  }
0x11b: {  	v2 =	vadd.s32 v8, v0  }
0x11c: {  	v0 =	vshrl.u32 v0, $0x4;
	v3 =	vshrl.u32 v2, $0x4  }
0x11d: {  	v0 =	vsub.s32 v3, v0  }
0x11e: {  	v2 =	vand.u32 $0xF, v2;
	v0 =	vshll.u32 v0, $0x9  }
0x11f: {  	v0 =	vor.u32 v2, v0;
	v2 =	vld [tilespmem:$0x1FE00];
	_ =	sdelay $0x4  }
0x120: {  	v0 =	vor.u32 v2, v0;
	_ =	sdelay $0x4  }
0x121: {  	v2 =	vld.idx.msk [tilespmem:v0+s30+$0x0], $0xffff;
	_ =	sdelay $0x4  }
0x122: {  	[tilespmem:$0xEA00] =	vst v2  }
0x123: {  	v0 =	vld.idx.msk [tilespmem:v0+s31+$0x0], $0xffff;
	_ =	sdelay $0x4  }
0x124: {  	[tilespmem:$0x141C0] =	vst v0;
	v0 =	vld [tilespmem:$0x1FF40];
	_ =	sdelay $0x7  }
0x125: {  	v0 =	vld.idx.msk [tilespmem:v0+s20+$0x0], $0xffff;
	_ =	sdelay $0x4  }
0x126: {  	v0 =	vmul.u32 $0xA, v0;
	_ =	sdelay $0x1  }
0x127: {  	v2 =	vadd.s32 v1, v0  }
0x128: {  	v0 =	vshrl.u32 v0, $0x4;
	v3 =	vshrl.u32 v2, $0x4  }
0x129: {  	v0 =	vsub.s32 v3, v0  }
0x12a: {  	v2 =	vand.u32 $0xF, v2;
	v0 =	vshll.u32 v0, $0x9  }
0x12b: {  	v0 =	vor.u32 v2, v0;
	v2 =	vld [tilespmem:$0x1FE10];
	_ =	sdelay $0x4  }
0x12c: {  	v0 =	vor.u32 v2, v0;
	_ =	sdelay $0x4  }
0x12d: {  	v2 =	vld.idx.msk [tilespmem:v0+s30+$0x0], $0xffff;
	_ =	sdelay $0x4  }
0x12e: {  	[tilespmem:$0xEA10] =	vst v2  }
0x12f: {  	v0 =	vld.idx.msk [tilespmem:v0+s31+$0x0], $0xffff;
	_ =	sdelay $0x4  }
0x130: {  	[tilespmem:$0x141D0] =	vst v0;
	v0 =	vld [tilespmem:$0x1FE20];
	_ =	sdelay $0x7  }
0x131: {  	v0 =	vld.idx.msk [tilespmem:v0+s20+$0x0], $0xffff;
	_ =	sdelay $0x4  }
0x132: {  	v0 =	vmul.u32 $0xA, v0;
	_ =	sdelay $0x1  }
0x133: {  	v2 =	vadd.s32 v4, v0  }
0x134: {  	v0 =	vshrl.u32 v0, $0x4;
	v3 =	vshrl.u32 v2, $0x4  }
0x135: {  	v0 =	vsub.s32 v3, v0  }
0x136: {  	v2 =	vand.u32 $0xF, v2;
	v0 =	vshll.u32 v0, $0x9  }
0x137: {  	v0 =	vor.u32 v2, v0;
	v2 =	vld [tilespmem:$0x1FE30];
	_ =	sdelay $0x4  }
0x138: {  	v0 =	vor.u32 v2, v0;
	_ =	sdelay $0x4  }
0x139: {  	v2 =	vld.idx.msk [tilespmem:v0+s30+$0x0], $0xffff;
	_ =	sdelay $0x4  }
0x13a: {  	[tilespmem:$0xEA20] =	vst v2  }
0x13b: {  	v0 =	vld.idx.msk [tilespmem:v0+s31+$0x0], $0xffff;
	_ =	sdelay $0x4  }
0x13c: {  	[tilespmem:$0x141E0] =	vst v0;
	v0 =	vld [tilespmem:$0x1FE40];
	_ =	sdelay $0x7  }
0x13d: {  	v0 =	vld.idx.msk [tilespmem:v0+s20+$0x0], $0xffff;
	_ =	sdelay $0x4  }
0x13e: {  	v0 =	vmul.u32 $0xA, v0;
	_ =	sdelay $0x1  }
0x13f: {  	v2 =	vadd.s32 v6, v0  }
0x140: {  	v0 =	vshrl.u32 v0, $0x4;
	v3 =	vshrl.u32 v2, $0x4  }
0x141: {  	v0 =	vsub.s32 v3, v0  }
0x142: {  	v2 =	vand.u32 $0xF, v2;
	v0 =	vshll.u32 v0, $0x9  }
0x143: {  	v0 =	vor.u32 v2, v0;
	v2 =	vld [tilespmem:$0x1FE50];
	_ =	sdelay $0x4  }
0x144: {  	v0 =	vor.u32 v2, v0;
	_ =	sdelay $0x4  }
0x145: {  	v2 =	vld.idx.msk [tilespmem:v0+s30+$0x0], $0xffff;
	_ =	sdelay $0x4  }
0x146: {  	[tilespmem:$0xEA30] =	vst v2  }
0x147: {  	v0 =	vld.idx.msk [tilespmem:v0+s31+$0x0], $0xffff;
	_ =	sdelay $0x4  }
0x148: {  	[tilespmem:$0x141F0] =	vst v0;
	v0 =	vld [tilespmem:$0x1FE60];
	_ =	sdelay $0x7  }
0x149: {  	v0 =	vld.idx.msk [tilespmem:v0+s20+$0x0], $0xffff;
	_ =	sdelay $0x4  }
0x14a: {  	v0 =	vmul.u32 $0xA, v0;
	_ =	sdelay $0x1  }
0x14b: {  	v2 =	vadd.s32 v7, v0  }
0x14c: {  	v0 =	vshrl.u32 v0, $0x4;
	v3 =	vshrl.u32 v2, $0x4  }
0x14d: {  	v0 =	vsub.s32 v3, v0  }
0x14e: {  	v2 =	vand.u32 $0xF, v2;
	v0 =	vshll.u32 v0, $0x9  }
0x14f: {  	v0 =	vor.u32 v2, v0;
	v2 =	vld [tilespmem:$0x1FE70];
	_ =	sdelay $0x4  }
0x150: {  	v0 =	vor.u32 v2, v0;
	_ =	sdelay $0x4  }
0x151: {  	v2 =	vld.idx.msk [tilespmem:v0+s30+$0x0], $0xffff;
	_ =	sdelay $0x4  }
0x152: {  	[tilespmem:$0xEA40] =	vst v2  }
0x153: {  	v0 =	vld.idx.msk [tilespmem:v0+s31+$0x0], $0xffff;
	_ =	sdelay $0x4  }
0x154: {  	[tilespmem:$0x14200] =	vst v0;
	v0 =	vld [tilespmem:$0x1FE80];
	_ =	sdelay $0x7  }
0x155: {  	v0 =	vld.idx.msk [tilespmem:v0+s20+$0x0], $0xffff;
	_ =	sdelay $0x4  }
0x156: {  	v0 =	vmul.u32 $0xA, v0;
	_ =	sdelay $0x1  }
0x157: {  	v2 =	vadd.s32 v8, v0  }
0x158: {  	v0 =	vshrl.u32 v0, $0x4;
	v3 =	vshrl.u32 v2, $0x4  }
0x159: {  	v0 =	vsub.s32 v3, v0  }
0x15a: {  	v2 =	vand.u32 $0xF, v2;
	v0 =	vshll.u32 v0, $0x9  }
0x15b: {  	v0 =	vor.u32 v2, v0;
	v2 =	vld [tilespmem:$0x1FE90];
	_ =	sdelay $0x4  }
0x15c: {  	v0 =	vor.u32 v2, v0;
	_ =	sdelay $0x4  }
0x15d: {  	v2 =	vld.idx.msk [tilespmem:v0+s30+$0x0], $0xffff;
	_ =	sdelay $0x4  }
0x15e: {  	[tilespmem:$0xEA50] =	vst v2  }
0x15f: {  	v0 =	vld.idx.msk [tilespmem:v0+s31+$0x0], $0xffff;
	_ =	sdelay $0x4  }
0x160: {  	[tilespmem:$0x14210] =	vst v0;
	v0 =	vld [tilespmem:$0x1FEA0];
	_ =	sdelay $0x7  }
0x161: {  	v0 =	vld.idx.msk [tilespmem:v0+s20+$0x0], $0xffff;
	_ =	sdelay $0x4  }
0x162: {  	v0 =	vmul.u32 $0xA, v0;
	_ =	sdelay $0x1  }
0x163: {  	v2 =	vadd.s32 v1, v0  }
0x164: {  	v0 =	vshrl.u32 v0, $0x4;
	v3 =	vshrl.u32 v2, $0x4  }
0x165: {  	v0 =	vsub.s32 v3, v0  }
0x166: {  	v2 =	vand.u32 $0xF, v2;
	v0 =	vshll.u32 v0, $0x9  }
0x167: {  	v0 =	vor.u32 v2, v0;
	v2 =	vld [tilespmem:$0x1FEB0];
	_ =	sdelay $0x4  }
0x168: {  	v0 =	vor.u32 v2, v0;
	_ =	sdelay $0x4  }
0x169: {  	v2 =	vld.idx.msk [tilespmem:v0+s30+$0x0], $0xffff;
	_ =	sdelay $0x4  }
0x16a: {  	[tilespmem:$0xEA60] =	vst v2  }
0x16b: {  	v0 =	vld.idx.msk [tilespmem:v0+s31+$0x0], $0xffff;
	_ =	sdelay $0x4  }
0x16c: {  	[tilespmem:$0x14220] =	vst v0;
	v0 =	vld [tilespmem:$0x1FEC0];
	_ =	sdelay $0x7  }
0x16d: {  	v0 =	vld.idx.msk [tilespmem:v0+s20+$0x0], $0xffff;
	_ =	sdelay $0x4  }
0x16e: {  	v0 =	vmul.u32 $0xA, v0;
	_ =	sdelay $0x1  }
0x16f: {  	v2 =	vadd.s32 v4, v0  }
0x170: {  	v0 =	vshrl.u32 v0, $0x4;
	v3 =	vshrl.u32 v2, $0x4  }
0x171: {  	v0 =	vsub.s32 v3, v0  }
0x172: {  	v2 =	vand.u32 $0xF, v2;
	v0 =	vshll.u32 v0, $0x9  }
0x173: {  	v0 =	vor.u32 v2, v0;
	v2 =	vld [tilespmem:$0x1FED0];
	_ =	sdelay $0x4  }
0x174: {  	v0 =	vor.u32 v2, v0;
	_ =	sdelay $0x4  }
0x175: {  	v2 =	vld.idx.msk [tilespmem:v0+s30+$0x0], $0xffff;
	_ =	sdelay $0x4  }
0x176: {  	[tilespmem:$0xEA70] =	vst v2  }
0x177: {  	v0 =	vld.idx.msk [tilespmem:v0+s31+$0x0], $0xffff;
	_ =	sdelay $0x4  }
0x178: {  	[tilespmem:$0x14230] =	vst v0;
	v0 =	vld [tilespmem:$0x1FEE0];
	_ =	sdelay $0x7  }
0x179: {  	v0 =	vld.idx.msk [tilespmem:v0+s20+$0x0], $0xffff;
	_ =	sdelay $0x4  }
0x17a: {  	v0 =	vmul.u32 $0xA, v0;
	_ =	sdelay $0x1  }
0x17b: {  	v2 =	vadd.s32 v6, v0  }
0x17c: {  	v0 =	vshrl.u32 v0, $0x4;
	v3 =	vshrl.u32 v2, $0x4  }
0x17d: {  	v0 =	vsub.s32 v3, v0  }
0x17e: {  	v2 =	vand.u32 $0xF, v2;
	v0 =	vshll.u32 v0, $0x9  }
0x17f: {  	v0 =	vor.u32 v2, v0;
	v2 =	vld [tilespmem:$0x1FEF0];
	_ =	sdelay $0x4  }
0x180: {  	v0 =	vor.u32 v2, v0;
	_ =	sdelay $0x4  }
0x181: {  	v2 =	vld.idx.msk [tilespmem:v0+s30+$0x0], $0xffff;
	_ =	sdelay $0x4  }
0x182: {  	[tilespmem:$0xEA80] =	vst v2  }
0x183: {  	v0 =	vld.idx.msk [tilespmem:v0+s31+$0x0], $0xffff;
	_ =	sdelay $0x4  }
0x184: {  	[tilespmem:$0x14240] =	vst v0;
	v0 =	vld [tilespmem:$0x1FF00];
	_ =	sdelay $0x7  }
0x185: {  	v0 =	vld.idx.msk [tilespmem:v0+s20+$0x0], $0xffff;
	_ =	sdelay $0x4  }
0x186: {  	v0 =	vmul.u32 $0xA, v0;
	_ =	sdelay $0x1  }
0x187: {  	v2 =	vadd.s32 v7, v0  }
0x188: {  	v0 =	vshrl.u32 v0, $0x4;
	v3 =	vshrl.u32 v2, $0x4  }
0x189: {  	v0 =	vsub.s32 v3, v0  }
0x18a: {  	v2 =	vand.u32 $0xF, v2;
	v0 =	vshll.u32 v0, $0x9  }
0x18b: {  	v0 =	vor.u32 v2, v0;
	v2 =	vld [tilespmem:$0x1FF60];
	_ =	sdelay $0x4  }
0x18c: {  	v0 =	vor.u32 v2, v0;
	_ =	sdelay $0x4  }
0x18d: {  	v2 =	vld.idx.msk [tilespmem:v0+s30+$0x0], $0xffff;
	_ =	sdelay $0x4  }
0x18e: {  	[tilespmem:$0xEA90] =	vst v2  }
0x18f: {  	v0 =	vld.idx.msk [tilespmem:v0+s31+$0x0], $0xffff;
	_ =	sdelay $0x4  }
0x190: {  	[tilespmem:$0x14250] =	vst v0;
	v0 =	vld [tilespmem:$0x1FF70];
	_ =	sdelay $0x7  }
0x191: {  	v0 =	vld.idx.msk [tilespmem:v0+s20+$0x0], $0xffff;
	_ =	sdelay $0x4  }
0x192: {  	v0 =	vmul.u32 $0xA, v0;
	_ =	sdelay $0x1  }
0x193: {  	v2 =	vadd.s32 v8, v0  }
0x194: {  	v0 =	vshrl.u32 v0, $0x4;
	v3 =	vshrl.u32 v2, $0x4  }
0x195: {  	v0 =	vsub.s32 v3, v0  }
0x196: {  	v2 =	vand.u32 $0xF, v2;
	v0 =	vshll.u32 v0, $0x9  }
0x197: {  	v0 =	vor.u32 v2, v0;
	v2 =	vld [tilespmem:$0x1FF80];
	_ =	sdelay $0x4  }
0x198: {  	v0 =	vor.u32 v2, v0;
	_ =	sdelay $0x4  }
0x199: {  	v2 =	vld.idx.msk [tilespmem:v0+s30+$0x0], $0xffff;
	_ =	sdelay $0x4  }
0x19a: {  	[tilespmem:$0xEAA0] =	vst v2  }
0x19b: {  	v0 =	vld.idx.msk [tilespmem:v0+s31+$0x0], $0xffff;
	_ =	sdelay $0x4  }
0x19c: {  	[tilespmem:$0x14260] =	vst v0;
	v0 =	vld [tilespmem:$0x1FF10];
	_ =	sdelay $0x7  }
0x19d: {  	v0 =	vld.idx.msk [tilespmem:v0+s20+$0x0], $0xffff;
	_ =	sdelay $0x4  }
0x19e: {  	v0 =	vmul.u32 $0xA, v0;
	_ =	sdelay $0x1  }
0x19f: {  	v2 =	vadd.s32 v1, v0;
	v1 =	vld [tilespmem:$0x1FF20]  }
0x1a0: {  	v0 =	vshrl.u32 v0, $0x4;
	v3 =	vshrl.u32 v2, $0x4  }
0x1a1: {  	v0 =	vsub.s32 v3, v0  }
0x1a2: {  	v2 =	vand.u32 $0xF, v2;
	v0 =	vshll.u32 v0, $0x9  }
0x1a3: {  	v0 =	vor.u32 v2, v0  }
0x1a4: {  	v0 =	vor.u32 v1, v0;
	_ =	sdelay $0x4  }
0x1a5: {  	v2 =	vld.idx.msk [tilespmem:v0+s30+$0x0], $0xffff;
	_ =	sdelay $0x4  }
0x1a6: {  	[tilespmem:$0xEAB0] =	vst v2  }
0x1a7: {  	v0 =	vld.idx.msk [tilespmem:v0+s31+$0x0], $0xffff;
	_ =	sdelay $0x4  }
0x1a8: {  	[tilespmem:$0x14270] =	vst v0;
	v0 =	vld [tilespmem:$0x1FF30];
	_ =	sdelay $0x7  }
0x1a9: {  	v0 =	vld.idx.msk [tilespmem:v0+s20+$0x0], $0xffff;
	_ =	sdelay $0x4  }
0x1aa: {  	v0 =	vmul.u32 $0xA, v0;
	_ =	sdelay $0x1  }
0x1ab: {  	v1 =	vld [tilespmem:$0x1FF50];
	v2 =	vadd.s32 v4, v0  }
0x1ac: {  	v0 =	vshrl.u32 v0, $0x4;
	v3 =	vshrl.u32 v2, $0x4  }
0x1ad: {  	v0 =	vsub.s32 v3, v0  }
0x1ae: {  	v2 =	vand.u32 $0xF, v2;
	v0 =	vshll.u32 v0, $0x9  }
0x1af: {  	v0 =	vor.u32 v2, v0  }
0x1b0: {  	v0 =	vor.u32 v1, v0;
	_ =	sdelay $0x4  }
0x1b1: {  	v2 =	vld.idx.msk [tilespmem:v0+s30+$0x0], $0xffff;
	_ =	sdelay $0x4  }
0x1b2: {  	[tilespmem:$0xEAC0] =	vst v2  }
0x1b3: {  	v0 =	vld.idx.msk [tilespmem:v0+s31+$0x0], $0xffff;
	_ =	sdelay $0x4  }
0x1b4: {  	[tilespmem:$0x14280] =	vst v0;
	v0 =	vld [tilespmem:$0x1FF90];
	_ =	sdelay $0x7  }
0x1b5: {  	v0 =	vld.idx.msk [tilespmem:v0+s20+$0x0], $0xffff;
	_ =	sdelay $0x4  }
0x1b6: {  	v0 =	vmul.u32 $0xA, v0;
	_ =	sdelay $0x1  }
0x1b7: {  	v1 =	vld [tilespmem:$0x1FFA0];
	v2 =	vadd.s32 v6, v0  }
0x1b8: {  	v0 =	vshrl.u32 v0, $0x4;
	v3 =	vshrl.u32 v2, $0x4  }
0x1b9: {  	v0 =	vsub.s32 v3, v0  }
0x1ba: {  	v2 =	vand.u32 $0xF, v2;
	v0 =	vshll.u32 v0, $0x9  }
0x1bb: {  	v0 =	vor.u32 v2, v0  }
0x1bc: {  	v0 =	vor.u32 v1, v0;
	_ =	sdelay $0x4  }
0x1bd: {  	v2 =	vld.idx.msk [tilespmem:v0+s30+$0x0], $0xffff;
	_ =	sdelay $0x4  }
0x1be: {  	[tilespmem:$0xEAD0] =	vst v2  }
0x1bf: {  	v0 =	vld.idx.msk [tilespmem:v0+s31+$0x0], $0xffff;
	_ =	sdelay $0x4  }
0x1c0: {  	[tilespmem:$0x14290] =	vst v0;
	v0 =	vld [tilespmem:$0x1FFB0];
	_ =	sdelay $0x7  }
0x1c1: {  	v0 =	vld.idx.msk [tilespmem:v0+s20+$0x0], $0xffff;
	_ =	sdelay $0x4  }
0x1c2: {  	v0 =	vmul.u32 $0xA, v0;
	_ =	sdelay $0x1  }
0x1c3: {  	v1 =	vld [tilespmem:$0x1FFC0];
	v2 =	vadd.s32 v7, v0  }
0x1c4: {  	v0 =	vshrl.u32 v0, $0x4;
	v3 =	vshrl.u32 v2, $0x4  }
0x1c5: {  	v0 =	vsub.s32 v3, v0  }
0x1c6: {  	v2 =	vand.u32 $0xF, v2;
	v0 =	vshll.u32 v0, $0x9  }
0x1c7: {  	v0 =	vor.u32 v2, v0  }
0x1c8: {  	v0 =	vor.u32 v1, v0;
	_ =	sdelay $0x4  }
0x1c9: {  	v2 =	vld.idx.msk [tilespmem:v0+s30+$0x0], $0xffff;
	_ =	sdelay $0x4  }
0x1ca: {  	[tilespmem:$0xEAE0] =	vst v2  }
0x1cb: {  	v0 =	vld.idx.msk [tilespmem:v0+s31+$0x0], $0xffff;
	_ =	sdelay $0x4  }
0x1cc: {  	[tilespmem:$0x142A0] =	vst v0;
	v0 =	vld [tilespmem:$0x1FFD0];
	_ =	sdelay $0x7  }
0x1cd: {  	v0 =	vld.idx.msk [tilespmem:v0+s20+$0x0], $0xffff;
	_ =	sdelay $0x4  }
0x1ce: {  	v0 =	vmul.u32 $0xA, v0;
	_ =	sdelay $0x1  }
0x1cf: {  	v1 =	vld [tilespmem:$0x1FFE0];
	v2 =	vadd.s32 v8, v0  }
0x1d0: {  	v0 =	vshrl.u32 v0, $0x4;
	v3 =	vshrl.u32 v2, $0x4  }
0x1d1: {  	v0 =	vsub.s32 v3, v0  }
0x1d2: {  	v2 =	vand.u32 $0xF, v2;
	v0 =	vshll.u32 v0, $0x9  }
0x1d3: {  	v0 =	vor.u32 v2, v0  }
0x1d4: {  	v0 =	vor.u32 v1, v0;
	_ =	sdelay $0x4  }
0x1d5: {  	v2 =	vld.idx.msk [tilespmem:v0+s30+$0x0], $0xffff;
	_ =	sdelay $0x4  }
0x1d6: {  	[tilespmem:$0xEAF0] =	vst v2  }
0x1d7: {  	v0 =	vld.idx.msk [tilespmem:v0+s31+$0x0], $0xffff;
	_ =	sdelay $0x4  }
0x1d8: {  	s18 =	simm.s32 $0xE9C0;
	[tilespmem:$0x142B0] =	vst v0  }
0x1d9: {  	[tilespmem:s6], [sflag:$0x2] =	stream.indirect.gather [hbm4b:s8+s1], $0x40, s18, s1, $0xb8;
	[tilespmem:$0x142C0] =	vst v63  }
0x1da: {  	s17 =	simm.s32 $0xEA40;
	s18 =	simm.s32 $0x10B00  }
0x1db: {  	[tilespmem:s18], [sflag:$0x2] =	stream.indirect.gather [hbm4b:s8+s1], $0x40, s17, s1, $0xb8;
	[tilespmem:$0x142C0] =	vst v63  }
0x1dc: {  	s17 =	simm.s32 $0xEAC0;
	s18 =	simm.s32 $0x12B00  }
0x1dd: {  	v1 =	vld [tilespmem:$0x1FFF0];
	[tilespmem:s18], [sflag:$0x2] =	stream.indirect.gather [hbm4b:s8+s16], $0x40, s17, s16, $0xb8  }
0x1de: {  	v0 =	vld [tilespmem:$0x0]  }
0x1df: {  	v2 =	vld [tilespmem:$0x20]  }
0x1e0: {  	v50 =	vmul.u32 $0x40, v5  }
0x1e1: {  	v6 =	vimm.s32 $0x0  }
0x1e2: {  	v9 =	vadd.s32 v50, v6  }
0x1e3: {  	v0 =	vand.u32 $0xF, v0  }
0x1e4: {  	v2 =	vand.u32 $0xF, v2;
	v0 =	vor.u32 v1, v0  }
0x1e5: {  	v2 =	vor.u32 v1, v2;
	_ =	sdelay $0x1  }
0x1e6: {  	v6 =	vadd.s32 $0x1, v6;
	v3 =	vld.idx.msk [tilespmem:v9+s26+$0x0], $0xffff  }
0x1e7: {  	v7 =	vadd.s32 v50, v6;
	v9 =	vld.idx.msk [tilespmem:v9+s28+$0x0], $0xffff  }
0x1e8: {  	v51 =	vld.idx.msk [tilespmem:v0+s15+$0x0], $0xffff  }
0x1e9: {  	s16 =	simm.s32 $0x3E;
	v0 =	vld.idx.msk [tilespmem:v2+s0+$0x0], $0xffff;
	v2 =	vimm.f32 $0.0e+00  }
.LBB2_3:
0x1ea: {  	p0 =	sne.s32 s16, $0x1  }
.Ltmp0:
0x1eb: {  	(pc) =	sbr.rel @p0 .LBB2_3-.Ltmp0, $3  }
0x1ec: {  	s16 =	sadd.s32 $0xFFFFFFFF, s16;
	v6 =	vadd.s32 $0x1, v6;
	v10 =	vmov v3;
	v3 =	vld.idx.msk [tilespmem:v7+s26+$0x0], $0xffff  }
0x1ed: {  	v10 =	vmul.f32 v9, v10;
	v9 =	vld.idx.msk [tilespmem:v7+s28+$0x0], $0xffff;
	v7 =	vadd.s32 v50, v6;
	_ =	sdelay $0x1  }
0x1ee: {  	v2 =	vadd.f32 v10, v2  }
0x1ef: {  	_ =	sdelay $0x3  }
0x1f0: {  	v6 =	vld.idx.msk [tilespmem:v7+s26+$0x0], $0xffff  }
0x1f1: {  	v7 =	vld.idx.msk [tilespmem:v7+s28+$0x0], $0xffff;
	_ =	sdelay $0x1  }
0x1f2: {  	v49 =	vmul.u32 $0x500, v5;
	v16 =	vimm.s32 $0x0;
	v0 =	vmul.f32 v0, v51  }
0x1f3: {  	v60 =	vimm.f32 $0.0e+00;
	v62 =	vimm.f32 $0.0e+00;
	v3 =	vmul.f32 v9, v3  }
0x1f4: {  	v61 =	vimm.f32 $0.0e+00;
	v59 =	vimm.f32 $0.0e+00;
	v1 =	vor.u32 $0x40, v49  }
0x1f5: {  	v2 =	vadd.f32 v3, v2;
	v3 =	vmul.f32 v7, v6;
	v6 =	vadd.s32 v50, v16  }
0x1f6: {  	v0 =	vadd.f32 $1.000000000e+00, v0;
	v38 =	vadd.s32 $0x180, v49;
	v7 =	vadd.s32 v1, v16  }
0x1f7: {  	v39 =	vadd.s32 $0x200, v49;
	[tilespmem:$0x1FC40] =	vst v1;
	v10 =	vadd.s32 v38, v16;
	v2 =	vadd.f32 v3, v2  }
0x1f8: {  	v58 =	vimm.f32 $0.0e+00;
	v17 =	vadd.s32 v39, v16;
	[tilespmem:$0x13B20] =	vst v0;
	v1 =	vor.u32 $0xC0, v49  }
0x1f9: {  	v57 =	vimm.f32 $0.0e+00;
	v4 =	vadd.s32 $0x4C0, v49;
	v0 =	vadd.s32 v1, v16;
	[tilespmem:$0x13B00] =	vst v2  }
0x1fa: {  	v36 =	vadd.s32 $0x240, v49;
	[tilespmem:$0x1FC30] =	vst v4;
	v3 =	vadd.s32 v4, v16;
	v4 =	vor.u32 $0x80, v49;
	v53 =	vld.idx.msk [tilespmem:v6+s26+$0x0], $0xffff  }
0x1fb: {  	v40 =	vadd.s32 $0x280, v49;
	[tilespmem:$0x1FC50] =	vst v4;
	v2 =	vadd.s32 v4, v16;
	v4 =	vadd.s32 $0x100, v49;
	v7 =	vld.idx.msk [tilespmem:v7+s2+$0x0], $0xffff  }
0x1fc: {  	v12 =	vadd.s32 $0x2C0, v49;
	[tilespmem:$0x1FC70] =	vst v4;
	v6 =	vadd.s32 v4, v16;
	v4 =	vadd.s32 $0x1C0, v49;
	v10 =	vld.idx.msk [tilespmem:v10+s2+$0x0], $0xffff  }
0x1fd: {  	v14 =	vadd.s32 $0x300, v49;
	[tilespmem:$0x1FC60] =	vst v1;
	v1 =	vadd.s32 $0x140, v49;
	v42 =	vld.idx.msk [tilespmem:v17+s2+$0x0], $0xffff;
	v15 =	vadd.s32 v4, v16  }
0x1fe: {  	v13 =	vadd.s32 $0x340, v49;
	v43 =	vadd.s32 v49, v16;
	v9 =	vadd.s32 v1, v16;
	v0 =	vld.idx.msk [tilespmem:v0+s2+$0x0], $0xffff  }
0x1ff: {  	v5 =	vadd.s32 $0x380, v49;
	v19 =	vadd.s32 v36, v16;
	v20 =	vadd.s32 v40, v16;
	[tilespmem:$0x1FCA0] =	vst v12;
	v3 =	vld.idx.msk [tilespmem:v3+s2+$0x0], $0xffff  }
0x200: {  	v8 =	vadd.s32 $0x3C0, v49;
	v41 =	vadd.s32 v12, v16;
	[tilespmem:$0x1FCB0] =	vst v14;
	v54 =	vadd.s32 v14, v16;
	v2 =	vld.idx.msk [tilespmem:v2+s2+$0x0], $0xffff  }
0x201: {  	v11 =	vadd.s32 $0x440, v49;
	[tilespmem:$0x1FCC0] =	vst v13;
	v55 =	vadd.s32 v13, v16;
	v56 =	vadd.s32 v5, v16;
	v6 =	vld.idx.msk [tilespmem:v6+s2+$0x0], $0xffff  }
0x202: {  	v63 =	vadd.s32 v8, v16;
	v18 =	vadd.s32 v11, v16;
	[tilespmem:$0x1FC80] =	vst v1;
	v1 =	vadd.s32 $0x400, v49;
	v15 =	vld.idx.msk [tilespmem:v15+s2+$0x0], $0xffff  }
0x203: {  	v22 =	vadd.s32 v1, v16;
	[tilespmem:$0x1FC90] =	vst v4;
	v4 =	vadd.s32 $0x480, v49;
	v9 =	vld.idx.msk [tilespmem:v9+s2+$0x0], $0xffff;
	v7 =	vmul.f32 v7, v53  }
0x204: {  	[tilespmem:$0x1FCD0] =	vst v5;
	v44 =	vadd.s32 v4, v16;
	v0 =	vmul.f32 v0, v53;
	v3 =	vmul.f32 v3, v53  }
0x205: {  	v37 =	vld.idx.msk [tilespmem:v20+s2+$0x0], $0xffff;
	v42 =	vmul.f32 v42, v53;
	v25 =	vadd.f32 v7, v60;
	v2 =	vmul.f32 v2, v53  }
0x206: {  	v21 =	vadd.f32 v0, v60;
	v0 =	vmul.f32 v10, v53;
	v52 =	vadd.f32 v3, v60;
	v3 =	vld.idx.msk [tilespmem:v19+s2+$0x0], $0xffff  }
0x207: {  	v63 =	vld.idx.msk [tilespmem:v63+s2+$0x0], $0xffff;
	v23 =	vadd.f32 v2, v60;
	v2 =	vmul.f32 v6, v53;
	v7 =	vmul.f32 v15, v53  }
0x208: {  	[tilespmem:$0x1FCE0] =	vst v8;
	v6 =	vmul.f32 v9, v53;
	v9 =	vld.idx.msk [tilespmem:v41+s2+$0x0], $0xffff;
	v15 =	vadd.f32 v0, v60;
	v0 =	vimm.f32 $0.0e+00  }
0x209: {  	[tilespmem:$0x1FD00] =	vst v11;
	v41 =	vimm.f32 $0.0e+00;
	v19 =	vadd.f32 v2, v60;
	v10 =	vadd.f32 v7, v60;
	v7 =	vld.idx.msk [tilespmem:v54+s2+$0x0], $0xffff  }
0x20a: {  	[tilespmem:$0x1FCF0] =	vst v1;
	v17 =	vadd.f32 v6, v60;
	v6 =	vimm.f32 $0.0e+00;
	v2 =	vld.idx.msk [tilespmem:v56+s2+$0x0], $0xffff;
	v56 =	vimm.f32 $0.0e+00  }
0x20b: {  	s16 =	simm.s32 $0x3E;
	[tilespmem:$0x1FD10] =	vst v4;
	v54 =	vimm.f32 $0.0e+00;
	v20 =	vmul.f32 v3, v53;
	v3 =	vld.idx.msk [tilespmem:v55+s2+$0x0], $0xffff;
	v55 =	vimm.f32 $0.0e+00  }
.LBB2_5:
0x20c: {  	p0 =	sne.s32 s16, $0x1;
	v60 =	vadd.f32 v42, v60;
	v37 =	vmul.f32 v37, v53;
	v42 =	vld.idx.msk [tilespmem:v22+s2+$0x0], $0xffff;
	v16 =	vadd.s32 $0x1, v16  }
0x20d: {  	v45 =	vor.u32 $0x40, v49;
	v5 =	vadd.s32 $0x4C0, v49;
	v22 =	vadd.s32 v50, v16;
	v46 =	vld.idx.msk [tilespmem:v18+s2+$0x0], $0xffff  }
0x20e: {  	v1 =	vor.u32 $0xC0, v49;
	v18 =	vor.u32 $0x80, v49;
	v5 =	vadd.s32 v5, v16;
	v4 =	vld.idx.msk [tilespmem:v44+s2+$0x0], $0xffff  }
0x20f: {  	v8 =	vadd.s32 $0x140, v49;
	v11 =	vadd.s32 $0x180, v49;
	v44 =	vadd.s32 $0x100, v49;
	v14 =	vld.idx.msk [tilespmem:v43+s2+$0x0], $0xffff  }
0x210: {  	v12 =	vadd.s32 $0x200, v49;
	v13 =	vadd.s32 $0x240, v49;
	v43 =	vadd.s32 $0x1C0, v49  }
0x211: {  	v24 =	vadd.s32 $0x280, v49;
	v47 =	vadd.s32 $0x2C0, v49;
	v48 =	vadd.s32 $0x300, v49  }
0x212: {  	v27 =	vadd.s32 $0x380, v49;
	v28 =	vadd.s32 $0x3C0, v49;
	v26 =	vld.idx.msk [tilespmem:v22+s26+$0x0], $0xffff;
	v22 =	vadd.s32 $0x340, v49  }
0x213: {  	v29 =	vadd.s32 $0x400, v49;
	v30 =	vadd.s32 $0x440, v49;
	v31 =	vadd.s32 $0x480, v49;
	v5 =	vld.idx.msk [tilespmem:v5+s2+$0x0], $0xffff  }
0x214: {  	v45 =	vadd.s32 v45, v16;
	v1 =	vadd.s32 v1, v16;
	v32 =	vadd.s32 v18, v16  }
0x215: {  	v8 =	vadd.s32 v8, v16;
	v11 =	vadd.s32 v11, v16;
	v33 =	vadd.s32 v44, v16  }
0x216: {  	v12 =	vadd.s32 v12, v16;
	v13 =	vadd.s32 v13, v16;
	v34 =	vadd.s32 v43, v16  }
0x217: {  	v24 =	vadd.s32 v24, v16;
	v47 =	vadd.s32 v47, v16;
	v48 =	vadd.s32 v48, v16  }
0x218: {  	v27 =	vadd.s32 v27, v16;
	v28 =	vadd.s32 v28, v16;
	v35 =	vadd.s32 v22, v16  }
0x219: {  	v18 =	vadd.s32 v30, v16;
	v22 =	vadd.s32 v29, v16;
	v5 =	vmul.f32 v5, v26;
	v45 =	vld.idx.msk [tilespmem:v45+s2+$0x0], $0xffff  }
0x21a: {  	v9 =	vmul.f32 v9, v53;
	v44 =	vadd.s32 v31, v16;
	v43 =	vadd.s32 v49, v16;
	v29 =	vld.idx.msk [tilespmem:v32+s2+$0x0], $0xffff  }
0x21b: {  	v3 =	vmul.f32 v3, v53;
	v52 =	vadd.f32 v5, v52;
	v5 =	vmul.f32 v7, v53;
	v1 =	vld.idx.msk [tilespmem:v1+s2+$0x0], $0xffff  }
0x21c: {  	v6 =	vadd.f32 v20, v6;
	v2 =	vmul.f32 v2, v53;
	v20 =	vmul.f32 v63, v53;
	v7 =	vld.idx.msk [tilespmem:v33+s2+$0x0], $0xffff  }
0x21d: {  	v0 =	vadd.f32 v37, v0;
	v30 =	vmul.f32 v42, v53;
	v31 =	vmul.f32 v46, v53;
	v8 =	vld.idx.msk [tilespmem:v8+s2+$0x0], $0xffff  }
0x21e: {  	v62 =	vadd.f32 v9, v62;
	v4 =	vmul.f32 v4, v53;
	v14 =	vmul.f32 v14, v53;
	v11 =	vld.idx.msk [tilespmem:v11+s2+$0x0], $0xffff  }
0x21f: {  	v59 =	vadd.f32 v3, v59;
	v61 =	vadd.f32 v5, v61;
	v9 =	vmul.f32 v45, v26;
	v32 =	vld.idx.msk [tilespmem:v34+s2+$0x0], $0xffff  }
0x220: {  	v58 =	vadd.f32 v2, v58;
	v57 =	vadd.f32 v20, v57;
	v3 =	vmul.f32 v29, v26;
	v5 =	vld.idx.msk [tilespmem:v12+s2+$0x0], $0xffff  }
0x221: {  	v56 =	vadd.f32 v30, v56;
	v25 =	vadd.f32 v9, v25;
	v1 =	vmul.f32 v1, v26;
	v12 =	vld.idx.msk [tilespmem:v13+s2+$0x0], $0xffff  }
0x222: {  	v55 =	vadd.f32 v31, v55;
	v23 =	vadd.f32 v3, v23;
	v2 =	vmul.f32 v7, v26;
	v37 =	vld.idx.msk [tilespmem:v24+s2+$0x0], $0xffff  }
.Ltmp1:
0x223: {  	v54 =	vadd.f32 v4, v54;
	v21 =	vadd.f32 v1, v21;
	v1 =	vmul.f32 v8, v26;
	v9 =	vld.idx.msk [tilespmem:v47+s2+$0x0], $0xffff;
	(pc) =	sbr.rel @p0 .LBB2_5-.Ltmp1, $4  }
0x224: {  	v41 =	vadd.f32 v14, v41;
	v19 =	vadd.f32 v2, v19;
	v2 =	vmul.f32 v11, v26;
	v7 =	vld.idx.msk [tilespmem:v48+s2+$0x0], $0xffff  }
0x225: {  	v53 =	vmov v26;
	v17 =	vadd.f32 v1, v17;
	v1 =	vmul.f32 v32, v26;
	v3 =	vld.idx.msk [tilespmem:v35+s2+$0x0], $0xffff  }
0x226: {  	v15 =	vadd.f32 v2, v15;
	v42 =	vmul.f32 v5, v53;
	v2 =	vld.idx.msk [tilespmem:v27+s2+$0x0], $0xffff  }
0x227: {  	s16 =	sadd.s32 $0xFFFFFFFF, s16;
	v10 =	vadd.f32 v1, v10;
	v20 =	vmul.f32 v12, v53;
	v63 =	vld.idx.msk [tilespmem:v28+s2+$0x0], $0xffff  }
0x228: {  	_ =	sdelay $0x3  }
0x229: {  	v22 =	vld.idx.msk [tilespmem:v22+s2+$0x0], $0xffff  }
0x22a: {  	v5 =	vld [tilespmem:$0x1FC30]  }
0x22b: {  	v18 =	vld.idx.msk [tilespmem:v18+s2+$0x0], $0xffff  }
0x22c: {  	v1 =	vadd.s32 $0x1, v16;
	v8 =	vld [tilespmem:$0x1FC40]  }
0x22d: {  	v12 =	vld [tilespmem:$0x1FC60];
	v4 =	vadd.s32 v50, v1  }
0x22e: {  	v16 =	vld.idx.msk [tilespmem:v44+s2+$0x0], $0xffff  }
0x22f: {  	v11 =	vld [tilespmem:$0x1FC50];
	v26 =	vadd.s32 v38, v1  }
0x230: {  	v27 =	vld [tilespmem:$0x1FC90]  }
0x231: {  	v14 =	vld.idx.msk [tilespmem:v43+s2+$0x0], $0xffff;
	v28 =	vadd.s32 v39, v1  }
0x232: {  	v29 =	vadd.s32 v40, v1;
	v24 =	vadd.s32 v12, v1;
	v12 =	vld.idx.msk [tilespmem:v4+s26+$0x0], $0xffff  }
0x233: {  	v4 =	vld [tilespmem:$0x1FC70]  }
0x234: {  	v35 =	vld.idx.msk [tilespmem:v26+s2+$0x0], $0xffff  }
0x235: {  	v27 =	vadd.s32 v27, v1;
	v26 =	vld [tilespmem:$0x1FCA0]  }
0x236: {  	v38 =	vld.idx.msk [tilespmem:v28+s2+$0x0], $0xffff  }
0x237: {  	v33 =	vld.idx.msk [tilespmem:v29+s2+$0x0], $0xffff  }
0x238: {  	v30 =	vadd.s32 v49, v1;
	v29 =	vld [tilespmem:$0x1FCE0]  }
0x239: {  	v5 =	vadd.s32 v5, v1;
	v34 =	vld.idx.msk [tilespmem:v24+s2+$0x0], $0xffff  }
0x23a: {  	v24 =	vadd.s32 v36, v1;
	v36 =	vld.idx.msk [tilespmem:v27+s2+$0x0], $0xffff  }
0x23b: {  	v27 =	vld [tilespmem:$0x1FCB0]  }
0x23c: {  	v28 =	vld [tilespmem:$0x1FCC0]  }
0x23d: {  	v43 =	vld.idx.msk [tilespmem:v30+s2+$0x0], $0xffff  }
0x23e: {  	v13 =	vld.idx.msk [tilespmem:v5+s2+$0x0], $0xffff;
	v26 =	vadd.s32 v26, v1  }
0x23f: {  	v5 =	vld [tilespmem:$0x1FC80]  }
0x240: {  	v40 =	vadd.s32 v29, v1;
	v29 =	vld [tilespmem:$0x1FCF0];
	v27 =	vadd.s32 v27, v1  }
0x241: {  	v39 =	vld.idx.msk [tilespmem:v24+s2+$0x0], $0xffff  }
0x242: {  	v8 =	vadd.s32 v8, v1;
	v24 =	vld [tilespmem:$0x1FCD0]  }
0x243: {  	v11 =	vadd.s32 v11, v1;
	v32 =	vld.idx.msk [tilespmem:v26+s2+$0x0], $0xffff  }
0x244: {  	v4 =	vadd.s32 v4, v1;
	v26 =	vld [tilespmem:$0x1FD00]  }
0x245: {  	v28 =	vadd.s32 v28, v1;
	v31 =	vld.idx.msk [tilespmem:v27+s2+$0x0], $0xffff  }
0x246: {  	v27 =	vld [tilespmem:$0x1FD10]  }
0x247: {  	v8 =	vld.idx.msk [tilespmem:v8+s2+$0x0], $0xffff;
	v24 =	vadd.s32 v24, v1  }
0x248: {  	v11 =	vld.idx.msk [tilespmem:v11+s2+$0x0], $0xffff;
	v5 =	vadd.s32 v5, v1  }
0x249: {  	v46 =	vlaneseq.u32;
	v4 =	vld.idx.msk [tilespmem:v4+s2+$0x0], $0xffff;
	v48 =	vadd.s32 v29, v1  }
0x24a: {  	v45 =	vmul.u32 $0x14, v46;
	v14 =	vmul.f32 v14, v53;
	v30 =	vld.idx.msk [tilespmem:v28+s2+$0x0], $0xffff;
	v26 =	vadd.s32 v26, v1  }
0x24b: {  	v28 =	vld.idx.msk [tilespmem:v40+s2+$0x0], $0xffff;
	v1 =	vadd.s32 v27, v1  }
0x24c: {  	v14 =	vadd.f32 v14, v41;
	v29 =	vld.idx.msk [tilespmem:v24+s2+$0x0], $0xffff;
	v24 =	vmul.f32 v43, v12  }
0x24d: {  	v5 =	vld.idx.msk [tilespmem:v5+s2+$0x0], $0xffff  }
0x24e: {  	v27 =	vld.idx.msk [tilespmem:v48+s2+$0x0], $0xffff;
	v14 =	vadd.f32 v24, v14  }
0x24f: {  	v26 =	vld.idx.msk [tilespmem:v26+s2+$0x0], $0xffff  }
0x250: {  	s16 =	simm.s32 $0x40;
	v24 =	vld.idx.msk [tilespmem:v1+s2+$0x0], $0xffff;
	[tilespmem:v45+s7+$0x0] =	vst.idx.msk $0xffff, v14  }
0x251: {  	v1 =	vld.idx.msk [tilespmem:v45+s16+$0x0], $0xffff;
	_ =	sdelay $0x3  }
0x252: {  	v48 =	vmul.u32 $0x140, v46  }
0x253: {  	v1 =	vand.u32 $0xF, v1  }
0x254: {  	v1 =	vor.u32 v48, v1;
	_ =	sdelay $0x4  }
0x255: {  	v1 =	vld.idx.msk [tilespmem:v1+s19+$0x0], $0xffff;
	_ =	sdelay $0x4  }
0x256: {  	v14 =	vor.u32 $0x1, v45;
	v1 =	vmul.f32 v1, v51  }
0x257: {  	v8 =	vmul.f32 v8, v12  }
0x258: {  	v1 =	vadd.f32 $1.000000000e+00, v1  }
0x259: {  	v8 =	vadd.f32 v8, v25  }
0x25a: {  	[tilespmem:v45+s9+$0x0] =	vst.idx.msk $0xffff, v1  }
0x25b: {  	[tilespmem:v14+s7+$0x0] =	vst.idx.msk $0xffff, v8  }
0x25c: {  	v1 =	vld.idx.msk [tilespmem:v14+s16+$0x0], $0xffff;
	_ =	sdelay $0x4  }
0x25d: {  	v8 =	vor.u32 $0x10, v48;
	v1 =	vand.u32 $0xF, v1  }
0x25e: {  	v1 =	vor.u32 v8, v1;
	_ =	sdelay $0x4  }
0x25f: {  	v1 =	vld.idx.msk [tilespmem:v1+s19+$0x0], $0xffff;
	_ =	sdelay $0x4  }
0x260: {  	v8 =	vor.u32 $0x2, v45;
	v1 =	vmul.f32 v1, v51  }
0x261: {  	v11 =	vmul.f32 v11, v12  }
0x262: {  	v1 =	vadd.f32 $1.000000000e+00, v1  }
0x263: {  	v11 =	vadd.f32 v11, v23  }
0x264: {  	[tilespmem:v14+s9+$0x0] =	vst.idx.msk $0xffff, v1  }
0x265: {  	[tilespmem:v8+s7+$0x0] =	vst.idx.msk $0xffff, v11  }
0x266: {  	v1 =	vld.idx.msk [tilespmem:v8+s16+$0x0], $0xffff;
	_ =	sdelay $0x4  }
0x267: {  	v11 =	vor.u32 $0x20, v48;
	v1 =	vand.u32 $0xF, v1  }
0x268: {  	v1 =	vor.u32 v11, v1;
	_ =	sdelay $0x4  }
0x269: {  	v1 =	vld.idx.msk [tilespmem:v1+s19+$0x0], $0xffff;
	_ =	sdelay $0x4  }
0x26a: {  	v11 =	vor.u32 $0x3, v45;
	v1 =	vmul.f32 v1, v51  }
0x26b: {  	v14 =	vmul.f32 v34, v12  }
0x26c: {  	v1 =	vadd.f32 $1.000000000e+00, v1  }
0x26d: {  	v14 =	vadd.f32 v14, v21  }
0x26e: {  	[tilespmem:v8+s9+$0x0] =	vst.idx.msk $0xffff, v1  }
0x26f: {  	[tilespmem:v11+s7+$0x0] =	vst.idx.msk $0xffff, v14  }
0x270: {  	v1 =	vld.idx.msk [tilespmem:v11+s16+$0x0], $0xffff;
	_ =	sdelay $0x4  }
0x271: {  	v8 =	vor.u32 $0x30, v48;
	v1 =	vand.u32 $0xF, v1  }
0x272: {  	v1 =	vor.u32 v8, v1;
	_ =	sdelay $0x4  }
0x273: {  	v1 =	vld.idx.msk [tilespmem:v1+s19+$0x0], $0xffff;
	_ =	sdelay $0x4  }
0x274: {  	v8 =	vadd.s32 $0x4, v45;
	v1 =	vmul.f32 v1, v51  }
0x275: {  	v4 =	vmul.f32 v4, v12  }
0x276: {  	v1 =	vadd.f32 $1.000000000e+00, v1  }
0x277: {  	v4 =	vadd.f32 v4, v19  }
0x278: {  	[tilespmem:v11+s9+$0x0] =	vst.idx.msk $0xffff, v1  }
0x279: {  	[tilespmem:v8+s7+$0x0] =	vst.idx.msk $0xffff, v4  }
0x27a: {  	v1 =	vld.idx.msk [tilespmem:v8+s16+$0x0], $0xffff;
	_ =	sdelay $0x4  }
0x27b: {  	v4 =	vadd.s32 $0x40, v48;
	v1 =	vand.u32 $0xF, v1  }
0x27c: {  	v1 =	vor.u32 v4, v1;
	_ =	sdelay $0x4  }
0x27d: {  	v1 =	vld.idx.msk [tilespmem:v1+s19+$0x0], $0xffff;
	_ =	sdelay $0x4  }
0x27e: {  	v4 =	vadd.s32 $0x5, v45;
	v1 =	vmul.f32 v1, v51  }
0x27f: {  	v5 =	vmul.f32 v5, v12  }
0x280: {  	v1 =	vadd.f32 $1.000000000e+00, v1  }
0x281: {  	v5 =	vadd.f32 v5, v17  }
0x282: {  	[tilespmem:v8+s9+$0x0] =	vst.idx.msk $0xffff, v1  }
0x283: {  	[tilespmem:v4+s7+$0x0] =	vst.idx.msk $0xffff, v5  }
0x284: {  	v1 =	vld.idx.msk [tilespmem:v4+s16+$0x0], $0xffff;
	_ =	sdelay $0x4  }
0x285: {  	v5 =	vadd.s32 $0x50, v48;
	v1 =	vand.u32 $0xF, v1  }
0x286: {  	v1 =	vor.u32 v5, v1;
	_ =	sdelay $0x4  }
0x287: {  	v1 =	vld.idx.msk [tilespmem:v1+s19+$0x0], $0xffff;
	_ =	sdelay $0x4  }
0x288: {  	v5 =	vadd.s32 $0x6, v45;
	v1 =	vmul.f32 v1, v51  }
0x289: {  	v8 =	vmul.f32 v35, v12  }
0x28a: {  	v1 =	vadd.f32 $1.000000000e+00, v1  }
0x28b: {  	v8 =	vadd.f32 v8, v15  }
0x28c: {  	[tilespmem:v4+s9+$0x0] =	vst.idx.msk $0xffff, v1  }
0x28d: {  	[tilespmem:v5+s7+$0x0] =	vst.idx.msk $0xffff, v8  }
0x28e: {  	v1 =	vld.idx.msk [tilespmem:v5+s16+$0x0], $0xffff;
	_ =	sdelay $0x4  }
0x28f: {  	v4 =	vadd.s32 $0x60, v48;
	v1 =	vand.u32 $0xF, v1  }
0x290: {  	v1 =	vor.u32 v4, v1;
	_ =	sdelay $0x4  }
0x291: {  	v1 =	vld.idx.msk [tilespmem:v1+s19+$0x0], $0xffff;
	_ =	sdelay $0x4  }
0x292: {  	v4 =	vadd.s32 $0x7, v45;
	v1 =	vmul.f32 v1, v51  }
0x293: {  	v8 =	vmul.f32 v36, v12  }
0x294: {  	v1 =	vadd.f32 $1.000000000e+00, v1  }
0x295: {  	v8 =	vadd.f32 v8, v10  }
0x296: {  	[tilespmem:v5+s9+$0x0] =	vst.idx.msk $0xffff, v1  }
0x297: {  	[tilespmem:v4+s7+$0x0] =	vst.idx.msk $0xffff, v8  }
0x298: {  	v1 =	vld.idx.msk [tilespmem:v4+s16+$0x0], $0xffff;
	_ =	sdelay $0x4  }
0x299: {  	v5 =	vadd.s32 $0x70, v48;
	v1 =	vand.u32 $0xF, v1  }
0x29a: {  	v1 =	vor.u32 v5, v1;
	_ =	sdelay $0x4  }
0x29b: {  	v1 =	vld.idx.msk [tilespmem:v1+s19+$0x0], $0xffff;
	_ =	sdelay $0x4  }
0x29c: {  	v5 =	vadd.s32 $0x8, v45;
	v1 =	vmul.f32 v1, v51  }
0x29d: {  	v10 =	vmul.f32 v38, v12;
	v8 =	vadd.f32 v42, v60  }
0x29e: {  	v1 =	vadd.f32 $1.000000000e+00, v1  }
0x29f: {  	v8 =	vadd.f32 v10, v8  }
0x2a0: {  	[tilespmem:v4+s9+$0x0] =	vst.idx.msk $0xffff, v1  }
0x2a1: {  	[tilespmem:v5+s7+$0x0] =	vst.idx.msk $0xffff, v8  }
0x2a2: {  	v1 =	vld.idx.msk [tilespmem:v5+s16+$0x0], $0xffff;
	_ =	sdelay $0x4  }
0x2a3: {  	v4 =	vadd.s32 $0x80, v48;
	v1 =	vand.u32 $0xF, v1  }
0x2a4: {  	v1 =	vor.u32 v4, v1;
	_ =	sdelay $0x4  }
0x2a5: {  	v1 =	vld.idx.msk [tilespmem:v1+s19+$0x0], $0xffff;
	_ =	sdelay $0x4  }
0x2a6: {  	v4 =	vadd.s32 $0x9, v45;
	v1 =	vmul.f32 v1, v51  }
0x2a7: {  	v6 =	vadd.f32 v20, v6;
	v8 =	vmul.f32 v39, v12  }
0x2a8: {  	v1 =	vadd.f32 $1.000000000e+00, v1  }
0x2a9: {  	v6 =	vadd.f32 v8, v6  }
0x2aa: {  	[tilespmem:v5+s9+$0x0] =	vst.idx.msk $0xffff, v1  }
0x2ab: {  	[tilespmem:v4+s7+$0x0] =	vst.idx.msk $0xffff, v6  }
0x2ac: {  	v1 =	vld.idx.msk [tilespmem:v4+s16+$0x0], $0xffff;
	_ =	sdelay $0x4  }
0x2ad: {  	v5 =	vadd.s32 $0x90, v48;
	v1 =	vand.u32 $0xF, v1  }
0x2ae: {  	v1 =	vor.u32 v5, v1;
	_ =	sdelay $0x4  }
0x2af: {  	v1 =	vld.idx.msk [tilespmem:v1+s19+$0x0], $0xffff;
	_ =	sdelay $0x3  }
0x2b0: {  	v5 =	vmul.f32 v37, v53  }
0x2b1: {  	v6 =	vadd.s32 $0xA, v45;
	v1 =	vmul.f32 v1, v51  }
0x2b2: {  	v0 =	vadd.f32 v5, v0;
	v5 =	vmul.f32 v33, v12  }
0x2b3: {  	v1 =	vadd.f32 $1.000000000e+00, v1  }
0x2b4: {  	v0 =	vadd.f32 v5, v0  }
0x2b5: {  	[tilespmem:v4+s9+$0x0] =	vst.idx.msk $0xffff, v1  }
0x2b6: {  	[tilespmem:v6+s7+$0x0] =	vst.idx.msk $0xffff, v0  }
0x2b7: {  	v0 =	vld.idx.msk [tilespmem:v6+s16+$0x0], $0xffff;
	_ =	sdelay $0x4  }
0x2b8: {  	v1 =	vadd.s32 $0xA0, v48;
	v0 =	vand.u32 $0xF, v0  }
0x2b9: {  	v0 =	vor.u32 v1, v0;
	_ =	sdelay $0x4  }
0x2ba: {  	v0 =	vld.idx.msk [tilespmem:v0+s19+$0x0], $0xffff;
	_ =	sdelay $0x3  }
0x2bb: {  	v1 =	vmul.f32 v9, v53  }
0x2bc: {  	v4 =	vadd.s32 $0xB, v45;
	v0 =	vmul.f32 v0, v51  }
0x2bd: {  	v5 =	vmul.f32 v32, v12;
	v1 =	vadd.f32 v1, v62  }
0x2be: {  	v0 =	vadd.f32 $1.000000000e+00, v0  }
0x2bf: {  	v1 =	vadd.f32 v5, v1  }
0x2c0: {  	[tilespmem:v6+s9+$0x0] =	vst.idx.msk $0xffff, v0  }
0x2c1: {  	[tilespmem:v4+s7+$0x0] =	vst.idx.msk $0xffff, v1  }
0x2c2: {  	v0 =	vld.idx.msk [tilespmem:v4+s16+$0x0], $0xffff;
	_ =	sdelay $0x4  }
0x2c3: {  	v1 =	vadd.s32 $0xB0, v48;
	v0 =	vand.u32 $0xF, v0  }
0x2c4: {  	v0 =	vor.u32 v1, v0;
	_ =	sdelay $0x4  }
0x2c5: {  	v0 =	vld.idx.msk [tilespmem:v0+s19+$0x0], $0xffff;
	_ =	sdelay $0x3  }
0x2c6: {  	v1 =	vmul.f32 v7, v53  }
0x2c7: {  	v5 =	vadd.s32 $0xC, v45;
	v0 =	vmul.f32 v0, v51  }
0x2c8: {  	v6 =	vmul.f32 v31, v12;
	v1 =	vadd.f32 v1, v61  }
0x2c9: {  	v0 =	vadd.f32 $1.000000000e+00, v0  }
0x2ca: {  	v1 =	vadd.f32 v6, v1  }
0x2cb: {  	[tilespmem:v4+s9+$0x0] =	vst.idx.msk $0xffff, v0  }
0x2cc: {  	[tilespmem:v5+s7+$0x0] =	vst.idx.msk $0xffff, v1  }
0x2cd: {  	v0 =	vld.idx.msk [tilespmem:v5+s16+$0x0], $0xffff;
	_ =	sdelay $0x4  }
0x2ce: {  	v1 =	vadd.s32 $0xC0, v48;
	v0 =	vand.u32 $0xF, v0  }
0x2cf: {  	v0 =	vor.u32 v1, v0;
	_ =	sdelay $0x4  }
0x2d0: {  	v0 =	vld.idx.msk [tilespmem:v0+s19+$0x0], $0xffff;
	_ =	sdelay $0x3  }
0x2d1: {  	v1 =	vmul.f32 v3, v53  }
0x2d2: {  	v3 =	vadd.s32 $0xD, v45;
	v0 =	vmul.f32 v0, v51  }
0x2d3: {  	v4 =	vmul.f32 v30, v12;
	v1 =	vadd.f32 v1, v59  }
0x2d4: {  	v0 =	vadd.f32 $1.000000000e+00, v0  }
0x2d5: {  	v1 =	vadd.f32 v4, v1  }
0x2d6: {  	[tilespmem:v5+s9+$0x0] =	vst.idx.msk $0xffff, v0  }
0x2d7: {  	[tilespmem:v3+s7+$0x0] =	vst.idx.msk $0xffff, v1  }
0x2d8: {  	v0 =	vld.idx.msk [tilespmem:v3+s16+$0x0], $0xffff;
	_ =	sdelay $0x4  }
0x2d9: {  	v1 =	vadd.s32 $0xD0, v48;
	v0 =	vand.u32 $0xF, v0  }
0x2da: {  	v0 =	vor.u32 v1, v0;
	_ =	sdelay $0x4  }
0x2db: {  	v0 =	vld.idx.msk [tilespmem:v0+s19+$0x0], $0xffff;
	_ =	sdelay $0x3  }
0x2dc: {  	v1 =	vmul.f32 v2, v53  }
0x2dd: {  	v2 =	vadd.s32 $0xE, v45;
	v0 =	vmul.f32 v0, v51  }
0x2de: {  	v4 =	vmul.f32 v29, v12;
	v1 =	vadd.f32 v1, v58  }
0x2df: {  	v0 =	vadd.f32 $1.000000000e+00, v0  }
0x2e0: {  	v1 =	vadd.f32 v4, v1  }
0x2e1: {  	[tilespmem:v3+s9+$0x0] =	vst.idx.msk $0xffff, v0  }
0x2e2: {  	[tilespmem:v2+s7+$0x0] =	vst.idx.msk $0xffff, v1  }
0x2e3: {  	v0 =	vld.idx.msk [tilespmem:v2+s16+$0x0], $0xffff;
	_ =	sdelay $0x4  }
0x2e4: {  	v1 =	vadd.s32 $0xE0, v48;
	v0 =	vand.u32 $0xF, v0  }
0x2e5: {  	v0 =	vor.u32 v1, v0;
	_ =	sdelay $0x4  }
0x2e6: {  	v0 =	vld.idx.msk [tilespmem:v0+s19+$0x0], $0xffff;
	_ =	sdelay $0x3  }
0x2e7: {  	v1 =	vmul.f32 v63, v53  }
0x2e8: {  	v3 =	vadd.s32 $0xF, v45;
	v0 =	vmul.f32 v0, v51  }
0x2e9: {  	v4 =	vmul.f32 v28, v12;
	v1 =	vadd.f32 v1, v57  }
0x2ea: {  	v0 =	vadd.f32 $1.000000000e+00, v0  }
0x2eb: {  	v1 =	vadd.f32 v4, v1  }
0x2ec: {  	[tilespmem:v2+s9+$0x0] =	vst.idx.msk $0xffff, v0  }
0x2ed: {  	[tilespmem:v3+s7+$0x0] =	vst.idx.msk $0xffff, v1  }
0x2ee: {  	v0 =	vld.idx.msk [tilespmem:v3+s16+$0x0], $0xffff;
	_ =	sdelay $0x4  }
0x2ef: {  	v1 =	vadd.s32 $0xF0, v48;
	v0 =	vand.u32 $0xF, v0  }
0x2f0: {  	v0 =	vor.u32 v1, v0;
	_ =	sdelay $0x4  }
0x2f1: {  	v0 =	vld.idx.msk [tilespmem:v0+s19+$0x0], $0xffff;
	_ =	sdelay $0x3  }
0x2f2: {  	v1 =	vmul.f32 v22, v53  }
0x2f3: {  	v2 =	vadd.s32 $0x10, v45;
	v0 =	vmul.f32 v0, v51  }
0x2f4: {  	v4 =	vmul.f32 v27, v12;
	v1 =	vadd.f32 v1, v56  }
0x2f5: {  	v0 =	vadd.f32 $1.000000000e+00, v0  }
0x2f6: {  	v1 =	vadd.f32 v4, v1  }
0x2f7: {  	[tilespmem:v3+s9+$0x0] =	vst.idx.msk $0xffff, v0  }
0x2f8: {  	[tilespmem:v2+s7+$0x0] =	vst.idx.msk $0xffff, v1  }
0x2f9: {  	v0 =	vld.idx.msk [tilespmem:v2+s16+$0x0], $0xffff;
	_ =	sdelay $0x4  }
0x2fa: {  	v1 =	vadd.s32 $0x100, v48;
	v0 =	vand.u32 $0xF, v0  }
0x2fb: {  	v0 =	vor.u32 v1, v0;
	_ =	sdelay $0x4  }
0x2fc: {  	v0 =	vld.idx.msk [tilespmem:v0+s19+$0x0], $0xffff;
	_ =	sdelay $0x3  }
0x2fd: {  	v1 =	vmul.f32 v18, v53  }
0x2fe: {  	v3 =	vadd.s32 $0x11, v45;
	v0 =	vmul.f32 v0, v51  }
0x2ff: {  	v4 =	vmul.f32 v26, v12;
	v1 =	vadd.f32 v1, v55  }
0x300: {  	v0 =	vadd.f32 $1.000000000e+00, v0  }
0x301: {  	v1 =	vadd.f32 v4, v1  }
0x302: {  	[tilespmem:v2+s9+$0x0] =	vst.idx.msk $0xffff, v0  }
0x303: {  	[tilespmem:v3+s7+$0x0] =	vst.idx.msk $0xffff, v1  }
0x304: {  	v0 =	vld.idx.msk [tilespmem:v3+s16+$0x0], $0xffff;
	_ =	sdelay $0x4  }
0x305: {  	v1 =	vadd.s32 $0x110, v48;
	v0 =	vand.u32 $0xF, v0  }
0x306: {  	v0 =	vor.u32 v1, v0;
	_ =	sdelay $0x4  }
0x307: {  	v0 =	vld.idx.msk [tilespmem:v0+s19+$0x0], $0xffff;
	_ =	sdelay $0x3  }
0x308: {  	v1 =	vmul.f32 v16, v53  }
0x309: {  	v2 =	vadd.s32 $0x12, v45;
	v0 =	vmul.f32 v0, v51  }
0x30a: {  	v4 =	vmul.f32 v24, v12;
	v1 =	vadd.f32 v1, v54  }
0x30b: {  	v0 =	vadd.f32 $1.000000000e+00, v0  }
0x30c: {  	v1 =	vadd.f32 v4, v1  }
0x30d: {  	[tilespmem:v3+s9+$0x0] =	vst.idx.msk $0xffff, v0  }
0x30e: {  	[tilespmem:v2+s7+$0x0] =	vst.idx.msk $0xffff, v1  }
0x30f: {  	v0 =	vld.idx.msk [tilespmem:v2+s16+$0x0], $0xffff;
	_ =	sdelay $0x4  }
0x310: {  	v1 =	vadd.s32 $0x120, v48;
	v0 =	vand.u32 $0xF, v0  }
0x311: {  	v0 =	vor.u32 v1, v0;
	_ =	sdelay $0x4  }
0x312: {  	v0 =	vld.idx.msk [tilespmem:v0+s19+$0x0], $0xffff;
	_ =	sdelay $0x4  }
0x313: {  	v1 =	vadd.s32 $0x13, v45;
	v0 =	vmul.f32 v0, v51  }
0x314: {  	v3 =	vmul.f32 v13, v12  }
0x315: {  	v0 =	vadd.f32 $1.000000000e+00, v0  }
0x316: {  	v3 =	vadd.f32 v3, v52  }
0x317: {  	[tilespmem:v2+s9+$0x0] =	vst.idx.msk $0xffff, v0  }
0x318: {  	[tilespmem:v1+s7+$0x0] =	vst.idx.msk $0xffff, v3  }
0x319: {  	v0 =	vld.idx.msk [tilespmem:v1+s16+$0x0], $0xffff;
	_ =	sdelay $0x4  }
0x31a: {  	v2 =	vadd.s32 $0x130, v48;
	v0 =	vand.u32 $0xF, v0  }
0x31b: {  	v0 =	vor.u32 v2, v0;
	_ =	sdelay $0x4  }
0x31c: {  	v0 =	vld.idx.msk [tilespmem:v0+s19+$0x0], $0xffff;
	_ =	sdelay $0x4  }
0x31d: {  	v0 =	vmul.f32 v0, v51;
	_ =	sdelay $0x1  }
0x31e: {  	[tilespmem:$0x1FC10] =	vst v45;
	v0 =	vadd.f32 $1.000000000e+00, v0  }
0x31f: {  	[tilespmem:$0x1FC20] =	vst v48  }
0x320: {  	[tilespmem:v1+s9+$0x0] =	vst.idx.msk $0xffff, v0  }
0x321: {  	_ =	swait.ge [sflag:s25], $0x2000  }
0x322: {  	[sflag:s25] =	ssyncset.done $0x0  }
0x323: {  	v51 =	vmul.u32 $0x280, v46;
	[sflag:s25] =	ssyncadd.s32 $0xFFFFE000  }
0x324: {  	v1 =	vimm.s32 $0x0;
	_ =	swait.ge [sflag:s25], $0x2000  }
0x325: {  	v0 =	vadd.s32 $0x240, v51;
	v4 =	vadd.s32 v50, v1;
	[sflag:s25] =	ssyncset.done $0x0  }
0x326: {  	v7 =	vor.u32 $0x40, v51;
	v5 =	vadd.s32 v0, v1;
	[sflag:s25] =	ssyncadd.s32 $0xFFFFE000  }
0x327: {  	v6 =	vadd.s32 $0x100, v51;
	v8 =	vadd.s32 v7, v1;
	_ =	swait.ge [sflag:s25], $0x1000  }
0x328: {  	v9 =	vadd.s32 $0x140, v51;
	v15 =	vadd.s32 v6, v1;
	[sflag:s25] =	ssyncset.done $0x0  }
0x329: {  	v10 =	vadd.s32 $0x180, v51;
	v16 =	vadd.s32 v9, v1;
	[sflag:s25] =	ssyncadd.s32 $0xFFFFF000  }
0x32a: {  	v2 =	vadd.s32 $0x80, v51;
	v17 =	vadd.s32 v10, v1;
	v4 =	vld.idx.msk [tilespmem:v4+s26+$0x0], $0xffff  }
0x32b: {  	v3 =	vadd.s32 $0xC0, v51;
	v11 =	vadd.s32 v2, v1;
	v5 =	vld.idx.msk [tilespmem:v5+s6+$0x0], $0xffff  }
0x32c: {  	v12 =	vadd.s32 $0x1C0, v51;
	v14 =	vadd.s32 v3, v1;
	v8 =	vld.idx.msk [tilespmem:v8+s6+$0x0], $0xffff  }
0x32d: {  	v13 =	vadd.s32 $0x200, v51;
	v18 =	vadd.s32 v12, v1;
	v21 =	vadd.s32 $0x1, v1;
	v25 =	vld.idx.msk [tilespmem:v15+s6+$0x0], $0xffff  }
0x32e: {  	v19 =	vadd.s32 v13, v1;
	v20 =	vadd.s32 v51, v1;
	v1 =	vld.idx.msk [tilespmem:v16+s6+$0x0], $0xffff;
	v15 =	vadd.s32 v50, v21  }
0x32f: {  	v16 =	vld.idx.msk [tilespmem:v17+s6+$0x0], $0xffff;
	v17 =	vadd.s32 v0, v21  }
0x330: {  	v11 =	vld.idx.msk [tilespmem:v11+s6+$0x0], $0xffff  }
0x331: {  	v14 =	vld.idx.msk [tilespmem:v14+s6+$0x0], $0xffff  }
0x332: {  	v23 =	vimm.f32 $0.0e+00;
	v35 =	vimm.f32 $0.0e+00;
	v27 =	vadd.s32 v3, v21;
	v18 =	vld.idx.msk [tilespmem:v18+s6+$0x0], $0xffff  }
0x333: {  	v26 =	vadd.s32 v2, v21;
	v61 =	vadd.s32 v6, v21;
	v5 =	vmul.f32 v5, v4;
	v15 =	vld.idx.msk [tilespmem:v15+s26+$0x0], $0xffff  }
0x334: {  	v37 =	vadd.s32 v9, v21;
	v36 =	vadd.s32 v10, v21;
	v24 =	vadd.s32 v51, v21;
	v62 =	vld.idx.msk [tilespmem:v17+s6+$0x0], $0xffff  }
0x335: {  	v33 =	vadd.s32 v12, v21;
	v32 =	vadd.s32 v13, v21;
	v22 =	vadd.f32 v5, v23;
	v5 =	vld.idx.msk [tilespmem:v19+s6+$0x0], $0xffff  }
0x336: {  	v8 =	vmul.f32 v8, v4;
	v11 =	vmul.f32 v11, v4;
	v19 =	vld.idx.msk [tilespmem:v20+s6+$0x0], $0xffff;
	v20 =	vadd.s32 v7, v21  }
0x337: {  	v31 =	vld.idx.msk [tilespmem:v27+s6+$0x0], $0xffff;
	v27 =	vimm.f32 $0.0e+00;
	v14 =	vmul.f32 v14, v4;
	v63 =	vmul.f32 v25, v4  }
0x338: {  	v29 =	vld.idx.msk [tilespmem:v26+s6+$0x0], $0xffff;
	v26 =	vimm.f32 $0.0e+00;
	v1 =	vmul.f32 v1, v4;
	v38 =	vmul.f32 v16, v4  }
0x339: {  	v39 =	vmul.f32 v18, v4;
	v17 =	vadd.f32 v8, v23;
	v16 =	vadd.f32 v11, v23  }
0x33a: {  	v34 =	vld.idx.msk [tilespmem:v61+s6+$0x0], $0xffff;
	v18 =	vadd.f32 v14, v23;
	v40 =	vmul.f32 v62, v15;
	v30 =	vmul.f32 v5, v4  }
0x33b: {  	s16 =	simm.s32 $0x3D;
	v25 =	vld.idx.msk [tilespmem:v20+s6+$0x0], $0xffff;
	v28 =	vmul.f32 v19, v4;
	v19 =	vadd.f32 v63, v23;
	v20 =	vadd.f32 v1, v23  }
.LBB2_7:
0x33c: {  	p0 =	sne.s32 s16, $0x1;
	v1 =	vld.idx.msk [tilespmem:v37+s6+$0x0], $0xffff;
	v21 =	vadd.s32 $0x1, v21;
	v23 =	vadd.f32 v38, v23;
	v35 =	vadd.f32 v39, v35  }
0x33d: {  	v5 =	vadd.s32 $0x240, v51;
	v4 =	vadd.s32 v50, v21;
	v8 =	vld.idx.msk [tilespmem:v36+s6+$0x0], $0xffff;
	v22 =	vadd.f32 v40, v22  }
0x33e: {  	v11 =	vor.u32 $0x40, v51;
	v14 =	vadd.s32 $0x80, v51;
	v5 =	vadd.s32 v5, v21;
	v39 =	vld.idx.msk [tilespmem:v33+s6+$0x0], $0xffff  }
0x33f: {  	v37 =	vadd.s32 $0x140, v51;
	v36 =	vadd.s32 $0x100, v51;
	v33 =	vadd.s32 $0xC0, v51;
	v40 =	vld.idx.msk [tilespmem:v32+s6+$0x0], $0xffff  }
0x340: {  	v38 =	vadd.s32 $0x1C0, v51;
	v41 =	vadd.s32 $0x200, v51;
	v32 =	vadd.s32 $0x180, v51;
	v42 =	vld.idx.msk [tilespmem:v24+s6+$0x0], $0xffff  }
0x341: {  	v11 =	vadd.s32 v11, v21;
	v14 =	vadd.s32 v14, v21;
	v43 =	vadd.s32 v33, v21  }
0x342: {  	v37 =	vadd.s32 v37, v21;
	v44 =	vadd.s32 v36, v21;
	v36 =	vadd.s32 v32, v21;
	v4 =	vld.idx.msk [tilespmem:v4+s26+$0x0], $0xffff  }
0x343: {  	v33 =	vadd.s32 v38, v21;
	v24 =	vadd.s32 v51, v21;
	v32 =	vadd.s32 v41, v21;
	v5 =	vld.idx.msk [tilespmem:v5+s6+$0x0], $0xffff  }
0x344: {  	v27 =	vadd.f32 v30, v27;
	v38 =	vmul.f32 v25, v15;
	v41 =	vmul.f32 v29, v15  }
.Ltmp2:
0x345: {  	v26 =	vadd.f32 v28, v26;
	v45 =	vmul.f32 v31, v15;
	v34 =	vmul.f32 v34, v15;
	(pc) =	sbr.rel @p0 .LBB2_7-.Ltmp2, $4  }
0x346: {  	v17 =	vadd.f32 v38, v17;
	v1 =	vmul.f32 v1, v15;
	v38 =	vmul.f32 v8, v15;
	v25 =	vld.idx.msk [tilespmem:v11+s6+$0x0], $0xffff  }
0x347: {  	v16 =	vadd.f32 v41, v16;
	v39 =	vmul.f32 v39, v15;
	v30 =	vmul.f32 v40, v15;
	v29 =	vld.idx.msk [tilespmem:v14+s6+$0x0], $0xffff  }
0x348: {  	v18 =	vadd.f32 v45, v18;
	v19 =	vadd.f32 v34, v19;
	v28 =	vmul.f32 v42, v15;
	v31 =	vld.idx.msk [tilespmem:v43+s6+$0x0], $0xffff  }
0x349: {  	s16 =	sadd.s32 $0xFFFFFFFF, s16;
	v20 =	vadd.f32 v1, v20;
	v15 =	vmov v4;
	v40 =	vmul.f32 v5, v4;
	v34 =	vld.idx.msk [tilespmem:v44+s6+$0x0], $0xffff  }
0x34a: {  	_ =	sdelay $0x2  }
0x34b: {  	v1 =	vadd.s32 $0x1, v21;
	v8 =	vadd.f32 v38, v23  }
0x34c: {  	v4 =	vld.idx.msk [tilespmem:v37+s6+$0x0], $0xffff;
	v14 =	vadd.f32 v39, v35;
	v27 =	vadd.f32 v30, v27;
	v5 =	vadd.s32 v50, v1  }
0x34d: {  	v11 =	vld.idx.msk [tilespmem:v36+s6+$0x0], $0xffff;
	v26 =	vadd.f32 v28, v26;
	v56 =	vmul.u32 $0xA, v46;
	v45 =	vadd.s32 v51, v1  }
0x34e: {  	v44 =	vld.idx.msk [tilespmem:v33+s6+$0x0], $0xffff;
	v7 =	vadd.s32 v7, v1;
	v43 =	vadd.f32 v40, v22;
	v0 =	vadd.s32 v0, v1  }
0x34f: {  	v32 =	vld.idx.msk [tilespmem:v32+s6+$0x0], $0xffff;
	v2 =	vadd.s32 v2, v1;
	v3 =	vadd.s32 v3, v1;
	v6 =	vadd.s32 v6, v1  }
0x350: {  	v24 =	vld.idx.msk [tilespmem:v24+s6+$0x0], $0xffff;
	v9 =	vadd.s32 v9, v1;
	v10 =	vadd.s32 v10, v1;
	v12 =	vadd.s32 v12, v1  }
0x351: {  	v1 =	vadd.s32 v13, v1;
	v47 =	vmul.f32 v25, v15;
	v48 =	vmul.f32 v29, v15;
	v5 =	vld.idx.msk [tilespmem:v5+s26+$0x0], $0xffff  }
0x352: {  	v59 =	vor.u32 $0x1, v56;
	v60 =	vadd.s32 $0x2, v56;
	v61 =	vadd.s32 $0x3, v56;
	v54 =	vld.idx.msk [tilespmem:v45+s6+$0x0], $0xffff  }
0x353: {  	v62 =	vadd.s32 $0x4, v56;
	v63 =	vadd.s32 $0x5, v56;
	v52 =	vmul.f32 v31, v15;
	v7 =	vld.idx.msk [tilespmem:v7+s6+$0x0], $0xffff  }
0x354: {  	v13 =	vadd.f32 v47, v17;
	v53 =	vmul.f32 v34, v15;
	v4 =	vmul.f32 v4, v15;
	v2 =	vld.idx.msk [tilespmem:v2+s6+$0x0], $0xffff  }
0x355: {  	v16 =	vadd.f32 v48, v16;
	v11 =	vmul.f32 v11, v15;
	v55 =	vmul.f32 v24, v15;
	v3 =	vld.idx.msk [tilespmem:v3+s6+$0x0], $0xffff  }
0x356: {  	v22 =	vmul.f32 v44, v15;
	v18 =	vadd.f32 v52, v18;
	v57 =	vmul.f32 v32, v15;
	v6 =	vld.idx.msk [tilespmem:v6+s6+$0x0], $0xffff  }
0x357: {  	v19 =	vadd.f32 v53, v19;
	v9 =	vld.idx.msk [tilespmem:v9+s6+$0x0], $0xffff;
	v58 =	vadd.f32 v55, v26;
	v17 =	vmul.f32 v54, v5  }
0x358: {  	v10 =	vld.idx.msk [tilespmem:v10+s6+$0x0], $0xffff;
	v4 =	vadd.f32 v4, v20;
	v8 =	vadd.f32 v11, v8;
	v7 =	vmul.f32 v7, v5  }
0x359: {  	v12 =	vld.idx.msk [tilespmem:v12+s6+$0x0], $0xffff;
	v11 =	vadd.f32 v22, v14;
	v2 =	vmul.f32 v2, v5;
	v14 =	vadd.f32 v17, v58  }
0x35a: {  	v1 =	vld.idx.msk [tilespmem:v1+s6+$0x0], $0xffff;
	v15 =	vadd.f32 v57, v27;
	v3 =	vmul.f32 v3, v5;
	v7 =	vadd.f32 v7, v13  }
0x35b: {  	v0 =	vld.idx.msk [tilespmem:v0+s6+$0x0], $0xffff;
	v6 =	vmul.f32 v6, v5;
	v2 =	vadd.f32 v2, v16;
	[tilespmem:v56+s10+$0x0] =	vst.idx.msk $0xffff, v14  }
0x35c: {  	v9 =	vmul.f32 v9, v5;
	v3 =	vadd.f32 v3, v18;
	[tilespmem:v59+s10+$0x0] =	vst.idx.msk $0xffff, v7;
	v7 =	vadd.s32 $0x6, v56  }
0x35d: {  	v10 =	vmul.f32 v10, v5;
	v6 =	vadd.f32 v6, v19;
	[tilespmem:v60+s10+$0x0] =	vst.idx.msk $0xffff, v2;
	v2 =	vadd.s32 $0x7, v56  }
0x35e: {  	v12 =	vmul.f32 v12, v5;
	v4 =	vadd.f32 v9, v4;
	[tilespmem:v61+s10+$0x0] =	vst.idx.msk $0xffff, v3;
	v3 =	vadd.s32 $0x8, v56  }
0x35f: {  	v1 =	vmul.f32 v1, v5;
	v8 =	vadd.f32 v10, v8;
	[tilespmem:v62+s10+$0x0] =	vst.idx.msk $0xffff, v6;
	v6 =	vadd.s32 $0x9, v56  }
0x360: {  	v0 =	vmul.f32 v0, v5;
	v5 =	vadd.f32 v12, v11;
	[tilespmem:v63+s10+$0x0] =	vst.idx.msk $0xffff, v4  }
0x361: {  	v1 =	vadd.f32 v1, v15;
	[tilespmem:v7+s10+$0x0] =	vst.idx.msk $0xffff, v8  }
0x362: {  	v0 =	vadd.f32 v0, v43;
	[tilespmem:v2+s10+$0x0] =	vst.idx.msk $0xffff, v5  }
0x363: {  	[tilespmem:v3+s10+$0x0] =	vst.idx.msk $0xffff, v1  }
0x364: {  	v2 =	vld [tilespmem:$0x1FFF0];
	[tilespmem:v6+s10+$0x0] =	vst.idx.msk $0xffff, v0  }
0x365: {  	v0 =	vld [tilespmem:$0x10]  }
0x366: {  	v1 =	vld [tilespmem:$0x30];
	_ =	sdelay $0x1  }
0x367: {  	v50 =	vor.u32 $0x400, v50;
	v3 =	vimm.s32 $0x0  }
0x368: {  	v4 =	vadd.s32 v50, v3  }
0x369: {  	v2 =	vor.u32 $0x100, v2;
	v0 =	vand.u32 $0xF, v0  }
0x36a: {  	v1 =	vand.u32 $0xF, v1;
	v0 =	vor.u32 v2, v0  }
0x36b: {  	v1 =	vor.u32 v2, v1;
	_ =	sdelay $0x1  }
0x36c: {  	v9 =	vld.idx.msk [tilespmem:v4+s28+$0x0], $0xffff  }
0x36d: {  	v2 =	vld.idx.msk [tilespmem:v4+s26+$0x0], $0xffff  }
0x36e: {  	v6 =	vadd.s32 $0x1, v3;
	v5 =	vld.idx.msk [tilespmem:v0+s15+$0x0], $0xffff  }
0x36f: {  	s16 =	simm.s32 $0x3E;
	[tilespmem:$0x1FC00] =	vst v56;
	v3 =	vimm.f32 $0.0e+00;
	v7 =	vadd.s32 v50, v6;
	v0 =	vld.idx.msk [tilespmem:v1+s0+$0x0], $0xffff  }
.LBB2_9:
0x370: {  	_ = 	snop  }
0x371: {  	p0 =	sne.s32 s16, $0x1  }
.Ltmp3:
0x372: {  	_ = 	snop;
	(pc) =	sbr.rel @p0 .LBB2_9-.Ltmp3, $4  }
0x373: {  	v1 =	vmov v2  }
0x374: {  	v1 =	vmul.f32 v9, v1  }
0x375: {  	v6 =	vadd.s32 $0x1, v6;
	v2 =	vld.idx.msk [tilespmem:v7+s26+$0x0], $0xffff  }
0x376: {  	s16 =	sadd.s32 $0xFFFFFFFF, s16;
	v9 =	vld.idx.msk [tilespmem:v7+s28+$0x0], $0xffff;
	v7 =	vadd.s32 v50, v6;
	v3 =	vadd.f32 v1, v3  }
0x377: {  	_ =	sdelay $0x3  }
0x378: {  	v1 =	vld.idx.msk [tilespmem:v7+s26+$0x0], $0xffff  }
0x379: {  	v4 =	vld.idx.msk [tilespmem:v7+s28+$0x0], $0xffff  }
0x37a: {  	v0 =	vmul.f32 v0, v5  }
0x37b: {  	[tilespmem:$0x1FB80] =	vst v5;
	v5 =	vadd.s32 $0x54C0, v49;
	v13 =	vadd.s32 $0x5000, v49;
	v2 =	vmul.f32 v9, v2  }
0x37c: {  	v6 =	vadd.s32 $0x5040, v49;
	v7 =	vadd.s32 $0x5080, v49;
	v8 =	vadd.s32 $0x5140, v49  }
0x37d: {  	v0 =	vadd.f32 $1.000000000e+00, v0;
	v2 =	vadd.f32 v2, v3;
	v3 =	vimm.s32 $0x0  }
0x37e: {  	v55 =	vimm.f32 $0.0e+00;
	v1 =	vmul.f32 v4, v1;
	v4 =	vadd.s32 v50, v3  }
0x37f: {  	v11 =	vadd.s32 $0x51C0, v49;
	v10 =	vadd.s32 $0x5200, v49;
	[tilespmem:$0x13B30] =	vst v0;
	v0 =	vadd.s32 v7, v3  }
0x380: {  	v14 =	vadd.s32 $0x5240, v49;
	[tilespmem:$0x1FB90] =	vst v5;
	v35 =	vmovc v10;
	v10 =	vadd.s32 v10, v3;
	v1 =	vadd.f32 v1, v2  }
0x381: {  	v12 =	vadd.s32 $0x5280, v49;
	v16 =	vadd.s32 $0x52C0, v49;
	[tilespmem:$0x1FBA0] =	vst v6;
	v2 =	vadd.s32 v5, v3  }
0x382: {  	v15 =	vadd.s32 $0x5300, v49;
	v17 =	vadd.s32 $0x5340, v49;
	v5 =	vadd.s32 v13, v3;
	[tilespmem:$0x13B10] =	vst v1  }
0x383: {  	v18 =	vadd.s32 $0x5380, v49;
	[tilespmem:$0x1FBB0] =	vst v7;
	v1 =	vadd.s32 v6, v3;
	v6 =	vadd.s32 $0x50C0, v49;
	v54 =	vld.idx.msk [tilespmem:v4+s26+$0x0], $0xffff  }
0x384: {  	v21 =	vadd.s32 $0x53C0, v49;
	v7 =	vadd.s32 $0x5100, v49;
	[tilespmem:$0x1FBC0] =	vst v6;
	v6 =	vadd.s32 v6, v3;
	v0 =	vld.idx.msk [tilespmem:v0+s2+$0x0], $0xffff  }
0x385: {  	v19 =	vadd.s32 $0x5400, v49;
	v22 =	vadd.s32 $0x5440, v49;
	v4 =	vadd.s32 v7, v3;
	v10 =	vld.idx.msk [tilespmem:v10+s2+$0x0], $0xffff  }
0x386: {  	v20 =	vadd.s32 $0x5480, v49;
	v9 =	vadd.s32 $0x5180, v49;
	[tilespmem:$0x1FBD0] =	vst v7;
	v7 =	vadd.s32 v8, v3;
	v2 =	vld.idx.msk [tilespmem:v2+s2+$0x0], $0xffff  }
0x387: {  	v60 =	vimm.f32 $0.0e+00;
	v59 =	vimm.f32 $0.0e+00;
	[tilespmem:$0x1FBE0] =	vst v8;
	v8 =	vadd.s32 v9, v3;
	v5 =	vld.idx.msk [tilespmem:v5+s2+$0x0], $0xffff  }
0x388: {  	v58 =	vimm.f32 $0.0e+00;
	v57 =	vimm.f32 $0.0e+00;
	[tilespmem:$0x1FBF0] =	vst v9;
	v9 =	vadd.s32 v11, v3;
	v1 =	vld.idx.msk [tilespmem:v1+s2+$0x0], $0xffff  }
0x389: {  	v40 =	vmovc v11;
	v62 =	vmovc v14;
	v30 =	vmov v12;
	v31 =	vmov v16;
	v11 =	vadd.s32 v14, v3;
	v6 =	vld.idx.msk [tilespmem:v6+s2+$0x0], $0xffff  }
0x38a: {  	v36 =	vmovc v15;
	v32 =	vmovc v17;
	v37 =	vmov v18;
	v33 =	vmov v21;
	v12 =	vadd.s32 v12, v3;
	v4 =	vld.idx.msk [tilespmem:v4+s2+$0x0], $0xffff  }
0x38b: {  	v56 =	vimm.f32 $0.0e+00;
	v34 =	vmovc v22;
	v39 =	vmovc v20;
	v17 =	vadd.s32 v17, v3;
	v14 =	vadd.s32 v16, v3;
	v7 =	vld.idx.msk [tilespmem:v7+s2+$0x0], $0xffff  }
0x38c: {  	v18 =	vadd.s32 v18, v3;
	v42 =	vadd.s32 v21, v3;
	v16 =	vadd.s32 v15, v3;
	v8 =	vld.idx.msk [tilespmem:v8+s2+$0x0], $0xffff  }
0x38d: {  	v43 =	vadd.s32 v19, v3;
	v9 =	vld.idx.msk [tilespmem:v9+s2+$0x0], $0xffff;
	v0 =	vmul.f32 v0, v54;
	v2 =	vmul.f32 v2, v54  }
0x38e: {  	v45 =	vadd.s32 v22, v3;
	v46 =	vadd.s32 v20, v3;
	v11 =	vld.idx.msk [tilespmem:v11+s2+$0x0], $0xffff;
	v5 =	vmul.f32 v5, v54  }
0x38f: {  	v24 =	vadd.f32 v0, v55;
	v1 =	vmul.f32 v1, v54;
	v49 =	vadd.f32 v2, v55;
	v2 =	vld.idx.msk [tilespmem:v12+s2+$0x0], $0xffff  }
0x390: {  	v41 =	vadd.f32 v5, v55;
	v5 =	vmul.f32 v6, v54;
	v6 =	vld.idx.msk [tilespmem:v14+s2+$0x0], $0xffff;
	v4 =	vmul.f32 v4, v54  }
0x391: {  	v63 =	vadd.f32 v1, v55;
	v0 =	vmul.f32 v7, v54;
	v1 =	vld.idx.msk [tilespmem:v16+s2+$0x0], $0xffff;
	v7 =	vmul.f32 v10, v54  }
0x392: {  	v22 =	vadd.f32 v5, v55;
	v5 =	vld.idx.msk [tilespmem:v17+s2+$0x0], $0xffff;
	v21 =	vadd.f32 v4, v55;
	v4 =	vmul.f32 v8, v54  }
0x393: {  	v20 =	vadd.f32 v0, v55;
	v0 =	vmul.f32 v9, v54;
	v8 =	vld.idx.msk [tilespmem:v18+s2+$0x0], $0xffff;
	v12 =	vadd.f32 v7, v55  }
0x394: {  	v38 =	vmovc v19;
	v9 =	vld.idx.msk [tilespmem:v42+s2+$0x0], $0xffff;
	v42 =	vadd.s32 $0x1, v3;
	v2 =	vmul.f32 v2, v54;
	v19 =	vadd.f32 v4, v55  }
0x395: {  	v29 =	vmovc v13;
	v4 =	vmul.f32 v11, v54;
	v17 =	vadd.f32 v0, v55;
	v0 =	vmul.f32 v6, v54  }
0x396: {  	v7 =	vld.idx.msk [tilespmem:v43+s2+$0x0], $0xffff;
	v44 =	vadd.s32 v50, v42;
	v61 =	vadd.f32 v2, v55;
	v1 =	vmul.f32 v1, v54  }
0x397: {  	v3 =	vld.idx.msk [tilespmem:v45+s2+$0x0], $0xffff;
	v43 =	vadd.s32 v13, v42;
	v10 =	vadd.f32 v4, v55;
	v6 =	vadd.f32 v0, v55  }
0x398: {  	s16 =	simm.s32 $0x3E;
	v18 =	vmul.f32 v5, v54;
	v0 =	vld.idx.msk [tilespmem:v46+s2+$0x0], $0xffff;
	v2 =	vadd.f32 v1, v55;
	v16 =	vmul.f32 v8, v54  }
.LBB2_11:
0x399: {  	v1 =	vld [tilespmem:$0x1FBA0]  }
0x39a: {  	v4 =	vld [tilespmem:$0x1FBB0]  }
0x39b: {  	v5 =	vld [tilespmem:$0x1FB90]  }
0x39c: {  	v13 =	vld [tilespmem:$0x1FBE0]  }
0x39d: {  	v44 =	vld.idx.msk [tilespmem:v44+s26+$0x0], $0xffff  }
0x39e: {  	v43 =	vld.idx.msk [tilespmem:v43+s2+$0x0], $0xffff  }
0x39f: {  	v11 =	vld [tilespmem:$0x1FBD0]  }
0x3a0: {  	v8 =	vld [tilespmem:$0x1FBC0];
	v48 =	vadd.s32 v62, v42;
	v9 =	vmul.f32 v9, v54  }
0x3a1: {  	v7 =	vmul.f32 v7, v54;
	v3 =	vmul.f32 v3, v54;
	v5 =	vadd.s32 v5, v42  }
0x3a2: {  	v0 =	vmul.f32 v0, v54;
	v1 =	vadd.s32 v1, v42;
	v14 =	vadd.s32 v13, v42;
	v13 =	vld [tilespmem:$0x1FBF0];
	v54 =	vmovc v44  }
0x3a3: {  	v4 =	vadd.s32 v4, v42;
	v58 =	vadd.f32 v7, v58;
	v7 =	vmul.f32 v43, v54  }
0x3a4: {  	v11 =	vadd.s32 v11, v42  }
0x3a5: {  	v8 =	vadd.s32 v8, v42;
	v41 =	vadd.f32 v7, v41;
	v7 =	vld.idx.msk [tilespmem:v48+s2+$0x0], $0xffff  }
0x3a6: {  	v5 =	vld.idx.msk [tilespmem:v5+s2+$0x0], $0xffff  }
0x3a7: {  	v45 =	vadd.s32 v13, v42;
	v1 =	vld.idx.msk [tilespmem:v1+s2+$0x0], $0xffff  }
0x3a8: {  	v46 =	vadd.s32 v40, v42;
	v4 =	vld.idx.msk [tilespmem:v4+s2+$0x0], $0xffff  }
0x3a9: {  	v52 =	vadd.s32 v35, v42;
	v57 =	vadd.f32 v3, v57;
	v3 =	vld.idx.msk [tilespmem:v11+s2+$0x0], $0xffff  }
0x3aa: {  	v53 =	vadd.s32 v30, v42;
	v47 =	vadd.s32 v31, v42;
	v8 =	vld.idx.msk [tilespmem:v8+s2+$0x0], $0xffff  }
0x3ab: {  	v15 =	vadd.s32 v32, v42;
	v56 =	vadd.f32 v0, v56;
	v13 =	vadd.s32 v36, v42;
	v0 =	vld.idx.msk [tilespmem:v14+s2+$0x0], $0xffff  }
0x3ac: {  	v23 =	vadd.s32 v37, v42;
	v59 =	vadd.f32 v9, v59;
	v5 =	vmul.f32 v5, v54;
	v9 =	vld.idx.msk [tilespmem:v45+s2+$0x0], $0xffff  }
0x3ad: {  	v25 =	vadd.s32 v33, v42;
	v11 =	vld.idx.msk [tilespmem:v46+s2+$0x0], $0xffff;
	v1 =	vmul.f32 v1, v54;
	v4 =	vmul.f32 v4, v54  }
0x3ae: {  	v26 =	vadd.s32 v38, v42;
	v3 =	vmul.f32 v3, v54;
	v49 =	vadd.f32 v5, v49;
	v5 =	vld.idx.msk [tilespmem:v52+s2+$0x0], $0xffff  }
0x3af: {  	v63 =	vadd.f32 v1, v63;
	v1 =	vmul.f32 v8, v54;
	v24 =	vadd.f32 v4, v24;
	v4 =	vld.idx.msk [tilespmem:v53+s2+$0x0], $0xffff  }
0x3b0: {  	v27 =	vadd.s32 v34, v42;
	v28 =	vadd.s32 v39, v42;
	v0 =	vmul.f32 v0, v54;
	v8 =	vld.idx.msk [tilespmem:v13+s2+$0x0], $0xffff  }
0x3b1: {  	v21 =	vadd.f32 v3, v21;
	v22 =	vadd.f32 v1, v22;
	v1 =	vld.idx.msk [tilespmem:v47+s2+$0x0], $0xffff;
	v3 =	vmul.f32 v9, v54  }
0x3b2: {  	v55 =	vadd.f32 v18, v55;
	v20 =	vadd.f32 v0, v20;
	v0 =	vmul.f32 v11, v54;
	v11 =	vld.idx.msk [tilespmem:v15+s2+$0x0], $0xffff  }
0x3b3: {  	p0 =	sne.s32 s16, $0x1;
	v42 =	vadd.s32 $0x1, v42;
	v19 =	vadd.f32 v3, v19;
	v3 =	vmul.f32 v5, v54;
	v5 =	vld.idx.msk [tilespmem:v23+s2+$0x0], $0xffff  }
.Ltmp4:
0x3b4: {  	v60 =	vadd.f32 v16, v60;
	v44 =	vadd.s32 v50, v42;
	v4 =	vmul.f32 v4, v54;
	(pc) =	sbr.rel @p0 .LBB2_11-.Ltmp4, $4  }
0x3b5: {  	v43 =	vadd.s32 v29, v42;
	v17 =	vadd.f32 v0, v17;
	v0 =	vmul.f32 v7, v54;
	v7 =	vld.idx.msk [tilespmem:v26+s2+$0x0], $0xffff  }
0x3b6: {  	v9 =	vld.idx.msk [tilespmem:v25+s2+$0x0], $0xffff;
	v1 =	vmul.f32 v1, v54;
	v61 =	vadd.f32 v4, v61;
	v4 =	vmul.f32 v8, v54  }
0x3b7: {  	v10 =	vadd.f32 v0, v10;
	v0 =	vld.idx.msk [tilespmem:v28+s2+$0x0], $0xffff;
	v18 =	vmul.f32 v11, v54;
	v12 =	vadd.f32 v3, v12  }
0x3b8: {  	s16 =	sadd.s32 $0xFFFFFFFF, s16;
	v3 =	vld.idx.msk [tilespmem:v27+s2+$0x0], $0xffff;
	v6 =	vadd.f32 v1, v6;
	v2 =	vadd.f32 v4, v2;
	v16 =	vmul.f32 v5, v54  }
0x3b9: {  	v1 =	vld [tilespmem:$0x1FB90]  }
0x3ba: {  	v4 =	vld [tilespmem:$0x1FBA0]  }
0x3bb: {  	v5 =	vld [tilespmem:$0x1FBB0]  }
0x3bc: {  	v8 =	vld [tilespmem:$0x1FBC0]  }
0x3bd: {  	v13 =	vld.idx.msk [tilespmem:v44+s26+$0x0], $0xffff  }
0x3be: {  	v11 =	vld [tilespmem:$0x1FBD0];
	v26 =	vadd.s32 v35, v42  }
0x3bf: {  	v14 =	vld.idx.msk [tilespmem:v43+s2+$0x0], $0xffff;
	v27 =	vadd.s32 v62, v42  }
0x3c0: {  	v23 =	vld [tilespmem:$0x1FBF0];
	v29 =	vadd.s32 v31, v42  }
0x3c1: {  	v46 =	vld [tilespmem:$0x1FC10];
	v1 =	vadd.s32 v1, v42  }
0x3c2: {  	v48 =	vld [tilespmem:$0x1FC20]  }
0x3c3: {  	v4 =	vadd.s32 v4, v42;
	v44 =	vld.idx.msk [tilespmem:v26+s2+$0x0], $0xffff  }
0x3c4: {  	v5 =	vadd.s32 v5, v42;
	v45 =	vld.idx.msk [tilespmem:v27+s2+$0x0], $0xffff  }
0x3c5: {  	v8 =	vadd.s32 v8, v42;
	v31 =	vld.idx.msk [tilespmem:v29+s2+$0x0], $0xffff  }
0x3c6: {  	v11 =	vadd.s32 v11, v42;
	v15 =	vld.idx.msk [tilespmem:v1+s2+$0x0], $0xffff  }
0x3c7: {  	v23 =	vadd.s32 v23, v42;
	v1 =	vld [tilespmem:$0x1FBE0]  }
0x3c8: {  	v25 =	vadd.s32 v40, v42;
	v4 =	vld.idx.msk [tilespmem:v4+s2+$0x0], $0xffff  }
0x3c9: {  	v28 =	vadd.s32 v30, v42;
	v5 =	vld.idx.msk [tilespmem:v5+s2+$0x0], $0xffff  }
0x3ca: {  	v26 =	vadd.s32 v37, v42;
	v8 =	vld.idx.msk [tilespmem:v8+s2+$0x0], $0xffff  }
0x3cb: {  	v27 =	vadd.s32 v33, v42;
	v11 =	vld.idx.msk [tilespmem:v11+s2+$0x0], $0xffff  }
0x3cc: {  	v43 =	vld.idx.msk [tilespmem:v23+s2+$0x0], $0xffff;
	v23 =	vadd.s32 v36, v42  }
0x3cd: {  	v53 =	vadd.s32 v38, v42;
	v36 =	vld.idx.msk [tilespmem:v25+s2+$0x0], $0xffff  }
0x3ce: {  	v25 =	vadd.s32 v32, v42;
	v32 =	vld.idx.msk [tilespmem:v28+s2+$0x0], $0xffff  }
0x3cf: {  	v62 =	vadd.s32 v34, v42;
	v28 =	vld.idx.msk [tilespmem:v26+s2+$0x0], $0xffff  }
0x3d0: {  	v27 =	vld.idx.msk [tilespmem:v27+s2+$0x0], $0xffff;
	v1 =	vadd.s32 v1, v42  }
0x3d1: {  	v47 =	vadd.s32 $0x140, v46;
	v30 =	vld.idx.msk [tilespmem:v23+s2+$0x0], $0xffff;
	v23 =	vadd.s32 v39, v42  }
0x3d2: {  	v14 =	vmul.f32 v14, v13;
	v26 =	vld.idx.msk [tilespmem:v53+s2+$0x0], $0xffff  }
0x3d3: {  	v29 =	vld.idx.msk [tilespmem:v25+s2+$0x0], $0xffff  }
0x3d4: {  	v14 =	vadd.f32 v14, v41;
	v25 =	vld.idx.msk [tilespmem:v62+s2+$0x0], $0xffff  }
0x3d5: {  	v1 =	vld.idx.msk [tilespmem:v1+s2+$0x0], $0xffff  }
0x3d6: {  	s16 =	simm.s32 $0x40;
	v23 =	vld.idx.msk [tilespmem:v23+s2+$0x0], $0xffff;
	[tilespmem:v47+s7+$0x0] =	vst.idx.msk $0xffff, v14  }
0x3d7: {  	v14 =	vld.idx.msk [tilespmem:v47+s16+$0x0], $0xffff;
	_ =	sdelay $0x4  }
0x3d8: {  	v52 =	vadd.s32 $0x1400, v48;
	v14 =	vand.u32 $0xF, v14  }
0x3d9: {  	v14 =	vor.u32 v52, v14;
	_ =	sdelay $0x3  }
0x3da: {  	v53 =	vld [tilespmem:$0x1FB80]  }
0x3db: {  	v14 =	vld.idx.msk [tilespmem:v14+s19+$0x0], $0xffff;
	_ =	sdelay $0x4  }
0x3dc: {  	v62 =	vadd.s32 $0x141, v46;
	v14 =	vmul.f32 v14, v53  }
0x3dd: {  	v4 =	vmul.f32 v4, v13  }
0x3de: {  	v14 =	vadd.f32 $1.000000000e+00, v14  }
0x3df: {  	v4 =	vadd.f32 v4, v63  }
0x3e0: {  	[tilespmem:v47+s9+$0x0] =	vst.idx.msk $0xffff, v14  }
0x3e1: {  	[tilespmem:v62+s7+$0x0] =	vst.idx.msk $0xffff, v4  }
0x3e2: {  	v4 =	vld.idx.msk [tilespmem:v62+s16+$0x0], $0xffff;
	_ =	sdelay $0x4  }
0x3e3: {  	v14 =	vadd.s32 $0x1410, v48;
	v4 =	vand.u32 $0xF, v4  }
0x3e4: {  	v4 =	vor.u32 v14, v4;
	_ =	sdelay $0x4  }
0x3e5: {  	v4 =	vld.idx.msk [tilespmem:v4+s19+$0x0], $0xffff;
	_ =	sdelay $0x4  }
0x3e6: {  	v14 =	vadd.s32 $0x142, v46;
	v4 =	vmul.f32 v4, v53  }
0x3e7: {  	v5 =	vmul.f32 v5, v13  }
0x3e8: {  	v4 =	vadd.f32 $1.000000000e+00, v4  }
0x3e9: {  	v5 =	vadd.f32 v5, v24  }
0x3ea: {  	[tilespmem:v62+s9+$0x0] =	vst.idx.msk $0xffff, v4  }
0x3eb: {  	[tilespmem:v14+s7+$0x0] =	vst.idx.msk $0xffff, v5  }
0x3ec: {  	v4 =	vld.idx.msk [tilespmem:v14+s16+$0x0], $0xffff;
	_ =	sdelay $0x4  }
0x3ed: {  	v5 =	vadd.s32 $0x1420, v48;
	v4 =	vand.u32 $0xF, v4  }
0x3ee: {  	v4 =	vor.u32 v5, v4;
	_ =	sdelay $0x4  }
0x3ef: {  	v4 =	vld.idx.msk [tilespmem:v4+s19+$0x0], $0xffff;
	_ =	sdelay $0x4  }
0x3f0: {  	v5 =	vadd.s32 $0x143, v46;
	v4 =	vmul.f32 v4, v53  }
0x3f1: {  	v8 =	vmul.f32 v8, v13  }
0x3f2: {  	v4 =	vadd.f32 $1.000000000e+00, v4  }
0x3f3: {  	v8 =	vadd.f32 v8, v22  }
0x3f4: {  	[tilespmem:v14+s9+$0x0] =	vst.idx.msk $0xffff, v4  }
0x3f5: {  	[tilespmem:v5+s7+$0x0] =	vst.idx.msk $0xffff, v8  }
0x3f6: {  	v4 =	vld.idx.msk [tilespmem:v5+s16+$0x0], $0xffff;
	_ =	sdelay $0x4  }
0x3f7: {  	v8 =	vadd.s32 $0x1430, v48;
	v4 =	vand.u32 $0xF, v4  }
0x3f8: {  	v4 =	vor.u32 v8, v4;
	_ =	sdelay $0x4  }
0x3f9: {  	v4 =	vld.idx.msk [tilespmem:v4+s19+$0x0], $0xffff;
	_ =	sdelay $0x4  }
0x3fa: {  	v8 =	vadd.s32 $0x144, v46;
	v4 =	vmul.f32 v4, v53  }
0x3fb: {  	v11 =	vmul.f32 v11, v13  }
0x3fc: {  	v4 =	vadd.f32 $1.000000000e+00, v4  }
0x3fd: {  	v11 =	vadd.f32 v11, v21  }
0x3fe: {  	[tilespmem:v5+s9+$0x0] =	vst.idx.msk $0xffff, v4  }
0x3ff: {  	[tilespmem:v8+s7+$0x0] =	vst.idx.msk $0xffff, v11  }
0x400: {  	v4 =	vld.idx.msk [tilespmem:v8+s16+$0x0], $0xffff;
	_ =	sdelay $0x4  }
0x401: {  	v5 =	vadd.s32 $0x1440, v48;
	v4 =	vand.u32 $0xF, v4  }
0x402: {  	v4 =	vor.u32 v5, v4;
	_ =	sdelay $0x4  }
0x403: {  	v4 =	vld.idx.msk [tilespmem:v4+s19+$0x0], $0xffff;
	_ =	sdelay $0x4  }
0x404: {  	v5 =	vadd.s32 $0x145, v46;
	v4 =	vmul.f32 v4, v53  }
0x405: {  	v1 =	vmul.f32 v1, v13  }
0x406: {  	v4 =	vadd.f32 $1.000000000e+00, v4  }
0x407: {  	v1 =	vadd.f32 v1, v20  }
0x408: {  	[tilespmem:v8+s9+$0x0] =	vst.idx.msk $0xffff, v4  }
0x409: {  	[tilespmem:v5+s7+$0x0] =	vst.idx.msk $0xffff, v1  }
0x40a: {  	v1 =	vld.idx.msk [tilespmem:v5+s16+$0x0], $0xffff;
	_ =	sdelay $0x4  }
0x40b: {  	v4 =	vadd.s32 $0x1450, v48;
	v1 =	vand.u32 $0xF, v1  }
0x40c: {  	v1 =	vor.u32 v4, v1;
	_ =	sdelay $0x4  }
0x40d: {  	v1 =	vld.idx.msk [tilespmem:v1+s19+$0x0], $0xffff;
	_ =	sdelay $0x4  }
0x40e: {  	v4 =	vadd.s32 $0x146, v46;
	v1 =	vmul.f32 v1, v53  }
0x40f: {  	v8 =	vmul.f32 v43, v13  }
0x410: {  	v1 =	vadd.f32 $1.000000000e+00, v1  }
0x411: {  	v8 =	vadd.f32 v8, v19  }
0x412: {  	[tilespmem:v5+s9+$0x0] =	vst.idx.msk $0xffff, v1  }
0x413: {  	[tilespmem:v4+s7+$0x0] =	vst.idx.msk $0xffff, v8  }
0x414: {  	v1 =	vld.idx.msk [tilespmem:v4+s16+$0x0], $0xffff;
	_ =	sdelay $0x4  }
0x415: {  	v5 =	vadd.s32 $0x1460, v48;
	v1 =	vand.u32 $0xF, v1  }
0x416: {  	v1 =	vor.u32 v5, v1;
	_ =	sdelay $0x4  }
0x417: {  	v1 =	vld.idx.msk [tilespmem:v1+s19+$0x0], $0xffff;
	_ =	sdelay $0x4  }
0x418: {  	v5 =	vadd.s32 $0x147, v46;
	v1 =	vmul.f32 v1, v53  }
0x419: {  	v8 =	vmul.f32 v36, v13  }
0x41a: {  	v1 =	vadd.f32 $1.000000000e+00, v1  }
0x41b: {  	v8 =	vadd.f32 v8, v17  }
0x41c: {  	[tilespmem:v4+s9+$0x0] =	vst.idx.msk $0xffff, v1  }
0x41d: {  	[tilespmem:v5+s7+$0x0] =	vst.idx.msk $0xffff, v8  }
0x41e: {  	v1 =	vld.idx.msk [tilespmem:v5+s16+$0x0], $0xffff;
	_ =	sdelay $0x4  }
0x41f: {  	v4 =	vadd.s32 $0x1470, v48;
	v1 =	vand.u32 $0xF, v1  }
0x420: {  	v1 =	vor.u32 v4, v1;
	_ =	sdelay $0x4  }
0x421: {  	v1 =	vld.idx.msk [tilespmem:v1+s19+$0x0], $0xffff;
	_ =	sdelay $0x4  }
0x422: {  	v4 =	vadd.s32 $0x148, v46;
	v1 =	vmul.f32 v1, v53  }
0x423: {  	v8 =	vmul.f32 v44, v13  }
0x424: {  	v1 =	vadd.f32 $1.000000000e+00, v1  }
0x425: {  	v8 =	vadd.f32 v8, v12  }
0x426: {  	[tilespmem:v5+s9+$0x0] =	vst.idx.msk $0xffff, v1  }
0x427: {  	[tilespmem:v4+s7+$0x0] =	vst.idx.msk $0xffff, v8  }
0x428: {  	v1 =	vld.idx.msk [tilespmem:v4+s16+$0x0], $0xffff;
	_ =	sdelay $0x4  }
0x429: {  	v5 =	vadd.s32 $0x1480, v48;
	v1 =	vand.u32 $0xF, v1  }
0x42a: {  	v1 =	vor.u32 v5, v1;
	_ =	sdelay $0x4  }
0x42b: {  	v1 =	vld.idx.msk [tilespmem:v1+s19+$0x0], $0xffff;
	_ =	sdelay $0x4  }
0x42c: {  	v5 =	vadd.s32 $0x149, v46;
	v1 =	vmul.f32 v1, v53  }
0x42d: {  	v8 =	vmul.f32 v45, v13  }
0x42e: {  	v1 =	vadd.f32 $1.000000000e+00, v1  }
0x42f: {  	v8 =	vadd.f32 v8, v10  }
0x430: {  	[tilespmem:v4+s9+$0x0] =	vst.idx.msk $0xffff, v1  }
0x431: {  	[tilespmem:v5+s7+$0x0] =	vst.idx.msk $0xffff, v8  }
0x432: {  	v1 =	vld.idx.msk [tilespmem:v5+s16+$0x0], $0xffff;
	_ =	sdelay $0x4  }
0x433: {  	v4 =	vadd.s32 $0x1490, v48;
	v1 =	vand.u32 $0xF, v1  }
0x434: {  	v1 =	vor.u32 v4, v1;
	_ =	sdelay $0x4  }
0x435: {  	v1 =	vld.idx.msk [tilespmem:v1+s19+$0x0], $0xffff;
	_ =	sdelay $0x4  }
0x436: {  	v4 =	vadd.s32 $0x14A, v46;
	v1 =	vmul.f32 v1, v53  }
0x437: {  	v8 =	vmul.f32 v32, v13  }
0x438: {  	v1 =	vadd.f32 $1.000000000e+00, v1  }
0x439: {  	v8 =	vadd.f32 v8, v61  }
0x43a: {  	[tilespmem:v5+s9+$0x0] =	vst.idx.msk $0xffff, v1  }
0x43b: {  	[tilespmem:v4+s7+$0x0] =	vst.idx.msk $0xffff, v8  }
0x43c: {  	v1 =	vld.idx.msk [tilespmem:v4+s16+$0x0], $0xffff;
	_ =	sdelay $0x4  }
0x43d: {  	v5 =	vadd.s32 $0x14A0, v48;
	v1 =	vand.u32 $0xF, v1  }
0x43e: {  	v1 =	vor.u32 v5, v1;
	_ =	sdelay $0x4  }
0x43f: {  	v1 =	vld.idx.msk [tilespmem:v1+s19+$0x0], $0xffff;
	_ =	sdelay $0x4  }
0x440: {  	v5 =	vadd.s32 $0x14B, v46;
	v1 =	vmul.f32 v1, v53  }
0x441: {  	v8 =	vmul.f32 v31, v13  }
0x442: {  	v1 =	vadd.f32 $1.000000000e+00, v1  }
0x443: {  	v6 =	vadd.f32 v8, v6  }
0x444: {  	[tilespmem:v4+s9+$0x0] =	vst.idx.msk $0xffff, v1  }
0x445: {  	[tilespmem:v5+s7+$0x0] =	vst.idx.msk $0xffff, v6  }
0x446: {  	v1 =	vld.idx.msk [tilespmem:v5+s16+$0x0], $0xffff;
	_ =	sdelay $0x4  }
0x447: {  	v4 =	vadd.s32 $0x14B0, v48;
	v1 =	vand.u32 $0xF, v1  }
0x448: {  	v1 =	vor.u32 v4, v1;
	_ =	sdelay $0x4  }
0x449: {  	v1 =	vld.idx.msk [tilespmem:v1+s19+$0x0], $0xffff;
	_ =	sdelay $0x4  }
0x44a: {  	v4 =	vadd.s32 $0x14C, v46;
	v1 =	vmul.f32 v1, v53  }
0x44b: {  	v6 =	vmul.f32 v30, v13  }
0x44c: {  	v1 =	vadd.f32 $1.000000000e+00, v1  }
0x44d: {  	v2 =	vadd.f32 v6, v2  }
0x44e: {  	[tilespmem:v5+s9+$0x0] =	vst.idx.msk $0xffff, v1  }
0x44f: {  	[tilespmem:v4+s7+$0x0] =	vst.idx.msk $0xffff, v2  }
0x450: {  	v1 =	vld.idx.msk [tilespmem:v4+s16+$0x0], $0xffff;
	_ =	sdelay $0x4  }
0x451: {  	v2 =	vadd.s32 $0x14C0, v48;
	v1 =	vand.u32 $0xF, v1  }
0x452: {  	v1 =	vor.u32 v2, v1;
	_ =	sdelay $0x4  }
0x453: {  	v1 =	vld.idx.msk [tilespmem:v1+s19+$0x0], $0xffff;
	_ =	sdelay $0x4  }
0x454: {  	v2 =	vadd.s32 $0x14D, v46;
	v1 =	vmul.f32 v1, v53  }
0x455: {  	v6 =	vmul.f32 v29, v13;
	v5 =	vadd.f32 v18, v55  }
0x456: {  	v1 =	vadd.f32 $1.000000000e+00, v1  }
0x457: {  	v5 =	vadd.f32 v6, v5  }
0x458: {  	[tilespmem:v4+s9+$0x0] =	vst.idx.msk $0xffff, v1  }
0x459: {  	[tilespmem:v2+s7+$0x0] =	vst.idx.msk $0xffff, v5  }
0x45a: {  	v1 =	vld.idx.msk [tilespmem:v2+s16+$0x0], $0xffff;
	_ =	sdelay $0x4  }
0x45b: {  	v4 =	vadd.s32 $0x14D0, v48;
	v1 =	vand.u32 $0xF, v1  }
0x45c: {  	v1 =	vor.u32 v4, v1;
	_ =	sdelay $0x4  }
0x45d: {  	v1 =	vld.idx.msk [tilespmem:v1+s19+$0x0], $0xffff;
	_ =	sdelay $0x4  }
0x45e: {  	v4 =	vadd.s32 $0x14E, v46;
	v1 =	vmul.f32 v1, v53  }
0x45f: {  	v6 =	vmul.f32 v28, v13;
	v5 =	vadd.f32 v16, v60  }
0x460: {  	v1 =	vadd.f32 $1.000000000e+00, v1  }
0x461: {  	v5 =	vadd.f32 v6, v5  }
0x462: {  	[tilespmem:v2+s9+$0x0] =	vst.idx.msk $0xffff, v1  }
0x463: {  	[tilespmem:v4+s7+$0x0] =	vst.idx.msk $0xffff, v5  }
0x464: {  	v1 =	vld.idx.msk [tilespmem:v4+s16+$0x0], $0xffff;
	_ =	sdelay $0x4  }
0x465: {  	v2 =	vadd.s32 $0x14E0, v48;
	v1 =	vand.u32 $0xF, v1  }
0x466: {  	v1 =	vor.u32 v2, v1;
	_ =	sdelay $0x4  }
0x467: {  	v1 =	vld.idx.msk [tilespmem:v1+s19+$0x0], $0xffff;
	_ =	sdelay $0x3  }
0x468: {  	v2 =	vmul.f32 v9, v54  }
0x469: {  	v5 =	vadd.s32 $0x14F, v46;
	v1 =	vmul.f32 v1, v53  }
0x46a: {  	v6 =	vmul.f32 v27, v13;
	v2 =	vadd.f32 v2, v59  }
0x46b: {  	v1 =	vadd.f32 $1.000000000e+00, v1  }
0x46c: {  	v2 =	vadd.f32 v6, v2  }
0x46d: {  	[tilespmem:v4+s9+$0x0] =	vst.idx.msk $0xffff, v1  }
0x46e: {  	[tilespmem:v5+s7+$0x0] =	vst.idx.msk $0xffff, v2  }
0x46f: {  	v1 =	vld.idx.msk [tilespmem:v5+s16+$0x0], $0xffff;
	_ =	sdelay $0x4  }
0x470: {  	v2 =	vadd.s32 $0x14F0, v48;
	v1 =	vand.u32 $0xF, v1  }
0x471: {  	v1 =	vor.u32 v2, v1;
	_ =	sdelay $0x4  }
0x472: {  	v1 =	vld.idx.msk [tilespmem:v1+s19+$0x0], $0xffff;
	_ =	sdelay $0x3  }
0x473: {  	v2 =	vmul.f32 v7, v54  }
0x474: {  	v4 =	vadd.s32 $0x150, v46;
	v1 =	vmul.f32 v1, v53  }
0x475: {  	v6 =	vmul.f32 v26, v13;
	v2 =	vadd.f32 v2, v58  }
0x476: {  	v1 =	vadd.f32 $1.000000000e+00, v1  }
0x477: {  	v2 =	vadd.f32 v6, v2  }
0x478: {  	[tilespmem:v5+s9+$0x0] =	vst.idx.msk $0xffff, v1  }
0x479: {  	[tilespmem:v4+s7+$0x0] =	vst.idx.msk $0xffff, v2  }
0x47a: {  	v1 =	vld.idx.msk [tilespmem:v4+s16+$0x0], $0xffff;
	_ =	sdelay $0x4  }
0x47b: {  	v2 =	vadd.s32 $0x1500, v48;
	v1 =	vand.u32 $0xF, v1  }
0x47c: {  	v1 =	vor.u32 v2, v1;
	_ =	sdelay $0x4  }
0x47d: {  	v1 =	vld.idx.msk [tilespmem:v1+s19+$0x0], $0xffff;
	_ =	sdelay $0x3  }
0x47e: {  	v2 =	vmul.f32 v3, v54  }
0x47f: {  	v3 =	vadd.s32 $0x151, v46;
	v1 =	vmul.f32 v1, v53  }
0x480: {  	v5 =	vmul.f32 v25, v13;
	v2 =	vadd.f32 v2, v57  }
0x481: {  	v1 =	vadd.f32 $1.000000000e+00, v1  }
0x482: {  	v2 =	vadd.f32 v5, v2  }
0x483: {  	[tilespmem:v4+s9+$0x0] =	vst.idx.msk $0xffff, v1  }
0x484: {  	[tilespmem:v3+s7+$0x0] =	vst.idx.msk $0xffff, v2  }
0x485: {  	v1 =	vld.idx.msk [tilespmem:v3+s16+$0x0], $0xffff;
	_ =	sdelay $0x4  }
0x486: {  	v2 =	vadd.s32 $0x1510, v48;
	v1 =	vand.u32 $0xF, v1  }
0x487: {  	v1 =	vor.u32 v2, v1;
	_ =	sdelay $0x4  }
0x488: {  	v1 =	vld.idx.msk [tilespmem:v1+s19+$0x0], $0xffff;
	_ =	sdelay $0x3  }
0x489: {  	v0 =	vmul.f32 v0, v54  }
0x48a: {  	v2 =	vadd.s32 $0x152, v46;
	v1 =	vmul.f32 v1, v53  }
0x48b: {  	v0 =	vadd.f32 v0, v56;
	v4 =	vmul.f32 v23, v13  }
0x48c: {  	v1 =	vadd.f32 $1.000000000e+00, v1  }
0x48d: {  	v0 =	vadd.f32 v4, v0  }
0x48e: {  	[tilespmem:v3+s9+$0x0] =	vst.idx.msk $0xffff, v1  }
0x48f: {  	[tilespmem:v2+s7+$0x0] =	vst.idx.msk $0xffff, v0  }
0x490: {  	v0 =	vld.idx.msk [tilespmem:v2+s16+$0x0], $0xffff;
	_ =	sdelay $0x4  }
0x491: {  	v1 =	vadd.s32 $0x1520, v48;
	v0 =	vand.u32 $0xF, v0  }
0x492: {  	v0 =	vor.u32 v1, v0;
	_ =	sdelay $0x4  }
0x493: {  	v0 =	vld.idx.msk [tilespmem:v0+s19+$0x0], $0xffff;
	_ =	sdelay $0x4  }
0x494: {  	v1 =	vadd.s32 $0x153, v46;
	v0 =	vmul.f32 v0, v53  }
0x495: {  	v3 =	vmul.f32 v15, v13  }
0x496: {  	v0 =	vadd.f32 $1.000000000e+00, v0  }
0x497: {  	v3 =	vadd.f32 v3, v49  }
0x498: {  	[tilespmem:v2+s9+$0x0] =	vst.idx.msk $0xffff, v0  }
0x499: {  	[tilespmem:v1+s7+$0x0] =	vst.idx.msk $0xffff, v3  }
0x49a: {  	v0 =	vld.idx.msk [tilespmem:v1+s16+$0x0], $0xffff;
	_ =	sdelay $0x4  }
0x49b: {  	v2 =	vadd.s32 $0x1530, v48;
	v0 =	vand.u32 $0xF, v0  }
0x49c: {  	v0 =	vor.u32 v2, v0;
	_ =	sdelay $0x4  }
0x49d: {  	v0 =	vld.idx.msk [tilespmem:v0+s19+$0x0], $0xffff;
	_ =	sdelay $0x3  }
0x49e: {  	v4 =	vimm.s32 $0x0  }
0x49f: {  	v6 =	vadd.s32 $0x2A40, v51;
	v2 =	vadd.s32 v50, v4;
	v0 =	vmul.f32 v0, v53  }
0x4a0: {  	v5 =	vadd.s32 v6, v4;
	v3 =	vadd.s32 $0x2800, v51  }
0x4a1: {  	v10 =	vadd.s32 $0x28C0, v51;
	v8 =	vadd.s32 v3, v4;
	v0 =	vadd.f32 $1.000000000e+00, v0  }
0x4a2: {  	v12 =	vadd.s32 $0x2900, v51;
	v11 =	vadd.s32 v10, v4  }
0x4a3: {  	v17 =	vadd.s32 $0x2980, v51;
	v14 =	vadd.s32 v12, v4;
	[tilespmem:v1+s9+$0x0] =	vst.idx.msk $0xffff, v0  }
0x4a4: {  	v18 =	vadd.s32 $0x29C0, v51;
	v19 =	vadd.s32 v17, v4;
	v2 =	vld.idx.msk [tilespmem:v2+s26+$0x0], $0xffff  }
0x4a5: {  	v7 =	vadd.s32 $0x2840, v51;
	v20 =	vadd.s32 v18, v4;
	v5 =	vld.idx.msk [tilespmem:v5+s6+$0x0], $0xffff  }
0x4a6: {  	v9 =	vadd.s32 $0x2880, v51;
	v0 =	vadd.s32 v7, v4;
	v8 =	vld.idx.msk [tilespmem:v8+s6+$0x0], $0xffff  }
0x4a7: {  	v13 =	vadd.s32 $0x2940, v51;
	v1 =	vadd.s32 v9, v4;
	v30 =	vld.idx.msk [tilespmem:v11+s6+$0x0], $0xffff  }
0x4a8: {  	v25 =	vadd.s32 $0x2A00, v51;
	v16 =	vadd.s32 v13, v4;
	v32 =	vld.idx.msk [tilespmem:v14+s6+$0x0], $0xffff  }
0x4a9: {  	v24 =	vimm.f32 $0.0e+00;
	v21 =	vimm.f32 $0.0e+00;
	v31 =	vadd.s32 v25, v4;
	v34 =	vld.idx.msk [tilespmem:v19+s6+$0x0], $0xffff  }
0x4aa: {  	v22 =	vimm.f32 $0.0e+00;
	v26 =	vimm.f32 $0.0e+00;
	v27 =	vadd.s32 $0x1, v4;
	v35 =	vld.idx.msk [tilespmem:v20+s6+$0x0], $0xffff  }
0x4ab: {  	v23 =	vimm.f32 $0.0e+00;
	v37 =	vadd.s32 v50, v27;
	v28 =	vld.idx.msk [tilespmem:v0+s6+$0x0], $0xffff;
	v0 =	vmul.f32 v5, v2  }
0x4ac: {  	v15 =	vimm.f32 $0.0e+00;
	v19 =	vimm.f32 $0.0e+00;
	v20 =	vimm.f32 $0.0e+00;
	v29 =	vld.idx.msk [tilespmem:v1+s6+$0x0], $0xffff  }
0x4ad: {  	s16 =	simm.s32 $0x3E;
	v33 =	vld.idx.msk [tilespmem:v16+s6+$0x0], $0xffff;
	v16 =	vimm.f32 $0.0e+00;
	v36 =	vmul.f32 v8, v2;
	v0 =	vadd.f32 v0, v15  }
.LBB2_13:
0x4ae: {  	p0 =	sne.s32 s16, $0x1;
	v1 =	vadd.s32 v3, v27;
	v4 =	vadd.s32 v7, v27;
	v5 =	vadd.s32 v6, v27;
	v8 =	vld.idx.msk [tilespmem:v31+s6+$0x0], $0xffff  }
0x4af: {  	v11 =	vadd.s32 v9, v27;
	v14 =	vadd.s32 v10, v27;
	v38 =	vadd.s32 v12, v27  }
0x4b0: {  	v39 =	vadd.s32 v13, v27;
	v40 =	vadd.s32 v17, v27;
	v41 =	vadd.s32 v18, v27  }
0x4b1: {  	v31 =	vadd.s32 v25, v27;
	v28 =	vmul.f32 v28, v2;
	v29 =	vmul.f32 v29, v2  }
0x4b2: {  	v15 =	vadd.f32 v36, v15;
	v30 =	vmul.f32 v30, v2;
	v32 =	vmul.f32 v32, v2;
	v37 =	vld.idx.msk [tilespmem:v37+s26+$0x0], $0xffff  }
0x4b3: {  	v26 =	vadd.f32 v28, v26;
	v33 =	vmul.f32 v33, v2;
	v34 =	vmul.f32 v34, v2;
	v5 =	vld.idx.msk [tilespmem:v5+s6+$0x0], $0xffff  }
0x4b4: {  	v24 =	vadd.f32 v29, v24;
	v35 =	vmul.f32 v35, v2;
	v2 =	vmul.f32 v8, v2;
	v1 =	vld.idx.msk [tilespmem:v1+s6+$0x0], $0xffff  }
0x4b5: {  	v21 =	vadd.f32 v30, v21;
	v22 =	vadd.f32 v32, v22;
	v28 =	vld.idx.msk [tilespmem:v4+s6+$0x0], $0xffff  }
0x4b6: {  	v19 =	vadd.f32 v33, v19;
	v23 =	vadd.f32 v34, v23;
	v29 =	vld.idx.msk [tilespmem:v11+s6+$0x0], $0xffff  }
.Ltmp5:
0x4b7: {  	v20 =	vadd.f32 v35, v20;
	v16 =	vadd.f32 v2, v16;
	v30 =	vld.idx.msk [tilespmem:v14+s6+$0x0], $0xffff;
	(pc) =	sbr.rel @p0 .LBB2_13-.Ltmp5, $4  }
0x4b8: {  	v2 =	vmov v37;
	v32 =	vld.idx.msk [tilespmem:v38+s6+$0x0], $0xffff  }
0x4b9: {  	v4 =	vmul.f32 v5, v2;
	v33 =	vld.idx.msk [tilespmem:v39+s6+$0x0], $0xffff  }
0x4ba: {  	v27 =	vadd.s32 $0x1, v27;
	v36 =	vmul.f32 v1, v2;
	v34 =	vld.idx.msk [tilespmem:v40+s6+$0x0], $0xffff  }
0x4bb: {  	s16 =	sadd.s32 $0xFFFFFFFF, s16;
	v37 =	vadd.s32 v50, v27;
	v0 =	vadd.f32 v4, v0;
	v35 =	vld.idx.msk [tilespmem:v41+s6+$0x0], $0xffff  }
0x4bc: {  	_ =	sdelay $0x1  }
0x4bd: {  	v1 =	vadd.s32 v6, v27  }
0x4be: {  	v3 =	vadd.s32 v3, v27  }
0x4bf: {  	v4 =	vadd.s32 v7, v27;
	v5 =	vld.idx.msk [tilespmem:v31+s6+$0x0], $0xffff  }
0x4c0: {  	v6 =	vadd.s32 v9, v27;
	v7 =	vadd.s32 v10, v27;
	v11 =	vld.idx.msk [tilespmem:v37+s26+$0x0], $0xffff  }
0x4c1: {  	v8 =	vadd.s32 v12, v27;
	v42 =	vadd.s32 v13, v27;
	v43 =	vadd.s32 v17, v27;
	v55 =	vld [tilespmem:$0x1FC00]  }
0x4c2: {  	v44 =	vadd.s32 v18, v27;
	v45 =	vadd.s32 v25, v27;
	v14 =	vmul.f32 v28, v2;
	v1 =	vld.idx.msk [tilespmem:v1+s6+$0x0], $0xffff  }
0x4c3: {  	v46 =	vmul.f32 v29, v2;
	v15 =	vadd.f32 v36, v15;
	v48 =	vmul.f32 v32, v2;
	v3 =	vld.idx.msk [tilespmem:v3+s6+$0x0], $0xffff  }
0x4c4: {  	v47 =	vmul.f32 v30, v2;
	v14 =	vadd.f32 v14, v26;
	v49 =	vmul.f32 v33, v2;
	v4 =	vld.idx.msk [tilespmem:v4+s6+$0x0], $0xffff  }
0x4c5: {  	v17 =	vadd.f32 v46, v24;
	v50 =	vmul.f32 v34, v2;
	v53 =	vadd.f32 v48, v22;
	v6 =	vld.idx.msk [tilespmem:v6+s6+$0x0], $0xffff  }
0x4c6: {  	v51 =	vmul.f32 v35, v2;
	v19 =	vadd.f32 v49, v19;
	v52 =	vmul.f32 v5, v2;
	v7 =	vld.idx.msk [tilespmem:v7+s6+$0x0], $0xffff  }
0x4c7: {  	v5 =	vadd.f32 v47, v21;
	v54 =	vadd.f32 v50, v23;
	v8 =	vld.idx.msk [tilespmem:v8+s6+$0x0], $0xffff;
	v56 =	vadd.s32 $0xA0, v55  }
0x4c8: {  	v9 =	vld.idx.msk [tilespmem:v42+s6+$0x0], $0xffff;
	v57 =	vadd.s32 $0xA1, v55;
	v58 =	vadd.s32 $0xA2, v55;
	v3 =	vmul.f32 v3, v11  }
0x4c9: {  	v10 =	vld.idx.msk [tilespmem:v43+s6+$0x0], $0xffff;
	v59 =	vadd.s32 $0xA3, v55;
	v60 =	vadd.s32 $0xA4, v55;
	v4 =	vmul.f32 v4, v11  }
0x4ca: {  	v12 =	vld.idx.msk [tilespmem:v44+s6+$0x0], $0xffff;
	v20 =	vadd.f32 v51, v20;
	v6 =	vmul.f32 v6, v11;
	v3 =	vadd.f32 v3, v15  }
0x4cb: {  	v13 =	vld.idx.msk [tilespmem:v45+s6+$0x0], $0xffff;
	v2 =	vadd.f32 v52, v16;
	v7 =	vmul.f32 v7, v11;
	v4 =	vadd.f32 v4, v14  }
0x4cc: {  	v8 =	vmul.f32 v8, v11;
	v6 =	vadd.f32 v6, v17;
	[tilespmem:v56+s10+$0x0] =	vst.idx.msk $0xffff, v3;
	v3 =	vadd.s32 $0xA5, v55  }
0x4cd: {  	v9 =	vmul.f32 v9, v11;
	v5 =	vadd.f32 v7, v5;
	[tilespmem:v57+s10+$0x0] =	vst.idx.msk $0xffff, v4;
	v4 =	vadd.s32 $0xA6, v55  }
0x4ce: {  	v7 =	vmul.f32 v10, v11;
	v8 =	vadd.f32 v8, v53;
	[tilespmem:v58+s10+$0x0] =	vst.idx.msk $0xffff, v6;
	v6 =	vadd.s32 $0xA7, v55  }
0x4cf: {  	v61 =	vmul.f32 v12, v11;
	v9 =	vadd.f32 v9, v19;
	[tilespmem:v59+s10+$0x0] =	vst.idx.msk $0xffff, v5;
	v5 =	vadd.s32 $0xA8, v55  }
0x4d0: {  	v63 =	vadd.s32 $0xA9, v55;
	v62 =	vmul.f32 v13, v11;
	v7 =	vadd.f32 v7, v54;
	[tilespmem:v60+s10+$0x0] =	vst.idx.msk $0xffff, v8  }
0x4d1: {  	v1 =	vmul.f32 v1, v11;
	v10 =	vadd.f32 v61, v20;
	[tilespmem:v3+s10+$0x0] =	vst.idx.msk $0xffff, v9  }
0x4d2: {  	v2 =	vadd.f32 v62, v2;
	[tilespmem:v4+s10+$0x0] =	vst.idx.msk $0xffff, v7  }
0x4d3: {  	v0 =	vadd.f32 v1, v0;
	[tilespmem:v6+s10+$0x0] =	vst.idx.msk $0xffff, v10  }
0x4d4: {  	s16 =	rddreg [dreg:$0xa];
	[tilespmem:v5+s10+$0x0] =	vst.idx.msk $0xffff, v2  }
0x4d5: {  	s17 =	simm.s32 $0x13B00;
	s18 =	rddreg [dreg:$0xb];
	s16 =	sadd.s32 s16, s13;
	[tilespmem:v63+s10+$0x0] =	vst.idx.msk $0xffff, v0  }
0x4d6: {  	[hbm4b:s16+s5] =	stream.linear.scatter [tilespmem:s17], [sflag:$0x2], $0x20, $0x38;
	[tilespmem:$0x142C0] =	vst v63  }
0x4d7: {  	s17 =	sadd.s32 s18, s13;
	s18 =	simm.s32 $0x13B20  }
0x4d8: {  	[hbm4b:s17+s5] =	stream.linear.scatter [tilespmem:s18], [sflag:$0x2], $0x20, $0x38;
	[tilespmem:$0x142C0] =	vst v63  }
0x4d9: {  	s17 =	rddreg [dreg:$0xc]  }
0x4da: {  	s12 =	smul.u32 $0xA, s12;
	s18 =	rddreg [dreg:$0xd];
	s13 =	sadd.s32 s17, s14  }
0x4db: {  	[hbm4b:s13+s5] =	stream.linear.scatter [tilespmem:s7], [sflag:$0x2], $0x280, $0x38;
	[tilespmem:$0x142C0] =	vst v63  }
0x4dc: {  	s12 =	sshrl.u32 s12, $0x3;
	s16 =	rddreg [dreg:$0xe];
	s13 =	sadd.s32 s18, s14  }
0x4dd: {  	[hbm4b:s13+s5] =	stream.linear.scatter [tilespmem:s9], [sflag:$0x2], $0x280, $0x38;
	[tilespmem:$0x142C0] =	vst v63  }
0x4de: {  	s17 =	rddreg [dreg:$0xf];
	s13 =	sadd.s32 s16, s12  }
0x4df: {  	[hbm4b:s13+s5] =	stream.linear.scatter [tilespmem:s10], [sflag:$0x2], $0x140, $0x38;
	[tilespmem:$0x142C0] =	vst v63  }
0x4e0: {  	s18 =	simm.s32 $0x14180;
	s12 =	sadd.s32 s17, s12  }
0x4e1: {  	[hbm4b:s12+s5] =	stream.linear.scatter [tilespmem:s18], [sflag:$0x2], $0x140, $0x38;
	[tilespmem:$0x142C0] =	vst v63  }
0x4e2: {  	_ =	swait.ge [sflag:s25], $0x20  }
0x4e3: {  	[sflag:s25] =	ssyncset.done $0x0  }
0x4e4: {  	[sflag:s25] =	ssyncadd.s32 $0xFFFFFFE0  }
0x4e5: {  	_ =	swait.ge [sflag:s25], $0x20  }
0x4e6: {  	[sflag:s25] =	ssyncset.done $0x0  }
0x4e7: {  	[sflag:s25] =	ssyncadd.s32 $0xFFFFFFE0  }
0x4e8: {  	_ =	swait.ge [sflag:s25], $0x280  }
0x4e9: {  	[sflag:s25] =	ssyncset.done $0x0  }
0x4ea: {  	[sflag:s25] =	ssyncadd.s32 $0xFFFFFD80  }
0x4eb: {  	_ =	swait.ge [sflag:s25], $0x280  }
0x4ec: {  	[sflag:s25] =	ssyncset.done $0x0  }
0x4ed: {  	s11 =	sadd.s32 $0x1, s11;
	[sflag:s25] =	ssyncadd.s32 $0xFFFFFD80  }
0x4ee: {  	p0 =	sne.s32 s11, $0x10;
	_ =	swait.ge [sflag:s25], $0x140  }
.Ltmp6:
0x4ef: {  	[sflag:s25] =	ssyncset.done $0x0;
	(pc) =	sbr.rel @p0 .LBB2_2-.Ltmp6, $4  }
0x4f0: {  	[sflag:s25] =	ssyncadd.s32 $0xFFFFFEC0  }
0x4f1: {  	_ =	swait.ge [sflag:s25], $0x140  }
0x4f2: {  	[sflag:s25] =	ssyncset.done $0x0  }
0x4f3: {  	v5 =	vlaneseq.u32;
	[sflag:s25] =	ssyncadd.s32 $0xFFFFFEC0  }
0x4f4: {  	s12 =	rddreg [dreg:$0x12]  }
0x4f5: {  	s11 =	rddreg [dreg:$0x11];
	s12 =	sadd.s32 $0x1, s12  }
0x4f6: {  	p0 =	sne.s32 s12, s11  }
.Ltmp7:
0x4f7: {  	_ = 	snop;
	(pc) =	sbr.rel @p0 .LBB2_1-.Ltmp7, $1  }
0x4f8: {  	_ =	sdelay $0x3  }
0x4f9: {  	_ =	sfence.sel $0x180000  }
0x4fa: {  	[bflag:$0x0] =	sbarrier.arrive $0xFFFF  }
0x4fb: {  	_ =	strace $0x90000047  }
0x4fc: {  	s0 =	stileid.u32;
	[bflag:$0x2] =	sbarrier.arrive $0xFFFF  }
0x4fd: {  	p0 =	sne.s32 s0, $0x0;
	s0 =	rddreg [dreg:$0x5]  }
0x4fe: {  	s0 =	sadd.s32 @!p0 $0x100000, s0  }
0x4ff: {  	[sflag:s0] =	ssyncadd.tile.s32 @!p0 $0x1;
	_ =	shalt  }
.Lfunc_end2:
_tile_overlayer_lowered:
.L_overlay_start_2:
0x500: {  	(tag) =	ssettag $0x2  }
0x501: {  	s0 =	rddreg [dreg:$0x0];
	s2 =	stileid.u32  }
0x502: {  	s1 =	rddreg [dreg:$0x1];
	p0 =	sne.s32 s2, $0x0  }
0x503: {  	s3 =	rddreg [dreg:$0x2];
	[bflag:$0x3] =	sbarrier.arrive $0xFFFF;
	s2 =	simm.s32 @!p0 $0x1C03  }
0x504: {  	[timem:s3], [sflag:s2] =	dma.local @!p0 [hbm:s0], s1  }
0x505: {  	s0 =	simm.s32 @!p0 $0x3  }
0x506: {  	_ =	swait.ge @!p0 [sflag:s0], s1  }
0x507: {  	s1 =	ssub.s32 @!p0 $0x0, s1;
	[sflag:s0] =	ssyncset.done @!p0 $0x0  }
0x508: {  	[sflag:s0] =	ssyncadd.s32 @!p0 s1  }
0x509: {  	[bflag:$0x3] =	sbarrier.arrive $0xFFFF  }
0x50a: {  	_ =	shalt  }

</sc_bundles>
